<compile_context>
chip_gen: v7x
topology: tpu7x:2x2x1
jax: 0.10.2.dev20260603
libtpu: 0.0.44.dev20260713+nightly
codegen_flags: <defaults>
</compile_context>

<pallas_src>
import jax
import jax.numpy as jnp
from jax import lax
from jax.experimental import pallas as pl
from jax.experimental.pallas import tpu as pltpu
from jax.experimental.pallas import tpu_sc as plsc

D = H = W = 128
NC = 2
NS = 16
LANES = 16
NW = NC * NS
SLAB = D // NW
CHUNK = 64
NROW = 16
RADIUS = 5
WIN = 2 * RADIUS + 1
NJ = 8
TBLK = 512
INV64 = 1.0 / (0.5 * D)


def _preprocess_body(p0, p1, p2, s0, s1, s2, q0, q1, q2, q3, den, out):
    half = jnp.float32(0.5 * D)
    c0 = (p0[...] + 1.0) * half - 0.5
    c1 = (p1[...] + 1.0) * half - 0.5
    c2 = (p2[...] + 1.0) * half - 0.5
    a, b, c, d = q0[...], q1[...], q2[...], q3[...]
    nrm = jnp.sqrt(a * a + b * b + c * c + d * d) + 1e-8
    a, b, c, d = a / nrm, b / nrm, c / nrm, d / nrm
    r00 = 1 - 2 * (c * c + d * d)
    r01 = 2 * (b * c - a * d)
    r02 = 2 * (b * d + a * c)
    r10 = 2 * (b * c + a * d)
    r11 = 1 - 2 * (b * b + d * d)
    r12 = 2 * (c * d - a * b)
    r20 = 2 * (b * d - a * c)
    r21 = 2 * (c * d + a * b)
    r22 = 1 - 2 * (b * b + c * c)
    se0 = s0[...] + 1e-8
    se1 = s1[...] + 1e-8
    se2 = s2[...] + 1e-8
    i0 = 1.0 / se0
    i1 = 1.0 / se1
    i2 = 1.0 / se2
    l00, l01, l02 = r00 * i0, r01 * i1, r02 * i2
    l10, l11, l12 = r10 * i0, r11 * i1, r12 * i2
    l20, l21, l22 = r20 * i0, r21 * i1, r22 * i2
    m00 = l00 * l00 + l01 * l01 + l02 * l02
    m11 = l10 * l10 + l11 * l11 + l12 * l12
    m22 = l20 * l20 + l21 * l21 + l22 * l22
    m01 = l00 * l10 + l01 * l11 + l02 * l12
    m02 = l00 * l20 + l01 * l21 + l02 * l22
    m12 = l10 * l20 + l11 * l21 + l12 * l22
    e0sq, e1sq, e2sq = se0 * se0, se1 * se1, se2 * se2
    v0 = r00 * r00 * e0sq + r01 * r01 * e1sq + r02 * r02 * e2sq
    v1 = r10 * r10 * e0sq + r11 * r11 * e1sq + r12 * r12 * e2sq
    v2 = r20 * r20 * e0sq + r21 * r21 * e1sq + r22 * r22 * e2sq
    scale3 = jnp.float32(3.0 * 0.5 * D)
    cap = jnp.float32(RADIUS)
    rz = jnp.minimum(jnp.floor(jnp.sqrt(v0) * scale3 + 0.502), cap)
    ry = jnp.minimum(jnp.floor(jnp.sqrt(v1) * scale3 + 0.502), cap)
    rx = jnp.minimum(jnp.floor(jnp.sqrt(v2) * scale3 + 0.502), cap)
    out[0] = c0
    out[1] = c1
    out[2] = c2
    out[3] = m00 * jnp.float32(-0.5)
    out[4] = m11
    out[5] = m22
    out[6] = m01
    out[7] = m02
    out[8] = m12
    out[9] = ry
    out[10] = jnp.round(c0)
    out[11] = jnp.round(c1)
    out[12] = jnp.round(c2)
    out[13] = jnp.log(den[...])
    out[14] = rz
    out[15] = rx


def _tables_body(pref, oq, og, oi):
    p = pref[...]
    c1 = p[1][:, None]
    c2 = p[2][:, None]
    m11 = p[4][:, None]
    m22 = p[5][:, None]
    m01 = p[6][:, None]
    m02 = p[7][:, None]
    m12 = p[8][:, None]
    r1 = p[11][:, None]
    r2 = p[12][:, None]
    kf = lax.broadcasted_iota(jnp.int32, (TBLK, 128), 1).astype(jnp.float32)
    dyk = jnp.floor((kf + 0.5) * jnp.float32(1.0 / WIN)) - RADIUS
    dxk = kf - (dyk + RADIUS) * WIN - RADIUS
    y = r1 + dyk
    x = r2 + dxk
    inv = jnp.float32(INV64)
    d1 = (y - c1) * inv
    d2 = (x - c2) * inv
    qy = (m11 * d1 * d1 + m22 * d2 * d2 +
          jnp.float32(2.0) * m12 * d1 * d2) * jnp.float32(-0.5)
    gy = -(m01 * d1 + m02 * d2)
    fw = jnp.float32(W)
    valid = ((y >= 0) & (y <= fw - 1) & (x >= 0) & (x <= fw - 1)
             & (kf <= jnp.float32(WIN * WIN - 1)))
    lden = p[13][:, None]
    oq[...] = jnp.where(valid, qy + lden, jnp.float32(-1e30))
    og[...] = gy
    oi[...] = jnp.where(valid, y * fw + x, 0.0).astype(jnp.int32)


def _sc_body(ranges_hbm, params_hbm, qy_hbm, gy_hbm, iyx_hbm, out_hbm,
             rbuf, pbuf, qbuf, gbuf, ibuf, vol, sem0, sem1):
    wid = lax.axis_index("s") * NC + lax.axis_index("c")
    z_lo = wid * SLAB
    z_hi = z_lo + SLAB
    zeros16 = jnp.zeros((LANES,), jnp.float32)

    def _zero(i, _):
        vol[pl.ds(i * LANES, LANES)] = zeros16
        return ()
    lax.fori_loop(0, (SLAB * H * W) // LANES, _zero, ())

    pltpu.sync_copy(ranges_hbm, rbuf)
    rv = rbuf[pl.ds(wid * 16, 16)]
    start = rv[0]
    end = rv[1]
    nch = (end - start + (CHUNK - 1)) // CHUNK
    PRE = CHUNK * NROW
    TBL = CHUNK * 128
    sems = (sem0, sem1)

    def start_dmas(ci, slot):
        gbase = start + ci * CHUNK
        sem = sems[slot]
        pltpu.async_copy(params_hbm.at[pl.ds(gbase * NROW, PRE)],
                         pbuf.at[pl.ds(slot * PRE, PRE)], sem)
        pltpu.async_copy(qy_hbm.at[pl.ds(gbase * 128, TBL)],
                         qbuf.at[pl.ds(slot * TBL, TBL)], sem)
        pltpu.async_copy(gy_hbm.at[pl.ds(gbase * 128, TBL)],
                         gbuf.at[pl.ds(slot * TBL, TBL)], sem)
        pltpu.async_copy(iyx_hbm.at[pl.ds(gbase * 128, TBL)],
                         ibuf.at[pl.ds(slot * TBL, TBL)], sem)

    def wait_dmas(slot):
        sem = sems[slot]
        pltpu.make_async_copy(params_hbm.at[pl.ds(0, PRE)],
                              pbuf.at[pl.ds(slot * PRE, PRE)], sem).wait()
        pltpu.make_async_copy(qy_hbm.at[pl.ds(0, TBL)],
                              qbuf.at[pl.ds(slot * TBL, TBL)], sem).wait()
        pltpu.make_async_copy(gy_hbm.at[pl.ds(0, TBL)],
                              gbuf.at[pl.ds(slot * TBL, TBL)], sem).wait()
        pltpu.make_async_copy(iyx_hbm.at[pl.ds(0, TBL)],
                              ibuf.at[pl.ds(slot * TBL, TBL)], sem).wait()

    inv = jnp.float32(INV64)

    def process(ci, slot):
        gbase = start + ci * CHUNK
        cnt = jnp.minimum(CHUNK, end - gbase)
        po = slot * PRE
        to = slot * TBL

        def per_gaussian(gl, _):
            pv = pbuf[pl.ds(po + gl * NROW, NROW)]
            c0s = pv[0]
            nm00 = pv[3]
            r0i = pv[10].astype(jnp.int32)
            thv = jnp.full((LANES,), pv[13] + jnp.float32(-4.5),
                           jnp.float32)
            qv = [qbuf[pl.ds(to + gl * 128 + j * LANES, LANES)]
                  for j in range(NJ)]
            gv = [gbuf[pl.ds(to + gl * 128 + j * LANES, LANES)]
                  for j in range(NJ)]
            iv = [ibuf[pl.ds(to + gl * 128 + j * LANES, LANES)]
                  for j in range(NJ)]
            rzi = pv[14].astype(jnp.int32)
            lo = jnp.maximum(r0i - rzi, z_lo)
            hi = jnp.minimum(r0i + rzi + 1, z_hi)

            def per_plane(z, _):
                d0s = (z.astype(jnp.float32) - c0s) * inv
                t0s = nm00 * d0s * d0s
                d0 = jnp.full((LANES,), d0s, jnp.float32)
                t0 = jnp.full((LANES,), t0s, jnp.float32)
                zoff = jnp.full((LANES,), (z - z_lo) * (H * W), jnp.int32)
                for j in range(NJ):
                    e = t0 + qv[j] + d0 * gv[j]
                    w = jnp.exp(e)
                    msk = e >= thv
                    plsc.addupdate_scatter(vol, [zoff + iv[j]], w, mask=msk)
                return ()

            lax.fori_loop(lo, hi, per_plane, ())
            return ()

        lax.fori_loop(0, cnt, per_gaussian, ())

    @pl.when(nch > 0)
    def _():
        start_dmas(0, 0)

    @pl.when(nch > 1)
    def _():
        start_dmas(1, 1)

    def pair_body(pi, _):
        for slot in range(2):
            ci = pi * 2 + slot

            @pl.when(ci < nch)
            def _():
                wait_dmas(slot)
                process(ci, slot)

                @pl.when(ci + 2 < nch)
                def _():
                    start_dmas(ci + 2, slot)
        return ()

    lax.fori_loop(0, (nch + 1) // 2, pair_body, ())
    pltpu.sync_copy(vol, out_hbm.at[pl.ds(wid * (SLAB * H * W), SLAB * H * W)])


@jax.jit
def _voxelize(positions, scales, rotations, density):
    n = positions.shape[0]
    npad = ((n + 127) // 128) * 128
    rows = npad // 128
    npad2 = ((npad + CHUNK + TBLK - 1) // TBLK) * TBLK

    def pad(x, fill):
        return jnp.concatenate(
            [x, jnp.full((npad - n,) + x.shape[1:], fill, x.dtype)], axis=0)

    p = pad(positions, 1.0e5)
    s = pad(scales, 1.0)
    q = pad(rotations, 1.0)
    dn = pad(density, 0.0)

    def col(x, i):
        return x[:, i].reshape(rows, 128)

    ins = [col(p, 0), col(p, 1), col(p, 2),
           col(s, 0), col(s, 1), col(s, 2),
           col(q, 0), col(q, 1), col(q, 2), col(q, 3),
           dn.reshape(rows, 128)]

    params = pl.pallas_call(
        _preprocess_body,
        out_shape=jax.ShapeDtypeStruct((NROW, rows, 128), jnp.float32),
    )(*ins)
    params = params.reshape(NROW, npad)

    order = jnp.argsort(params[10])
    ps = params[:, order]
    ps = jnp.pad(ps, ((0, 0), (0, npad2 - npad)), constant_values=1.0e9)
    r0s = ps[10]
    zlos = (jnp.arange(NW, dtype=jnp.int32) * SLAB).astype(jnp.float32)
    starts = jnp.searchsorted(r0s, zlos - RADIUS, side="left")
    ends = jnp.searchsorted(r0s, zlos + SLAB - 1 + RADIUS, side="right")
    ranges = jnp.zeros((NW, 16), jnp.int32)
    ranges = ranges.at[:, 0].set(starts.astype(jnp.int32))
    ranges = ranges.at[:, 1].set(ends.astype(jnp.int32))

    qy, gy, iyx = pl.pallas_call(
        _tables_body,
        grid=(npad2 // TBLK,),
        in_specs=[pl.BlockSpec((NROW, TBLK), lambda i: (0, i))],
        out_specs=[pl.BlockSpec((TBLK, 128), lambda i: (i, 0)),
                   pl.BlockSpec((TBLK, 128), lambda i: (i, 0)),
                   pl.BlockSpec((TBLK, 128), lambda i: (i, 0))],
        out_shape=[jax.ShapeDtypeStruct((npad2, 128), jnp.float32),
                   jax.ShapeDtypeStruct((npad2, 128), jnp.float32),
                   jax.ShapeDtypeStruct((npad2, 128), jnp.int32)],
    )(ps)

    mesh = plsc.VectorSubcoreMesh(
        core_axis_name="c", subcore_axis_name="s", num_cores=NC,
        num_subcores=NS)
    vol_flat = pl.kernel(
        _sc_body,
        out_type=jax.ShapeDtypeStruct((D * H * W,), jnp.float32),
        mesh=mesh,
        compiler_params=pltpu.CompilerParams(needs_layout_passes=False),
        scratch_types=[
            pltpu.VMEM((NW * 16,), jnp.int32),
            pltpu.VMEM((2 * CHUNK * NROW,), jnp.float32),
            pltpu.VMEM((2 * CHUNK * 128,), jnp.float32),
            pltpu.VMEM((2 * CHUNK * 128,), jnp.float32),
            pltpu.VMEM((2 * CHUNK * 128,), jnp.int32),
            pltpu.VMEM((SLAB * H * W,), jnp.float32),
            pltpu.SemaphoreType.DMA,
            pltpu.SemaphoreType.DMA,
        ],
    )(ranges.reshape(-1), ps.T.reshape(-1), qy.reshape(-1),
      gy.reshape(-1), iyx.reshape(-1))
    return vol_flat.reshape(D, H, W)


def kernel(positions, scales, rotations, density, chunk_size=2048):
    del chunk_size
    return _voxelize(positions, scales, rotations, density)

# --- scband reference (transcript-rebuilt; emitter-appended) ---
"""Pipeline reference for scband-voxelizer-50792283242970 (READ-ONLY COPY).

The authoritative reference and input builder live on the scoring server;
editing this copy changes nothing except your own understanding.
"""

import jax, jax.numpy as jnp
import numpy as np

D, H, W = 128, 128, 128


def quaternion_to_rotation_matrix(q):
    q = q / (jnp.linalg.norm(q, axis=-1, keepdims=True) + 1e-8)
    w, x, y, z = q[..., 0], q[..., 1], q[..., 2], q[..., 3]
    r0 = jnp.stack([1 - 2 * (y * y + z * z), 2 * (x * y - w * z), 2 * (x * z + w * y)], axis=-1)
    r1 = jnp.stack([2 * (x * y + w * z), 1 - 2 * (x * x + z * z), 2 * (y * z - w * x)], axis=-1)
    r2 = jnp.stack([2 * (x * z - w * y), 2 * (y * z + w * x), 1 - 2 * (x * x + y * y)], axis=-1)
    return jnp.stack([r0, r1, r2], axis=-2)


def setup_inputs(seed: int = 0):
    key = jax.random.key(seed)
    k1, k2, k3, k4 = jax.random.split(key, 4)
    N = 20000
    positions = jax.random.uniform(k1, (N, 3), dtype=jnp.float32) * 2.0 - 1.0
    scales = jax.random.uniform(k2, (N, 3), dtype=jnp.float32) * 0.02 + 0.005
    rotations = jax.random.normal(k3, (N, 4), dtype=jnp.float32)
    density = jax.random.uniform(k4, (N,), dtype=jnp.float32)
    return {"positions": positions, "scales": scales, "rotations": rotations, "density": density, "chunk_size": 2048}


def reference(positions, scales, rotations, density, chunk_size=2048):
    shape_tensor = jnp.array([D, H, W], dtype=jnp.float32)
    center_vox = (positions + 1.0) * 0.5 * shape_tensor - 0.5
    scale_vox = scales * shape_tensor * 0.5
    radius_vox = jnp.max(scale_vox, axis=-1) * 3.0
    sort_indices = jnp.argsort(radius_vox)
    center_sorted = center_vox[sort_indices]
    radius_sorted = radius_vox[sort_indices]
    density_sorted = density[sort_indices]
    scales_sorted = scales[sort_indices]
    rotations_sorted = rotations[sort_indices]
    R = quaternion_to_rotation_matrix(rotations_sorted)
    S_inv = 1.0 / (scales_sorted + 1e-8)
    L = R * S_inv[:, None, :]
    cov_inv_sorted = L @ jnp.swapaxes(L, 1, 2)
    volume_flat = jnp.zeros(D * H * W, dtype=jnp.float32) + jnp.asarray(chunk_size, dtype=jnp.float32) * 0.0
    N = positions.shape[0]
    chunk_step = 2048
    max_r = int(np.ceil((0.02 + 0.005) * float(max(D, H, W)) * 0.5 * 3.0))
    max_r = min(max_r, 20)
    k_rng = jnp.arange(-max_r, max_r + 1, dtype=jnp.float32)
    kz, ky, kx = jnp.meshgrid(k_rng, k_rng, k_rng, indexing='ij')
    kernel_offsets = jnp.stack([kz, ky, kx], axis=-1).reshape(-1, 3)
    for i in range(0, N, chunk_step):
        end = min(i + chunk_step, N)
        c_center = center_sorted[i:end]
        c_cov_inv = cov_inv_sorted[i:end]
        c_density = density_sorted[i:end]
        c_center_round = jnp.round(c_center)
        global_coords = c_center_round[:, None, :] + kernel_offsets[None, :, :]
        gz, gy, gx = global_coords[..., 0], global_coords[..., 1], global_coords[..., 2]
        valid_mask = (gz >= 0) & (gz < D) & (gy >= 0) & (gy < H) & (gx >= 0) & (gx < W)
        diff_vox = global_coords - c_center[:, None, :]
        diff_norm = diff_vox / (shape_tensor * 0.5)
        diff_emb = jnp.einsum('bkd,bde->bke', diff_norm, c_cov_inv)
        mahal = jnp.sum(diff_emb * diff_norm, axis=-1)
        mask_final = valid_mask & (mahal <= 9.0)
        weights = jnp.exp(-0.5 * mahal)
        val_to_add = jnp.where(mask_final, weights * c_density[:, None], 0.0)
        z_idx = gz.astype(jnp.int32)
        y_idx = gy.astype(jnp.int32)
        x_idx = gx.astype(jnp.int32)
        flat_indices = z_idx * (H * W) + y_idx * W + x_idx
        flat_indices = jnp.where(mask_final, flat_indices, 0)
        volume_flat = volume_flat.at[flat_indices.reshape(-1)].add(val_to_add.reshape(-1))
    return volume_flat.reshape(D, H, W)

if __name__ == "__main__":
    import jax
    _d = setup_inputs()
    print(jax.jit(kernel)(*tuple(_d.values())))

</pallas_src>

<mosaic_0001>
#map = affine_map<(d0, d1) -> (0)>
module attributes {stable_mosaic.version = 14 : i64} {
  func.func @_sc_body(%arg0: i32, %arg1: i32, %arg2: memref<512xi32, #tpu.memory_space<hbm>>, %arg3: memref<327680xf32, #tpu.memory_space<hbm>>, %arg4: memref<2621440xf32, #tpu.memory_space<hbm>>, %arg5: memref<2621440xf32, #tpu.memory_space<hbm>>, %arg6: memref<2621440xi32, #tpu.memory_space<hbm>>, %arg7: memref<2097152xf32, #tpu.memory_space<hbm>>, %arg8: memref<512xi32, #tpu.memory_space<vmem>>, %arg9: memref<2048xf32, #tpu.memory_space<vmem>>, %arg10: memref<16384xf32, #tpu.memory_space<vmem>>, %arg11: memref<16384xf32, #tpu.memory_space<vmem>>, %arg12: memref<16384xi32, #tpu.memory_space<vmem>>, %arg13: memref<65536xf32, #tpu.memory_space<vmem>>, %arg14: memref<!tpu.dma_semaphore, #tpu.memory_space<semaphore_mem>>, %arg15: memref<!tpu.dma_semaphore, #tpu.memory_space<semaphore_mem>>) attributes {dimension_semantics = [#tpu.dimension_semantics<core_parallel>, #tpu.dimension_semantics<subcore_parallel>], iteration_bounds = array<i64: 2, 16>, scalar_prefetch = 0 : i64, scratch_operands = 8 : i64, tpu.core_type = #tpu.core_type<sc_vector_subcore>, window_params = [{transform_indices = #map}, {transform_indices = #map}, {transform_indices = #map}, {transform_indices = #map}, {transform_indices = #map}, {transform_indices = #map}]} {
    %mul3A = arith.constant 2 : i32
    %mul3A_0 = arith.muli %arg1, %mul3A : i32
    %add3A = arith.addi %mul3A_0, %arg0 : i32
    %mul3A_1 = arith.constant 4 : i32
    %mul3A_2 = arith.muli %add3A, %mul3A_1 : i32
    %add3A_3 = arith.constant 4 : i32
    %add3A_4 = arith.addi %mul3A_2, %add3A_3 : i32
    %broadcast_in_dim3A = arith.constant 0.000000e+00 : f32
    %broadcast_in_dim3A_5 = vector.broadcast %broadcast_in_dim3A : f32 to vector<16xf32>
    %scan3A = arith.constant 0 : i32
    %scan3A_6 = arith.constant 4096 : i32
    %scan3A_7 = arith.addi %scan3A, %scan3A_6 : i32
    %scan3A_8 = arith.constant 1 : i32
    scf.for %scan3A_78 = %scan3A to %scan3A_7 step %scan3A_8  : i32 {
      %mul3A_79 = arith.constant 16 : i32
      %mul3A_80 = arith.muli %scan3A_78, %mul3A_79 : i32
      %swap3A = arith.index_cast %mul3A_80 : i32 to index
      %swap3A_81 = tpu.vector_load %arg13[%swap3A] {strides = array<i32>} : memref<65536xf32, #tpu.memory_space<vmem>>, vector<16xf32>,
      tpu.vector_store %arg13[%swap3A], %broadcast_in_dim3A_5 {strides = array<i32>} : memref<65536xf32, #tpu.memory_space<vmem>>, vector<16xf32>,
    }
    %scan3A_9 = arith.constant 4096 : i32
    "tpu.region"() ({
      %run_scoped3A = tpu.sem_alloc : memref<!tpu.dma_semaphore, #tpu.memory_space<semaphore_mem>>
      tpu.enqueue_dma source(%arg2 : memref<512xi32, #tpu.memory_space<hbm>>) target(%arg8 : memref<512xi32, #tpu.memory_space<vmem>>) target_semaphore(%run_scoped3A : memref<!tpu.dma_semaphore, #tpu.memory_space<semaphore_mem>>)
      tpu.wait_dma2 semaphore(%run_scoped3A : memref<!tpu.dma_semaphore, #tpu.memory_space<semaphore_mem>>) src(%arg2 : memref<512xi32, #tpu.memory_space<hbm>>) dst(%arg8 : memref<512xi32, #tpu.memory_space<vmem>>)
      tpu.yield
    }) : () -> ()
    %mul3A_10 = arith.constant 16 : i32
    %mul3A_11 = arith.muli %add3A, %mul3A_10 : i32
    %get3A = arith.index_cast %mul3A_11 : i32 to index
    %get3A_12 = tpu.vector_load %arg8[%get3A] {strides = array<i32>} : memref<512xi32, #tpu.memory_space<vmem>>, vector<16xi32>,
    %slice3A = vector.extract_strided_slice %get3A_12 {offsets = [0], sizes = [1], strides = [1]} : vector<16xi32> to vector<1xi32>
    %squeeze3A = vector.extract %slice3A[0] : i32 from vector<1xi32>
    %slice3A_13 = vector.extract_strided_slice %get3A_12 {offsets = [1], sizes = [1], strides = [1]} : vector<16xi32> to vector<1xi32>
    %squeeze3A_14 = vector.extract %slice3A_13[0] : i32 from vector<1xi32>
    %sub3A = arith.subi %squeeze3A_14, %squeeze3A : i32
    %add3A_15 = arith.constant 63 : i32
    %add3A_16 = arith.addi %sub3A, %add3A_15 : i32
    %jit3A = arith.constant 64 : i32
    %div3A = arith.divsi %add3A_16, %jit3A : i32
    %sign3A = arith.constant 0 : i32
    %sign3A_17 = arith.cmpi sgt, %add3A_16, %sign3A : i32
    %sign3A_18 = arith.extui %sign3A_17 : i1 to i32
    %sign3A_19 = arith.constant 0 : i32
    %sign3A_20 = arith.cmpi slt, %add3A_16, %sign3A_19 : i32
    %sign3A_21 = arith.extui %sign3A_20 : i1 to i32
    %sign3A_22 = arith.subi %sign3A_18, %sign3A_21 : i32
    %sign3A_23 = arith.constant 0 : i32
    %sign3A_24 = arith.cmpi sgt, %jit3A, %sign3A_23 : i32
    %sign3A_25 = arith.extui %sign3A_24 : i1 to i32
    %sign3A_26 = arith.constant 0 : i32
    %sign3A_27 = arith.cmpi slt, %jit3A, %sign3A_26 : i32
    %sign3A_28 = arith.extui %sign3A_27 : i1 to i32
    %sign3A_29 = arith.subi %sign3A_25, %sign3A_28 : i32
    %ne3A = arith.cmpi ne, %sign3A_22, %sign3A_29 : i32
    %rem3A = arith.remsi %add3A_16, %jit3A : i32
    %ne3A_30 = arith.constant 0 : i32
    %ne3A_31 = arith.cmpi ne, %rem3A, %ne3A_30 : i32
    %and3A = arith.andi %ne3A, %ne3A_31 : i1
    %sub3A_32 = arith.constant 1 : i32
    %sub3A_33 = arith.subi %div3A, %sub3A_32 : i32
    %select_n3A = arith.select %and3A, %sub3A_33, %div3A : i32
    %gt3A = arith.constant 0 : i32
    %gt3A_34 = arith.cmpi sgt, %select_n3A, %gt3A : i32
    %convert_element_type3A = arith.extui %gt3A_34 : i1 to i32
    %cond3A = arith.constant 0 : i32
    %cond3A_35 = arith.cmpi ne, %convert_element_type3A, %cond3A : i32
    scf.if %cond3A_35 {
      %add3A_78 = arith.constant 0 : i32
      %add3A_79 = arith.addi %squeeze3A, %add3A_78 : i32
      %mul3A_80 = arith.constant 16 : i32
      %mul3A_81 = arith.muli %add3A_79, %mul3A_80 : i32
      %dma_start3A = arith.constant 0 : i32
      %dma_start3A_82 = tpu.memref_slice %arg9[%dma_start3A] : memref<2048xf32, #tpu.memory_space<vmem>> -> memref<1024xf32, #tpu.memory_space<vmem>>
      %dma_start3A_83 = tpu.memref_slice %arg3[%mul3A_81] : memref<327680xf32, #tpu.memory_space<hbm>> -> memref<1024xf32, #tpu.memory_space<hbm>>
      %dma_start3A_84 = arith.constant 0 : i32
      %dma_start3A_85 = tpu.memref_slice %arg9[%dma_start3A_84] : memref<2048xf32, #tpu.memory_space<vmem>> -> memref<1024xf32, #tpu.memory_space<vmem>>
      %dma_start3A_86 = tpu.memref_slice %arg3[%mul3A_81] : memref<327680xf32, #tpu.memory_space<hbm>> -> memref<1024xf32, #tpu.memory_space<hbm>>
      tpu.enqueue_dma source(%dma_start3A_86 : memref<1024xf32, #tpu.memory_space<hbm>>) target(%dma_start3A_85 : memref<1024xf32, #tpu.memory_space<vmem>>) target_semaphore(%arg14 : memref<!tpu.dma_semaphore, #tpu.memory_space<semaphore_mem>>)
      %mul3A_87 = arith.constant 128 : i32
      %mul3A_88 = arith.muli %add3A_79, %mul3A_87 : i32
      %dma_start3A_89 = arith.constant 0 : i32
      %dma_start3A_90 = tpu.memref_slice %arg10[%dma_start3A_89] : memref<16384xf32, #tpu.memory_space<vmem>> -> memref<8192xf32, #tpu.memory_space<vmem>>
      %dma_start3A_91 = tpu.memref_slice %arg4[%mul3A_88] : memref<2621440xf32, #tpu.memory_space<hbm>> -> memref<8192xf32, #tpu.memory_space<hbm>>
      %dma_start3A_92 = arith.constant 0 : i32
      %dma_start3A_93 = tpu.memref_slice %arg10[%dma_start3A_92] : memref<16384xf32, #tpu.memory_space<vmem>> -> memref<8192xf32, #tpu.memory_space<vmem>>
      %dma_start3A_94 = tpu.memref_slice %arg4[%mul3A_88] : memref<2621440xf32, #tpu.memory_space<hbm>> -> memref<8192xf32, #tpu.memory_space<hbm>>
      tpu.enqueue_dma source(%dma_start3A_94 : memref<8192xf32, #tpu.memory_space<hbm>>) target(%dma_start3A_93 : memref<8192xf32, #tpu.memory_space<vmem>>) target_semaphore(%arg14 : memref<!tpu.dma_semaphore, #tpu.memory_space<semaphore_mem>>)
      %mul3A_95 = arith.constant 128 : i32
      %mul3A_96 = arith.muli %add3A_79, %mul3A_95 : i32
      %dma_start3A_97 = arith.constant 0 : i32
      %dma_start3A_98 = tpu.memref_slice %arg11[%dma_start3A_97] : memref<16384xf32, #tpu.memory_space<vmem>> -> memref<8192xf32, #tpu.memory_space<vmem>>
      %dma_start3A_99 = tpu.memref_slice %arg5[%mul3A_96] : memref<2621440xf32, #tpu.memory_space<hbm>> -> memref<8192xf32, #tpu.memory_space<hbm>>
      %dma_start3A_100 = arith.constant 0 : i32
      %dma_start3A_101 = tpu.memref_slice %arg11[%dma_start3A_100] : memref<16384xf32, #tpu.memory_space<vmem>> -> memref<8192xf32, #tpu.memory_space<vmem>>
      %dma_start3A_102 = tpu.memref_slice %arg5[%mul3A_96] : memref<2621440xf32, #tpu.memory_space<hbm>> -> memref<8192xf32, #tpu.memory_space<hbm>>
      tpu.enqueue_dma source(%dma_start3A_102 : memref<8192xf32, #tpu.memory_space<hbm>>) target(%dma_start3A_101 : memref<8192xf32, #tpu.memory_space<vmem>>) target_semaphore(%arg14 : memref<!tpu.dma_semaphore, #tpu.memory_space<semaphore_mem>>)
      %mul3A_103 = arith.constant 128 : i32
      %mul3A_104 = arith.muli %add3A_79, %mul3A_103 : i32
      %dma_start3A_105 = arith.constant 0 : i32
      %dma_start3A_106 = tpu.memref_slice %arg12[%dma_start3A_105] : memref<16384xi32, #tpu.memory_space<vmem>> -> memref<8192xi32, #tpu.memory_space<vmem>>
      %dma_start3A_107 = tpu.memref_slice %arg6[%mul3A_104] : memref<2621440xi32, #tpu.memory_space<hbm>> -> memref<8192xi32, #tpu.memory_space<hbm>>
      %dma_start3A_108 = arith.constant 0 : i32
      %dma_start3A_109 = tpu.memref_slice %arg12[%dma_start3A_108] : memref<16384xi32, #tpu.memory_space<vmem>> -> memref<8192xi32, #tpu.memory_space<vmem>>
      %dma_start3A_110 = tpu.memref_slice %arg6[%mul3A_104] : memref<2621440xi32, #tpu.memory_space<hbm>> -> memref<8192xi32, #tpu.memory_space<hbm>>
      tpu.enqueue_dma source(%dma_start3A_110 : memref<8192xi32, #tpu.memory_space<hbm>>) target(%dma_start3A_109 : memref<8192xi32, #tpu.memory_space<vmem>>) target_semaphore(%arg14 : memref<!tpu.dma_semaphore, #tpu.memory_space<semaphore_mem>>)
    } else {
    }
    %gt3A_36 = arith.constant 1 : i32
    %gt3A_37 = arith.cmpi sgt, %select_n3A, %gt3A_36 : i32
    %convert_element_type3A_38 = arith.extui %gt3A_37 : i1 to i32
    %cond3A_39 = arith.constant 0 : i32
    %cond3A_40 = arith.cmpi ne, %convert_element_type3A_38, %cond3A_39 : i32
    scf.if %cond3A_40 {
      %add3A_78 = arith.constant 64 : i32
      %add3A_79 = arith.addi %squeeze3A, %add3A_78 : i32
      %mul3A_80 = arith.constant 16 : i32
      %mul3A_81 = arith.muli %add3A_79, %mul3A_80 : i32
      %dma_start3A = arith.constant 1024 : i32
      %dma_start3A_82 = tpu.memref_slice %arg9[%dma_start3A] : memref<2048xf32, #tpu.memory_space<vmem>> -> memref<1024xf32, #tpu.memory_space<vmem>>
      %dma_start3A_83 = tpu.memref_slice %arg3[%mul3A_81] : memref<327680xf32, #tpu.memory_space<hbm>> -> memref<1024xf32, #tpu.memory_space<hbm>>
      %dma_start3A_84 = arith.constant 1024 : i32
      %dma_start3A_85 = tpu.memref_slice %arg9[%dma_start3A_84] : memref<2048xf32, #tpu.memory_space<vmem>> -> memref<1024xf32, #tpu.memory_space<vmem>>
      %dma_start3A_86 = tpu.memref_slice %arg3[%mul3A_81] : memref<327680xf32, #tpu.memory_space<hbm>> -> memref<1024xf32, #tpu.memory_space<hbm>>
      tpu.enqueue_dma source(%dma_start3A_86 : memref<1024xf32, #tpu.memory_space<hbm>>) target(%dma_start3A_85 : memref<1024xf32, #tpu.memory_space<vmem>>) target_semaphore(%arg15 : memref<!tpu.dma_semaphore, #tpu.memory_space<semaphore_mem>>)
      %mul3A_87 = arith.constant 128 : i32
      %mul3A_88 = arith.muli %add3A_79, %mul3A_87 : i32
      %dma_start3A_89 = arith.constant 8192 : i32
      %dma_start3A_90 = tpu.memref_slice %arg10[%dma_start3A_89] : memref<16384xf32, #tpu.memory_space<vmem>> -> memref<8192xf32, #tpu.memory_space<vmem>>
      %dma_start3A_91 = tpu.memref_slice %arg4[%mul3A_88] : memref<2621440xf32, #tpu.memory_space<hbm>> -> memref<8192xf32, #tpu.memory_space<hbm>>
      %dma_start3A_92 = arith.constant 8192 : i32
      %dma_start3A_93 = tpu.memref_slice %arg10[%dma_start3A_92] : memref<16384xf32, #tpu.memory_space<vmem>> -> memref<8192xf32, #tpu.memory_space<vmem>>
      %dma_start3A_94 = tpu.memref_slice %arg4[%mul3A_88] : memref<2621440xf32, #tpu.memory_space<hbm>> -> memref<8192xf32, #tpu.memory_space<hbm>>
      tpu.enqueue_dma source(%dma_start3A_94 : memref<8192xf32, #tpu.memory_space<hbm>>) target(%dma_start3A_93 : memref<8192xf32, #tpu.memory_space<vmem>>) target_semaphore(%arg15 : memref<!tpu.dma_semaphore, #tpu.memory_space<semaphore_mem>>)
      %mul3A_95 = arith.constant 128 : i32
      %mul3A_96 = arith.muli %add3A_79, %mul3A_95 : i32
      %dma_start3A_97 = arith.constant 8192 : i32
      %dma_start3A_98 = tpu.memref_slice %arg11[%dma_start3A_97] : memref<16384xf32, #tpu.memory_space<vmem>> -> memref<8192xf32, #tpu.memory_space<vmem>>
      %dma_start3A_99 = tpu.memref_slice %arg5[%mul3A_96] : memref<2621440xf32, #tpu.memory_space<hbm>> -> memref<8192xf32, #tpu.memory_space<hbm>>
      %dma_start3A_100 = arith.constant 8192 : i32
      %dma_start3A_101 = tpu.memref_slice %arg11[%dma_start3A_100] : memref<16384xf32, #tpu.memory_space<vmem>> -> memref<8192xf32, #tpu.memory_space<vmem>>
      %dma_start3A_102 = tpu.memref_slice %arg5[%mul3A_96] : memref<2621440xf32, #tpu.memory_space<hbm>> -> memref<8192xf32, #tpu.memory_space<hbm>>
      tpu.enqueue_dma source(%dma_start3A_102 : memref<8192xf32, #tpu.memory_space<hbm>>) target(%dma_start3A_101 : memref<8192xf32, #tpu.memory_space<vmem>>) target_semaphore(%arg15 : memref<!tpu.dma_semaphore, #tpu.memory_space<semaphore_mem>>)
      %mul3A_103 = arith.constant 128 : i32
      %mul3A_104 = arith.muli %add3A_79, %mul3A_103 : i32
      %dma_start3A_105 = arith.constant 8192 : i32
      %dma_start3A_106 = tpu.memref_slice %arg12[%dma_start3A_105] : memref<16384xi32, #tpu.memory_space<vmem>> -> memref<8192xi32, #tpu.memory_space<vmem>>
      %dma_start3A_107 = tpu.memref_slice %arg6[%mul3A_104] : memref<2621440xi32, #tpu.memory_space<hbm>> -> memref<8192xi32, #tpu.memory_space<hbm>>
      %dma_start3A_108 = arith.constant 8192 : i32
      %dma_start3A_109 = tpu.memref_slice %arg12[%dma_start3A_108] : memref<16384xi32, #tpu.memory_space<vmem>> -> memref<8192xi32, #tpu.memory_space<vmem>>
      %dma_start3A_110 = tpu.memref_slice %arg6[%mul3A_104] : memref<2621440xi32, #tpu.memory_space<hbm>> -> memref<8192xi32, #tpu.memory_space<hbm>>
      tpu.enqueue_dma source(%dma_start3A_110 : memref<8192xi32, #tpu.memory_space<hbm>>) target(%dma_start3A_109 : memref<8192xi32, #tpu.memory_space<vmem>>) target_semaphore(%arg15 : memref<!tpu.dma_semaphore, #tpu.memory_space<semaphore_mem>>)
    } else {
    }
    %add3A_41 = arith.constant 1 : i32
    %add3A_42 = arith.addi %select_n3A, %add3A_41 : i32
    %jit3A_43 = arith.constant 2 : i32
    %div3A_44 = arith.divsi %add3A_42, %jit3A_43 : i32
    %sign3A_45 = arith.constant 0 : i32
    %sign3A_46 = arith.cmpi sgt, %add3A_42, %sign3A_45 : i32
    %sign3A_47 = arith.extui %sign3A_46 : i1 to i32
    %sign3A_48 = arith.constant 0 : i32
    %sign3A_49 = arith.cmpi slt, %add3A_42, %sign3A_48 : i32
    %sign3A_50 = arith.extui %sign3A_49 : i1 to i32
    %sign3A_51 = arith.subi %sign3A_47, %sign3A_50 : i32
    %sign3A_52 = arith.constant 0 : i32
    %sign3A_53 = arith.cmpi sgt, %jit3A_43, %sign3A_52 : i32
    %sign3A_54 = arith.extui %sign3A_53 : i1 to i32
    %sign3A_55 = arith.constant 0 : i32
    %sign3A_56 = arith.cmpi slt, %jit3A_43, %sign3A_55 : i32
    %sign3A_57 = arith.extui %sign3A_56 : i1 to i32
    %sign3A_58 = arith.subi %sign3A_54, %sign3A_57 : i32
    %ne3A_59 = arith.cmpi ne, %sign3A_51, %sign3A_58 : i32
    %rem3A_60 = arith.remsi %add3A_42, %jit3A_43 : i32
    %ne3A_61 = arith.constant 0 : i32
    %ne3A_62 = arith.cmpi ne, %rem3A_60, %ne3A_61 : i32
    %and3A_63 = arith.andi %ne3A_59, %ne3A_62 : i1
    %sub3A_64 = arith.constant 1 : i32
    %sub3A_65 = arith.subi %div3A_44, %sub3A_64 : i32
    %select_n3A_66 = arith.select %and3A_63, %sub3A_65, %div3A_44 : i32
    %while3A = arith.constant 1.562500e-02 : f32
    %while3A_67 = arith.constant 0 : i32
    %while3A_68 = arith.subi %select_n3A_66, %while3A_67 : i32
    %while3A_69 = arith.addi %while3A_67, %while3A_68 : i32
    %while3A_70 = arith.constant 1 : i32
    %while3A_71 = arith.divsi %while3A_68, %while3A_70 : i32
    %while3A_72 = arith.muli %while3A_71, %while3A_70 : i32
    %while3A_73 = arith.addi %while3A_67, %while3A_72 : i32
    %while3A_74 = arith.constant 1 : i32
    scf.for %while3A_78 = %while3A_67 to %while3A_73 step %while3A_74  : i32 {
      %mul3A_79 = arith.constant 2 : i32
      %mul3A_80 = arith.muli %while3A_78, %mul3A_79 : i32
      %add3A_81 = arith.constant 0 : i32
      %add3A_82 = arith.addi %mul3A_80, %add3A_81 : i32
      %lt3A = arith.cmpi slt, %add3A_82, %select_n3A : i32
      %convert_element_type3A_83 = arith.extui %lt3A : i1 to i32
      %cond3A_84 = arith.constant 0 : i32
      %cond3A_85 = arith.cmpi ne, %convert_element_type3A_83, %cond3A_84 : i32
      scf.if %cond3A_85 {
        %dma_wait3A = arith.constant 0 : i32
        %dma_wait3A_94 = tpu.memref_slice %arg9[%dma_wait3A] : memref<2048xf32, #tpu.memory_space<vmem>> -> memref<1024xf32, #tpu.memory_space<vmem>>
        %dma_wait3A_95 = arith.constant 0 : i32
        %dma_wait3A_96 = tpu.memref_slice %arg3[%dma_wait3A_95] : memref<327680xf32, #tpu.memory_space<hbm>> -> memref<1024xf32, #tpu.memory_space<hbm>>
        %dma_wait3A_97 = arith.constant 0 : i32
        %dma_wait3A_98 = tpu.memref_slice %arg9[%dma_wait3A_97] : memref<2048xf32, #tpu.memory_space<vmem>> -> memref<1024xf32, #tpu.memory_space<vmem>>
        %dma_wait3A_99 = arith.constant 0 : i32
        %dma_wait3A_100 = tpu.memref_slice %arg3[%dma_wait3A_99] : memref<327680xf32, #tpu.memory_space<hbm>> -> memref<1024xf32, #tpu.memory_space<hbm>>
        tpu.wait_dma2 semaphore(%arg14 : memref<!tpu.dma_semaphore, #tpu.memory_space<semaphore_mem>>) src(%dma_wait3A_100 : memref<1024xf32, #tpu.memory_space<hbm>>) dst(%dma_wait3A_98 : memref<1024xf32, #tpu.memory_space<vmem>>)
        %dma_wait3A_101 = arith.constant 0 : i32
        %dma_wait3A_102 = tpu.memref_slice %arg10[%dma_wait3A_101] : memref<16384xf32, #tpu.memory_space<vmem>> -> memref<8192xf32, #tpu.memory_space<vmem>>
        %dma_wait3A_103 = arith.constant 0 : i32
        %dma_wait3A_104 = tpu.memref_slice %arg4[%dma_wait3A_103] : memref<2621440xf32, #tpu.memory_space<hbm>> -> memref<8192xf32, #tpu.memory_space<hbm>>
        %dma_wait3A_105 = arith.constant 0 : i32
        %dma_wait3A_106 = tpu.memref_slice %arg10[%dma_wait3A_105] : memref<16384xf32, #tpu.memory_space<vmem>> -> memref<8192xf32, #tpu.memory_space<vmem>>
        %dma_wait3A_107 = arith.constant 0 : i32
        %dma_wait3A_108 = tpu.memref_slice %arg4[%dma_wait3A_107] : memref<2621440xf32, #tpu.memory_space<hbm>> -> memref<8192xf32, #tpu.memory_space<hbm>>
        tpu.wait_dma2 semaphore(%arg14 : memref<!tpu.dma_semaphore, #tpu.memory_space<semaphore_mem>>) src(%dma_wait3A_108 : memref<8192xf32, #tpu.memory_space<hbm>>) dst(%dma_wait3A_106 : memref<8192xf32, #tpu.memory_space<vmem>>)
        %dma_wait3A_109 = arith.constant 0 : i32
        %dma_wait3A_110 = tpu.memref_slice %arg11[%dma_wait3A_109] : memref<16384xf32, #tpu.memory_space<vmem>> -> memref<8192xf32, #tpu.memory_space<vmem>>
        %dma_wait3A_111 = arith.constant 0 : i32
        %dma_wait3A_112 = tpu.memref_slice %arg5[%dma_wait3A_111] : memref<2621440xf32, #tpu.memory_space<hbm>> -> memref<8192xf32, #tpu.memory_space<hbm>>
        %dma_wait3A_113 = arith.constant 0 : i32
        %dma_wait3A_114 = tpu.memref_slice %arg11[%dma_wait3A_113] : memref<16384xf32, #tpu.memory_space<vmem>> -> memref<8192xf32, #tpu.memory_space<vmem>>
        %dma_wait3A_115 = arith.constant 0 : i32
        %dma_wait3A_116 = tpu.memref_slice %arg5[%dma_wait3A_115] : memref<2621440xf32, #tpu.memory_space<hbm>> -> memref<8192xf32, #tpu.memory_space<hbm>>
        tpu.wait_dma2 semaphore(%arg14 : memref<!tpu.dma_semaphore, #tpu.memory_space<semaphore_mem>>) src(%dma_wait3A_116 : memref<8192xf32, #tpu.memory_space<hbm>>) dst(%dma_wait3A_114 : memref<8192xf32, #tpu.memory_space<vmem>>)
        %dma_wait3A_117 = arith.constant 0 : i32
        %dma_wait3A_118 = tpu.memref_slice %arg12[%dma_wait3A_117] : memref<16384xi32, #tpu.memory_space<vmem>> -> memref<8192xi32, #tpu.memory_space<vmem>>
        %dma_wait3A_119 = arith.constant 0 : i32
        %dma_wait3A_120 = tpu.memref_slice %arg6[%dma_wait3A_119] : memref<2621440xi32, #tpu.memory_space<hbm>> -> memref<8192xi32, #tpu.memory_space<hbm>>
        %dma_wait3A_121 = arith.constant 0 : i32
        %dma_wait3A_122 = tpu.memref_slice %arg12[%dma_wait3A_121] : memref<16384xi32, #tpu.memory_space<vmem>> -> memref<8192xi32, #tpu.memory_space<vmem>>
        %dma_wait3A_123 = arith.constant 0 : i32
        %dma_wait3A_124 = tpu.memref_slice %arg6[%dma_wait3A_123] : memref<2621440xi32, #tpu.memory_space<hbm>> -> memref<8192xi32, #tpu.memory_space<hbm>>
        tpu.wait_dma2 semaphore(%arg14 : memref<!tpu.dma_semaphore, #tpu.memory_space<semaphore_mem>>) src(%dma_wait3A_124 : memref<8192xi32, #tpu.memory_space<hbm>>) dst(%dma_wait3A_122 : memref<8192xi32, #tpu.memory_space<vmem>>)
        %mul3A_125 = arith.constant 64 : i32
        %mul3A_126 = arith.muli %add3A_82, %mul3A_125 : i32
        %add3A_127 = arith.addi %squeeze3A, %mul3A_126 : i32
        %sub3A_128 = arith.subi %squeeze3A_14, %add3A_127 : i32
        %min3A = arith.constant 64 : i32
        %min3A_129 = arith.minsi %min3A, %sub3A_128 : i32
        %while3A_130 = arith.constant 0 : i32
        %while3A_131 = arith.subi %min3A_129, %while3A_130 : i32
        %while3A_132 = arith.addi %while3A_130, %while3A_131 : i32
        %while3A_133 = arith.constant 1 : i32
        %while3A_134 = arith.divsi %while3A_131, %while3A_133 : i32
        %while3A_135 = arith.muli %while3A_134, %while3A_133 : i32
        %while3A_136 = arith.addi %while3A_130, %while3A_135 : i32
        %while3A_137 = arith.constant 1 : i32
        scf.for %while3A_145 = %while3A_130 to %while3A_136 step %while3A_137  : i32 {
          %mul3A_146 = arith.constant 16 : i32
          %mul3A_147 = arith.muli %while3A_145, %mul3A_146 : i32
          %add3A_148 = arith.constant 0 : i32
          %add3A_149 = arith.addi %add3A_148, %mul3A_147 : i32
          %get3A_150 = arith.index_cast %add3A_149 : i32 to index
          %get3A_151 = tpu.vector_load %arg9[%get3A_150] {strides = array<i32>} : memref<2048xf32, #tpu.memory_space<vmem>>, vector<16xf32>,
          %slice3A_152 = vector.extract_strided_slice %get3A_151 {offsets = [0], sizes = [1], strides = [1]} : vector<16xf32> to vector<1xf32>
          %squeeze3A_153 = vector.extract %slice3A_152[0] : f32 from vector<1xf32>
          %slice3A_154 = vector.extract_strided_slice %get3A_151 {offsets = [3], sizes = [1], strides = [1]} : vector<16xf32> to vector<1xf32>
          %squeeze3A_155 = vector.extract %slice3A_154[0] : f32 from vector<1xf32>
          %slice3A_156 = vector.extract_strided_slice %get3A_151 {offsets = [10], sizes = [1], strides = [1]} : vector<16xf32> to vector<1xf32>
          %squeeze3A_157 = vector.extract %slice3A_156[0] : f32 from vector<1xf32>
          %convert_element_type3A_158 = arith.fptosi %squeeze3A_157 : f32 to i32
          %slice3A_159 = vector.extract_strided_slice %get3A_151 {offsets = [13], sizes = [1], strides = [1]} : vector<16xf32> to vector<1xf32>
          %squeeze3A_160 = vector.extract %slice3A_159[0] : f32 from vector<1xf32>
          %add3A_161 = arith.constant -4.500000e+00 : f32
          %add3A_162 = arith.addf %squeeze3A_160, %add3A_161 : f32
          %broadcast_in_dim3A_163 = vector.broadcast %add3A_162 : f32 to vector<16xf32>
          %mul3A_164 = arith.constant 128 : i32
          %mul3A_165 = arith.muli %while3A_145, %mul3A_164 : i32
          %add3A_166 = arith.constant 0 : i32
          %add3A_167 = arith.addi %add3A_166, %mul3A_165 : i32
          %add3A_168 = arith.constant 0 : i32
          %add3A_169 = arith.addi %add3A_167, %add3A_168 : i32
          %get3A_170 = arith.index_cast %add3A_169 : i32 to index
          %get3A_171 = tpu.vector_load %arg10[%get3A_170] {strides = array<i32>} : memref<16384xf32, #tpu.memory_space<vmem>>, vector<16xf32>,
          %mul3A_172 = arith.constant 128 : i32
          %mul3A_173 = arith.muli %while3A_145, %mul3A_172 : i32
          %add3A_174 = arith.constant 0 : i32
          %add3A_175 = arith.addi %add3A_174, %mul3A_173 : i32
          %add3A_176 = arith.constant 16 : i32
          %add3A_177 = arith.addi %add3A_175, %add3A_176 : i32
          %get3A_178 = arith.index_cast %add3A_177 : i32 to index
          %get3A_179 = tpu.vector_load %arg10[%get3A_178] {strides = array<i32>} : memref<16384xf32, #tpu.memory_space<vmem>>, vector<16xf32>,
          %mul3A_180 = arith.constant 128 : i32
          %mul3A_181 = arith.muli %while3A_145, %mul3A_180 : i32
          %add3A_182 = arith.constant 0 : i32
          %add3A_183 = arith.addi %add3A_182, %mul3A_181 : i32
          %add3A_184 = arith.constant 32 : i32
          %add3A_185 = arith.addi %add3A_183, %add3A_184 : i32
          %get3A_186 = arith.index_cast %add3A_185 : i32 to index
          %get3A_187 = tpu.vector_load %arg10[%get3A_186] {strides = array<i32>} : memref<16384xf32, #tpu.memory_space<vmem>>, vector<16xf32>,
          %mul3A_188 = arith.constant 128 : i32
          %mul3A_189 = arith.muli %while3A_145, %mul3A_188 : i32
          %add3A_190 = arith.constant 0 : i32
          %add3A_191 = arith.addi %add3A_190, %mul3A_189 : i32
          %add3A_192 = arith.constant 48 : i32
          %add3A_193 = arith.addi %add3A_191, %add3A_192 : i32
          %get3A_194 = arith.index_cast %add3A_193 : i32 to index
          %get3A_195 = tpu.vector_load %arg10[%get3A_194] {strides = array<i32>} : memref<16384xf32, #tpu.memory_space<vmem>>, vector<16xf32>,
          %mul3A_196 = arith.constant 128 : i32
          %mul3A_197 = arith.muli %while3A_145, %mul3A_196 : i32
          %add3A_198 = arith.constant 0 : i32
          %add3A_199 = arith.addi %add3A_198, %mul3A_197 : i32
          %add3A_200 = arith.constant 64 : i32
          %add3A_201 = arith.addi %add3A_199, %add3A_200 : i32
          %get3A_202 = arith.index_cast %add3A_201 : i32 to index
          %get3A_203 = tpu.vector_load %arg10[%get3A_202] {strides = array<i32>} : memref<16384xf32, #tpu.memory_space<vmem>>, vector<16xf32>,
          %mul3A_204 = arith.constant 128 : i32
          %mul3A_205 = arith.muli %while3A_145, %mul3A_204 : i32
          %add3A_206 = arith.constant 0 : i32
          %add3A_207 = arith.addi %add3A_206, %mul3A_205 : i32
          %add3A_208 = arith.constant 80 : i32
          %add3A_209 = arith.addi %add3A_207, %add3A_208 : i32
          %get3A_210 = arith.index_cast %add3A_209 : i32 to index
          %get3A_211 = tpu.vector_load %arg10[%get3A_210] {strides = array<i32>} : memref<16384xf32, #tpu.memory_space<vmem>>, vector<16xf32>,
          %mul3A_212 = arith.constant 128 : i32
          %mul3A_213 = arith.muli %while3A_145, %mul3A_212 : i32
          %add3A_214 = arith.constant 0 : i32
          %add3A_215 = arith.addi %add3A_214, %mul3A_213 : i32
          %add3A_216 = arith.constant 96 : i32
          %add3A_217 = arith.addi %add3A_215, %add3A_216 : i32
          %get3A_218 = arith.index_cast %add3A_217 : i32 to index
          %get3A_219 = tpu.vector_load %arg10[%get3A_218] {strides = array<i32>} : memref<16384xf32, #tpu.memory_space<vmem>>, vector<16xf32>,
          %mul3A_220 = arith.constant 128 : i32
          %mul3A_221 = arith.muli %while3A_145, %mul3A_220 : i32
          %add3A_222 = arith.constant 0 : i32
          %add3A_223 = arith.addi %add3A_222, %mul3A_221 : i32
          %add3A_224 = arith.constant 112 : i32
          %add3A_225 = arith.addi %add3A_223, %add3A_224 : i32
          %get3A_226 = arith.index_cast %add3A_225 : i32 to index
          %get3A_227 = tpu.vector_load %arg10[%get3A_226] {strides = array<i32>} : memref<16384xf32, #tpu.memory_space<vmem>>, vector<16xf32>,
          %mul3A_228 = arith.constant 128 : i32
          %mul3A_229 = arith.muli %while3A_145, %mul3A_228 : i32
          %add3A_230 = arith.constant 0 : i32
          %add3A_231 = arith.addi %add3A_230, %mul3A_229 : i32
          %add3A_232 = arith.constant 0 : i32
          %add3A_233 = arith.addi %add3A_231, %add3A_232 : i32
          %get3A_234 = arith.index_cast %add3A_233 : i32 to index
          %get3A_235 = tpu.vector_load %arg11[%get3A_234] {strides = array<i32>} : memref<16384xf32, #tpu.memory_space<vmem>>, vector<16xf32>,
          %mul3A_236 = arith.constant 128 : i32
          %mul3A_237 = arith.muli %while3A_145, %mul3A_236 : i32
          %add3A_238 = arith.constant 0 : i32
          %add3A_239 = arith.addi %add3A_238, %mul3A_237 : i32
          %add3A_240 = arith.constant 16 : i32
          %add3A_241 = arith.addi %add3A_239, %add3A_240 : i32
          %get3A_242 = arith.index_cast %add3A_241 : i32 to index
          %get3A_243 = tpu.vector_load %arg11[%get3A_242] {strides = array<i32>} : memref<16384xf32, #tpu.memory_space<vmem>>, vector<16xf32>,
          %mul3A_244 = arith.constant 128 : i32
          %mul3A_245 = arith.muli %while3A_145, %mul3A_244 : i32
          %add3A_246 = arith.constant 0 : i32
          %add3A_247 = arith.addi %add3A_246, %mul3A_245 : i32
          %add3A_248 = arith.constant 32 : i32
          %add3A_249 = arith.addi %add3A_247, %add3A_248 : i32
          %get3A_250 = arith.index_cast %add3A_249 : i32 to index
          %get3A_251 = tpu.vector_load %arg11[%get3A_250] {strides = array<i32>} : memref<16384xf32, #tpu.memory_space<vmem>>, vector<16xf32>,
          %mul3A_252 = arith.constant 128 : i32
          %mul3A_253 = arith.muli %while3A_145, %mul3A_252 : i32
          %add3A_254 = arith.constant 0 : i32
          %add3A_255 = arith.addi %add3A_254, %mul3A_253 : i32
          %add3A_256 = arith.constant 48 : i32
          %add3A_257 = arith.addi %add3A_255, %add3A_256 : i32
          %get3A_258 = arith.index_cast %add3A_257 : i32 to index
          %get3A_259 = tpu.vector_load %arg11[%get3A_258] {strides = array<i32>} : memref<16384xf32, #tpu.memory_space<vmem>>, vector<16xf32>,
          %mul3A_260 = arith.constant 128 : i32
          %mul3A_261 = arith.muli %while3A_145, %mul3A_260 : i32
          %add3A_262 = arith.constant 0 : i32
          %add3A_263 = arith.addi %add3A_262, %mul3A_261 : i32
          %add3A_264 = arith.constant 64 : i32
          %add3A_265 = arith.addi %add3A_263, %add3A_264 : i32
          %get3A_266 = arith.index_cast %add3A_265 : i32 to index
          %get3A_267 = tpu.vector_load %arg11[%get3A_266] {strides = array<i32>} : memref<16384xf32, #tpu.memory_space<vmem>>, vector<16xf32>,
          %mul3A_268 = arith.constant 128 : i32
          %mul3A_269 = arith.muli %while3A_145, %mul3A_268 : i32
          %add3A_270 = arith.constant 0 : i32
          %add3A_271 = arith.addi %add3A_270, %mul3A_269 : i32
          %add3A_272 = arith.constant 80 : i32
          %add3A_273 = arith.addi %add3A_271, %add3A_272 : i32
          %get3A_274 = arith.index_cast %add3A_273 : i32 to index
          %get3A_275 = tpu.vector_load %arg11[%get3A_274] {strides = array<i32>} : memref<16384xf32, #tpu.memory_space<vmem>>, vector<16xf32>,
          %mul3A_276 = arith.constant 128 : i32
          %mul3A_277 = arith.muli %while3A_145, %mul3A_276 : i32
          %add3A_278 = arith.constant 0 : i32
          %add3A_279 = arith.addi %add3A_278, %mul3A_277 : i32
          %add3A_280 = arith.constant 96 : i32
          %add3A_281 = arith.addi %add3A_279, %add3A_280 : i32
          %get3A_282 = arith.index_cast %add3A_281 : i32 to index
          %get3A_283 = tpu.vector_load %arg11[%get3A_282] {strides = array<i32>} : memref<16384xf32, #tpu.memory_space<vmem>>, vector<16xf32>,
          %mul3A_284 = arith.constant 128 : i32
          %mul3A_285 = arith.muli %while3A_145, %mul3A_284 : i32
          %add3A_286 = arith.constant 0 : i32
          %add3A_287 = arith.addi %add3A_286, %mul3A_285 : i32
          %add3A_288 = arith.constant 112 : i32
          %add3A_289 = arith.addi %add3A_287, %add3A_288 : i32
          %get3A_290 = arith.index_cast %add3A_289 : i32 to index
          %get3A_291 = tpu.vector_load %arg11[%get3A_290] {strides = array<i32>} : memref<16384xf32, #tpu.memory_space<vmem>>, vector<16xf32>,
          %mul3A_292 = arith.constant 128 : i32
          %mul3A_293 = arith.muli %while3A_145, %mul3A_292 : i32
          %add3A_294 = arith.constant 0 : i32
          %add3A_295 = arith.addi %add3A_294, %mul3A_293 : i32
          %add3A_296 = arith.constant 0 : i32
          %add3A_297 = arith.addi %add3A_295, %add3A_296 : i32
          %get3A_298 = arith.index_cast %add3A_297 : i32 to index
          %get3A_299 = tpu.vector_load %arg12[%get3A_298] {strides = array<i32>} : memref<16384xi32, #tpu.memory_space<vmem>>, vector<16xi32>,
          %mul3A_300 = arith.constant 128 : i32
          %mul3A_301 = arith.muli %while3A_145, %mul3A_300 : i32
          %add3A_302 = arith.constant 0 : i32
          %add3A_303 = arith.addi %add3A_302, %mul3A_301 : i32
          %add3A_304 = arith.constant 16 : i32
          %add3A_305 = arith.addi %add3A_303, %add3A_304 : i32
          %get3A_306 = arith.index_cast %add3A_305 : i32 to index
          %get3A_307 = tpu.vector_load %arg12[%get3A_306] {strides = array<i32>} : memref<16384xi32, #tpu.memory_space<vmem>>, vector<16xi32>,
          %mul3A_308 = arith.constant 128 : i32
          %mul3A_309 = arith.muli %while3A_145, %mul3A_308 : i32
          %add3A_310 = arith.constant 0 : i32
          %add3A_311 = arith.addi %add3A_310, %mul3A_309 : i32
          %add3A_312 = arith.constant 32 : i32
          %add3A_313 = arith.addi %add3A_311, %add3A_312 : i32
          %get3A_314 = arith.index_cast %add3A_313 : i32 to index
          %get3A_315 = tpu.vector_load %arg12[%get3A_314] {strides = array<i32>} : memref<16384xi32, #tpu.memory_space<vmem>>, vector<16xi32>,
          %mul3A_316 = arith.constant 128 : i32
          %mul3A_317 = arith.muli %while3A_145, %mul3A_316 : i32
          %add3A_318 = arith.constant 0 : i32
          %add3A_319 = arith.addi %add3A_318, %mul3A_317 : i32
          %add3A_320 = arith.constant 48 : i32
          %add3A_321 = arith.addi %add3A_319, %add3A_320 : i32
          %get3A_322 = arith.index_cast %add3A_321 : i32 to index
          %get3A_323 = tpu.vector_load %arg12[%get3A_322] {strides = array<i32>} : memref<16384xi32, #tpu.memory_space<vmem>>, vector<16xi32>,
          %mul3A_324 = arith.constant 128 : i32
          %mul3A_325 = arith.muli %while3A_145, %mul3A_324 : i32
          %add3A_326 = arith.constant 0 : i32
          %add3A_327 = arith.addi %add3A_326, %mul3A_325 : i32
          %add3A_328 = arith.constant 64 : i32
          %add3A_329 = arith.addi %add3A_327, %add3A_328 : i32
          %get3A_330 = arith.index_cast %add3A_329 : i32 to index
          %get3A_331 = tpu.vector_load %arg12[%get3A_330] {strides = array<i32>} : memref<16384xi32, #tpu.memory_space<vmem>>, vector<16xi32>,
          %mul3A_332 = arith.constant 128 : i32
          %mul3A_333 = arith.muli %while3A_145, %mul3A_332 : i32
          %add3A_334 = arith.constant 0 : i32
          %add3A_335 = arith.addi %add3A_334, %mul3A_333 : i32
          %add3A_336 = arith.constant 80 : i32
          %add3A_337 = arith.addi %add3A_335, %add3A_336 : i32
          %get3A_338 = arith.index_cast %add3A_337 : i32 to index
          %get3A_339 = tpu.vector_load %arg12[%get3A_338] {strides = array<i32>} : memref<16384xi32, #tpu.memory_space<vmem>>, vector<16xi32>,
          %mul3A_340 = arith.constant 128 : i32
          %mul3A_341 = arith.muli %while3A_145, %mul3A_340 : i32
          %add3A_342 = arith.constant 0 : i32
          %add3A_343 = arith.addi %add3A_342, %mul3A_341 : i32
          %add3A_344 = arith.constant 96 : i32
          %add3A_345 = arith.addi %add3A_343, %add3A_344 : i32
          %get3A_346 = arith.index_cast %add3A_345 : i32 to index
          %get3A_347 = tpu.vector_load %arg12[%get3A_346] {strides = array<i32>} : memref<16384xi32, #tpu.memory_space<vmem>>, vector<16xi32>,
          %mul3A_348 = arith.constant 128 : i32
          %mul3A_349 = arith.muli %while3A_145, %mul3A_348 : i32
          %add3A_350 = arith.constant 0 : i32
          %add3A_351 = arith.addi %add3A_350, %mul3A_349 : i32
          %add3A_352 = arith.constant 112 : i32
          %add3A_353 = arith.addi %add3A_351, %add3A_352 : i32
          %get3A_354 = arith.index_cast %add3A_353 : i32 to index
          %get3A_355 = tpu.vector_load %arg12[%get3A_354] {strides = array<i32>} : memref<16384xi32, #tpu.memory_space<vmem>>, vector<16xi32>,
          %slice3A_356 = vector.extract_strided_slice %get3A_151 {offsets = [14], sizes = [1], strides = [1]} : vector<16xf32> to vector<1xf32>
          %squeeze3A_357 = vector.extract %slice3A_356[0] : f32 from vector<1xf32>
          %convert_element_type3A_358 = arith.fptosi %squeeze3A_357 : f32 to i32
          %sub3A_359 = arith.subi %convert_element_type3A_158, %convert_element_type3A_358 : i32
          %max3A = arith.maxsi %sub3A_359, %mul3A_2 : i32
          %add3A_360 = arith.addi %convert_element_type3A_158, %convert_element_type3A_358 : i32
          %add3A_361 = arith.constant 1 : i32
          %add3A_362 = arith.addi %add3A_360, %add3A_361 : i32
          %min3A_363 = arith.minsi %add3A_362, %add3A_4 : i32
          %while3A_364 = arith.subi %min3A_363, %max3A : i32
          %while3A_365 = arith.addi %max3A, %while3A_364 : i32
          %while3A_366 = arith.constant 1 : i32
          %while3A_367 = arith.divsi %while3A_364, %while3A_366 : i32
          %while3A_368 = arith.muli %while3A_367, %while3A_366 : i32
          %while3A_369 = arith.addi %max3A, %while3A_368 : i32
          %while3A_370 = arith.constant 1 : i32
          scf.for %while3A_372 = %max3A to %while3A_369 step %while3A_370  : i32 {
            %convert_element_type3A_373 = arith.sitofp %while3A_372 : i32 to f32
            %sub3A_374 = arith.subf %convert_element_type3A_373, %squeeze3A_153 : f32
            %mul3A_375 = arith.mulf %sub3A_374, %while3A : f32
            %mul3A_376 = arith.mulf %squeeze3A_155, %mul3A_375 : f32
            %mul3A_377 = arith.mulf %mul3A_376, %mul3A_375 : f32
            %broadcast_in_dim3A_378 = vector.broadcast %mul3A_375 : f32 to vector<16xf32>
            %broadcast_in_dim3A_379 = vector.broadcast %mul3A_377 : f32 to vector<16xf32>
            %sub3A_380 = arith.subi %while3A_372, %mul3A_2 : i32
            %mul3A_381 = arith.constant 16384 : i32
            %mul3A_382 = arith.muli %sub3A_380, %mul3A_381 : i32
            %broadcast_in_dim3A_383 = vector.broadcast %mul3A_382 : i32 to vector<16xi32>
            %add3A_384 = arith.addf %broadcast_in_dim3A_379, %get3A_171 : vector<16xf32>
            %mul3A_385 = arith.mulf %broadcast_in_dim3A_378, %get3A_235 : vector<16xf32>
            %add3A_386 = arith.addf %add3A_384, %mul3A_385 : vector<16xf32>
            %exp3A = math.exp %add3A_386 : vector<16xf32>
            %ge3A = arith.cmpf oge, %add3A_386, %broadcast_in_dim3A_163 : vector<16xf32>
            %add3A_387 = arith.addi %broadcast_in_dim3A_383, %get3A_299 : vector<16xi32>
            tpu.vector_store_idx %arg13[%add3A_387], %exp3A masked %ge3A {add = true} : memref<65536xf32, #tpu.memory_space<vmem>>[vector<16xi32>], vector<16xf32>, vector<16xi1>
            %add3A_388 = arith.addf %broadcast_in_dim3A_379, %get3A_179 : vector<16xf32>
            %mul3A_389 = arith.mulf %broadcast_in_dim3A_378, %get3A_243 : vector<16xf32>
            %add3A_390 = arith.addf %add3A_388, %mul3A_389 : vector<16xf32>
            %exp3A_391 = math.exp %add3A_390 : vector<16xf32>
            %ge3A_392 = arith.cmpf oge, %add3A_390, %broadcast_in_dim3A_163 : vector<16xf32>
            %add3A_393 = arith.addi %broadcast_in_dim3A_383, %get3A_307 : vector<16xi32>
            tpu.vector_store_idx %arg13[%add3A_393], %exp3A_391 masked %ge3A_392 {add = true} : memref<65536xf32, #tpu.memory_space<vmem>>[vector<16xi32>], vector<16xf32>, vector<16xi1>
            %add3A_394 = arith.addf %broadcast_in_dim3A_379, %get3A_187 : vector<16xf32>
            %mul3A_395 = arith.mulf %broadcast_in_dim3A_378, %get3A_251 : vector<16xf32>
            %add3A_396 = arith.addf %add3A_394, %mul3A_395 : vector<16xf32>
            %exp3A_397 = math.exp %add3A_396 : vector<16xf32>
            %ge3A_398 = arith.cmpf oge, %add3A_396, %broadcast_in_dim3A_163 : vector<16xf32>
            %add3A_399 = arith.addi %broadcast_in_dim3A_383, %get3A_315 : vector<16xi32>
            tpu.vector_store_idx %arg13[%add3A_399], %exp3A_397 masked %ge3A_398 {add = true} : memref<65536xf32, #tpu.memory_space<vmem>>[vector<16xi32>], vector<16xf32>, vector<16xi1>
            %add3A_400 = arith.addf %broadcast_in_dim3A_379, %get3A_195 : vector<16xf32>
            %mul3A_401 = arith.mulf %broadcast_in_dim3A_378, %get3A_259 : vector<16xf32>
            %add3A_402 = arith.addf %add3A_400, %mul3A_401 : vector<16xf32>
            %exp3A_403 = math.exp %add3A_402 : vector<16xf32>
            %ge3A_404 = arith.cmpf oge, %add3A_402, %broadcast_in_dim3A_163 : vector<16xf32>
            %add3A_405 = arith.addi %broadcast_in_dim3A_383, %get3A_323 : vector<16xi32>
            tpu.vector_store_idx %arg13[%add3A_405], %exp3A_403 masked %ge3A_404 {add = true} : memref<65536xf32, #tpu.memory_space<vmem>>[vector<16xi32>], vector<16xf32>, vector<16xi1>
            %add3A_406 = arith.addf %broadcast_in_dim3A_379, %get3A_203 : vector<16xf32>
            %mul3A_407 = arith.mulf %broadcast_in_dim3A_378, %get3A_267 : vector<16xf32>
            %add3A_408 = arith.addf %add3A_406, %mul3A_407 : vector<16xf32>
            %exp3A_409 = math.exp %add3A_408 : vector<16xf32>
            %ge3A_410 = arith.cmpf oge, %add3A_408, %broadcast_in_dim3A_163 : vector<16xf32>
            %add3A_411 = arith.addi %broadcast_in_dim3A_383, %get3A_331 : vector<16xi32>
            tpu.vector_store_idx %arg13[%add3A_411], %exp3A_409 masked %ge3A_410 {add = true} : memref<65536xf32, #tpu.memory_space<vmem>>[vector<16xi32>], vector<16xf32>, vector<16xi1>
            %add3A_412 = arith.addf %broadcast_in_dim3A_379, %get3A_211 : vector<16xf32>
            %mul3A_413 = arith.mulf %broadcast_in_dim3A_378, %get3A_275 : vector<16xf32>
            %add3A_414 = arith.addf %add3A_412, %mul3A_413 : vector<16xf32>
            %exp3A_415 = math.exp %add3A_414 : vector<16xf32>
            %ge3A_416 = arith.cmpf oge, %add3A_414, %broadcast_in_dim3A_163 : vector<16xf32>
            %add3A_417 = arith.addi %broadcast_in_dim3A_383, %get3A_339 : vector<16xi32>
            tpu.vector_store_idx %arg13[%add3A_417], %exp3A_415 masked %ge3A_416 {add = true} : memref<65536xf32, #tpu.memory_space<vmem>>[vector<16xi32>], vector<16xf32>, vector<16xi1>
            %add3A_418 = arith.addf %broadcast_in_dim3A_379, %get3A_219 : vector<16xf32>
            %mul3A_419 = arith.mulf %broadcast_in_dim3A_378, %get3A_283 : vector<16xf32>
            %add3A_420 = arith.addf %add3A_418, %mul3A_419 : vector<16xf32>
            %exp3A_421 = math.exp %add3A_420 : vector<16xf32>
            %ge3A_422 = arith.cmpf oge, %add3A_420, %broadcast_in_dim3A_163 : vector<16xf32>
            %add3A_423 = arith.addi %broadcast_in_dim3A_383, %get3A_347 : vector<16xi32>
            tpu.vector_store_idx %arg13[%add3A_423], %exp3A_421 masked %ge3A_422 {add = true} : memref<65536xf32, #tpu.memory_space<vmem>>[vector<16xi32>], vector<16xf32>, vector<16xi1>
            %add3A_424 = arith.addf %broadcast_in_dim3A_379, %get3A_227 : vector<16xf32>
            %mul3A_425 = arith.mulf %broadcast_in_dim3A_378, %get3A_291 : vector<16xf32>
            %add3A_426 = arith.addf %add3A_424, %mul3A_425 : vector<16xf32>
            %exp3A_427 = math.exp %add3A_426 : vector<16xf32>
            %ge3A_428 = arith.cmpf oge, %add3A_426, %broadcast_in_dim3A_163 : vector<16xf32>
            %add3A_429 = arith.addi %broadcast_in_dim3A_383, %get3A_355 : vector<16xi32>
            tpu.vector_store_idx %arg13[%add3A_429], %exp3A_427 masked %ge3A_428 {add = true} : memref<65536xf32, #tpu.memory_space<vmem>>[vector<16xi32>], vector<16xf32>, vector<16xi1>
          }
          %while3A_371 = arith.constant 1 : i32
          scf.for %while3A_372 = %while3A_369 to %while3A_365 step %while3A_371  : i32 {
            %convert_element_type3A_373 = arith.sitofp %while3A_372 : i32 to f32
            %sub3A_374 = arith.subf %convert_element_type3A_373, %squeeze3A_153 : f32
            %mul3A_375 = arith.mulf %sub3A_374, %while3A : f32
            %mul3A_376 = arith.mulf %squeeze3A_155, %mul3A_375 : f32
            %mul3A_377 = arith.mulf %mul3A_376, %mul3A_375 : f32
            %broadcast_in_dim3A_378 = vector.broadcast %mul3A_375 : f32 to vector<16xf32>
            %broadcast_in_dim3A_379 = vector.broadcast %mul3A_377 : f32 to vector<16xf32>
            %sub3A_380 = arith.subi %while3A_372, %mul3A_2 : i32
            %mul3A_381 = arith.constant 16384 : i32
            %mul3A_382 = arith.muli %sub3A_380, %mul3A_381 : i32
            %broadcast_in_dim3A_383 = vector.broadcast %mul3A_382 : i32 to vector<16xi32>
            %add3A_384 = arith.addf %broadcast_in_dim3A_379, %get3A_171 : vector<16xf32>
            %mul3A_385 = arith.mulf %broadcast_in_dim3A_378, %get3A_235 : vector<16xf32>
            %add3A_386 = arith.addf %add3A_384, %mul3A_385 : vector<16xf32>
            %exp3A = math.exp %add3A_386 : vector<16xf32>
            %ge3A = arith.cmpf oge, %add3A_386, %broadcast_in_dim3A_163 : vector<16xf32>
            %add3A_387 = arith.addi %broadcast_in_dim3A_383, %get3A_299 : vector<16xi32>
            tpu.vector_store_idx %arg13[%add3A_387], %exp3A masked %ge3A {add = true} : memref<65536xf32, #tpu.memory_space<vmem>>[vector<16xi32>], vector<16xf32>, vector<16xi1>
            %add3A_388 = arith.addf %broadcast_in_dim3A_379, %get3A_179 : vector<16xf32>
            %mul3A_389 = arith.mulf %broadcast_in_dim3A_378, %get3A_243 : vector<16xf32>
            %add3A_390 = arith.addf %add3A_388, %mul3A_389 : vector<16xf32>
            %exp3A_391 = math.exp %add3A_390 : vector<16xf32>
            %ge3A_392 = arith.cmpf oge, %add3A_390, %broadcast_in_dim3A_163 : vector<16xf32>
            %add3A_393 = arith.addi %broadcast_in_dim3A_383, %get3A_307 : vector<16xi32>
            tpu.vector_store_idx %arg13[%add3A_393], %exp3A_391 masked %ge3A_392 {add = true} : memref<65536xf32, #tpu.memory_space<vmem>>[vector<16xi32>], vector<16xf32>, vector<16xi1>
            %add3A_394 = arith.addf %broadcast_in_dim3A_379, %get3A_187 : vector<16xf32>
            %mul3A_395 = arith.mulf %broadcast_in_dim3A_378, %get3A_251 : vector<16xf32>
            %add3A_396 = arith.addf %add3A_394, %mul3A_395 : vector<16xf32>
            %exp3A_397 = math.exp %add3A_396 : vector<16xf32>
            %ge3A_398 = arith.cmpf oge, %add3A_396, %broadcast_in_dim3A_163 : vector<16xf32>
            %add3A_399 = arith.addi %broadcast_in_dim3A_383, %get3A_315 : vector<16xi32>
            tpu.vector_store_idx %arg13[%add3A_399], %exp3A_397 masked %ge3A_398 {add = true} : memref<65536xf32, #tpu.memory_space<vmem>>[vector<16xi32>], vector<16xf32>, vector<16xi1>
            %add3A_400 = arith.addf %broadcast_in_dim3A_379, %get3A_195 : vector<16xf32>
            %mul3A_401 = arith.mulf %broadcast_in_dim3A_378, %get3A_259 : vector<16xf32>
            %add3A_402 = arith.addf %add3A_400, %mul3A_401 : vector<16xf32>
            %exp3A_403 = math.exp %add3A_402 : vector<16xf32>
            %ge3A_404 = arith.cmpf oge, %add3A_402, %broadcast_in_dim3A_163 : vector<16xf32>
            %add3A_405 = arith.addi %broadcast_in_dim3A_383, %get3A_323 : vector<16xi32>
            tpu.vector_store_idx %arg13[%add3A_405], %exp3A_403 masked %ge3A_404 {add = true} : memref<65536xf32, #tpu.memory_space<vmem>>[vector<16xi32>], vector<16xf32>, vector<16xi1>
            %add3A_406 = arith.addf %broadcast_in_dim3A_379, %get3A_203 : vector<16xf32>
            %mul3A_407 = arith.mulf %broadcast_in_dim3A_378, %get3A_267 : vector<16xf32>
            %add3A_408 = arith.addf %add3A_406, %mul3A_407 : vector<16xf32>
            %exp3A_409 = math.exp %add3A_408 : vector<16xf32>
            %ge3A_410 = arith.cmpf oge, %add3A_408, %broadcast_in_dim3A_163 : vector<16xf32>
            %add3A_411 = arith.addi %broadcast_in_dim3A_383, %get3A_331 : vector<16xi32>
            tpu.vector_store_idx %arg13[%add3A_411], %exp3A_409 masked %ge3A_410 {add = true} : memref<65536xf32, #tpu.memory_space<vmem>>[vector<16xi32>], vector<16xf32>, vector<16xi1>
            %add3A_412 = arith.addf %broadcast_in_dim3A_379, %get3A_211 : vector<16xf32>
            %mul3A_413 = arith.mulf %broadcast_in_dim3A_378, %get3A_275 : vector<16xf32>
            %add3A_414 = arith.addf %add3A_412, %mul3A_413 : vector<16xf32>
            %exp3A_415 = math.exp %add3A_414 : vector<16xf32>
            %ge3A_416 = arith.cmpf oge, %add3A_414, %broadcast_in_dim3A_163 : vector<16xf32>
            %add3A_417 = arith.addi %broadcast_in_dim3A_383, %get3A_339 : vector<16xi32>
            tpu.vector_store_idx %arg13[%add3A_417], %exp3A_415 masked %ge3A_416 {add = true} : memref<65536xf32, #tpu.memory_space<vmem>>[vector<16xi32>], vector<16xf32>, vector<16xi1>
            %add3A_418 = arith.addf %broadcast_in_dim3A_379, %get3A_219 : vector<16xf32>
            %mul3A_419 = arith.mulf %broadcast_in_dim3A_378, %get3A_283 : vector<16xf32>
            %add3A_420 = arith.addf %add3A_418, %mul3A_419 : vector<16xf32>
            %exp3A_421 = math.exp %add3A_420 : vector<16xf32>
            %ge3A_422 = arith.cmpf oge, %add3A_420, %broadcast_in_dim3A_163 : vector<16xf32>
            %add3A_423 = arith.addi %broadcast_in_dim3A_383, %get3A_347 : vector<16xi32>
            tpu.vector_store_idx %arg13[%add3A_423], %exp3A_421 masked %ge3A_422 {add = true} : memref<65536xf32, #tpu.memory_space<vmem>>[vector<16xi32>], vector<16xf32>, vector<16xi1>
            %add3A_424 = arith.addf %broadcast_in_dim3A_379, %get3A_227 : vector<16xf32>
            %mul3A_425 = arith.mulf %broadcast_in_dim3A_378, %get3A_291 : vector<16xf32>
            %add3A_426 = arith.addf %add3A_424, %mul3A_425 : vector<16xf32>
            %exp3A_427 = math.exp %add3A_426 : vector<16xf32>
            %ge3A_428 = arith.cmpf oge, %add3A_426, %broadcast_in_dim3A_163 : vector<16xf32>
            %add3A_429 = arith.addi %broadcast_in_dim3A_383, %get3A_355 : vector<16xi32>
            tpu.vector_store_idx %arg13[%add3A_429], %exp3A_427 masked %ge3A_428 {add = true} : memref<65536xf32, #tpu.memory_space<vmem>>[vector<16xi32>], vector<16xf32>, vector<16xi1>
          }
        }
        %while3A_138 = arith.constant 1 : i32
        scf.for %while3A_145 = %while3A_136 to %while3A_132 step %while3A_138  : i32 {
          %mul3A_146 = arith.constant 16 : i32
          %mul3A_147 = arith.muli %while3A_145, %mul3A_146 : i32
          %add3A_148 = arith.constant 0 : i32
          %add3A_149 = arith.addi %add3A_148, %mul3A_147 : i32
          %get3A_150 = arith.index_cast %add3A_149 : i32 to index
          %get3A_151 = tpu.vector_load %arg9[%get3A_150] {strides = array<i32>} : memref<2048xf32, #tpu.memory_space<vmem>>, vector<16xf32>,
          %slice3A_152 = vector.extract_strided_slice %get3A_151 {offsets = [0], sizes = [1], strides = [1]} : vector<16xf32> to vector<1xf32>
          %squeeze3A_153 = vector.extract %slice3A_152[0] : f32 from vector<1xf32>
          %slice3A_154 = vector.extract_strided_slice %get3A_151 {offsets = [3], sizes = [1], strides = [1]} : vector<16xf32> to vector<1xf32>
          %squeeze3A_155 = vector.extract %slice3A_154[0] : f32 from vector<1xf32>
          %slice3A_156 = vector.extract_strided_slice %get3A_151 {offsets = [10], sizes = [1], strides = [1]} : vector<16xf32> to vector<1xf32>
          %squeeze3A_157 = vector.extract %slice3A_156[0] : f32 from vector<1xf32>
          %convert_element_type3A_158 = arith.fptosi %squeeze3A_157 : f32 to i32
          %slice3A_159 = vector.extract_strided_slice %get3A_151 {offsets = [13], sizes = [1], strides = [1]} : vector<16xf32> to vector<1xf32>
          %squeeze3A_160 = vector.extract %slice3A_159[0] : f32 from vector<1xf32>
          %add3A_161 = arith.constant -4.500000e+00 : f32
          %add3A_162 = arith.addf %squeeze3A_160, %add3A_161 : f32
          %broadcast_in_dim3A_163 = vector.broadcast %add3A_162 : f32 to vector<16xf32>
          %mul3A_164 = arith.constant 128 : i32
          %mul3A_165 = arith.muli %while3A_145, %mul3A_164 : i32
          %add3A_166 = arith.constant 0 : i32
          %add3A_167 = arith.addi %add3A_166, %mul3A_165 : i32
          %add3A_168 = arith.constant 0 : i32
          %add3A_169 = arith.addi %add3A_167, %add3A_168 : i32
          %get3A_170 = arith.index_cast %add3A_169 : i32 to index
          %get3A_171 = tpu.vector_load %arg10[%get3A_170] {strides = array<i32>} : memref<16384xf32, #tpu.memory_space<vmem>>, vector<16xf32>,
          %mul3A_172 = arith.constant 128 : i32
          %mul3A_173 = arith.muli %while3A_145, %mul3A_172 : i32
          %add3A_174 = arith.constant 0 : i32
          %add3A_175 = arith.addi %add3A_174, %mul3A_173 : i32
          %add3A_176 = arith.constant 16 : i32
          %add3A_177 = arith.addi %add3A_175, %add3A_176 : i32
          %get3A_178 = arith.index_cast %add3A_177 : i32 to index
          %get3A_179 = tpu.vector_load %arg10[%get3A_178] {strides = array<i32>} : memref<16384xf32, #tpu.memory_space<vmem>>, vector<16xf32>,
          %mul3A_180 = arith.constant 128 : i32
          %mul3A_181 = arith.muli %while3A_145, %mul3A_180 : i32
          %add3A_182 = arith.constant 0 : i32
          %add3A_183 = arith.addi %add3A_182, %mul3A_181 : i32
          %add3A_184 = arith.constant 32 : i32
          %add3A_185 = arith.addi %add3A_183, %add3A_184 : i32
          %get3A_186 = arith.index_cast %add3A_185 : i32 to index
          %get3A_187 = tpu.vector_load %arg10[%get3A_186] {strides = array<i32>} : memref<16384xf32, #tpu.memory_space<vmem>>, vector<16xf32>,
          %mul3A_188 = arith.constant 128 : i32
          %mul3A_189 = arith.muli %while3A_145, %mul3A_188 : i32
          %add3A_190 = arith.constant 0 : i32
          %add3A_191 = arith.addi %add3A_190, %mul3A_189 : i32
          %add3A_192 = arith.constant 48 : i32
          %add3A_193 = arith.addi %add3A_191, %add3A_192 : i32
          %get3A_194 = arith.index_cast %add3A_193 : i32 to index
          %get3A_195 = tpu.vector_load %arg10[%get3A_194] {strides = array<i32>} : memref<16384xf32, #tpu.memory_space<vmem>>, vector<16xf32>,
          %mul3A_196 = arith.constant 128 : i32
          %mul3A_197 = arith.muli %while3A_145, %mul3A_196 : i32
          %add3A_198 = arith.constant 0 : i32
          %add3A_199 = arith.addi %add3A_198, %mul3A_197 : i32
          %add3A_200 = arith.constant 64 : i32
          %add3A_201 = arith.addi %add3A_199, %add3A_200 : i32
          %get3A_202 = arith.index_cast %add3A_201 : i32 to index
          %get3A_203 = tpu.vector_load %arg10[%get3A_202] {strides = array<i32>} : memref<16384xf32, #tpu.memory_space<vmem>>, vector<16xf32>,
          %mul3A_204 = arith.constant 128 : i32
          %mul3A_205 = arith.muli %while3A_145, %mul3A_204 : i32
          %add3A_206 = arith.constant 0 : i32
          %add3A_207 = arith.addi %add3A_206, %mul3A_205 : i32
          %add3A_208 = arith.constant 80 : i32
          %add3A_209 = arith.addi %add3A_207, %add3A_208 : i32
          %get3A_210 = arith.index_cast %add3A_209 : i32 to index
          %get3A_211 = tpu.vector_load %arg10[%get3A_210] {strides = array<i32>} : memref<16384xf32, #tpu.memory_space<vmem>>, vector<16xf32>,
          %mul3A_212 = arith.constant 128 : i32
          %mul3A_213 = arith.muli %while3A_145, %mul3A_212 : i32
          %add3A_214 = arith.constant 0 : i32
          %add3A_215 = arith.addi %add3A_214, %mul3A_213 : i32
          %add3A_216 = arith.constant 96 : i32
          %add3A_217 = arith.addi %add3A_215, %add3A_216 : i32
          %get3A_218 = arith.index_cast %add3A_217 : i32 to index
          %get3A_219 = tpu.vector_load %arg10[%get3A_218] {strides = array<i32>} : memref<16384xf32, #tpu.memory_space<vmem>>, vector<16xf32>,
          %mul3A_220 = arith.constant 128 : i32
          %mul3A_221 = arith.muli %while3A_145, %mul3A_220 : i32
          %add3A_222 = arith.constant 0 : i32
          %add3A_223 = arith.addi %add3A_222, %mul3A_221 : i32
          %add3A_224 = arith.constant 112 : i32
          %add3A_225 = arith.addi %add3A_223, %add3A_224 : i32
          %get3A_226 = arith.index_cast %add3A_225 : i32 to index
          %get3A_227 = tpu.vector_load %arg10[%get3A_226] {strides = array<i32>} : memref<16384xf32, #tpu.memory_space<vmem>>, vector<16xf32>,
          %mul3A_228 = arith.constant 128 : i32
          %mul3A_229 = arith.muli %while3A_145, %mul3A_228 : i32
          %add3A_230 = arith.constant 0 : i32
          %add3A_231 = arith.addi %add3A_230, %mul3A_229 : i32
          %add3A_232 = arith.constant 0 : i32
          %add3A_233 = arith.addi %add3A_231, %add3A_232 : i32
          %get3A_234 = arith.index_cast %add3A_233 : i32 to index
          %get3A_235 = tpu.vector_load %arg11[%get3A_234] {strides = array<i32>} : memref<16384xf32, #tpu.memory_space<vmem>>, vector<16xf32>,
          %mul3A_236 = arith.constant 128 : i32
          %mul3A_237 = arith.muli %while3A_145, %mul3A_236 : i32
          %add3A_238 = arith.constant 0 : i32
          %add3A_239 = arith.addi %add3A_238, %mul3A_237 : i32
          %add3A_240 = arith.constant 16 : i32
          %add3A_241 = arith.addi %add3A_239, %add3A_240 : i32
          %get3A_242 = arith.index_cast %add3A_241 : i32 to index
          %get3A_243 = tpu.vector_load %arg11[%get3A_242] {strides = array<i32>} : memref<16384xf32, #tpu.memory_space<vmem>>, vector<16xf32>,
          %mul3A_244 = arith.constant 128 : i32
          %mul3A_245 = arith.muli %while3A_145, %mul3A_244 : i32
          %add3A_246 = arith.constant 0 : i32
          %add3A_247 = arith.addi %add3A_246, %mul3A_245 : i32
          %add3A_248 = arith.constant 32 : i32
          %add3A_249 = arith.addi %add3A_247, %add3A_248 : i32
          %get3A_250 = arith.index_cast %add3A_249 : i32 to index
          %get3A_251 = tpu.vector_load %arg11[%get3A_250] {strides = array<i32>} : memref<16384xf32, #tpu.memory_space<vmem>>, vector<16xf32>,
          %mul3A_252 = arith.constant 128 : i32
          %mul3A_253 = arith.muli %while3A_145, %mul3A_252 : i32
          %add3A_254 = arith.constant 0 : i32
          %add3A_255 = arith.addi %add3A_254, %mul3A_253 : i32
          %add3A_256 = arith.constant 48 : i32
          %add3A_257 = arith.addi %add3A_255, %add3A_256 : i32
          %get3A_258 = arith.index_cast %add3A_257 : i32 to index
          %get3A_259 = tpu.vector_load %arg11[%get3A_258] {strides = array<i32>} : memref<16384xf32, #tpu.memory_space<vmem>>, vector<16xf32>,
          %mul3A_260 = arith.constant 128 : i32
          %mul3A_261 = arith.muli %while3A_145, %mul3A_260 : i32
          %add3A_262 = arith.constant 0 : i32
          %add3A_263 = arith.addi %add3A_262, %mul3A_261 : i32
          %add3A_264 = arith.constant 64 : i32
          %add3A_265 = arith.addi %add3A_263, %add3A_264 : i32
          %get3A_266 = arith.index_cast %add3A_265 : i32 to index
          %get3A_267 = tpu.vector_load %arg11[%get3A_266] {strides = array<i32>} : memref<16384xf32, #tpu.memory_space<vmem>>, vector<16xf32>,
          %mul3A_268 = arith.constant 128 : i32
          %mul3A_269 = arith.muli %while3A_145, %mul3A_268 : i32
          %add3A_270 = arith.constant 0 : i32
          %add3A_271 = arith.addi %add3A_270, %mul3A_269 : i32
          %add3A_272 = arith.constant 80 : i32
          %add3A_273 = arith.addi %add3A_271, %add3A_272 : i32
          %get3A_274 = arith.index_cast %add3A_273 : i32 to index
          %get3A_275 = tpu.vector_load %arg11[%get3A_274] {strides = array<i32>} : memref<16384xf32, #tpu.memory_space<vmem>>, vector<16xf32>,
          %mul3A_276 = arith.constant 128 : i32
          %mul3A_277 = arith.muli %while3A_145, %mul3A_276 : i32
          %add3A_278 = arith.constant 0 : i32
          %add3A_279 = arith.addi %add3A_278, %mul3A_277 : i32
          %add3A_280 = arith.constant 96 : i32
          %add3A_281 = arith.addi %add3A_279, %add3A_280 : i32
          %get3A_282 = arith.index_cast %add3A_281 : i32 to index
          %get3A_283 = tpu.vector_load %arg11[%get3A_282] {strides = array<i32>} : memref<16384xf32, #tpu.memory_space<vmem>>, vector<16xf32>,
          %mul3A_284 = arith.constant 128 : i32
          %mul3A_285 = arith.muli %while3A_145, %mul3A_284 : i32
          %add3A_286 = arith.constant 0 : i32
          %add3A_287 = arith.addi %add3A_286, %mul3A_285 : i32
          %add3A_288 = arith.constant 112 : i32
          %add3A_289 = arith.addi %add3A_287, %add3A_288 : i32
          %get3A_290 = arith.index_cast %add3A_289 : i32 to index
          %get3A_291 = tpu.vector_load %arg11[%get3A_290] {strides = array<i32>} : memref<16384xf32, #tpu.memory_space<vmem>>, vector<16xf32>,
          %mul3A_292 = arith.constant 128 : i32
          %mul3A_293 = arith.muli %while3A_145, %mul3A_292 : i32
          %add3A_294 = arith.constant 0 : i32
          %add3A_295 = arith.addi %add3A_294, %mul3A_293 : i32
          %add3A_296 = arith.constant 0 : i32
          %add3A_297 = arith.addi %add3A_295, %add3A_296 : i32
          %get3A_298 = arith.index_cast %add3A_297 : i32 to index
          %get3A_299 = tpu.vector_load %arg12[%get3A_298] {strides = array<i32>} : memref<16384xi32, #tpu.memory_space<vmem>>, vector<16xi32>,
          %mul3A_300 = arith.constant 128 : i32
          %mul3A_301 = arith.muli %while3A_145, %mul3A_300 : i32
          %add3A_302 = arith.constant 0 : i32
          %add3A_303 = arith.addi %add3A_302, %mul3A_301 : i32
          %add3A_304 = arith.constant 16 : i32
          %add3A_305 = arith.addi %add3A_303, %add3A_304 : i32
          %get3A_306 = arith.index_cast %add3A_305 : i32 to index
          %get3A_307 = tpu.vector_load %arg12[%get3A_306] {strides = array<i32>} : memref<16384xi32, #tpu.memory_space<vmem>>, vector<16xi32>,
          %mul3A_308 = arith.constant 128 : i32
          %mul3A_309 = arith.muli %while3A_145, %mul3A_308 : i32
          %add3A_310 = arith.constant 0 : i32
          %add3A_311 = arith.addi %add3A_310, %mul3A_309 : i32
          %add3A_312 = arith.constant 32 : i32
          %add3A_313 = arith.addi %add3A_311, %add3A_312 : i32
          %get3A_314 = arith.index_cast %add3A_313 : i32 to index
          %get3A_315 = tpu.vector_load %arg12[%get3A_314] {strides = array<i32>} : memref<16384xi32, #tpu.memory_space<vmem>>, vector<16xi32>,
          %mul3A_316 = arith.constant 128 : i32
          %mul3A_317 = arith.muli %while3A_145, %mul3A_316 : i32
          %add3A_318 = arith.constant 0 : i32
          %add3A_319 = arith.addi %add3A_318, %mul3A_317 : i32
          %add3A_320 = arith.constant 48 : i32
          %add3A_321 = arith.addi %add3A_319, %add3A_320 : i32
          %get3A_322 = arith.index_cast %add3A_321 : i32 to index
          %get3A_323 = tpu.vector_load %arg12[%get3A_322] {strides = array<i32>} : memref<16384xi32, #tpu.memory_space<vmem>>, vector<16xi32>,
          %mul3A_324 = arith.constant 128 : i32
          %mul3A_325 = arith.muli %while3A_145, %mul3A_324 : i32
          %add3A_326 = arith.constant 0 : i32
          %add3A_327 = arith.addi %add3A_326, %mul3A_325 : i32
          %add3A_328 = arith.constant 64 : i32
          %add3A_329 = arith.addi %add3A_327, %add3A_328 : i32
          %get3A_330 = arith.index_cast %add3A_329 : i32 to index
          %get3A_331 = tpu.vector_load %arg12[%get3A_330] {strides = array<i32>} : memref<16384xi32, #tpu.memory_space<vmem>>, vector<16xi32>,
          %mul3A_332 = arith.constant 128 : i32
          %mul3A_333 = arith.muli %while3A_145, %mul3A_332 : i32
          %add3A_334 = arith.constant 0 : i32
          %add3A_335 = arith.addi %add3A_334, %mul3A_333 : i32
          %add3A_336 = arith.constant 80 : i32
          %add3A_337 = arith.addi %add3A_335, %add3A_336 : i32
          %get3A_338 = arith.index_cast %add3A_337 : i32 to index
          %get3A_339 = tpu.vector_load %arg12[%get3A_338] {strides = array<i32>} : memref<16384xi32, #tpu.memory_space<vmem>>, vector<16xi32>,
          %mul3A_340 = arith.constant 128 : i32
          %mul3A_341 = arith.muli %while3A_145, %mul3A_340 : i32
          %add3A_342 = arith.constant 0 : i32
          %add3A_343 = arith.addi %add3A_342, %mul3A_341 : i32
          %add3A_344 = arith.constant 96 : i32
          %add3A_345 = arith.addi %add3A_343, %add3A_344 : i32
          %get3A_346 = arith.index_cast %add3A_345 : i32 to index
          %get3A_347 = tpu.vector_load %arg12[%get3A_346] {strides = array<i32>} : memref<16384xi32, #tpu.memory_space<vmem>>, vector<16xi32>,
          %mul3A_348 = arith.constant 128 : i32
          %mul3A_349 = arith.muli %while3A_145, %mul3A_348 : i32
          %add3A_350 = arith.constant 0 : i32
          %add3A_351 = arith.addi %add3A_350, %mul3A_349 : i32
          %add3A_352 = arith.constant 112 : i32
          %add3A_353 = arith.addi %add3A_351, %add3A_352 : i32
          %get3A_354 = arith.index_cast %add3A_353 : i32 to index
          %get3A_355 = tpu.vector_load %arg12[%get3A_354] {strides = array<i32>} : memref<16384xi32, #tpu.memory_space<vmem>>, vector<16xi32>,
          %slice3A_356 = vector.extract_strided_slice %get3A_151 {offsets = [14], sizes = [1], strides = [1]} : vector<16xf32> to vector<1xf32>
          %squeeze3A_357 = vector.extract %slice3A_356[0] : f32 from vector<1xf32>
          %convert_element_type3A_358 = arith.fptosi %squeeze3A_357 : f32 to i32
          %sub3A_359 = arith.subi %convert_element_type3A_158, %convert_element_type3A_358 : i32
          %max3A = arith.maxsi %sub3A_359, %mul3A_2 : i32
          %add3A_360 = arith.addi %convert_element_type3A_158, %convert_element_type3A_358 : i32
          %add3A_361 = arith.constant 1 : i32
          %add3A_362 = arith.addi %add3A_360, %add3A_361 : i32
          %min3A_363 = arith.minsi %add3A_362, %add3A_4 : i32
          %while3A_364 = arith.subi %min3A_363, %max3A : i32
          %while3A_365 = arith.addi %max3A, %while3A_364 : i32
          %while3A_366 = arith.constant 1 : i32
          %while3A_367 = arith.divsi %while3A_364, %while3A_366 : i32
          %while3A_368 = arith.muli %while3A_367, %while3A_366 : i32
          %while3A_369 = arith.addi %max3A, %while3A_368 : i32
          %while3A_370 = arith.constant 1 : i32
          scf.for %while3A_372 = %max3A to %while3A_369 step %while3A_370  : i32 {
            %convert_element_type3A_373 = arith.sitofp %while3A_372 : i32 to f32
            %sub3A_374 = arith.subf %convert_element_type3A_373, %squeeze3A_153 : f32
            %mul3A_375 = arith.mulf %sub3A_374, %while3A : f32
            %mul3A_376 = arith.mulf %squeeze3A_155, %mul3A_375 : f32
            %mul3A_377 = arith.mulf %mul3A_376, %mul3A_375 : f32
            %broadcast_in_dim3A_378 = vector.broadcast %mul3A_375 : f32 to vector<16xf32>
            %broadcast_in_dim3A_379 = vector.broadcast %mul3A_377 : f32 to vector<16xf32>
            %sub3A_380 = arith.subi %while3A_372, %mul3A_2 : i32
            %mul3A_381 = arith.constant 16384 : i32
            %mul3A_382 = arith.muli %sub3A_380, %mul3A_381 : i32
            %broadcast_in_dim3A_383 = vector.broadcast %mul3A_382 : i32 to vector<16xi32>
            %add3A_384 = arith.addf %broadcast_in_dim3A_379, %get3A_171 : vector<16xf32>
            %mul3A_385 = arith.mulf %broadcast_in_dim3A_378, %get3A_235 : vector<16xf32>
            %add3A_386 = arith.addf %add3A_384, %mul3A_385 : vector<16xf32>
            %exp3A = math.exp %add3A_386 : vector<16xf32>
            %ge3A = arith.cmpf oge, %add3A_386, %broadcast_in_dim3A_163 : vector<16xf32>
            %add3A_387 = arith.addi %broadcast_in_dim3A_383, %get3A_299 : vector<16xi32>
            tpu.vector_store_idx %arg13[%add3A_387], %exp3A masked %ge3A {add = true} : memref<65536xf32, #tpu.memory_space<vmem>>[vector<16xi32>], vector<16xf32>, vector<16xi1>
            %add3A_388 = arith.addf %broadcast_in_dim3A_379, %get3A_179 : vector<16xf32>
            %mul3A_389 = arith.mulf %broadcast_in_dim3A_378, %get3A_243 : vector<16xf32>
            %add3A_390 = arith.addf %add3A_388, %mul3A_389 : vector<16xf32>
            %exp3A_391 = math.exp %add3A_390 : vector<16xf32>
            %ge3A_392 = arith.cmpf oge, %add3A_390, %broadcast_in_dim3A_163 : vector<16xf32>
            %add3A_393 = arith.addi %broadcast_in_dim3A_383, %get3A_307 : vector<16xi32>
            tpu.vector_store_idx %arg13[%add3A_393], %exp3A_391 masked %ge3A_392 {add = true} : memref<65536xf32, #tpu.memory_space<vmem>>[vector<16xi32>], vector<16xf32>, vector<16xi1>
            %add3A_394 = arith.addf %broadcast_in_dim3A_379, %get3A_187 : vector<16xf32>
            %mul3A_395 = arith.mulf %broadcast_in_dim3A_378, %get3A_251 : vector<16xf32>
            %add3A_396 = arith.addf %add3A_394, %mul3A_395 : vector<16xf32>
            %exp3A_397 = math.exp %add3A_396 : vector<16xf32>
            %ge3A_398 = arith.cmpf oge, %add3A_396, %broadcast_in_dim3A_163 : vector<16xf32>
            %add3A_399 = arith.addi %broadcast_in_dim3A_383, %get3A_315 : vector<16xi32>
            tpu.vector_store_idx %arg13[%add3A_399], %exp3A_397 masked %ge3A_398 {add = true} : memref<65536xf32, #tpu.memory_space<vmem>>[vector<16xi32>], vector<16xf32>, vector<16xi1>
            %add3A_400 = arith.addf %broadcast_in_dim3A_379, %get3A_195 : vector<16xf32>
            %mul3A_401 = arith.mulf %broadcast_in_dim3A_378, %get3A_259 : vector<16xf32>
            %add3A_402 = arith.addf %add3A_400, %mul3A_401 : vector<16xf32>
            %exp3A_403 = math.exp %add3A_402 : vector<16xf32>
            %ge3A_404 = arith.cmpf oge, %add3A_402, %broadcast_in_dim3A_163 : vector<16xf32>
            %add3A_405 = arith.addi %broadcast_in_dim3A_383, %get3A_323 : vector<16xi32>
            tpu.vector_store_idx %arg13[%add3A_405], %exp3A_403 masked %ge3A_404 {add = true} : memref<65536xf32, #tpu.memory_space<vmem>>[vector<16xi32>], vector<16xf32>, vector<16xi1>
            %add3A_406 = arith.addf %broadcast_in_dim3A_379, %get3A_203 : vector<16xf32>
            %mul3A_407 = arith.mulf %broadcast_in_dim3A_378, %get3A_267 : vector<16xf32>
            %add3A_408 = arith.addf %add3A_406, %mul3A_407 : vector<16xf32>
            %exp3A_409 = math.exp %add3A_408 : vector<16xf32>
            %ge3A_410 = arith.cmpf oge, %add3A_408, %broadcast_in_dim3A_163 : vector<16xf32>
            %add3A_411 = arith.addi %broadcast_in_dim3A_383, %get3A_331 : vector<16xi32>
            tpu.vector_store_idx %arg13[%add3A_411], %exp3A_409 masked %ge3A_410 {add = true} : memref<65536xf32, #tpu.memory_space<vmem>>[vector<16xi32>], vector<16xf32>, vector<16xi1>
            %add3A_412 = arith.addf %broadcast_in_dim3A_379, %get3A_211 : vector<16xf32>
            %mul3A_413 = arith.mulf %broadcast_in_dim3A_378, %get3A_275 : vector<16xf32>
            %add3A_414 = arith.addf %add3A_412, %mul3A_413 : vector<16xf32>
            %exp3A_415 = math.exp %add3A_414 : vector<16xf32>
            %ge3A_416 = arith.cmpf oge, %add3A_414, %broadcast_in_dim3A_163 : vector<16xf32>
            %add3A_417 = arith.addi %broadcast_in_dim3A_383, %get3A_339 : vector<16xi32>
            tpu.vector_store_idx %arg13[%add3A_417], %exp3A_415 masked %ge3A_416 {add = true} : memref<65536xf32, #tpu.memory_space<vmem>>[vector<16xi32>], vector<16xf32>, vector<16xi1>
            %add3A_418 = arith.addf %broadcast_in_dim3A_379, %get3A_219 : vector<16xf32>
            %mul3A_419 = arith.mulf %broadcast_in_dim3A_378, %get3A_283 : vector<16xf32>
            %add3A_420 = arith.addf %add3A_418, %mul3A_419 : vector<16xf32>
            %exp3A_421 = math.exp %add3A_420 : vector<16xf32>
            %ge3A_422 = arith.cmpf oge, %add3A_420, %broadcast_in_dim3A_163 : vector<16xf32>
            %add3A_423 = arith.addi %broadcast_in_dim3A_383, %get3A_347 : vector<16xi32>
            tpu.vector_store_idx %arg13[%add3A_423], %exp3A_421 masked %ge3A_422 {add = true} : memref<65536xf32, #tpu.memory_space<vmem>>[vector<16xi32>], vector<16xf32>, vector<16xi1>
            %add3A_424 = arith.addf %broadcast_in_dim3A_379, %get3A_227 : vector<16xf32>
            %mul3A_425 = arith.mulf %broadcast_in_dim3A_378, %get3A_291 : vector<16xf32>
            %add3A_426 = arith.addf %add3A_424, %mul3A_425 : vector<16xf32>
            %exp3A_427 = math.exp %add3A_426 : vector<16xf32>
            %ge3A_428 = arith.cmpf oge, %add3A_426, %broadcast_in_dim3A_163 : vector<16xf32>
            %add3A_429 = arith.addi %broadcast_in_dim3A_383, %get3A_355 : vector<16xi32>
            tpu.vector_store_idx %arg13[%add3A_429], %exp3A_427 masked %ge3A_428 {add = true} : memref<65536xf32, #tpu.memory_space<vmem>>[vector<16xi32>], vector<16xf32>, vector<16xi1>
          }
          %while3A_371 = arith.constant 1 : i32
          scf.for %while3A_372 = %while3A_369 to %while3A_365 step %while3A_371  : i32 {
            %convert_element_type3A_373 = arith.sitofp %while3A_372 : i32 to f32
            %sub3A_374 = arith.subf %convert_element_type3A_373, %squeeze3A_153 : f32
            %mul3A_375 = arith.mulf %sub3A_374, %while3A : f32
            %mul3A_376 = arith.mulf %squeeze3A_155, %mul3A_375 : f32
            %mul3A_377 = arith.mulf %mul3A_376, %mul3A_375 : f32
            %broadcast_in_dim3A_378 = vector.broadcast %mul3A_375 : f32 to vector<16xf32>
            %broadcast_in_dim3A_379 = vector.broadcast %mul3A_377 : f32 to vector<16xf32>
            %sub3A_380 = arith.subi %while3A_372, %mul3A_2 : i32
            %mul3A_381 = arith.constant 16384 : i32
            %mul3A_382 = arith.muli %sub3A_380, %mul3A_381 : i32
            %broadcast_in_dim3A_383 = vector.broadcast %mul3A_382 : i32 to vector<16xi32>
            %add3A_384 = arith.addf %broadcast_in_dim3A_379, %get3A_171 : vector<16xf32>
            %mul3A_385 = arith.mulf %broadcast_in_dim3A_378, %get3A_235 : vector<16xf32>
            %add3A_386 = arith.addf %add3A_384, %mul3A_385 : vector<16xf32>
            %exp3A = math.exp %add3A_386 : vector<16xf32>
            %ge3A = arith.cmpf oge, %add3A_386, %broadcast_in_dim3A_163 : vector<16xf32>
            %add3A_387 = arith.addi %broadcast_in_dim3A_383, %get3A_299 : vector<16xi32>
            tpu.vector_store_idx %arg13[%add3A_387], %exp3A masked %ge3A {add = true} : memref<65536xf32, #tpu.memory_space<vmem>>[vector<16xi32>], vector<16xf32>, vector<16xi1>
            %add3A_388 = arith.addf %broadcast_in_dim3A_379, %get3A_179 : vector<16xf32>
            %mul3A_389 = arith.mulf %broadcast_in_dim3A_378, %get3A_243 : vector<16xf32>
            %add3A_390 = arith.addf %add3A_388, %mul3A_389 : vector<16xf32>
            %exp3A_391 = math.exp %add3A_390 : vector<16xf32>
            %ge3A_392 = arith.cmpf oge, %add3A_390, %broadcast_in_dim3A_163 : vector<16xf32>
            %add3A_393 = arith.addi %broadcast_in_dim3A_383, %get3A_307 : vector<16xi32>
            tpu.vector_store_idx %arg13[%add3A_393], %exp3A_391 masked %ge3A_392 {add = true} : memref<65536xf32, #tpu.memory_space<vmem>>[vector<16xi32>], vector<16xf32>, vector<16xi1>
            %add3A_394 = arith.addf %broadcast_in_dim3A_379, %get3A_187 : vector<16xf32>
            %mul3A_395 = arith.mulf %broadcast_in_dim3A_378, %get3A_251 : vector<16xf32>
            %add3A_396 = arith.addf %add3A_394, %mul3A_395 : vector<16xf32>
            %exp3A_397 = math.exp %add3A_396 : vector<16xf32>
            %ge3A_398 = arith.cmpf oge, %add3A_396, %broadcast_in_dim3A_163 : vector<16xf32>
            %add3A_399 = arith.addi %broadcast_in_dim3A_383, %get3A_315 : vector<16xi32>
            tpu.vector_store_idx %arg13[%add3A_399], %exp3A_397 masked %ge3A_398 {add = true} : memref<65536xf32, #tpu.memory_space<vmem>>[vector<16xi32>], vector<16xf32>, vector<16xi1>
            %add3A_400 = arith.addf %broadcast_in_dim3A_379, %get3A_195 : vector<16xf32>
            %mul3A_401 = arith.mulf %broadcast_in_dim3A_378, %get3A_259 : vector<16xf32>
            %add3A_402 = arith.addf %add3A_400, %mul3A_401 : vector<16xf32>
            %exp3A_403 = math.exp %add3A_402 : vector<16xf32>
            %ge3A_404 = arith.cmpf oge, %add3A_402, %broadcast_in_dim3A_163 : vector<16xf32>
            %add3A_405 = arith.addi %broadcast_in_dim3A_383, %get3A_323 : vector<16xi32>
            tpu.vector_store_idx %arg13[%add3A_405], %exp3A_403 masked %ge3A_404 {add = true} : memref<65536xf32, #tpu.memory_space<vmem>>[vector<16xi32>], vector<16xf32>, vector<16xi1>
            %add3A_406 = arith.addf %broadcast_in_dim3A_379, %get3A_203 : vector<16xf32>
            %mul3A_407 = arith.mulf %broadcast_in_dim3A_378, %get3A_267 : vector<16xf32>
            %add3A_408 = arith.addf %add3A_406, %mul3A_407 : vector<16xf32>
            %exp3A_409 = math.exp %add3A_408 : vector<16xf32>
            %ge3A_410 = arith.cmpf oge, %add3A_408, %broadcast_in_dim3A_163 : vector<16xf32>
            %add3A_411 = arith.addi %broadcast_in_dim3A_383, %get3A_331 : vector<16xi32>
            tpu.vector_store_idx %arg13[%add3A_411], %exp3A_409 masked %ge3A_410 {add = true} : memref<65536xf32, #tpu.memory_space<vmem>>[vector<16xi32>], vector<16xf32>, vector<16xi1>
            %add3A_412 = arith.addf %broadcast_in_dim3A_379, %get3A_211 : vector<16xf32>
            %mul3A_413 = arith.mulf %broadcast_in_dim3A_378, %get3A_275 : vector<16xf32>
            %add3A_414 = arith.addf %add3A_412, %mul3A_413 : vector<16xf32>
            %exp3A_415 = math.exp %add3A_414 : vector<16xf32>
            %ge3A_416 = arith.cmpf oge, %add3A_414, %broadcast_in_dim3A_163 : vector<16xf32>
            %add3A_417 = arith.addi %broadcast_in_dim3A_383, %get3A_339 : vector<16xi32>
            tpu.vector_store_idx %arg13[%add3A_417], %exp3A_415 masked %ge3A_416 {add = true} : memref<65536xf32, #tpu.memory_space<vmem>>[vector<16xi32>], vector<16xf32>, vector<16xi1>
            %add3A_418 = arith.addf %broadcast_in_dim3A_379, %get3A_219 : vector<16xf32>
            %mul3A_419 = arith.mulf %broadcast_in_dim3A_378, %get3A_283 : vector<16xf32>
            %add3A_420 = arith.addf %add3A_418, %mul3A_419 : vector<16xf32>
            %exp3A_421 = math.exp %add3A_420 : vector<16xf32>
            %ge3A_422 = arith.cmpf oge, %add3A_420, %broadcast_in_dim3A_163 : vector<16xf32>
            %add3A_423 = arith.addi %broadcast_in_dim3A_383, %get3A_347 : vector<16xi32>
            tpu.vector_store_idx %arg13[%add3A_423], %exp3A_421 masked %ge3A_422 {add = true} : memref<65536xf32, #tpu.memory_space<vmem>>[vector<16xi32>], vector<16xf32>, vector<16xi1>
            %add3A_424 = arith.addf %broadcast_in_dim3A_379, %get3A_227 : vector<16xf32>
            %mul3A_425 = arith.mulf %broadcast_in_dim3A_378, %get3A_291 : vector<16xf32>
            %add3A_426 = arith.addf %add3A_424, %mul3A_425 : vector<16xf32>
            %exp3A_427 = math.exp %add3A_426 : vector<16xf32>
            %ge3A_428 = arith.cmpf oge, %add3A_426, %broadcast_in_dim3A_163 : vector<16xf32>
            %add3A_429 = arith.addi %broadcast_in_dim3A_383, %get3A_355 : vector<16xi32>
            tpu.vector_store_idx %arg13[%add3A_429], %exp3A_427 masked %ge3A_428 {add = true} : memref<65536xf32, #tpu.memory_space<vmem>>[vector<16xi32>], vector<16xf32>, vector<16xi1>
          }
        }
        %add3A_139 = arith.constant 2 : i32
        %add3A_140 = arith.addi %add3A_82, %add3A_139 : i32
        %lt3A_141 = arith.cmpi slt, %add3A_140, %select_n3A : i32
        %convert_element_type3A_142 = arith.extui %lt3A_141 : i1 to i32
        %cond3A_143 = arith.constant 0 : i32
        %cond3A_144 = arith.cmpi ne, %convert_element_type3A_142, %cond3A_143 : i32
        scf.if %cond3A_144 {
          %add3A_145 = arith.constant 2 : i32
          %add3A_146 = arith.addi %add3A_82, %add3A_145 : i32
          %mul3A_147 = arith.constant 64 : i32
          %mul3A_148 = arith.muli %add3A_146, %mul3A_147 : i32
          %add3A_149 = arith.addi %squeeze3A, %mul3A_148 : i32
          %mul3A_150 = arith.constant 16 : i32
          %mul3A_151 = arith.muli %add3A_149, %mul3A_150 : i32
          %dma_start3A = arith.constant 0 : i32
          %dma_start3A_152 = tpu.memref_slice %arg9[%dma_start3A] : memref<2048xf32, #tpu.memory_space<vmem>> -> memref<1024xf32, #tpu.memory_space<vmem>>
          %dma_start3A_153 = tpu.memref_slice %arg3[%mul3A_151] : memref<327680xf32, #tpu.memory_space<hbm>> -> memref<1024xf32, #tpu.memory_space<hbm>>
          %dma_start3A_154 = arith.constant 0 : i32
          %dma_start3A_155 = tpu.memref_slice %arg9[%dma_start3A_154] : memref<2048xf32, #tpu.memory_space<vmem>> -> memref<1024xf32, #tpu.memory_space<vmem>>
          %dma_start3A_156 = tpu.memref_slice %arg3[%mul3A_151] : memref<327680xf32, #tpu.memory_space<hbm>> -> memref<1024xf32, #tpu.memory_space<hbm>>
          tpu.enqueue_dma source(%dma_start3A_156 : memref<1024xf32, #tpu.memory_space<hbm>>) target(%dma_start3A_155 : memref<1024xf32, #tpu.memory_space<vmem>>) target_semaphore(%arg14 : memref<!tpu.dma_semaphore, #tpu.memory_space<semaphore_mem>>)
          %mul3A_157 = arith.constant 128 : i32
          %mul3A_158 = arith.muli %add3A_149, %mul3A_157 : i32
          %dma_start3A_159 = arith.constant 0 : i32
          %dma_start3A_160 = tpu.memref_slice %arg10[%dma_start3A_159] : memref<16384xf32, #tpu.memory_space<vmem>> -> memref<8192xf32, #tpu.memory_space<vmem>>
          %dma_start3A_161 = tpu.memref_slice %arg4[%mul3A_158] : memref<2621440xf32, #tpu.memory_space<hbm>> -> memref<8192xf32, #tpu.memory_space<hbm>>
          %dma_start3A_162 = arith.constant 0 : i32
          %dma_start3A_163 = tpu.memref_slice %arg10[%dma_start3A_162] : memref<16384xf32, #tpu.memory_space<vmem>> -> memref<8192xf32, #tpu.memory_space<vmem>>
          %dma_start3A_164 = tpu.memref_slice %arg4[%mul3A_158] : memref<2621440xf32, #tpu.memory_space<hbm>> -> memref<8192xf32, #tpu.memory_space<hbm>>
          tpu.enqueue_dma source(%dma_start3A_164 : memref<8192xf32, #tpu.memory_space<hbm>>) target(%dma_start3A_163 : memref<8192xf32, #tpu.memory_space<vmem>>) target_semaphore(%arg14 : memref<!tpu.dma_semaphore, #tpu.memory_space<semaphore_mem>>)
          %mul3A_165 = arith.constant 128 : i32
          %mul3A_166 = arith.muli %add3A_149, %mul3A_165 : i32
          %dma_start3A_167 = arith.constant 0 : i32
          %dma_start3A_168 = tpu.memref_slice %arg11[%dma_start3A_167] : memref<16384xf32, #tpu.memory_space<vmem>> -> memref<8192xf32, #tpu.memory_space<vmem>>
          %dma_start3A_169 = tpu.memref_slice %arg5[%mul3A_166] : memref<2621440xf32, #tpu.memory_space<hbm>> -> memref<8192xf32, #tpu.memory_space<hbm>>
          %dma_start3A_170 = arith.constant 0 : i32
          %dma_start3A_171 = tpu.memref_slice %arg11[%dma_start3A_170] : memref<16384xf32, #tpu.memory_space<vmem>> -> memref<8192xf32, #tpu.memory_space<vmem>>
          %dma_start3A_172 = tpu.memref_slice %arg5[%mul3A_166] : memref<2621440xf32, #tpu.memory_space<hbm>> -> memref<8192xf32, #tpu.memory_space<hbm>>
          tpu.enqueue_dma source(%dma_start3A_172 : memref<8192xf32, #tpu.memory_space<hbm>>) target(%dma_start3A_171 : memref<8192xf32, #tpu.memory_space<vmem>>) target_semaphore(%arg14 : memref<!tpu.dma_semaphore, #tpu.memory_space<semaphore_mem>>)
          %mul3A_173 = arith.constant 128 : i32
          %mul3A_174 = arith.muli %add3A_149, %mul3A_173 : i32
          %dma_start3A_175 = arith.constant 0 : i32
          %dma_start3A_176 = tpu.memref_slice %arg12[%dma_start3A_175] : memref<16384xi32, #tpu.memory_space<vmem>> -> memref<8192xi32, #tpu.memory_space<vmem>>
          %dma_start3A_177 = tpu.memref_slice %arg6[%mul3A_174] : memref<2621440xi32, #tpu.memory_space<hbm>> -> memref<8192xi32, #tpu.memory_space<hbm>>
          %dma_start3A_178 = arith.constant 0 : i32
          %dma_start3A_179 = tpu.memref_slice %arg12[%dma_start3A_178] : memref<16384xi32, #tpu.memory_space<vmem>> -> memref<8192xi32, #tpu.memory_space<vmem>>
          %dma_start3A_180 = tpu.memref_slice %arg6[%mul3A_174] : memref<2621440xi32, #tpu.memory_space<hbm>> -> memref<8192xi32, #tpu.memory_space<hbm>>
          tpu.enqueue_dma source(%dma_start3A_180 : memref<8192xi32, #tpu.memory_space<hbm>>) target(%dma_start3A_179 : memref<8192xi32, #tpu.memory_space<vmem>>) target_semaphore(%arg14 : memref<!tpu.dma_semaphore, #tpu.memory_space<semaphore_mem>>)
        } else {
        }
      } else {
      }
      %mul3A_86 = arith.constant 2 : i32
      %mul3A_87 = arith.muli %while3A_78, %mul3A_86 : i32
      %add3A_88 = arith.constant 1 : i32
      %add3A_89 = arith.addi %mul3A_87, %add3A_88 : i32
      %lt3A_90 = arith.cmpi slt, %add3A_89, %select_n3A : i32
      %convert_element_type3A_91 = arith.extui %lt3A_90 : i1 to i32
      %cond3A_92 = arith.constant 0 : i32
      %cond3A_93 = arith.cmpi ne, %convert_element_type3A_91, %cond3A_92 : i32
      scf.if %cond3A_93 {
        %dma_wait3A = arith.constant 1024 : i32
        %dma_wait3A_94 = tpu.memref_slice %arg9[%dma_wait3A] : memref<2048xf32, #tpu.memory_space<vmem>> -> memref<1024xf32, #tpu.memory_space<vmem>>
        %dma_wait3A_95 = arith.constant 0 : i32
        %dma_wait3A_96 = tpu.memref_slice %arg3[%dma_wait3A_95] : memref<327680xf32, #tpu.memory_space<hbm>> -> memref<1024xf32, #tpu.memory_space<hbm>>
        %dma_wait3A_97 = arith.constant 1024 : i32
        %dma_wait3A_98 = tpu.memref_slice %arg9[%dma_wait3A_97] : memref<2048xf32, #tpu.memory_space<vmem>> -> memref<1024xf32, #tpu.memory_space<vmem>>
        %dma_wait3A_99 = arith.constant 0 : i32
        %dma_wait3A_100 = tpu.memref_slice %arg3[%dma_wait3A_99] : memref<327680xf32, #tpu.memory_space<hbm>> -> memref<1024xf32, #tpu.memory_space<hbm>>
        tpu.wait_dma2 semaphore(%arg15 : memref<!tpu.dma_semaphore, #tpu.memory_space<semaphore_mem>>) src(%dma_wait3A_100 : memref<1024xf32, #tpu.memory_space<hbm>>) dst(%dma_wait3A_98 : memref<1024xf32, #tpu.memory_space<vmem>>)
        %dma_wait3A_101 = arith.constant 8192 : i32
        %dma_wait3A_102 = tpu.memref_slice %arg10[%dma_wait3A_101] : memref<16384xf32, #tpu.memory_space<vmem>> -> memref<8192xf32, #tpu.memory_space<vmem>>
        %dma_wait3A_103 = arith.constant 0 : i32
        %dma_wait3A_104 = tpu.memref_slice %arg4[%dma_wait3A_103] : memref<2621440xf32, #tpu.memory_space<hbm>> -> memref<8192xf32, #tpu.memory_space<hbm>>
        %dma_wait3A_105 = arith.constant 8192 : i32
        %dma_wait3A_106 = tpu.memref_slice %arg10[%dma_wait3A_105] : memref<16384xf32, #tpu.memory_space<vmem>> -> memref<8192xf32, #tpu.memory_space<vmem>>
        %dma_wait3A_107 = arith.constant 0 : i32
        %dma_wait3A_108 = tpu.memref_slice %arg4[%dma_wait3A_107] : memref<2621440xf32, #tpu.memory_space<hbm>> -> memref<8192xf32, #tpu.memory_space<hbm>>
        tpu.wait_dma2 semaphore(%arg15 : memref<!tpu.dma_semaphore, #tpu.memory_space<semaphore_mem>>) src(%dma_wait3A_108 : memref<8192xf32, #tpu.memory_space<hbm>>) dst(%dma_wait3A_106 : memref<8192xf32, #tpu.memory_space<vmem>>)
        %dma_wait3A_109 = arith.constant 8192 : i32
        %dma_wait3A_110 = tpu.memref_slice %arg11[%dma_wait3A_109] : memref<16384xf32, #tpu.memory_space<vmem>> -> memref<8192xf32, #tpu.memory_space<vmem>>
        %dma_wait3A_111 = arith.constant 0 : i32
        %dma_wait3A_112 = tpu.memref_slice %arg5[%dma_wait3A_111] : memref<2621440xf32, #tpu.memory_space<hbm>> -> memref<8192xf32, #tpu.memory_space<hbm>>
        %dma_wait3A_113 = arith.constant 8192 : i32
        %dma_wait3A_114 = tpu.memref_slice %arg11[%dma_wait3A_113] : memref<16384xf32, #tpu.memory_space<vmem>> -> memref<8192xf32, #tpu.memory_space<vmem>>
        %dma_wait3A_115 = arith.constant 0 : i32
        %dma_wait3A_116 = tpu.memref_slice %arg5[%dma_wait3A_115] : memref<2621440xf32, #tpu.memory_space<hbm>> -> memref<8192xf32, #tpu.memory_space<hbm>>
        tpu.wait_dma2 semaphore(%arg15 : memref<!tpu.dma_semaphore, #tpu.memory_space<semaphore_mem>>) src(%dma_wait3A_116 : memref<8192xf32, #tpu.memory_space<hbm>>) dst(%dma_wait3A_114 : memref<8192xf32, #tpu.memory_space<vmem>>)
        %dma_wait3A_117 = arith.constant 8192 : i32
        %dma_wait3A_118 = tpu.memref_slice %arg12[%dma_wait3A_117] : memref<16384xi32, #tpu.memory_space<vmem>> -> memref<8192xi32, #tpu.memory_space<vmem>>
        %dma_wait3A_119 = arith.constant 0 : i32
        %dma_wait3A_120 = tpu.memref_slice %arg6[%dma_wait3A_119] : memref<2621440xi32, #tpu.memory_space<hbm>> -> memref<8192xi32, #tpu.memory_space<hbm>>
        %dma_wait3A_121 = arith.constant 8192 : i32
        %dma_wait3A_122 = tpu.memref_slice %arg12[%dma_wait3A_121] : memref<16384xi32, #tpu.memory_space<vmem>> -> memref<8192xi32, #tpu.memory_space<vmem>>
        %dma_wait3A_123 = arith.constant 0 : i32
        %dma_wait3A_124 = tpu.memref_slice %arg6[%dma_wait3A_123] : memref<2621440xi32, #tpu.memory_space<hbm>> -> memref<8192xi32, #tpu.memory_space<hbm>>
        tpu.wait_dma2 semaphore(%arg15 : memref<!tpu.dma_semaphore, #tpu.memory_space<semaphore_mem>>) src(%dma_wait3A_124 : memref<8192xi32, #tpu.memory_space<hbm>>) dst(%dma_wait3A_122 : memref<8192xi32, #tpu.memory_space<vmem>>)
        %mul3A_125 = arith.constant 64 : i32
        %mul3A_126 = arith.muli %add3A_89, %mul3A_125 : i32
        %add3A_127 = arith.addi %squeeze3A, %mul3A_126 : i32
        %sub3A_128 = arith.subi %squeeze3A_14, %add3A_127 : i32
        %min3A = arith.constant 64 : i32
        %min3A_129 = arith.minsi %min3A, %sub3A_128 : i32
        %while3A_130 = arith.constant 0 : i32
        %while3A_131 = arith.subi %min3A_129, %while3A_130 : i32
        %while3A_132 = arith.addi %while3A_130, %while3A_131 : i32
        %while3A_133 = arith.constant 1 : i32
        %while3A_134 = arith.divsi %while3A_131, %while3A_133 : i32
        %while3A_135 = arith.muli %while3A_134, %while3A_133 : i32
        %while3A_136 = arith.addi %while3A_130, %while3A_135 : i32
        %while3A_137 = arith.constant 1 : i32
        scf.for %while3A_145 = %while3A_130 to %while3A_136 step %while3A_137  : i32 {
          %mul3A_146 = arith.constant 16 : i32
          %mul3A_147 = arith.muli %while3A_145, %mul3A_146 : i32
          %add3A_148 = arith.constant 1024 : i32
          %add3A_149 = arith.addi %add3A_148, %mul3A_147 : i32
          %get3A_150 = arith.index_cast %add3A_149 : i32 to index
          %get3A_151 = tpu.vector_load %arg9[%get3A_150] {strides = array<i32>} : memref<2048xf32, #tpu.memory_space<vmem>>, vector<16xf32>,
          %slice3A_152 = vector.extract_strided_slice %get3A_151 {offsets = [0], sizes = [1], strides = [1]} : vector<16xf32> to vector<1xf32>
          %squeeze3A_153 = vector.extract %slice3A_152[0] : f32 from vector<1xf32>
          %slice3A_154 = vector.extract_strided_slice %get3A_151 {offsets = [3], sizes = [1], strides = [1]} : vector<16xf32> to vector<1xf32>
          %squeeze3A_155 = vector.extract %slice3A_154[0] : f32 from vector<1xf32>
          %slice3A_156 = vector.extract_strided_slice %get3A_151 {offsets = [10], sizes = [1], strides = [1]} : vector<16xf32> to vector<1xf32>
          %squeeze3A_157 = vector.extract %slice3A_156[0] : f32 from vector<1xf32>
          %convert_element_type3A_158 = arith.fptosi %squeeze3A_157 : f32 to i32
          %slice3A_159 = vector.extract_strided_slice %get3A_151 {offsets = [13], sizes = [1], strides = [1]} : vector<16xf32> to vector<1xf32>
          %squeeze3A_160 = vector.extract %slice3A_159[0] : f32 from vector<1xf32>
          %add3A_161 = arith.constant -4.500000e+00 : f32
          %add3A_162 = arith.addf %squeeze3A_160, %add3A_161 : f32
          %broadcast_in_dim3A_163 = vector.broadcast %add3A_162 : f32 to vector<16xf32>
          %mul3A_164 = arith.constant 128 : i32
          %mul3A_165 = arith.muli %while3A_145, %mul3A_164 : i32
          %add3A_166 = arith.constant 8192 : i32
          %add3A_167 = arith.addi %add3A_166, %mul3A_165 : i32
          %add3A_168 = arith.constant 0 : i32
          %add3A_169 = arith.addi %add3A_167, %add3A_168 : i32
          %get3A_170 = arith.index_cast %add3A_169 : i32 to index
          %get3A_171 = tpu.vector_load %arg10[%get3A_170] {strides = array<i32>} : memref<16384xf32, #tpu.memory_space<vmem>>, vector<16xf32>,
          %mul3A_172 = arith.constant 128 : i32
          %mul3A_173 = arith.muli %while3A_145, %mul3A_172 : i32
          %add3A_174 = arith.constant 8192 : i32
          %add3A_175 = arith.addi %add3A_174, %mul3A_173 : i32
          %add3A_176 = arith.constant 16 : i32
          %add3A_177 = arith.addi %add3A_175, %add3A_176 : i32
          %get3A_178 = arith.index_cast %add3A_177 : i32 to index
          %get3A_179 = tpu.vector_load %arg10[%get3A_178] {strides = array<i32>} : memref<16384xf32, #tpu.memory_space<vmem>>, vector<16xf32>,
          %mul3A_180 = arith.constant 128 : i32
          %mul3A_181 = arith.muli %while3A_145, %mul3A_180 : i32
          %add3A_182 = arith.constant 8192 : i32
          %add3A_183 = arith.addi %add3A_182, %mul3A_181 : i32
          %add3A_184 = arith.constant 32 : i32
          %add3A_185 = arith.addi %add3A_183, %add3A_184 : i32
          %get3A_186 = arith.index_cast %add3A_185 : i32 to index
          %get3A_187 = tpu.vector_load %arg10[%get3A_186] {strides = array<i32>} : memref<16384xf32, #tpu.memory_space<vmem>>, vector<16xf32>,
          %mul3A_188 = arith.constant 128 : i32
          %mul3A_189 = arith.muli %while3A_145, %mul3A_188 : i32
          %add3A_190 = arith.constant 8192 : i32
          %add3A_191 = arith.addi %add3A_190, %mul3A_189 : i32
          %add3A_192 = arith.constant 48 : i32
          %add3A_193 = arith.addi %add3A_191, %add3A_192 : i32
          %get3A_194 = arith.index_cast %add3A_193 : i32 to index
          %get3A_195 = tpu.vector_load %arg10[%get3A_194] {strides = array<i32>} : memref<16384xf32, #tpu.memory_space<vmem>>, vector<16xf32>,
          %mul3A_196 = arith.constant 128 : i32
          %mul3A_197 = arith.muli %while3A_145, %mul3A_196 : i32
          %add3A_198 = arith.constant 8192 : i32
          %add3A_199 = arith.addi %add3A_198, %mul3A_197 : i32
          %add3A_200 = arith.constant 64 : i32
          %add3A_201 = arith.addi %add3A_199, %add3A_200 : i32
          %get3A_202 = arith.index_cast %add3A_201 : i32 to index
          %get3A_203 = tpu.vector_load %arg10[%get3A_202] {strides = array<i32>} : memref<16384xf32, #tpu.memory_space<vmem>>, vector<16xf32>,
          %mul3A_204 = arith.constant 128 : i32
          %mul3A_205 = arith.muli %while3A_145, %mul3A_204 : i32
          %add3A_206 = arith.constant 8192 : i32
          %add3A_207 = arith.addi %add3A_206, %mul3A_205 : i32
          %add3A_208 = arith.constant 80 : i32
          %add3A_209 = arith.addi %add3A_207, %add3A_208 : i32
          %get3A_210 = arith.index_cast %add3A_209 : i32 to index
          %get3A_211 = tpu.vector_load %arg10[%get3A_210] {strides = array<i32>} : memref<16384xf32, #tpu.memory_space<vmem>>, vector<16xf32>,
          %mul3A_212 = arith.constant 128 : i32
          %mul3A_213 = arith.muli %while3A_145, %mul3A_212 : i32
          %add3A_214 = arith.constant 8192 : i32
          %add3A_215 = arith.addi %add3A_214, %mul3A_213 : i32
          %add3A_216 = arith.constant 96 : i32
          %add3A_217 = arith.addi %add3A_215, %add3A_216 : i32
          %get3A_218 = arith.index_cast %add3A_217 : i32 to index
          %get3A_219 = tpu.vector_load %arg10[%get3A_218] {strides = array<i32>} : memref<16384xf32, #tpu.memory_space<vmem>>, vector<16xf32>,
          %mul3A_220 = arith.constant 128 : i32
          %mul3A_221 = arith.muli %while3A_145, %mul3A_220 : i32
          %add3A_222 = arith.constant 8192 : i32
          %add3A_223 = arith.addi %add3A_222, %mul3A_221 : i32
          %add3A_224 = arith.constant 112 : i32
          %add3A_225 = arith.addi %add3A_223, %add3A_224 : i32
          %get3A_226 = arith.index_cast %add3A_225 : i32 to index
          %get3A_227 = tpu.vector_load %arg10[%get3A_226] {strides = array<i32>} : memref<16384xf32, #tpu.memory_space<vmem>>, vector<16xf32>,
          %mul3A_228 = arith.constant 128 : i32
          %mul3A_229 = arith.muli %while3A_145, %mul3A_228 : i32
          %add3A_230 = arith.constant 8192 : i32
          %add3A_231 = arith.addi %add3A_230, %mul3A_229 : i32
          %add3A_232 = arith.constant 0 : i32
          %add3A_233 = arith.addi %add3A_231, %add3A_232 : i32
          %get3A_234 = arith.index_cast %add3A_233 : i32 to index
          %get3A_235 = tpu.vector_load %arg11[%get3A_234] {strides = array<i32>} : memref<16384xf32, #tpu.memory_space<vmem>>, vector<16xf32>,
          %mul3A_236 = arith.constant 128 : i32
          %mul3A_237 = arith.muli %while3A_145, %mul3A_236 : i32
          %add3A_238 = arith.constant 8192 : i32
          %add3A_239 = arith.addi %add3A_238, %mul3A_237 : i32
          %add3A_240 = arith.constant 16 : i32
          %add3A_241 = arith.addi %add3A_239, %add3A_240 : i32
          %get3A_242 = arith.index_cast %add3A_241 : i32 to index
          %get3A_243 = tpu.vector_load %arg11[%get3A_242] {strides = array<i32>} : memref<16384xf32, #tpu.memory_space<vmem>>, vector<16xf32>,
          %mul3A_244 = arith.constant 128 : i32
          %mul3A_245 = arith.muli %while3A_145, %mul3A_244 : i32
          %add3A_246 = arith.constant 8192 : i32
          %add3A_247 = arith.addi %add3A_246, %mul3A_245 : i32
          %add3A_248 = arith.constant 32 : i32
          %add3A_249 = arith.addi %add3A_247, %add3A_248 : i32
          %get3A_250 = arith.index_cast %add3A_249 : i32 to index
          %get3A_251 = tpu.vector_load %arg11[%get3A_250] {strides = array<i32>} : memref<16384xf32, #tpu.memory_space<vmem>>, vector<16xf32>,
          %mul3A_252 = arith.constant 128 : i32
          %mul3A_253 = arith.muli %while3A_145, %mul3A_252 : i32
          %add3A_254 = arith.constant 8192 : i32
          %add3A_255 = arith.addi %add3A_254, %mul3A_253 : i32
          %add3A_256 = arith.constant 48 : i32
          %add3A_257 = arith.addi %add3A_255, %add3A_256 : i32
          %get3A_258 = arith.index_cast %add3A_257 : i32 to index
          %get3A_259 = tpu.vector_load %arg11[%get3A_258] {strides = array<i32>} : memref<16384xf32, #tpu.memory_space<vmem>>, vector<16xf32>,
          %mul3A_260 = arith.constant 128 : i32
          %mul3A_261 = arith.muli %while3A_145, %mul3A_260 : i32
          %add3A_262 = arith.constant 8192 : i32
          %add3A_263 = arith.addi %add3A_262, %mul3A_261 : i32
          %add3A_264 = arith.constant 64 : i32
          %add3A_265 = arith.addi %add3A_263, %add3A_264 : i32
          %get3A_266 = arith.index_cast %add3A_265 : i32 to index
          %get3A_267 = tpu.vector_load %arg11[%get3A_266] {strides = array<i32>} : memref<16384xf32, #tpu.memory_space<vmem>>, vector<16xf32>,
          %mul3A_268 = arith.constant 128 : i32
          %mul3A_269 = arith.muli %while3A_145, %mul3A_268 : i32
          %add3A_270 = arith.constant 8192 : i32
          %add3A_271 = arith.addi %add3A_270, %mul3A_269 : i32
          %add3A_272 = arith.constant 80 : i32
          %add3A_273 = arith.addi %add3A_271, %add3A_272 : i32
          %get3A_274 = arith.index_cast %add3A_273 : i32 to index
          %get3A_275 = tpu.vector_load %arg11[%get3A_274] {strides = array<i32>} : memref<16384xf32, #tpu.memory_space<vmem>>, vector<16xf32>,
          %mul3A_276 = arith.constant 128 : i32
          %mul3A_277 = arith.muli %while3A_145, %mul3A_276 : i32
          %add3A_278 = arith.constant 8192 : i32
          %add3A_279 = arith.addi %add3A_278, %mul3A_277 : i32
          %add3A_280 = arith.constant 96 : i32
          %add3A_281 = arith.addi %add3A_279, %add3A_280 : i32
          %get3A_282 = arith.index_cast %add3A_281 : i32 to index
          %get3A_283 = tpu.vector_load %arg11[%get3A_282] {strides = array<i32>} : memref<16384xf32, #tpu.memory_space<vmem>>, vector<16xf32>,
          %mul3A_284 = arith.constant 128 : i32
          %mul3A_285 = arith.muli %while3A_145, %mul3A_284 : i32
          %add3A_286 = arith.constant 8192 : i32
          %add3A_287 = arith.addi %add3A_286, %mul3A_285 : i32
          %add3A_288 = arith.constant 112 : i32
          %add3A_289 = arith.addi %add3A_287, %add3A_288 : i32
          %get3A_290 = arith.index_cast %add3A_289 : i32 to index
          %get3A_291 = tpu.vector_load %arg11[%get3A_290] {strides = array<i32>} : memref<16384xf32, #tpu.memory_space<vmem>>, vector<16xf32>,
          %mul3A_292 = arith.constant 128 : i32
          %mul3A_293 = arith.muli %while3A_145, %mul3A_292 : i32
          %add3A_294 = arith.constant 8192 : i32
          %add3A_295 = arith.addi %add3A_294, %mul3A_293 : i32
          %add3A_296 = arith.constant 0 : i32
          %add3A_297 = arith.addi %add3A_295, %add3A_296 : i32
          %get3A_298 = arith.index_cast %add3A_297 : i32 to index
          %get3A_299 = tpu.vector_load %arg12[%get3A_298] {strides = array<i32>} : memref<16384xi32, #tpu.memory_space<vmem>>, vector<16xi32>,
          %mul3A_300 = arith.constant 128 : i32
          %mul3A_301 = arith.muli %while3A_145, %mul3A_300 : i32
          %add3A_302 = arith.constant 8192 : i32
          %add3A_303 = arith.addi %add3A_302, %mul3A_301 : i32
          %add3A_304 = arith.constant 16 : i32
          %add3A_305 = arith.addi %add3A_303, %add3A_304 : i32
          %get3A_306 = arith.index_cast %add3A_305 : i32 to index
          %get3A_307 = tpu.vector_load %arg12[%get3A_306] {strides = array<i32>} : memref<16384xi32, #tpu.memory_space<vmem>>, vector<16xi32>,
          %mul3A_308 = arith.constant 128 : i32
          %mul3A_309 = arith.muli %while3A_145, %mul3A_308 : i32
          %add3A_310 = arith.constant 8192 : i32
          %add3A_311 = arith.addi %add3A_310, %mul3A_309 : i32
          %add3A_312 = arith.constant 32 : i32
          %add3A_313 = arith.addi %add3A_311, %add3A_312 : i32
          %get3A_314 = arith.index_cast %add3A_313 : i32 to index
          %get3A_315 = tpu.vector_load %arg12[%get3A_314] {strides = array<i32>} : memref<16384xi32, #tpu.memory_space<vmem>>, vector<16xi32>,
          %mul3A_316 = arith.constant 128 : i32
          %mul3A_317 = arith.muli %while3A_145, %mul3A_316 : i32
          %add3A_318 = arith.constant 8192 : i32
          %add3A_319 = arith.addi %add3A_318, %mul3A_317 : i32
          %add3A_320 = arith.constant 48 : i32
          %add3A_321 = arith.addi %add3A_319, %add3A_320 : i32
          %get3A_322 = arith.index_cast %add3A_321 : i32 to index
          %get3A_323 = tpu.vector_load %arg12[%get3A_322] {strides = array<i32>} : memref<16384xi32, #tpu.memory_space<vmem>>, vector<16xi32>,
          %mul3A_324 = arith.constant 128 : i32
          %mul3A_325 = arith.muli %while3A_145, %mul3A_324 : i32
          %add3A_326 = arith.constant 8192 : i32
          %add3A_327 = arith.addi %add3A_326, %mul3A_325 : i32
          %add3A_328 = arith.constant 64 : i32
          %add3A_329 = arith.addi %add3A_327, %add3A_328 : i32
          %get3A_330 = arith.index_cast %add3A_329 : i32 to index
          %get3A_331 = tpu.vector_load %arg12[%get3A_330] {strides = array<i32>} : memref<16384xi32, #tpu.memory_space<vmem>>, vector<16xi32>,
          %mul3A_332 = arith.constant 128 : i32
          %mul3A_333 = arith.muli %while3A_145, %mul3A_332 : i32
          %add3A_334 = arith.constant 8192 : i32
          %add3A_335 = arith.addi %add3A_334, %mul3A_333 : i32
          %add3A_336 = arith.constant 80 : i32
          %add3A_337 = arith.addi %add3A_335, %add3A_336 : i32
          %get3A_338 = arith.index_cast %add3A_337 : i32 to index
          %get3A_339 = tpu.vector_load %arg12[%get3A_338] {strides = array<i32>} : memref<16384xi32, #tpu.memory_space<vmem>>, vector<16xi32>,
          %mul3A_340 = arith.constant 128 : i32
          %mul3A_341 = arith.muli %while3A_145, %mul3A_340 : i32
          %add3A_342 = arith.constant 8192 : i32
          %add3A_343 = arith.addi %add3A_342, %mul3A_341 : i32
          %add3A_344 = arith.constant 96 : i32
          %add3A_345 = arith.addi %add3A_343, %add3A_344 : i32
          %get3A_346 = arith.index_cast %add3A_345 : i32 to index
          %get3A_347 = tpu.vector_load %arg12[%get3A_346] {strides = array<i32>} : memref<16384xi32, #tpu.memory_space<vmem>>, vector<16xi32>,
          %mul3A_348 = arith.constant 128 : i32
          %mul3A_349 = arith.muli %while3A_145, %mul3A_348 : i32
          %add3A_350 = arith.constant 8192 : i32
          %add3A_351 = arith.addi %add3A_350, %mul3A_349 : i32
          %add3A_352 = arith.constant 112 : i32
          %add3A_353 = arith.addi %add3A_351, %add3A_352 : i32
          %get3A_354 = arith.index_cast %add3A_353 : i32 to index
          %get3A_355 = tpu.vector_load %arg12[%get3A_354] {strides = array<i32>} : memref<16384xi32, #tpu.memory_space<vmem>>, vector<16xi32>,
          %slice3A_356 = vector.extract_strided_slice %get3A_151 {offsets = [14], sizes = [1], strides = [1]} : vector<16xf32> to vector<1xf32>
          %squeeze3A_357 = vector.extract %slice3A_356[0] : f32 from vector<1xf32>
          %convert_element_type3A_358 = arith.fptosi %squeeze3A_357 : f32 to i32
          %sub3A_359 = arith.subi %convert_element_type3A_158, %convert_element_type3A_358 : i32
          %max3A = arith.maxsi %sub3A_359, %mul3A_2 : i32
          %add3A_360 = arith.addi %convert_element_type3A_158, %convert_element_type3A_358 : i32
          %add3A_361 = arith.constant 1 : i32
          %add3A_362 = arith.addi %add3A_360, %add3A_361 : i32
          %min3A_363 = arith.minsi %add3A_362, %add3A_4 : i32
          %while3A_364 = arith.subi %min3A_363, %max3A : i32
          %while3A_365 = arith.addi %max3A, %while3A_364 : i32
          %while3A_366 = arith.constant 1 : i32
          %while3A_367 = arith.divsi %while3A_364, %while3A_366 : i32
          %while3A_368 = arith.muli %while3A_367, %while3A_366 : i32
          %while3A_369 = arith.addi %max3A, %while3A_368 : i32
          %while3A_370 = arith.constant 1 : i32
          scf.for %while3A_372 = %max3A to %while3A_369 step %while3A_370  : i32 {
            %convert_element_type3A_373 = arith.sitofp %while3A_372 : i32 to f32
            %sub3A_374 = arith.subf %convert_element_type3A_373, %squeeze3A_153 : f32
            %mul3A_375 = arith.mulf %sub3A_374, %while3A : f32
            %mul3A_376 = arith.mulf %squeeze3A_155, %mul3A_375 : f32
            %mul3A_377 = arith.mulf %mul3A_376, %mul3A_375 : f32
            %broadcast_in_dim3A_378 = vector.broadcast %mul3A_375 : f32 to vector<16xf32>
            %broadcast_in_dim3A_379 = vector.broadcast %mul3A_377 : f32 to vector<16xf32>
            %sub3A_380 = arith.subi %while3A_372, %mul3A_2 : i32
            %mul3A_381 = arith.constant 16384 : i32
            %mul3A_382 = arith.muli %sub3A_380, %mul3A_381 : i32
            %broadcast_in_dim3A_383 = vector.broadcast %mul3A_382 : i32 to vector<16xi32>
            %add3A_384 = arith.addf %broadcast_in_dim3A_379, %get3A_171 : vector<16xf32>
            %mul3A_385 = arith.mulf %broadcast_in_dim3A_378, %get3A_235 : vector<16xf32>
            %add3A_386 = arith.addf %add3A_384, %mul3A_385 : vector<16xf32>
            %exp3A = math.exp %add3A_386 : vector<16xf32>
            %ge3A = arith.cmpf oge, %add3A_386, %broadcast_in_dim3A_163 : vector<16xf32>
            %add3A_387 = arith.addi %broadcast_in_dim3A_383, %get3A_299 : vector<16xi32>
            tpu.vector_store_idx %arg13[%add3A_387], %exp3A masked %ge3A {add = true} : memref<65536xf32, #tpu.memory_space<vmem>>[vector<16xi32>], vector<16xf32>, vector<16xi1>
            %add3A_388 = arith.addf %broadcast_in_dim3A_379, %get3A_179 : vector<16xf32>
            %mul3A_389 = arith.mulf %broadcast_in_dim3A_378, %get3A_243 : vector<16xf32>
            %add3A_390 = arith.addf %add3A_388, %mul3A_389 : vector<16xf32>
            %exp3A_391 = math.exp %add3A_390 : vector<16xf32>
            %ge3A_392 = arith.cmpf oge, %add3A_390, %broadcast_in_dim3A_163 : vector<16xf32>
            %add3A_393 = arith.addi %broadcast_in_dim3A_383, %get3A_307 : vector<16xi32>
            tpu.vector_store_idx %arg13[%add3A_393], %exp3A_391 masked %ge3A_392 {add = true} : memref<65536xf32, #tpu.memory_space<vmem>>[vector<16xi32>], vector<16xf32>, vector<16xi1>
            %add3A_394 = arith.addf %broadcast_in_dim3A_379, %get3A_187 : vector<16xf32>
            %mul3A_395 = arith.mulf %broadcast_in_dim3A_378, %get3A_251 : vector<16xf32>
            %add3A_396 = arith.addf %add3A_394, %mul3A_395 : vector<16xf32>
            %exp3A_397 = math.exp %add3A_396 : vector<16xf32>
            %ge3A_398 = arith.cmpf oge, %add3A_396, %broadcast_in_dim3A_163 : vector<16xf32>
            %add3A_399 = arith.addi %broadcast_in_dim3A_383, %get3A_315 : vector<16xi32>
            tpu.vector_store_idx %arg13[%add3A_399], %exp3A_397 masked %ge3A_398 {add = true} : memref<65536xf32, #tpu.memory_space<vmem>>[vector<16xi32>], vector<16xf32>, vector<16xi1>
            %add3A_400 = arith.addf %broadcast_in_dim3A_379, %get3A_195 : vector<16xf32>
            %mul3A_401 = arith.mulf %broadcast_in_dim3A_378, %get3A_259 : vector<16xf32>
            %add3A_402 = arith.addf %add3A_400, %mul3A_401 : vector<16xf32>
            %exp3A_403 = math.exp %add3A_402 : vector<16xf32>
            %ge3A_404 = arith.cmpf oge, %add3A_402, %broadcast_in_dim3A_163 : vector<16xf32>
            %add3A_405 = arith.addi %broadcast_in_dim3A_383, %get3A_323 : vector<16xi32>
            tpu.vector_store_idx %arg13[%add3A_405], %exp3A_403 masked %ge3A_404 {add = true} : memref<65536xf32, #tpu.memory_space<vmem>>[vector<16xi32>], vector<16xf32>, vector<16xi1>
            %add3A_406 = arith.addf %broadcast_in_dim3A_379, %get3A_203 : vector<16xf32>
            %mul3A_407 = arith.mulf %broadcast_in_dim3A_378, %get3A_267 : vector<16xf32>
            %add3A_408 = arith.addf %add3A_406, %mul3A_407 : vector<16xf32>
            %exp3A_409 = math.exp %add3A_408 : vector<16xf32>
            %ge3A_410 = arith.cmpf oge, %add3A_408, %broadcast_in_dim3A_163 : vector<16xf32>
            %add3A_411 = arith.addi %broadcast_in_dim3A_383, %get3A_331 : vector<16xi32>
            tpu.vector_store_idx %arg13[%add3A_411], %exp3A_409 masked %ge3A_410 {add = true} : memref<65536xf32, #tpu.memory_space<vmem>>[vector<16xi32>], vector<16xf32>, vector<16xi1>
            %add3A_412 = arith.addf %broadcast_in_dim3A_379, %get3A_211 : vector<16xf32>
            %mul3A_413 = arith.mulf %broadcast_in_dim3A_378, %get3A_275 : vector<16xf32>
            %add3A_414 = arith.addf %add3A_412, %mul3A_413 : vector<16xf32>
            %exp3A_415 = math.exp %add3A_414 : vector<16xf32>
            %ge3A_416 = arith.cmpf oge, %add3A_414, %broadcast_in_dim3A_163 : vector<16xf32>
            %add3A_417 = arith.addi %broadcast_in_dim3A_383, %get3A_339 : vector<16xi32>
            tpu.vector_store_idx %arg13[%add3A_417], %exp3A_415 masked %ge3A_416 {add = true} : memref<65536xf32, #tpu.memory_space<vmem>>[vector<16xi32>], vector<16xf32>, vector<16xi1>
            %add3A_418 = arith.addf %broadcast_in_dim3A_379, %get3A_219 : vector<16xf32>
            %mul3A_419 = arith.mulf %broadcast_in_dim3A_378, %get3A_283 : vector<16xf32>
            %add3A_420 = arith.addf %add3A_418, %mul3A_419 : vector<16xf32>
            %exp3A_421 = math.exp %add3A_420 : vector<16xf32>
            %ge3A_422 = arith.cmpf oge, %add3A_420, %broadcast_in_dim3A_163 : vector<16xf32>
            %add3A_423 = arith.addi %broadcast_in_dim3A_383, %get3A_347 : vector<16xi32>
            tpu.vector_store_idx %arg13[%add3A_423], %exp3A_421 masked %ge3A_422 {add = true} : memref<65536xf32, #tpu.memory_space<vmem>>[vector<16xi32>], vector<16xf32>, vector<16xi1>
            %add3A_424 = arith.addf %broadcast_in_dim3A_379, %get3A_227 : vector<16xf32>
            %mul3A_425 = arith.mulf %broadcast_in_dim3A_378, %get3A_291 : vector<16xf32>
            %add3A_426 = arith.addf %add3A_424, %mul3A_425 : vector<16xf32>
            %exp3A_427 = math.exp %add3A_426 : vector<16xf32>
            %ge3A_428 = arith.cmpf oge, %add3A_426, %broadcast_in_dim3A_163 : vector<16xf32>
            %add3A_429 = arith.addi %broadcast_in_dim3A_383, %get3A_355 : vector<16xi32>
            tpu.vector_store_idx %arg13[%add3A_429], %exp3A_427 masked %ge3A_428 {add = true} : memref<65536xf32, #tpu.memory_space<vmem>>[vector<16xi32>], vector<16xf32>, vector<16xi1>
          }
          %while3A_371 = arith.constant 1 : i32
          scf.for %while3A_372 = %while3A_369 to %while3A_365 step %while3A_371  : i32 {
            %convert_element_type3A_373 = arith.sitofp %while3A_372 : i32 to f32
            %sub3A_374 = arith.subf %convert_element_type3A_373, %squeeze3A_153 : f32
            %mul3A_375 = arith.mulf %sub3A_374, %while3A : f32
            %mul3A_376 = arith.mulf %squeeze3A_155, %mul3A_375 : f32
            %mul3A_377 = arith.mulf %mul3A_376, %mul3A_375 : f32
            %broadcast_in_dim3A_378 = vector.broadcast %mul3A_375 : f32 to vector<16xf32>
            %broadcast_in_dim3A_379 = vector.broadcast %mul3A_377 : f32 to vector<16xf32>
            %sub3A_380 = arith.subi %while3A_372, %mul3A_2 : i32
            %mul3A_381 = arith.constant 16384 : i32
            %mul3A_382 = arith.muli %sub3A_380, %mul3A_381 : i32
            %broadcast_in_dim3A_383 = vector.broadcast %mul3A_382 : i32 to vector<16xi32>
            %add3A_384 = arith.addf %broadcast_in_dim3A_379, %get3A_171 : vector<16xf32>
            %mul3A_385 = arith.mulf %broadcast_in_dim3A_378, %get3A_235 : vector<16xf32>
            %add3A_386 = arith.addf %add3A_384, %mul3A_385 : vector<16xf32>
            %exp3A = math.exp %add3A_386 : vector<16xf32>
            %ge3A = arith.cmpf oge, %add3A_386, %broadcast_in_dim3A_163 : vector<16xf32>
            %add3A_387 = arith.addi %broadcast_in_dim3A_383, %get3A_299 : vector<16xi32>
            tpu.vector_store_idx %arg13[%add3A_387], %exp3A masked %ge3A {add = true} : memref<65536xf32, #tpu.memory_space<vmem>>[vector<16xi32>], vector<16xf32>, vector<16xi1>
            %add3A_388 = arith.addf %broadcast_in_dim3A_379, %get3A_179 : vector<16xf32>
            %mul3A_389 = arith.mulf %broadcast_in_dim3A_378, %get3A_243 : vector<16xf32>
            %add3A_390 = arith.addf %add3A_388, %mul3A_389 : vector<16xf32>
            %exp3A_391 = math.exp %add3A_390 : vector<16xf32>
            %ge3A_392 = arith.cmpf oge, %add3A_390, %broadcast_in_dim3A_163 : vector<16xf32>
            %add3A_393 = arith.addi %broadcast_in_dim3A_383, %get3A_307 : vector<16xi32>
            tpu.vector_store_idx %arg13[%add3A_393], %exp3A_391 masked %ge3A_392 {add = true} : memref<65536xf32, #tpu.memory_space<vmem>>[vector<16xi32>], vector<16xf32>, vector<16xi1>
            %add3A_394 = arith.addf %broadcast_in_dim3A_379, %get3A_187 : vector<16xf32>
            %mul3A_395 = arith.mulf %broadcast_in_dim3A_378, %get3A_251 : vector<16xf32>
            %add3A_396 = arith.addf %add3A_394, %mul3A_395 : vector<16xf32>
            %exp3A_397 = math.exp %add3A_396 : vector<16xf32>
            %ge3A_398 = arith.cmpf oge, %add3A_396, %broadcast_in_dim3A_163 : vector<16xf32>
            %add3A_399 = arith.addi %broadcast_in_dim3A_383, %get3A_315 : vector<16xi32>
            tpu.vector_store_idx %arg13[%add3A_399], %exp3A_397 masked %ge3A_398 {add = true} : memref<65536xf32, #tpu.memory_space<vmem>>[vector<16xi32>], vector<16xf32>, vector<16xi1>
            %add3A_400 = arith.addf %broadcast_in_dim3A_379, %get3A_195 : vector<16xf32>
            %mul3A_401 = arith.mulf %broadcast_in_dim3A_378, %get3A_259 : vector<16xf32>
            %add3A_402 = arith.addf %add3A_400, %mul3A_401 : vector<16xf32>
            %exp3A_403 = math.exp %add3A_402 : vector<16xf32>
            %ge3A_404 = arith.cmpf oge, %add3A_402, %broadcast_in_dim3A_163 : vector<16xf32>
            %add3A_405 = arith.addi %broadcast_in_dim3A_383, %get3A_323 : vector<16xi32>
            tpu.vector_store_idx %arg13[%add3A_405], %exp3A_403 masked %ge3A_404 {add = true} : memref<65536xf32, #tpu.memory_space<vmem>>[vector<16xi32>], vector<16xf32>, vector<16xi1>
            %add3A_406 = arith.addf %broadcast_in_dim3A_379, %get3A_203 : vector<16xf32>
            %mul3A_407 = arith.mulf %broadcast_in_dim3A_378, %get3A_267 : vector<16xf32>
            %add3A_408 = arith.addf %add3A_406, %mul3A_407 : vector<16xf32>
            %exp3A_409 = math.exp %add3A_408 : vector<16xf32>
            %ge3A_410 = arith.cmpf oge, %add3A_408, %broadcast_in_dim3A_163 : vector<16xf32>
            %add3A_411 = arith.addi %broadcast_in_dim3A_383, %get3A_331 : vector<16xi32>
            tpu.vector_store_idx %arg13[%add3A_411], %exp3A_409 masked %ge3A_410 {add = true} : memref<65536xf32, #tpu.memory_space<vmem>>[vector<16xi32>], vector<16xf32>, vector<16xi1>
            %add3A_412 = arith.addf %broadcast_in_dim3A_379, %get3A_211 : vector<16xf32>
            %mul3A_413 = arith.mulf %broadcast_in_dim3A_378, %get3A_275 : vector<16xf32>
            %add3A_414 = arith.addf %add3A_412, %mul3A_413 : vector<16xf32>
            %exp3A_415 = math.exp %add3A_414 : vector<16xf32>
            %ge3A_416 = arith.cmpf oge, %add3A_414, %broadcast_in_dim3A_163 : vector<16xf32>
            %add3A_417 = arith.addi %broadcast_in_dim3A_383, %get3A_339 : vector<16xi32>
            tpu.vector_store_idx %arg13[%add3A_417], %exp3A_415 masked %ge3A_416 {add = true} : memref<65536xf32, #tpu.memory_space<vmem>>[vector<16xi32>], vector<16xf32>, vector<16xi1>
            %add3A_418 = arith.addf %broadcast_in_dim3A_379, %get3A_219 : vector<16xf32>
            %mul3A_419 = arith.mulf %broadcast_in_dim3A_378, %get3A_283 : vector<16xf32>
            %add3A_420 = arith.addf %add3A_418, %mul3A_419 : vector<16xf32>
            %exp3A_421 = math.exp %add3A_420 : vector<16xf32>
            %ge3A_422 = arith.cmpf oge, %add3A_420, %broadcast_in_dim3A_163 : vector<16xf32>
            %add3A_423 = arith.addi %broadcast_in_dim3A_383, %get3A_347 : vector<16xi32>
            tpu.vector_store_idx %arg13[%add3A_423], %exp3A_421 masked %ge3A_422 {add = true} : memref<65536xf32, #tpu.memory_space<vmem>>[vector<16xi32>], vector<16xf32>, vector<16xi1>
            %add3A_424 = arith.addf %broadcast_in_dim3A_379, %get3A_227 : vector<16xf32>
            %mul3A_425 = arith.mulf %broadcast_in_dim3A_378, %get3A_291 : vector<16xf32>
            %add3A_426 = arith.addf %add3A_424, %mul3A_425 : vector<16xf32>
            %exp3A_427 = math.exp %add3A_426 : vector<16xf32>
            %ge3A_428 = arith.cmpf oge, %add3A_426, %broadcast_in_dim3A_163 : vector<16xf32>
            %add3A_429 = arith.addi %broadcast_in_dim3A_383, %get3A_355 : vector<16xi32>
            tpu.vector_store_idx %arg13[%add3A_429], %exp3A_427 masked %ge3A_428 {add = true} : memref<65536xf32, #tpu.memory_space<vmem>>[vector<16xi32>], vector<16xf32>, vector<16xi1>
          }
        }
        %while3A_138 = arith.constant 1 : i32
        scf.for %while3A_145 = %while3A_136 to %while3A_132 step %while3A_138  : i32 {
          %mul3A_146 = arith.constant 16 : i32
          %mul3A_147 = arith.muli %while3A_145, %mul3A_146 : i32
          %add3A_148 = arith.constant 1024 : i32
          %add3A_149 = arith.addi %add3A_148, %mul3A_147 : i32
          %get3A_150 = arith.index_cast %add3A_149 : i32 to index
          %get3A_151 = tpu.vector_load %arg9[%get3A_150] {strides = array<i32>} : memref<2048xf32, #tpu.memory_space<vmem>>, vector<16xf32>,
          %slice3A_152 = vector.extract_strided_slice %get3A_151 {offsets = [0], sizes = [1], strides = [1]} : vector<16xf32> to vector<1xf32>
          %squeeze3A_153 = vector.extract %slice3A_152[0] : f32 from vector<1xf32>
          %slice3A_154 = vector.extract_strided_slice %get3A_151 {offsets = [3], sizes = [1], strides = [1]} : vector<16xf32> to vector<1xf32>
          %squeeze3A_155 = vector.extract %slice3A_154[0] : f32 from vector<1xf32>
          %slice3A_156 = vector.extract_strided_slice %get3A_151 {offsets = [10], sizes = [1], strides = [1]} : vector<16xf32> to vector<1xf32>
          %squeeze3A_157 = vector.extract %slice3A_156[0] : f32 from vector<1xf32>
          %convert_element_type3A_158 = arith.fptosi %squeeze3A_157 : f32 to i32
          %slice3A_159 = vector.extract_strided_slice %get3A_151 {offsets = [13], sizes = [1], strides = [1]} : vector<16xf32> to vector<1xf32>
          %squeeze3A_160 = vector.extract %slice3A_159[0] : f32 from vector<1xf32>
          %add3A_161 = arith.constant -4.500000e+00 : f32
          %add3A_162 = arith.addf %squeeze3A_160, %add3A_161 : f32
          %broadcast_in_dim3A_163 = vector.broadcast %add3A_162 : f32 to vector<16xf32>
          %mul3A_164 = arith.constant 128 : i32
          %mul3A_165 = arith.muli %while3A_145, %mul3A_164 : i32
          %add3A_166 = arith.constant 8192 : i32
          %add3A_167 = arith.addi %add3A_166, %mul3A_165 : i32
          %add3A_168 = arith.constant 0 : i32
          %add3A_169 = arith.addi %add3A_167, %add3A_168 : i32
          %get3A_170 = arith.index_cast %add3A_169 : i32 to index
          %get3A_171 = tpu.vector_load %arg10[%get3A_170] {strides = array<i32>} : memref<16384xf32, #tpu.memory_space<vmem>>, vector<16xf32>,
          %mul3A_172 = arith.constant 128 : i32
          %mul3A_173 = arith.muli %while3A_145, %mul3A_172 : i32
          %add3A_174 = arith.constant 8192 : i32
          %add3A_175 = arith.addi %add3A_174, %mul3A_173 : i32
          %add3A_176 = arith.constant 16 : i32
          %add3A_177 = arith.addi %add3A_175, %add3A_176 : i32
          %get3A_178 = arith.index_cast %add3A_177 : i32 to index
          %get3A_179 = tpu.vector_load %arg10[%get3A_178] {strides = array<i32>} : memref<16384xf32, #tpu.memory_space<vmem>>, vector<16xf32>,
          %mul3A_180 = arith.constant 128 : i32
          %mul3A_181 = arith.muli %while3A_145, %mul3A_180 : i32
          %add3A_182 = arith.constant 8192 : i32
          %add3A_183 = arith.addi %add3A_182, %mul3A_181 : i32
          %add3A_184 = arith.constant 32 : i32
          %add3A_185 = arith.addi %add3A_183, %add3A_184 : i32
          %get3A_186 = arith.index_cast %add3A_185 : i32 to index
          %get3A_187 = tpu.vector_load %arg10[%get3A_186] {strides = array<i32>} : memref<16384xf32, #tpu.memory_space<vmem>>, vector<16xf32>,
          %mul3A_188 = arith.constant 128 : i32
          %mul3A_189 = arith.muli %while3A_145, %mul3A_188 : i32
          %add3A_190 = arith.constant 8192 : i32
          %add3A_191 = arith.addi %add3A_190, %mul3A_189 : i32
          %add3A_192 = arith.constant 48 : i32
          %add3A_193 = arith.addi %add3A_191, %add3A_192 : i32
          %get3A_194 = arith.index_cast %add3A_193 : i32 to index
          %get3A_195 = tpu.vector_load %arg10[%get3A_194] {strides = array<i32>} : memref<16384xf32, #tpu.memory_space<vmem>>, vector<16xf32>,
          %mul3A_196 = arith.constant 128 : i32
          %mul3A_197 = arith.muli %while3A_145, %mul3A_196 : i32
          %add3A_198 = arith.constant 8192 : i32
          %add3A_199 = arith.addi %add3A_198, %mul3A_197 : i32
          %add3A_200 = arith.constant 64 : i32
          %add3A_201 = arith.addi %add3A_199, %add3A_200 : i32
          %get3A_202 = arith.index_cast %add3A_201 : i32 to index
          %get3A_203 = tpu.vector_load %arg10[%get3A_202] {strides = array<i32>} : memref<16384xf32, #tpu.memory_space<vmem>>, vector<16xf32>,
          %mul3A_204 = arith.constant 128 : i32
          %mul3A_205 = arith.muli %while3A_145, %mul3A_204 : i32
          %add3A_206 = arith.constant 8192 : i32
          %add3A_207 = arith.addi %add3A_206, %mul3A_205 : i32
          %add3A_208 = arith.constant 80 : i32
          %add3A_209 = arith.addi %add3A_207, %add3A_208 : i32
          %get3A_210 = arith.index_cast %add3A_209 : i32 to index
          %get3A_211 = tpu.vector_load %arg10[%get3A_210] {strides = array<i32>} : memref<16384xf32, #tpu.memory_space<vmem>>, vector<16xf32>,
          %mul3A_212 = arith.constant 128 : i32
          %mul3A_213 = arith.muli %while3A_145, %mul3A_212 : i32
          %add3A_214 = arith.constant 8192 : i32
          %add3A_215 = arith.addi %add3A_214, %mul3A_213 : i32
          %add3A_216 = arith.constant 96 : i32
          %add3A_217 = arith.addi %add3A_215, %add3A_216 : i32
          %get3A_218 = arith.index_cast %add3A_217 : i32 to index
          %get3A_219 = tpu.vector_load %arg10[%get3A_218] {strides = array<i32>} : memref<16384xf32, #tpu.memory_space<vmem>>, vector<16xf32>,
          %mul3A_220 = arith.constant 128 : i32
          %mul3A_221 = arith.muli %while3A_145, %mul3A_220 : i32
          %add3A_222 = arith.constant 8192 : i32
          %add3A_223 = arith.addi %add3A_222, %mul3A_221 : i32
          %add3A_224 = arith.constant 112 : i32
          %add3A_225 = arith.addi %add3A_223, %add3A_224 : i32
          %get3A_226 = arith.index_cast %add3A_225 : i32 to index
          %get3A_227 = tpu.vector_load %arg10[%get3A_226] {strides = array<i32>} : memref<16384xf32, #tpu.memory_space<vmem>>, vector<16xf32>,
          %mul3A_228 = arith.constant 128 : i32
          %mul3A_229 = arith.muli %while3A_145, %mul3A_228 : i32
          %add3A_230 = arith.constant 8192 : i32
          %add3A_231 = arith.addi %add3A_230, %mul3A_229 : i32
          %add3A_232 = arith.constant 0 : i32
          %add3A_233 = arith.addi %add3A_231, %add3A_232 : i32
          %get3A_234 = arith.index_cast %add3A_233 : i32 to index
          %get3A_235 = tpu.vector_load %arg11[%get3A_234] {strides = array<i32>} : memref<16384xf32, #tpu.memory_space<vmem>>, vector<16xf32>,
          %mul3A_236 = arith.constant 128 : i32
          %mul3A_237 = arith.muli %while3A_145, %mul3A_236 : i32
          %add3A_238 = arith.constant 8192 : i32
          %add3A_239 = arith.addi %add3A_238, %mul3A_237 : i32
          %add3A_240 = arith.constant 16 : i32
          %add3A_241 = arith.addi %add3A_239, %add3A_240 : i32
          %get3A_242 = arith.index_cast %add3A_241 : i32 to index
          %get3A_243 = tpu.vector_load %arg11[%get3A_242] {strides = array<i32>} : memref<16384xf32, #tpu.memory_space<vmem>>, vector<16xf32>,
          %mul3A_244 = arith.constant 128 : i32
          %mul3A_245 = arith.muli %while3A_145, %mul3A_244 : i32
          %add3A_246 = arith.constant 8192 : i32
          %add3A_247 = arith.addi %add3A_246, %mul3A_245 : i32
          %add3A_248 = arith.constant 32 : i32
          %add3A_249 = arith.addi %add3A_247, %add3A_248 : i32
          %get3A_250 = arith.index_cast %add3A_249 : i32 to index
          %get3A_251 = tpu.vector_load %arg11[%get3A_250] {strides = array<i32>} : memref<16384xf32, #tpu.memory_space<vmem>>, vector<16xf32>,
          %mul3A_252 = arith.constant 128 : i32
          %mul3A_253 = arith.muli %while3A_145, %mul3A_252 : i32
          %add3A_254 = arith.constant 8192 : i32
          %add3A_255 = arith.addi %add3A_254, %mul3A_253 : i32
          %add3A_256 = arith.constant 48 : i32
          %add3A_257 = arith.addi %add3A_255, %add3A_256 : i32
          %get3A_258 = arith.index_cast %add3A_257 : i32 to index
          %get3A_259 = tpu.vector_load %arg11[%get3A_258] {strides = array<i32>} : memref<16384xf32, #tpu.memory_space<vmem>>, vector<16xf32>,
          %mul3A_260 = arith.constant 128 : i32
          %mul3A_261 = arith.muli %while3A_145, %mul3A_260 : i32
          %add3A_262 = arith.constant 8192 : i32
          %add3A_263 = arith.addi %add3A_262, %mul3A_261 : i32
          %add3A_264 = arith.constant 64 : i32
          %add3A_265 = arith.addi %add3A_263, %add3A_264 : i32
          %get3A_266 = arith.index_cast %add3A_265 : i32 to index
          %get3A_267 = tpu.vector_load %arg11[%get3A_266] {strides = array<i32>} : memref<16384xf32, #tpu.memory_space<vmem>>, vector<16xf32>,
          %mul3A_268 = arith.constant 128 : i32
          %mul3A_269 = arith.muli %while3A_145, %mul3A_268 : i32
          %add3A_270 = arith.constant 8192 : i32
          %add3A_271 = arith.addi %add3A_270, %mul3A_269 : i32
          %add3A_272 = arith.constant 80 : i32
          %add3A_273 = arith.addi %add3A_271, %add3A_272 : i32
          %get3A_274 = arith.index_cast %add3A_273 : i32 to index
          %get3A_275 = tpu.vector_load %arg11[%get3A_274] {strides = array<i32>} : memref<16384xf32, #tpu.memory_space<vmem>>, vector<16xf32>,
          %mul3A_276 = arith.constant 128 : i32
          %mul3A_277 = arith.muli %while3A_145, %mul3A_276 : i32
          %add3A_278 = arith.constant 8192 : i32
          %add3A_279 = arith.addi %add3A_278, %mul3A_277 : i32
          %add3A_280 = arith.constant 96 : i32
          %add3A_281 = arith.addi %add3A_279, %add3A_280 : i32
          %get3A_282 = arith.index_cast %add3A_281 : i32 to index
          %get3A_283 = tpu.vector_load %arg11[%get3A_282] {strides = array<i32>} : memref<16384xf32, #tpu.memory_space<vmem>>, vector<16xf32>,
          %mul3A_284 = arith.constant 128 : i32
          %mul3A_285 = arith.muli %while3A_145, %mul3A_284 : i32
          %add3A_286 = arith.constant 8192 : i32
          %add3A_287 = arith.addi %add3A_286, %mul3A_285 : i32
          %add3A_288 = arith.constant 112 : i32
          %add3A_289 = arith.addi %add3A_287, %add3A_288 : i32
          %get3A_290 = arith.index_cast %add3A_289 : i32 to index
          %get3A_291 = tpu.vector_load %arg11[%get3A_290] {strides = array<i32>} : memref<16384xf32, #tpu.memory_space<vmem>>, vector<16xf32>,
          %mul3A_292 = arith.constant 128 : i32
          %mul3A_293 = arith.muli %while3A_145, %mul3A_292 : i32
          %add3A_294 = arith.constant 8192 : i32
          %add3A_295 = arith.addi %add3A_294, %mul3A_293 : i32
          %add3A_296 = arith.constant 0 : i32
          %add3A_297 = arith.addi %add3A_295, %add3A_296 : i32
          %get3A_298 = arith.index_cast %add3A_297 : i32 to index
          %get3A_299 = tpu.vector_load %arg12[%get3A_298] {strides = array<i32>} : memref<16384xi32, #tpu.memory_space<vmem>>, vector<16xi32>,
          %mul3A_300 = arith.constant 128 : i32
          %mul3A_301 = arith.muli %while3A_145, %mul3A_300 : i32
          %add3A_302 = arith.constant 8192 : i32
          %add3A_303 = arith.addi %add3A_302, %mul3A_301 : i32
          %add3A_304 = arith.constant 16 : i32
          %add3A_305 = arith.addi %add3A_303, %add3A_304 : i32
          %get3A_306 = arith.index_cast %add3A_305 : i32 to index
          %get3A_307 = tpu.vector_load %arg12[%get3A_306] {strides = array<i32>} : memref<16384xi32, #tpu.memory_space<vmem>>, vector<16xi32>,
          %mul3A_308 = arith.constant 128 : i32
          %mul3A_309 = arith.muli %while3A_145, %mul3A_308 : i32
          %add3A_310 = arith.constant 8192 : i32
          %add3A_311 = arith.addi %add3A_310, %mul3A_309 : i32
          %add3A_312 = arith.constant 32 : i32
          %add3A_313 = arith.addi %add3A_311, %add3A_312 : i32
          %get3A_314 = arith.index_cast %add3A_313 : i32 to index
          %get3A_315 = tpu.vector_load %arg12[%get3A_314] {strides = array<i32>} : memref<16384xi32, #tpu.memory_space<vmem>>, vector<16xi32>,
          %mul3A_316 = arith.constant 128 : i32
          %mul3A_317 = arith.muli %while3A_145, %mul3A_316 : i32
          %add3A_318 = arith.constant 8192 : i32
          %add3A_319 = arith.addi %add3A_318, %mul3A_317 : i32
          %add3A_320 = arith.constant 48 : i32
          %add3A_321 = arith.addi %add3A_319, %add3A_320 : i32
          %get3A_322 = arith.index_cast %add3A_321 : i32 to index
          %get3A_323 = tpu.vector_load %arg12[%get3A_322] {strides = array<i32>} : memref<16384xi32, #tpu.memory_space<vmem>>, vector<16xi32>,
          %mul3A_324 = arith.constant 128 : i32
          %mul3A_325 = arith.muli %while3A_145, %mul3A_324 : i32
          %add3A_326 = arith.constant 8192 : i32
          %add3A_327 = arith.addi %add3A_326, %mul3A_325 : i32
          %add3A_328 = arith.constant 64 : i32
          %add3A_329 = arith.addi %add3A_327, %add3A_328 : i32
          %get3A_330 = arith.index_cast %add3A_329 : i32 to index
          %get3A_331 = tpu.vector_load %arg12[%get3A_330] {strides = array<i32>} : memref<16384xi32, #tpu.memory_space<vmem>>, vector<16xi32>,
          %mul3A_332 = arith.constant 128 : i32
          %mul3A_333 = arith.muli %while3A_145, %mul3A_332 : i32
          %add3A_334 = arith.constant 8192 : i32
          %add3A_335 = arith.addi %add3A_334, %mul3A_333 : i32
          %add3A_336 = arith.constant 80 : i32
          %add3A_337 = arith.addi %add3A_335, %add3A_336 : i32
          %get3A_338 = arith.index_cast %add3A_337 : i32 to index
          %get3A_339 = tpu.vector_load %arg12[%get3A_338] {strides = array<i32>} : memref<16384xi32, #tpu.memory_space<vmem>>, vector<16xi32>,
          %mul3A_340 = arith.constant 128 : i32
          %mul3A_341 = arith.muli %while3A_145, %mul3A_340 : i32
          %add3A_342 = arith.constant 8192 : i32
          %add3A_343 = arith.addi %add3A_342, %mul3A_341 : i32
          %add3A_344 = arith.constant 96 : i32
          %add3A_345 = arith.addi %add3A_343, %add3A_344 : i32
          %get3A_346 = arith.index_cast %add3A_345 : i32 to index
          %get3A_347 = tpu.vector_load %arg12[%get3A_346] {strides = array<i32>} : memref<16384xi32, #tpu.memory_space<vmem>>, vector<16xi32>,
          %mul3A_348 = arith.constant 128 : i32
          %mul3A_349 = arith.muli %while3A_145, %mul3A_348 : i32
          %add3A_350 = arith.constant 8192 : i32
          %add3A_351 = arith.addi %add3A_350, %mul3A_349 : i32
          %add3A_352 = arith.constant 112 : i32
          %add3A_353 = arith.addi %add3A_351, %add3A_352 : i32
          %get3A_354 = arith.index_cast %add3A_353 : i32 to index
          %get3A_355 = tpu.vector_load %arg12[%get3A_354] {strides = array<i32>} : memref<16384xi32, #tpu.memory_space<vmem>>, vector<16xi32>,
          %slice3A_356 = vector.extract_strided_slice %get3A_151 {offsets = [14], sizes = [1], strides = [1]} : vector<16xf32> to vector<1xf32>
          %squeeze3A_357 = vector.extract %slice3A_356[0] : f32 from vector<1xf32>
          %convert_element_type3A_358 = arith.fptosi %squeeze3A_357 : f32 to i32
          %sub3A_359 = arith.subi %convert_element_type3A_158, %convert_element_type3A_358 : i32
          %max3A = arith.maxsi %sub3A_359, %mul3A_2 : i32
          %add3A_360 = arith.addi %convert_element_type3A_158, %convert_element_type3A_358 : i32
          %add3A_361 = arith.constant 1 : i32
          %add3A_362 = arith.addi %add3A_360, %add3A_361 : i32
          %min3A_363 = arith.minsi %add3A_362, %add3A_4 : i32
          %while3A_364 = arith.subi %min3A_363, %max3A : i32
          %while3A_365 = arith.addi %max3A, %while3A_364 : i32
          %while3A_366 = arith.constant 1 : i32
          %while3A_367 = arith.divsi %while3A_364, %while3A_366 : i32
          %while3A_368 = arith.muli %while3A_367, %while3A_366 : i32
          %while3A_369 = arith.addi %max3A, %while3A_368 : i32
          %while3A_370 = arith.constant 1 : i32
          scf.for %while3A_372 = %max3A to %while3A_369 step %while3A_370  : i32 {
            %convert_element_type3A_373 = arith.sitofp %while3A_372 : i32 to f32
            %sub3A_374 = arith.subf %convert_element_type3A_373, %squeeze3A_153 : f32
            %mul3A_375 = arith.mulf %sub3A_374, %while3A : f32
            %mul3A_376 = arith.mulf %squeeze3A_155, %mul3A_375 : f32
            %mul3A_377 = arith.mulf %mul3A_376, %mul3A_375 : f32
            %broadcast_in_dim3A_378 = vector.broadcast %mul3A_375 : f32 to vector<16xf32>
            %broadcast_in_dim3A_379 = vector.broadcast %mul3A_377 : f32 to vector<16xf32>
            %sub3A_380 = arith.subi %while3A_372, %mul3A_2 : i32
            %mul3A_381 = arith.constant 16384 : i32
            %mul3A_382 = arith.muli %sub3A_380, %mul3A_381 : i32
            %broadcast_in_dim3A_383 = vector.broadcast %mul3A_382 : i32 to vector<16xi32>
            %add3A_384 = arith.addf %broadcast_in_dim3A_379, %get3A_171 : vector<16xf32>
            %mul3A_385 = arith.mulf %broadcast_in_dim3A_378, %get3A_235 : vector<16xf32>
            %add3A_386 = arith.addf %add3A_384, %mul3A_385 : vector<16xf32>
            %exp3A = math.exp %add3A_386 : vector<16xf32>
            %ge3A = arith.cmpf oge, %add3A_386, %broadcast_in_dim3A_163 : vector<16xf32>
            %add3A_387 = arith.addi %broadcast_in_dim3A_383, %get3A_299 : vector<16xi32>
            tpu.vector_store_idx %arg13[%add3A_387], %exp3A masked %ge3A {add = true} : memref<65536xf32, #tpu.memory_space<vmem>>[vector<16xi32>], vector<16xf32>, vector<16xi1>
            %add3A_388 = arith.addf %broadcast_in_dim3A_379, %get3A_179 : vector<16xf32>
            %mul3A_389 = arith.mulf %broadcast_in_dim3A_378, %get3A_243 : vector<16xf32>
            %add3A_390 = arith.addf %add3A_388, %mul3A_389 : vector<16xf32>
            %exp3A_391 = math.exp %add3A_390 : vector<16xf32>
            %ge3A_392 = arith.cmpf oge, %add3A_390, %broadcast_in_dim3A_163 : vector<16xf32>
            %add3A_393 = arith.addi %broadcast_in_dim3A_383, %get3A_307 : vector<16xi32>
            tpu.vector_store_idx %arg13[%add3A_393], %exp3A_391 masked %ge3A_392 {add = true} : memref<65536xf32, #tpu.memory_space<vmem>>[vector<16xi32>], vector<16xf32>, vector<16xi1>
            %add3A_394 = arith.addf %broadcast_in_dim3A_379, %get3A_187 : vector<16xf32>
            %mul3A_395 = arith.mulf %broadcast_in_dim3A_378, %get3A_251 : vector<16xf32>
            %add3A_396 = arith.addf %add3A_394, %mul3A_395 : vector<16xf32>
            %exp3A_397 = math.exp %add3A_396 : vector<16xf32>
            %ge3A_398 = arith.cmpf oge, %add3A_396, %broadcast_in_dim3A_163 : vector<16xf32>
            %add3A_399 = arith.addi %broadcast_in_dim3A_383, %get3A_315 : vector<16xi32>
            tpu.vector_store_idx %arg13[%add3A_399], %exp3A_397 masked %ge3A_398 {add = true} : memref<65536xf32, #tpu.memory_space<vmem>>[vector<16xi32>], vector<16xf32>, vector<16xi1>
            %add3A_400 = arith.addf %broadcast_in_dim3A_379, %get3A_195 : vector<16xf32>
            %mul3A_401 = arith.mulf %broadcast_in_dim3A_378, %get3A_259 : vector<16xf32>
            %add3A_402 = arith.addf %add3A_400, %mul3A_401 : vector<16xf32>
            %exp3A_403 = math.exp %add3A_402 : vector<16xf32>
            %ge3A_404 = arith.cmpf oge, %add3A_402, %broadcast_in_dim3A_163 : vector<16xf32>
            %add3A_405 = arith.addi %broadcast_in_dim3A_383, %get3A_323 : vector<16xi32>
            tpu.vector_store_idx %arg13[%add3A_405], %exp3A_403 masked %ge3A_404 {add = true} : memref<65536xf32, #tpu.memory_space<vmem>>[vector<16xi32>], vector<16xf32>, vector<16xi1>
            %add3A_406 = arith.addf %broadcast_in_dim3A_379, %get3A_203 : vector<16xf32>
            %mul3A_407 = arith.mulf %broadcast_in_dim3A_378, %get3A_267 : vector<16xf32>
            %add3A_408 = arith.addf %add3A_406, %mul3A_407 : vector<16xf32>
            %exp3A_409 = math.exp %add3A_408 : vector<16xf32>
            %ge3A_410 = arith.cmpf oge, %add3A_408, %broadcast_in_dim3A_163 : vector<16xf32>
            %add3A_411 = arith.addi %broadcast_in_dim3A_383, %get3A_331 : vector<16xi32>
            tpu.vector_store_idx %arg13[%add3A_411], %exp3A_409 masked %ge3A_410 {add = true} : memref<65536xf32, #tpu.memory_space<vmem>>[vector<16xi32>], vector<16xf32>, vector<16xi1>
            %add3A_412 = arith.addf %broadcast_in_dim3A_379, %get3A_211 : vector<16xf32>
            %mul3A_413 = arith.mulf %broadcast_in_dim3A_378, %get3A_275 : vector<16xf32>
            %add3A_414 = arith.addf %add3A_412, %mul3A_413 : vector<16xf32>
            %exp3A_415 = math.exp %add3A_414 : vector<16xf32>
            %ge3A_416 = arith.cmpf oge, %add3A_414, %broadcast_in_dim3A_163 : vector<16xf32>
            %add3A_417 = arith.addi %broadcast_in_dim3A_383, %get3A_339 : vector<16xi32>
            tpu.vector_store_idx %arg13[%add3A_417], %exp3A_415 masked %ge3A_416 {add = true} : memref<65536xf32, #tpu.memory_space<vmem>>[vector<16xi32>], vector<16xf32>, vector<16xi1>
            %add3A_418 = arith.addf %broadcast_in_dim3A_379, %get3A_219 : vector<16xf32>
            %mul3A_419 = arith.mulf %broadcast_in_dim3A_378, %get3A_283 : vector<16xf32>
            %add3A_420 = arith.addf %add3A_418, %mul3A_419 : vector<16xf32>
            %exp3A_421 = math.exp %add3A_420 : vector<16xf32>
            %ge3A_422 = arith.cmpf oge, %add3A_420, %broadcast_in_dim3A_163 : vector<16xf32>
            %add3A_423 = arith.addi %broadcast_in_dim3A_383, %get3A_347 : vector<16xi32>
            tpu.vector_store_idx %arg13[%add3A_423], %exp3A_421 masked %ge3A_422 {add = true} : memref<65536xf32, #tpu.memory_space<vmem>>[vector<16xi32>], vector<16xf32>, vector<16xi1>
            %add3A_424 = arith.addf %broadcast_in_dim3A_379, %get3A_227 : vector<16xf32>
            %mul3A_425 = arith.mulf %broadcast_in_dim3A_378, %get3A_291 : vector<16xf32>
            %add3A_426 = arith.addf %add3A_424, %mul3A_425 : vector<16xf32>
            %exp3A_427 = math.exp %add3A_426 : vector<16xf32>
            %ge3A_428 = arith.cmpf oge, %add3A_426, %broadcast_in_dim3A_163 : vector<16xf32>
            %add3A_429 = arith.addi %broadcast_in_dim3A_383, %get3A_355 : vector<16xi32>
            tpu.vector_store_idx %arg13[%add3A_429], %exp3A_427 masked %ge3A_428 {add = true} : memref<65536xf32, #tpu.memory_space<vmem>>[vector<16xi32>], vector<16xf32>, vector<16xi1>
          }
          %while3A_371 = arith.constant 1 : i32
          scf.for %while3A_372 = %while3A_369 to %while3A_365 step %while3A_371  : i32 {
            %convert_element_type3A_373 = arith.sitofp %while3A_372 : i32 to f32
            %sub3A_374 = arith.subf %convert_element_type3A_373, %squeeze3A_153 : f32
            %mul3A_375 = arith.mulf %sub3A_374, %while3A : f32
            %mul3A_376 = arith.mulf %squeeze3A_155, %mul3A_375 : f32
            %mul3A_377 = arith.mulf %mul3A_376, %mul3A_375 : f32
            %broadcast_in_dim3A_378 = vector.broadcast %mul3A_375 : f32 to vector<16xf32>
            %broadcast_in_dim3A_379 = vector.broadcast %mul3A_377 : f32 to vector<16xf32>
            %sub3A_380 = arith.subi %while3A_372, %mul3A_2 : i32
            %mul3A_381 = arith.constant 16384 : i32
            %mul3A_382 = arith.muli %sub3A_380, %mul3A_381 : i32
            %broadcast_in_dim3A_383 = vector.broadcast %mul3A_382 : i32 to vector<16xi32>
            %add3A_384 = arith.addf %broadcast_in_dim3A_379, %get3A_171 : vector<16xf32>
            %mul3A_385 = arith.mulf %broadcast_in_dim3A_378, %get3A_235 : vector<16xf32>
            %add3A_386 = arith.addf %add3A_384, %mul3A_385 : vector<16xf32>
            %exp3A = math.exp %add3A_386 : vector<16xf32>
            %ge3A = arith.cmpf oge, %add3A_386, %broadcast_in_dim3A_163 : vector<16xf32>
            %add3A_387 = arith.addi %broadcast_in_dim3A_383, %get3A_299 : vector<16xi32>
            tpu.vector_store_idx %arg13[%add3A_387], %exp3A masked %ge3A {add = true} : memref<65536xf32, #tpu.memory_space<vmem>>[vector<16xi32>], vector<16xf32>, vector<16xi1>
            %add3A_388 = arith.addf %broadcast_in_dim3A_379, %get3A_179 : vector<16xf32>
            %mul3A_389 = arith.mulf %broadcast_in_dim3A_378, %get3A_243 : vector<16xf32>
            %add3A_390 = arith.addf %add3A_388, %mul3A_389 : vector<16xf32>
            %exp3A_391 = math.exp %add3A_390 : vector<16xf32>
            %ge3A_392 = arith.cmpf oge, %add3A_390, %broadcast_in_dim3A_163 : vector<16xf32>
            %add3A_393 = arith.addi %broadcast_in_dim3A_383, %get3A_307 : vector<16xi32>
            tpu.vector_store_idx %arg13[%add3A_393], %exp3A_391 masked %ge3A_392 {add = true} : memref<65536xf32, #tpu.memory_space<vmem>>[vector<16xi32>], vector<16xf32>, vector<16xi1>
            %add3A_394 = arith.addf %broadcast_in_dim3A_379, %get3A_187 : vector<16xf32>
            %mul3A_395 = arith.mulf %broadcast_in_dim3A_378, %get3A_251 : vector<16xf32>
            %add3A_396 = arith.addf %add3A_394, %mul3A_395 : vector<16xf32>
            %exp3A_397 = math.exp %add3A_396 : vector<16xf32>
            %ge3A_398 = arith.cmpf oge, %add3A_396, %broadcast_in_dim3A_163 : vector<16xf32>
            %add3A_399 = arith.addi %broadcast_in_dim3A_383, %get3A_315 : vector<16xi32>
            tpu.vector_store_idx %arg13[%add3A_399], %exp3A_397 masked %ge3A_398 {add = true} : memref<65536xf32, #tpu.memory_space<vmem>>[vector<16xi32>], vector<16xf32>, vector<16xi1>
            %add3A_400 = arith.addf %broadcast_in_dim3A_379, %get3A_195 : vector<16xf32>
            %mul3A_401 = arith.mulf %broadcast_in_dim3A_378, %get3A_259 : vector<16xf32>
            %add3A_402 = arith.addf %add3A_400, %mul3A_401 : vector<16xf32>
            %exp3A_403 = math.exp %add3A_402 : vector<16xf32>
            %ge3A_404 = arith.cmpf oge, %add3A_402, %broadcast_in_dim3A_163 : vector<16xf32>
            %add3A_405 = arith.addi %broadcast_in_dim3A_383, %get3A_323 : vector<16xi32>
            tpu.vector_store_idx %arg13[%add3A_405], %exp3A_403 masked %ge3A_404 {add = true} : memref<65536xf32, #tpu.memory_space<vmem>>[vector<16xi32>], vector<16xf32>, vector<16xi1>
            %add3A_406 = arith.addf %broadcast_in_dim3A_379, %get3A_203 : vector<16xf32>
            %mul3A_407 = arith.mulf %broadcast_in_dim3A_378, %get3A_267 : vector<16xf32>
            %add3A_408 = arith.addf %add3A_406, %mul3A_407 : vector<16xf32>
            %exp3A_409 = math.exp %add3A_408 : vector<16xf32>
            %ge3A_410 = arith.cmpf oge, %add3A_408, %broadcast_in_dim3A_163 : vector<16xf32>
            %add3A_411 = arith.addi %broadcast_in_dim3A_383, %get3A_331 : vector<16xi32>
            tpu.vector_store_idx %arg13[%add3A_411], %exp3A_409 masked %ge3A_410 {add = true} : memref<65536xf32, #tpu.memory_space<vmem>>[vector<16xi32>], vector<16xf32>, vector<16xi1>
            %add3A_412 = arith.addf %broadcast_in_dim3A_379, %get3A_211 : vector<16xf32>
            %mul3A_413 = arith.mulf %broadcast_in_dim3A_378, %get3A_275 : vector<16xf32>
            %add3A_414 = arith.addf %add3A_412, %mul3A_413 : vector<16xf32>
            %exp3A_415 = math.exp %add3A_414 : vector<16xf32>
            %ge3A_416 = arith.cmpf oge, %add3A_414, %broadcast_in_dim3A_163 : vector<16xf32>
            %add3A_417 = arith.addi %broadcast_in_dim3A_383, %get3A_339 : vector<16xi32>
            tpu.vector_store_idx %arg13[%add3A_417], %exp3A_415 masked %ge3A_416 {add = true} : memref<65536xf32, #tpu.memory_space<vmem>>[vector<16xi32>], vector<16xf32>, vector<16xi1>
            %add3A_418 = arith.addf %broadcast_in_dim3A_379, %get3A_219 : vector<16xf32>
            %mul3A_419 = arith.mulf %broadcast_in_dim3A_378, %get3A_283 : vector<16xf32>
            %add3A_420 = arith.addf %add3A_418, %mul3A_419 : vector<16xf32>
            %exp3A_421 = math.exp %add3A_420 : vector<16xf32>
            %ge3A_422 = arith.cmpf oge, %add3A_420, %broadcast_in_dim3A_163 : vector<16xf32>
            %add3A_423 = arith.addi %broadcast_in_dim3A_383, %get3A_347 : vector<16xi32>
            tpu.vector_store_idx %arg13[%add3A_423], %exp3A_421 masked %ge3A_422 {add = true} : memref<65536xf32, #tpu.memory_space<vmem>>[vector<16xi32>], vector<16xf32>, vector<16xi1>
            %add3A_424 = arith.addf %broadcast_in_dim3A_379, %get3A_227 : vector<16xf32>
            %mul3A_425 = arith.mulf %broadcast_in_dim3A_378, %get3A_291 : vector<16xf32>
            %add3A_426 = arith.addf %add3A_424, %mul3A_425 : vector<16xf32>
            %exp3A_427 = math.exp %add3A_426 : vector<16xf32>
            %ge3A_428 = arith.cmpf oge, %add3A_426, %broadcast_in_dim3A_163 : vector<16xf32>
            %add3A_429 = arith.addi %broadcast_in_dim3A_383, %get3A_355 : vector<16xi32>
            tpu.vector_store_idx %arg13[%add3A_429], %exp3A_427 masked %ge3A_428 {add = true} : memref<65536xf32, #tpu.memory_space<vmem>>[vector<16xi32>], vector<16xf32>, vector<16xi1>
          }
        }
        %add3A_139 = arith.constant 2 : i32
        %add3A_140 = arith.addi %add3A_89, %add3A_139 : i32
        %lt3A_141 = arith.cmpi slt, %add3A_140, %select_n3A : i32
        %convert_element_type3A_142 = arith.extui %lt3A_141 : i1 to i32
        %cond3A_143 = arith.constant 0 : i32
        %cond3A_144 = arith.cmpi ne, %convert_element_type3A_142, %cond3A_143 : i32
        scf.if %cond3A_144 {
          %add3A_145 = arith.constant 2 : i32
          %add3A_146 = arith.addi %add3A_89, %add3A_145 : i32
          %mul3A_147 = arith.constant 64 : i32
          %mul3A_148 = arith.muli %add3A_146, %mul3A_147 : i32
          %add3A_149 = arith.addi %squeeze3A, %mul3A_148 : i32
          %mul3A_150 = arith.constant 16 : i32
          %mul3A_151 = arith.muli %add3A_149, %mul3A_150 : i32
          %dma_start3A = arith.constant 1024 : i32
          %dma_start3A_152 = tpu.memref_slice %arg9[%dma_start3A] : memref<2048xf32, #tpu.memory_space<vmem>> -> memref<1024xf32, #tpu.memory_space<vmem>>
          %dma_start3A_153 = tpu.memref_slice %arg3[%mul3A_151] : memref<327680xf32, #tpu.memory_space<hbm>> -> memref<1024xf32, #tpu.memory_space<hbm>>
          %dma_start3A_154 = arith.constant 1024 : i32
          %dma_start3A_155 = tpu.memref_slice %arg9[%dma_start3A_154] : memref<2048xf32, #tpu.memory_space<vmem>> -> memref<1024xf32, #tpu.memory_space<vmem>>
          %dma_start3A_156 = tpu.memref_slice %arg3[%mul3A_151] : memref<327680xf32, #tpu.memory_space<hbm>> -> memref<1024xf32, #tpu.memory_space<hbm>>
          tpu.enqueue_dma source(%dma_start3A_156 : memref<1024xf32, #tpu.memory_space<hbm>>) target(%dma_start3A_155 : memref<1024xf32, #tpu.memory_space<vmem>>) target_semaphore(%arg15 : memref<!tpu.dma_semaphore, #tpu.memory_space<semaphore_mem>>)
          %mul3A_157 = arith.constant 128 : i32
          %mul3A_158 = arith.muli %add3A_149, %mul3A_157 : i32
          %dma_start3A_159 = arith.constant 8192 : i32
          %dma_start3A_160 = tpu.memref_slice %arg10[%dma_start3A_159] : memref<16384xf32, #tpu.memory_space<vmem>> -> memref<8192xf32, #tpu.memory_space<vmem>>
          %dma_start3A_161 = tpu.memref_slice %arg4[%mul3A_158] : memref<2621440xf32, #tpu.memory_space<hbm>> -> memref<8192xf32, #tpu.memory_space<hbm>>
          %dma_start3A_162 = arith.constant 8192 : i32
          %dma_start3A_163 = tpu.memref_slice %arg10[%dma_start3A_162] : memref<16384xf32, #tpu.memory_space<vmem>> -> memref<8192xf32, #tpu.memory_space<vmem>>
          %dma_start3A_164 = tpu.memref_slice %arg4[%mul3A_158] : memref<2621440xf32, #tpu.memory_space<hbm>> -> memref<8192xf32, #tpu.memory_space<hbm>>
          tpu.enqueue_dma source(%dma_start3A_164 : memref<8192xf32, #tpu.memory_space<hbm>>) target(%dma_start3A_163 : memref<8192xf32, #tpu.memory_space<vmem>>) target_semaphore(%arg15 : memref<!tpu.dma_semaphore, #tpu.memory_space<semaphore_mem>>)
          %mul3A_165 = arith.constant 128 : i32
          %mul3A_166 = arith.muli %add3A_149, %mul3A_165 : i32
          %dma_start3A_167 = arith.constant 8192 : i32
          %dma_start3A_168 = tpu.memref_slice %arg11[%dma_start3A_167] : memref<16384xf32, #tpu.memory_space<vmem>> -> memref<8192xf32, #tpu.memory_space<vmem>>
          %dma_start3A_169 = tpu.memref_slice %arg5[%mul3A_166] : memref<2621440xf32, #tpu.memory_space<hbm>> -> memref<8192xf32, #tpu.memory_space<hbm>>
          %dma_start3A_170 = arith.constant 8192 : i32
          %dma_start3A_171 = tpu.memref_slice %arg11[%dma_start3A_170] : memref<16384xf32, #tpu.memory_space<vmem>> -> memref<8192xf32, #tpu.memory_space<vmem>>
          %dma_start3A_172 = tpu.memref_slice %arg5[%mul3A_166] : memref<2621440xf32, #tpu.memory_space<hbm>> -> memref<8192xf32, #tpu.memory_space<hbm>>
          tpu.enqueue_dma source(%dma_start3A_172 : memref<8192xf32, #tpu.memory_space<hbm>>) target(%dma_start3A_171 : memref<8192xf32, #tpu.memory_space<vmem>>) target_semaphore(%arg15 : memref<!tpu.dma_semaphore, #tpu.memory_space<semaphore_mem>>)
          %mul3A_173 = arith.constant 128 : i32
          %mul3A_174 = arith.muli %add3A_149, %mul3A_173 : i32
          %dma_start3A_175 = arith.constant 8192 : i32
          %dma_start3A_176 = tpu.memref_slice %arg12[%dma_start3A_175] : memref<16384xi32, #tpu.memory_space<vmem>> -> memref<8192xi32, #tpu.memory_space<vmem>>
          %dma_start3A_177 = tpu.memref_slice %arg6[%mul3A_174] : memref<2621440xi32, #tpu.memory_space<hbm>> -> memref<8192xi32, #tpu.memory_space<hbm>>
          %dma_start3A_178 = arith.constant 8192 : i32
          %dma_start3A_179 = tpu.memref_slice %arg12[%dma_start3A_178] : memref<16384xi32, #tpu.memory_space<vmem>> -> memref<8192xi32, #tpu.memory_space<vmem>>
          %dma_start3A_180 = tpu.memref_slice %arg6[%mul3A_174] : memref<2621440xi32, #tpu.memory_space<hbm>> -> memref<8192xi32, #tpu.memory_space<hbm>>
          tpu.enqueue_dma source(%dma_start3A_180 : memref<8192xi32, #tpu.memory_space<hbm>>) target(%dma_start3A_179 : memref<8192xi32, #tpu.memory_space<vmem>>) target_semaphore(%arg15 : memref<!tpu.dma_semaphore, #tpu.memory_space<semaphore_mem>>)
        } else {
        }
      } else {
      }
    }
    %while3A_75 = arith.constant 1 : i32
    scf.for %while3A_78 = %while3A_73 to %while3A_69 step %while3A_75  : i32 {
      %mul3A_79 = arith.constant 2 : i32
      %mul3A_80 = arith.muli %while3A_78, %mul3A_79 : i32
      %add3A_81 = arith.constant 0 : i32
      %add3A_82 = arith.addi %mul3A_80, %add3A_81 : i32
      %lt3A = arith.cmpi slt, %add3A_82, %select_n3A : i32
      %convert_element_type3A_83 = arith.extui %lt3A : i1 to i32
      %cond3A_84 = arith.constant 0 : i32
      %cond3A_85 = arith.cmpi ne, %convert_element_type3A_83, %cond3A_84 : i32
      scf.if %cond3A_85 {
        %dma_wait3A = arith.constant 0 : i32
        %dma_wait3A_94 = tpu.memref_slice %arg9[%dma_wait3A] : memref<2048xf32, #tpu.memory_space<vmem>> -> memref<1024xf32, #tpu.memory_space<vmem>>
        %dma_wait3A_95 = arith.constant 0 : i32
        %dma_wait3A_96 = tpu.memref_slice %arg3[%dma_wait3A_95] : memref<327680xf32, #tpu.memory_space<hbm>> -> memref<1024xf32, #tpu.memory_space<hbm>>
        %dma_wait3A_97 = arith.constant 0 : i32
        %dma_wait3A_98 = tpu.memref_slice %arg9[%dma_wait3A_97] : memref<2048xf32, #tpu.memory_space<vmem>> -> memref<1024xf32, #tpu.memory_space<vmem>>
        %dma_wait3A_99 = arith.constant 0 : i32
        %dma_wait3A_100 = tpu.memref_slice %arg3[%dma_wait3A_99] : memref<327680xf32, #tpu.memory_space<hbm>> -> memref<1024xf32, #tpu.memory_space<hbm>>
        tpu.wait_dma2 semaphore(%arg14 : memref<!tpu.dma_semaphore, #tpu.memory_space<semaphore_mem>>) src(%dma_wait3A_100 : memref<1024xf32, #tpu.memory_space<hbm>>) dst(%dma_wait3A_98 : memref<1024xf32, #tpu.memory_space<vmem>>)
        %dma_wait3A_101 = arith.constant 0 : i32
        %dma_wait3A_102 = tpu.memref_slice %arg10[%dma_wait3A_101] : memref<16384xf32, #tpu.memory_space<vmem>> -> memref<8192xf32, #tpu.memory_space<vmem>>
        %dma_wait3A_103 = arith.constant 0 : i32
        %dma_wait3A_104 = tpu.memref_slice %arg4[%dma_wait3A_103] : memref<2621440xf32, #tpu.memory_space<hbm>> -> memref<8192xf32, #tpu.memory_space<hbm>>
        %dma_wait3A_105 = arith.constant 0 : i32
        %dma_wait3A_106 = tpu.memref_slice %arg10[%dma_wait3A_105] : memref<16384xf32, #tpu.memory_space<vmem>> -> memref<8192xf32, #tpu.memory_space<vmem>>
        %dma_wait3A_107 = arith.constant 0 : i32
        %dma_wait3A_108 = tpu.memref_slice %arg4[%dma_wait3A_107] : memref<2621440xf32, #tpu.memory_space<hbm>> -> memref<8192xf32, #tpu.memory_space<hbm>>
        tpu.wait_dma2 semaphore(%arg14 : memref<!tpu.dma_semaphore, #tpu.memory_space<semaphore_mem>>) src(%dma_wait3A_108 : memref<8192xf32, #tpu.memory_space<hbm>>) dst(%dma_wait3A_106 : memref<8192xf32, #tpu.memory_space<vmem>>)
        %dma_wait3A_109 = arith.constant 0 : i32
        %dma_wait3A_110 = tpu.memref_slice %arg11[%dma_wait3A_109] : memref<16384xf32, #tpu.memory_space<vmem>> -> memref<8192xf32, #tpu.memory_space<vmem>>
        %dma_wait3A_111 = arith.constant 0 : i32
        %dma_wait3A_112 = tpu.memref_slice %arg5[%dma_wait3A_111] : memref<2621440xf32, #tpu.memory_space<hbm>> -> memref<8192xf32, #tpu.memory_space<hbm>>
        %dma_wait3A_113 = arith.constant 0 : i32
        %dma_wait3A_114 = tpu.memref_slice %arg11[%dma_wait3A_113] : memref<16384xf32, #tpu.memory_space<vmem>> -> memref<8192xf32, #tpu.memory_space<vmem>>
        %dma_wait3A_115 = arith.constant 0 : i32
        %dma_wait3A_116 = tpu.memref_slice %arg5[%dma_wait3A_115] : memref<2621440xf32, #tpu.memory_space<hbm>> -> memref<8192xf32, #tpu.memory_space<hbm>>
        tpu.wait_dma2 semaphore(%arg14 : memref<!tpu.dma_semaphore, #tpu.memory_space<semaphore_mem>>) src(%dma_wait3A_116 : memref<8192xf32, #tpu.memory_space<hbm>>) dst(%dma_wait3A_114 : memref<8192xf32, #tpu.memory_space<vmem>>)
        %dma_wait3A_117 = arith.constant 0 : i32
        %dma_wait3A_118 = tpu.memref_slice %arg12[%dma_wait3A_117] : memref<16384xi32, #tpu.memory_space<vmem>> -> memref<8192xi32, #tpu.memory_space<vmem>>
        %dma_wait3A_119 = arith.constant 0 : i32
        %dma_wait3A_120 = tpu.memref_slice %arg6[%dma_wait3A_119] : memref<2621440xi32, #tpu.memory_space<hbm>> -> memref<8192xi32, #tpu.memory_space<hbm>>
        %dma_wait3A_121 = arith.constant 0 : i32
        %dma_wait3A_122 = tpu.memref_slice %arg12[%dma_wait3A_121] : memref<16384xi32, #tpu.memory_space<vmem>> -> memref<8192xi32, #tpu.memory_space<vmem>>
        %dma_wait3A_123 = arith.constant 0 : i32
        %dma_wait3A_124 = tpu.memref_slice %arg6[%dma_wait3A_123] : memref<2621440xi32, #tpu.memory_space<hbm>> -> memref<8192xi32, #tpu.memory_space<hbm>>
        tpu.wait_dma2 semaphore(%arg14 : memref<!tpu.dma_semaphore, #tpu.memory_space<semaphore_mem>>) src(%dma_wait3A_124 : memref<8192xi32, #tpu.memory_space<hbm>>) dst(%dma_wait3A_122 : memref<8192xi32, #tpu.memory_space<vmem>>)
        %mul3A_125 = arith.constant 64 : i32
        %mul3A_126 = arith.muli %add3A_82, %mul3A_125 : i32
        %add3A_127 = arith.addi %squeeze3A, %mul3A_126 : i32
        %sub3A_128 = arith.subi %squeeze3A_14, %add3A_127 : i32
        %min3A = arith.constant 64 : i32
        %min3A_129 = arith.minsi %min3A, %sub3A_128 : i32
        %while3A_130 = arith.constant 0 : i32
        %while3A_131 = arith.subi %min3A_129, %while3A_130 : i32
        %while3A_132 = arith.addi %while3A_130, %while3A_131 : i32
        %while3A_133 = arith.constant 1 : i32
        %while3A_134 = arith.divsi %while3A_131, %while3A_133 : i32
        %while3A_135 = arith.muli %while3A_134, %while3A_133 : i32
        %while3A_136 = arith.addi %while3A_130, %while3A_135 : i32
        %while3A_137 = arith.constant 1 : i32
        scf.for %while3A_145 = %while3A_130 to %while3A_136 step %while3A_137  : i32 {
          %mul3A_146 = arith.constant 16 : i32
          %mul3A_147 = arith.muli %while3A_145, %mul3A_146 : i32
          %add3A_148 = arith.constant 0 : i32
          %add3A_149 = arith.addi %add3A_148, %mul3A_147 : i32
          %get3A_150 = arith.index_cast %add3A_149 : i32 to index
          %get3A_151 = tpu.vector_load %arg9[%get3A_150] {strides = array<i32>} : memref<2048xf32, #tpu.memory_space<vmem>>, vector<16xf32>,
          %slice3A_152 = vector.extract_strided_slice %get3A_151 {offsets = [0], sizes = [1], strides = [1]} : vector<16xf32> to vector<1xf32>
          %squeeze3A_153 = vector.extract %slice3A_152[0] : f32 from vector<1xf32>
          %slice3A_154 = vector.extract_strided_slice %get3A_151 {offsets = [3], sizes = [1], strides = [1]} : vector<16xf32> to vector<1xf32>
          %squeeze3A_155 = vector.extract %slice3A_154[0] : f32 from vector<1xf32>
          %slice3A_156 = vector.extract_strided_slice %get3A_151 {offsets = [10], sizes = [1], strides = [1]} : vector<16xf32> to vector<1xf32>
          %squeeze3A_157 = vector.extract %slice3A_156[0] : f32 from vector<1xf32>
          %convert_element_type3A_158 = arith.fptosi %squeeze3A_157 : f32 to i32
          %slice3A_159 = vector.extract_strided_slice %get3A_151 {offsets = [13], sizes = [1], strides = [1]} : vector<16xf32> to vector<1xf32>
          %squeeze3A_160 = vector.extract %slice3A_159[0] : f32 from vector<1xf32>
          %add3A_161 = arith.constant -4.500000e+00 : f32
          %add3A_162 = arith.addf %squeeze3A_160, %add3A_161 : f32
          %broadcast_in_dim3A_163 = vector.broadcast %add3A_162 : f32 to vector<16xf32>
          %mul3A_164 = arith.constant 128 : i32
          %mul3A_165 = arith.muli %while3A_145, %mul3A_164 : i32
          %add3A_166 = arith.constant 0 : i32
          %add3A_167 = arith.addi %add3A_166, %mul3A_165 : i32
          %add3A_168 = arith.constant 0 : i32
          %add3A_169 = arith.addi %add3A_167, %add3A_168 : i32
          %get3A_170 = arith.index_cast %add3A_169 : i32 to index
          %get3A_171 = tpu.vector_load %arg10[%get3A_170] {strides = array<i32>} : memref<16384xf32, #tpu.memory_space<vmem>>, vector<16xf32>,
          %mul3A_172 = arith.constant 128 : i32
          %mul3A_173 = arith.muli %while3A_145, %mul3A_172 : i32
          %add3A_174 = arith.constant 0 : i32
          %add3A_175 = arith.addi %add3A_174, %mul3A_173 : i32
          %add3A_176 = arith.constant 16 : i32
          %add3A_177 = arith.addi %add3A_175, %add3A_176 : i32
          %get3A_178 = arith.index_cast %add3A_177 : i32 to index
          %get3A_179 = tpu.vector_load %arg10[%get3A_178] {strides = array<i32>} : memref<16384xf32, #tpu.memory_space<vmem>>, vector<16xf32>,
          %mul3A_180 = arith.constant 128 : i32
          %mul3A_181 = arith.muli %while3A_145, %mul3A_180 : i32
          %add3A_182 = arith.constant 0 : i32
          %add3A_183 = arith.addi %add3A_182, %mul3A_181 : i32
          %add3A_184 = arith.constant 32 : i32
          %add3A_185 = arith.addi %add3A_183, %add3A_184 : i32
          %get3A_186 = arith.index_cast %add3A_185 : i32 to index
          %get3A_187 = tpu.vector_load %arg10[%get3A_186] {strides = array<i32>} : memref<16384xf32, #tpu.memory_space<vmem>>, vector<16xf32>,
          %mul3A_188 = arith.constant 128 : i32
          %mul3A_189 = arith.muli %while3A_145, %mul3A_188 : i32
          %add3A_190 = arith.constant 0 : i32
          %add3A_191 = arith.addi %add3A_190, %mul3A_189 : i32
          %add3A_192 = arith.constant 48 : i32
          %add3A_193 = arith.addi %add3A_191, %add3A_192 : i32
          %get3A_194 = arith.index_cast %add3A_193 : i32 to index
          %get3A_195 = tpu.vector_load %arg10[%get3A_194] {strides = array<i32>} : memref<16384xf32, #tpu.memory_space<vmem>>, vector<16xf32>,
          %mul3A_196 = arith.constant 128 : i32
          %mul3A_197 = arith.muli %while3A_145, %mul3A_196 : i32
          %add3A_198 = arith.constant 0 : i32
          %add3A_199 = arith.addi %add3A_198, %mul3A_197 : i32
          %add3A_200 = arith.constant 64 : i32
          %add3A_201 = arith.addi %add3A_199, %add3A_200 : i32
          %get3A_202 = arith.index_cast %add3A_201 : i32 to index
          %get3A_203 = tpu.vector_load %arg10[%get3A_202] {strides = array<i32>} : memref<16384xf32, #tpu.memory_space<vmem>>, vector<16xf32>,
          %mul3A_204 = arith.constant 128 : i32
          %mul3A_205 = arith.muli %while3A_145, %mul3A_204 : i32
          %add3A_206 = arith.constant 0 : i32
          %add3A_207 = arith.addi %add3A_206, %mul3A_205 : i32
          %add3A_208 = arith.constant 80 : i32
          %add3A_209 = arith.addi %add3A_207, %add3A_208 : i32
          %get3A_210 = arith.index_cast %add3A_209 : i32 to index
          %get3A_211 = tpu.vector_load %arg10[%get3A_210] {strides = array<i32>} : memref<16384xf32, #tpu.memory_space<vmem>>, vector<16xf32>,
          %mul3A_212 = arith.constant 128 : i32
          %mul3A_213 = arith.muli %while3A_145, %mul3A_212 : i32
          %add3A_214 = arith.constant 0 : i32
          %add3A_215 = arith.addi %add3A_214, %mul3A_213 : i32
          %add3A_216 = arith.constant 96 : i32
          %add3A_217 = arith.addi %add3A_215, %add3A_216 : i32
          %get3A_218 = arith.index_cast %add3A_217 : i32 to index
          %get3A_219 = tpu.vector_load %arg10[%get3A_218] {strides = array<i32>} : memref<16384xf32, #tpu.memory_space<vmem>>, vector<16xf32>,
          %mul3A_220 = arith.constant 128 : i32
          %mul3A_221 = arith.muli %while3A_145, %mul3A_220 : i32
          %add3A_222 = arith.constant 0 : i32
          %add3A_223 = arith.addi %add3A_222, %mul3A_221 : i32
          %add3A_224 = arith.constant 112 : i32
          %add3A_225 = arith.addi %add3A_223, %add3A_224 : i32
          %get3A_226 = arith.index_cast %add3A_225 : i32 to index
          %get3A_227 = tpu.vector_load %arg10[%get3A_226] {strides = array<i32>} : memref<16384xf32, #tpu.memory_space<vmem>>, vector<16xf32>,
          %mul3A_228 = arith.constant 128 : i32
          %mul3A_229 = arith.muli %while3A_145, %mul3A_228 : i32
          %add3A_230 = arith.constant 0 : i32
          %add3A_231 = arith.addi %add3A_230, %mul3A_229 : i32
          %add3A_232 = arith.constant 0 : i32
          %add3A_233 = arith.addi %add3A_231, %add3A_232 : i32
          %get3A_234 = arith.index_cast %add3A_233 : i32 to index
          %get3A_235 = tpu.vector_load %arg11[%get3A_234] {strides = array<i32>} : memref<16384xf32, #tpu.memory_space<vmem>>, vector<16xf32>,
          %mul3A_236 = arith.constant 128 : i32
          %mul3A_237 = arith.muli %while3A_145, %mul3A_236 : i32
          %add3A_238 = arith.constant 0 : i32
          %add3A_239 = arith.addi %add3A_238, %mul3A_237 : i32
          %add3A_240 = arith.constant 16 : i32
          %add3A_241 = arith.addi %add3A_239, %add3A_240 : i32
          %get3A_242 = arith.index_cast %add3A_241 : i32 to index
          %get3A_243 = tpu.vector_load %arg11[%get3A_242] {strides = array<i32>} : memref<16384xf32, #tpu.memory_space<vmem>>, vector<16xf32>,
          %mul3A_244 = arith.constant 128 : i32
          %mul3A_245 = arith.muli %while3A_145, %mul3A_244 : i32
          %add3A_246 = arith.constant 0 : i32
          %add3A_247 = arith.addi %add3A_246, %mul3A_245 : i32
          %add3A_248 = arith.constant 32 : i32
          %add3A_249 = arith.addi %add3A_247, %add3A_248 : i32
          %get3A_250 = arith.index_cast %add3A_249 : i32 to index
          %get3A_251 = tpu.vector_load %arg11[%get3A_250] {strides = array<i32>} : memref<16384xf32, #tpu.memory_space<vmem>>, vector<16xf32>,
          %mul3A_252 = arith.constant 128 : i32
          %mul3A_253 = arith.muli %while3A_145, %mul3A_252 : i32
          %add3A_254 = arith.constant 0 : i32
          %add3A_255 = arith.addi %add3A_254, %mul3A_253 : i32
          %add3A_256 = arith.constant 48 : i32
          %add3A_257 = arith.addi %add3A_255, %add3A_256 : i32
          %get3A_258 = arith.index_cast %add3A_257 : i32 to index
          %get3A_259 = tpu.vector_load %arg11[%get3A_258] {strides = array<i32>} : memref<16384xf32, #tpu.memory_space<vmem>>, vector<16xf32>,
          %mul3A_260 = arith.constant 128 : i32
          %mul3A_261 = arith.muli %while3A_145, %mul3A_260 : i32
          %add3A_262 = arith.constant 0 : i32
          %add3A_263 = arith.addi %add3A_262, %mul3A_261 : i32
          %add3A_264 = arith.constant 64 : i32
          %add3A_265 = arith.addi %add3A_263, %add3A_264 : i32
          %get3A_266 = arith.index_cast %add3A_265 : i32 to index
          %get3A_267 = tpu.vector_load %arg11[%get3A_266] {strides = array<i32>} : memref<16384xf32, #tpu.memory_space<vmem>>, vector<16xf32>,
          %mul3A_268 = arith.constant 128 : i32
          %mul3A_269 = arith.muli %while3A_145, %mul3A_268 : i32
          %add3A_270 = arith.constant 0 : i32
          %add3A_271 = arith.addi %add3A_270, %mul3A_269 : i32
          %add3A_272 = arith.constant 80 : i32
          %add3A_273 = arith.addi %add3A_271, %add3A_272 : i32
          %get3A_274 = arith.index_cast %add3A_273 : i32 to index
          %get3A_275 = tpu.vector_load %arg11[%get3A_274] {strides = array<i32>} : memref<16384xf32, #tpu.memory_space<vmem>>, vector<16xf32>,
          %mul3A_276 = arith.constant 128 : i32
          %mul3A_277 = arith.muli %while3A_145, %mul3A_276 : i32
          %add3A_278 = arith.constant 0 : i32
          %add3A_279 = arith.addi %add3A_278, %mul3A_277 : i32
          %add3A_280 = arith.constant 96 : i32
          %add3A_281 = arith.addi %add3A_279, %add3A_280 : i32
          %get3A_282 = arith.index_cast %add3A_281 : i32 to index
          %get3A_283 = tpu.vector_load %arg11[%get3A_282] {strides = array<i32>} : memref<16384xf32, #tpu.memory_space<vmem>>, vector<16xf32>,
          %mul3A_284 = arith.constant 128 : i32
          %mul3A_285 = arith.muli %while3A_145, %mul3A_284 : i32
          %add3A_286 = arith.constant 0 : i32
          %add3A_287 = arith.addi %add3A_286, %mul3A_285 : i32
          %add3A_288 = arith.constant 112 : i32
          %add3A_289 = arith.addi %add3A_287, %add3A_288 : i32
          %get3A_290 = arith.index_cast %add3A_289 : i32 to index
          %get3A_291 = tpu.vector_load %arg11[%get3A_290] {strides = array<i32>} : memref<16384xf32, #tpu.memory_space<vmem>>, vector<16xf32>,
          %mul3A_292 = arith.constant 128 : i32
          %mul3A_293 = arith.muli %while3A_145, %mul3A_292 : i32
          %add3A_294 = arith.constant 0 : i32
          %add3A_295 = arith.addi %add3A_294, %mul3A_293 : i32
          %add3A_296 = arith.constant 0 : i32
          %add3A_297 = arith.addi %add3A_295, %add3A_296 : i32
          %get3A_298 = arith.index_cast %add3A_297 : i32 to index
          %get3A_299 = tpu.vector_load %arg12[%get3A_298] {strides = array<i32>} : memref<16384xi32, #tpu.memory_space<vmem>>, vector<16xi32>,
          %mul3A_300 = arith.constant 128 : i32
          %mul3A_301 = arith.muli %while3A_145, %mul3A_300 : i32
          %add3A_302 = arith.constant 0 : i32
          %add3A_303 = arith.addi %add3A_302, %mul3A_301 : i32
          %add3A_304 = arith.constant 16 : i32
          %add3A_305 = arith.addi %add3A_303, %add3A_304 : i32
          %get3A_306 = arith.index_cast %add3A_305 : i32 to index
          %get3A_307 = tpu.vector_load %arg12[%get3A_306] {strides = array<i32>} : memref<16384xi32, #tpu.memory_space<vmem>>, vector<16xi32>,
          %mul3A_308 = arith.constant 128 : i32
          %mul3A_309 = arith.muli %while3A_145, %mul3A_308 : i32
          %add3A_310 = arith.constant 0 : i32
          %add3A_311 = arith.addi %add3A_310, %mul3A_309 : i32
          %add3A_312 = arith.constant 32 : i32
          %add3A_313 = arith.addi %add3A_311, %add3A_312 : i32
          %get3A_314 = arith.index_cast %add3A_313 : i32 to index
          %get3A_315 = tpu.vector_load %arg12[%get3A_314] {strides = array<i32>} : memref<16384xi32, #tpu.memory_space<vmem>>, vector<16xi32>,
          %mul3A_316 = arith.constant 128 : i32
          %mul3A_317 = arith.muli %while3A_145, %mul3A_316 : i32
          %add3A_318 = arith.constant 0 : i32
          %add3A_319 = arith.addi %add3A_318, %mul3A_317 : i32
          %add3A_320 = arith.constant 48 : i32
          %add3A_321 = arith.addi %add3A_319, %add3A_320 : i32
          %get3A_322 = arith.index_cast %add3A_321 : i32 to index
          %get3A_323 = tpu.vector_load %arg12[%get3A_322] {strides = array<i32>} : memref<16384xi32, #tpu.memory_space<vmem>>, vector<16xi32>,
          %mul3A_324 = arith.constant 128 : i32
          %mul3A_325 = arith.muli %while3A_145, %mul3A_324 : i32
          %add3A_326 = arith.constant 0 : i32
          %add3A_327 = arith.addi %add3A_326, %mul3A_325 : i32
          %add3A_328 = arith.constant 64 : i32
          %add3A_329 = arith.addi %add3A_327, %add3A_328 : i32
          %get3A_330 = arith.index_cast %add3A_329 : i32 to index
          %get3A_331 = tpu.vector_load %arg12[%get3A_330] {strides = array<i32>} : memref<16384xi32, #tpu.memory_space<vmem>>, vector<16xi32>,
          %mul3A_332 = arith.constant 128 : i32
          %mul3A_333 = arith.muli %while3A_145, %mul3A_332 : i32
          %add3A_334 = arith.constant 0 : i32
          %add3A_335 = arith.addi %add3A_334, %mul3A_333 : i32
          %add3A_336 = arith.constant 80 : i32
          %add3A_337 = arith.addi %add3A_335, %add3A_336 : i32
          %get3A_338 = arith.index_cast %add3A_337 : i32 to index
          %get3A_339 = tpu.vector_load %arg12[%get3A_338] {strides = array<i32>} : memref<16384xi32, #tpu.memory_space<vmem>>, vector<16xi32>,
          %mul3A_340 = arith.constant 128 : i32
          %mul3A_341 = arith.muli %while3A_145, %mul3A_340 : i32
          %add3A_342 = arith.constant 0 : i32
          %add3A_343 = arith.addi %add3A_342, %mul3A_341 : i32
          %add3A_344 = arith.constant 96 : i32
          %add3A_345 = arith.addi %add3A_343, %add3A_344 : i32
          %get3A_346 = arith.index_cast %add3A_345 : i32 to index
          %get3A_347 = tpu.vector_load %arg12[%get3A_346] {strides = array<i32>} : memref<16384xi32, #tpu.memory_space<vmem>>, vector<16xi32>,
          %mul3A_348 = arith.constant 128 : i32
          %mul3A_349 = arith.muli %while3A_145, %mul3A_348 : i32
          %add3A_350 = arith.constant 0 : i32
          %add3A_351 = arith.addi %add3A_350, %mul3A_349 : i32
          %add3A_352 = arith.constant 112 : i32
          %add3A_353 = arith.addi %add3A_351, %add3A_352 : i32
          %get3A_354 = arith.index_cast %add3A_353 : i32 to index
          %get3A_355 = tpu.vector_load %arg12[%get3A_354] {strides = array<i32>} : memref<16384xi32, #tpu.memory_space<vmem>>, vector<16xi32>,
          %slice3A_356 = vector.extract_strided_slice %get3A_151 {offsets = [14], sizes = [1], strides = [1]} : vector<16xf32> to vector<1xf32>
          %squeeze3A_357 = vector.extract %slice3A_356[0] : f32 from vector<1xf32>
          %convert_element_type3A_358 = arith.fptosi %squeeze3A_357 : f32 to i32
          %sub3A_359 = arith.subi %convert_element_type3A_158, %convert_element_type3A_358 : i32
          %max3A = arith.maxsi %sub3A_359, %mul3A_2 : i32
          %add3A_360 = arith.addi %convert_element_type3A_158, %convert_element_type3A_358 : i32
          %add3A_361 = arith.constant 1 : i32
          %add3A_362 = arith.addi %add3A_360, %add3A_361 : i32
          %min3A_363 = arith.minsi %add3A_362, %add3A_4 : i32
          %while3A_364 = arith.subi %min3A_363, %max3A : i32
          %while3A_365 = arith.addi %max3A, %while3A_364 : i32
          %while3A_366 = arith.constant 1 : i32
          %while3A_367 = arith.divsi %while3A_364, %while3A_366 : i32
          %while3A_368 = arith.muli %while3A_367, %while3A_366 : i32
          %while3A_369 = arith.addi %max3A, %while3A_368 : i32
          %while3A_370 = arith.constant 1 : i32
          scf.for %while3A_372 = %max3A to %while3A_369 step %while3A_370  : i32 {
            %convert_element_type3A_373 = arith.sitofp %while3A_372 : i32 to f32
            %sub3A_374 = arith.subf %convert_element_type3A_373, %squeeze3A_153 : f32
            %mul3A_375 = arith.mulf %sub3A_374, %while3A : f32
            %mul3A_376 = arith.mulf %squeeze3A_155, %mul3A_375 : f32
            %mul3A_377 = arith.mulf %mul3A_376, %mul3A_375 : f32
            %broadcast_in_dim3A_378 = vector.broadcast %mul3A_375 : f32 to vector<16xf32>
            %broadcast_in_dim3A_379 = vector.broadcast %mul3A_377 : f32 to vector<16xf32>
            %sub3A_380 = arith.subi %while3A_372, %mul3A_2 : i32
            %mul3A_381 = arith.constant 16384 : i32
            %mul3A_382 = arith.muli %sub3A_380, %mul3A_381 : i32
            %broadcast_in_dim3A_383 = vector.broadcast %mul3A_382 : i32 to vector<16xi32>
            %add3A_384 = arith.addf %broadcast_in_dim3A_379, %get3A_171 : vector<16xf32>
            %mul3A_385 = arith.mulf %broadcast_in_dim3A_378, %get3A_235 : vector<16xf32>
            %add3A_386 = arith.addf %add3A_384, %mul3A_385 : vector<16xf32>
            %exp3A = math.exp %add3A_386 : vector<16xf32>
            %ge3A = arith.cmpf oge, %add3A_386, %broadcast_in_dim3A_163 : vector<16xf32>
            %add3A_387 = arith.addi %broadcast_in_dim3A_383, %get3A_299 : vector<16xi32>
            tpu.vector_store_idx %arg13[%add3A_387], %exp3A masked %ge3A {add = true} : memref<65536xf32, #tpu.memory_space<vmem>>[vector<16xi32>], vector<16xf32>, vector<16xi1>
            %add3A_388 = arith.addf %broadcast_in_dim3A_379, %get3A_179 : vector<16xf32>
            %mul3A_389 = arith.mulf %broadcast_in_dim3A_378, %get3A_243 : vector<16xf32>
            %add3A_390 = arith.addf %add3A_388, %mul3A_389 : vector<16xf32>
            %exp3A_391 = math.exp %add3A_390 : vector<16xf32>
            %ge3A_392 = arith.cmpf oge, %add3A_390, %broadcast_in_dim3A_163 : vector<16xf32>
            %add3A_393 = arith.addi %broadcast_in_dim3A_383, %get3A_307 : vector<16xi32>
            tpu.vector_store_idx %arg13[%add3A_393], %exp3A_391 masked %ge3A_392 {add = true} : memref<65536xf32, #tpu.memory_space<vmem>>[vector<16xi32>], vector<16xf32>, vector<16xi1>
            %add3A_394 = arith.addf %broadcast_in_dim3A_379, %get3A_187 : vector<16xf32>
            %mul3A_395 = arith.mulf %broadcast_in_dim3A_378, %get3A_251 : vector<16xf32>
            %add3A_396 = arith.addf %add3A_394, %mul3A_395 : vector<16xf32>
            %exp3A_397 = math.exp %add3A_396 : vector<16xf32>
            %ge3A_398 = arith.cmpf oge, %add3A_396, %broadcast_in_dim3A_163 : vector<16xf32>
            %add3A_399 = arith.addi %broadcast_in_dim3A_383, %get3A_315 : vector<16xi32>
            tpu.vector_store_idx %arg13[%add3A_399], %exp3A_397 masked %ge3A_398 {add = true} : memref<65536xf32, #tpu.memory_space<vmem>>[vector<16xi32>], vector<16xf32>, vector<16xi1>
            %add3A_400 = arith.addf %broadcast_in_dim3A_379, %get3A_195 : vector<16xf32>
            %mul3A_401 = arith.mulf %broadcast_in_dim3A_378, %get3A_259 : vector<16xf32>
            %add3A_402 = arith.addf %add3A_400, %mul3A_401 : vector<16xf32>
            %exp3A_403 = math.exp %add3A_402 : vector<16xf32>
            %ge3A_404 = arith.cmpf oge, %add3A_402, %broadcast_in_dim3A_163 : vector<16xf32>
            %add3A_405 = arith.addi %broadcast_in_dim3A_383, %get3A_323 : vector<16xi32>
            tpu.vector_store_idx %arg13[%add3A_405], %exp3A_403 masked %ge3A_404 {add = true} : memref<65536xf32, #tpu.memory_space<vmem>>[vector<16xi32>], vector<16xf32>, vector<16xi1>
            %add3A_406 = arith.addf %broadcast_in_dim3A_379, %get3A_203 : vector<16xf32>
            %mul3A_407 = arith.mulf %broadcast_in_dim3A_378, %get3A_267 : vector<16xf32>
            %add3A_408 = arith.addf %add3A_406, %mul3A_407 : vector<16xf32>
            %exp3A_409 = math.exp %add3A_408 : vector<16xf32>
            %ge3A_410 = arith.cmpf oge, %add3A_408, %broadcast_in_dim3A_163 : vector<16xf32>
            %add3A_411 = arith.addi %broadcast_in_dim3A_383, %get3A_331 : vector<16xi32>
            tpu.vector_store_idx %arg13[%add3A_411], %exp3A_409 masked %ge3A_410 {add = true} : memref<65536xf32, #tpu.memory_space<vmem>>[vector<16xi32>], vector<16xf32>, vector<16xi1>
            %add3A_412 = arith.addf %broadcast_in_dim3A_379, %get3A_211 : vector<16xf32>
            %mul3A_413 = arith.mulf %broadcast_in_dim3A_378, %get3A_275 : vector<16xf32>
            %add3A_414 = arith.addf %add3A_412, %mul3A_413 : vector<16xf32>
            %exp3A_415 = math.exp %add3A_414 : vector<16xf32>
            %ge3A_416 = arith.cmpf oge, %add3A_414, %broadcast_in_dim3A_163 : vector<16xf32>
            %add3A_417 = arith.addi %broadcast_in_dim3A_383, %get3A_339 : vector<16xi32>
            tpu.vector_store_idx %arg13[%add3A_417], %exp3A_415 masked %ge3A_416 {add = true} : memref<65536xf32, #tpu.memory_space<vmem>>[vector<16xi32>], vector<16xf32>, vector<16xi1>
            %add3A_418 = arith.addf %broadcast_in_dim3A_379, %get3A_219 : vector<16xf32>
            %mul3A_419 = arith.mulf %broadcast_in_dim3A_378, %get3A_283 : vector<16xf32>
            %add3A_420 = arith.addf %add3A_418, %mul3A_419 : vector<16xf32>
            %exp3A_421 = math.exp %add3A_420 : vector<16xf32>
            %ge3A_422 = arith.cmpf oge, %add3A_420, %broadcast_in_dim3A_163 : vector<16xf32>
            %add3A_423 = arith.addi %broadcast_in_dim3A_383, %get3A_347 : vector<16xi32>
            tpu.vector_store_idx %arg13[%add3A_423], %exp3A_421 masked %ge3A_422 {add = true} : memref<65536xf32, #tpu.memory_space<vmem>>[vector<16xi32>], vector<16xf32>, vector<16xi1>
            %add3A_424 = arith.addf %broadcast_in_dim3A_379, %get3A_227 : vector<16xf32>
            %mul3A_425 = arith.mulf %broadcast_in_dim3A_378, %get3A_291 : vector<16xf32>
            %add3A_426 = arith.addf %add3A_424, %mul3A_425 : vector<16xf32>
            %exp3A_427 = math.exp %add3A_426 : vector<16xf32>
            %ge3A_428 = arith.cmpf oge, %add3A_426, %broadcast_in_dim3A_163 : vector<16xf32>
            %add3A_429 = arith.addi %broadcast_in_dim3A_383, %get3A_355 : vector<16xi32>
            tpu.vector_store_idx %arg13[%add3A_429], %exp3A_427 masked %ge3A_428 {add = true} : memref<65536xf32, #tpu.memory_space<vmem>>[vector<16xi32>], vector<16xf32>, vector<16xi1>
          }
          %while3A_371 = arith.constant 1 : i32
          scf.for %while3A_372 = %while3A_369 to %while3A_365 step %while3A_371  : i32 {
            %convert_element_type3A_373 = arith.sitofp %while3A_372 : i32 to f32
            %sub3A_374 = arith.subf %convert_element_type3A_373, %squeeze3A_153 : f32
            %mul3A_375 = arith.mulf %sub3A_374, %while3A : f32
            %mul3A_376 = arith.mulf %squeeze3A_155, %mul3A_375 : f32
            %mul3A_377 = arith.mulf %mul3A_376, %mul3A_375 : f32
            %broadcast_in_dim3A_378 = vector.broadcast %mul3A_375 : f32 to vector<16xf32>
            %broadcast_in_dim3A_379 = vector.broadcast %mul3A_377 : f32 to vector<16xf32>
            %sub3A_380 = arith.subi %while3A_372, %mul3A_2 : i32
            %mul3A_381 = arith.constant 16384 : i32
            %mul3A_382 = arith.muli %sub3A_380, %mul3A_381 : i32
            %broadcast_in_dim3A_383 = vector.broadcast %mul3A_382 : i32 to vector<16xi32>
            %add3A_384 = arith.addf %broadcast_in_dim3A_379, %get3A_171 : vector<16xf32>
            %mul3A_385 = arith.mulf %broadcast_in_dim3A_378, %get3A_235 : vector<16xf32>
            %add3A_386 = arith.addf %add3A_384, %mul3A_385 : vector<16xf32>
            %exp3A = math.exp %add3A_386 : vector<16xf32>
            %ge3A = arith.cmpf oge, %add3A_386, %broadcast_in_dim3A_163 : vector<16xf32>
            %add3A_387 = arith.addi %broadcast_in_dim3A_383, %get3A_299 : vector<16xi32>
            tpu.vector_store_idx %arg13[%add3A_387], %exp3A masked %ge3A {add = true} : memref<65536xf32, #tpu.memory_space<vmem>>[vector<16xi32>], vector<16xf32>, vector<16xi1>
            %add3A_388 = arith.addf %broadcast_in_dim3A_379, %get3A_179 : vector<16xf32>
            %mul3A_389 = arith.mulf %broadcast_in_dim3A_378, %get3A_243 : vector<16xf32>
            %add3A_390 = arith.addf %add3A_388, %mul3A_389 : vector<16xf32>
            %exp3A_391 = math.exp %add3A_390 : vector<16xf32>
            %ge3A_392 = arith.cmpf oge, %add3A_390, %broadcast_in_dim3A_163 : vector<16xf32>
            %add3A_393 = arith.addi %broadcast_in_dim3A_383, %get3A_307 : vector<16xi32>
            tpu.vector_store_idx %arg13[%add3A_393], %exp3A_391 masked %ge3A_392 {add = true} : memref<65536xf32, #tpu.memory_space<vmem>>[vector<16xi32>], vector<16xf32>, vector<16xi1>
            %add3A_394 = arith.addf %broadcast_in_dim3A_379, %get3A_187 : vector<16xf32>
            %mul3A_395 = arith.mulf %broadcast_in_dim3A_378, %get3A_251 : vector<16xf32>
            %add3A_396 = arith.addf %add3A_394, %mul3A_395 : vector<16xf32>
            %exp3A_397 = math.exp %add3A_396 : vector<16xf32>
            %ge3A_398 = arith.cmpf oge, %add3A_396, %broadcast_in_dim3A_163 : vector<16xf32>
            %add3A_399 = arith.addi %broadcast_in_dim3A_383, %get3A_315 : vector<16xi32>
            tpu.vector_store_idx %arg13[%add3A_399], %exp3A_397 masked %ge3A_398 {add = true} : memref<65536xf32, #tpu.memory_space<vmem>>[vector<16xi32>], vector<16xf32>, vector<16xi1>
            %add3A_400 = arith.addf %broadcast_in_dim3A_379, %get3A_195 : vector<16xf32>
            %mul3A_401 = arith.mulf %broadcast_in_dim3A_378, %get3A_259 : vector<16xf32>
            %add3A_402 = arith.addf %add3A_400, %mul3A_401 : vector<16xf32>
            %exp3A_403 = math.exp %add3A_402 : vector<16xf32>
            %ge3A_404 = arith.cmpf oge, %add3A_402, %broadcast_in_dim3A_163 : vector<16xf32>
            %add3A_405 = arith.addi %broadcast_in_dim3A_383, %get3A_323 : vector<16xi32>
            tpu.vector_store_idx %arg13[%add3A_405], %exp3A_403 masked %ge3A_404 {add = true} : memref<65536xf32, #tpu.memory_space<vmem>>[vector<16xi32>], vector<16xf32>, vector<16xi1>
            %add3A_406 = arith.addf %broadcast_in_dim3A_379, %get3A_203 : vector<16xf32>
            %mul3A_407 = arith.mulf %broadcast_in_dim3A_378, %get3A_267 : vector<16xf32>
            %add3A_408 = arith.addf %add3A_406, %mul3A_407 : vector<16xf32>
            %exp3A_409 = math.exp %add3A_408 : vector<16xf32>
            %ge3A_410 = arith.cmpf oge, %add3A_408, %broadcast_in_dim3A_163 : vector<16xf32>
            %add3A_411 = arith.addi %broadcast_in_dim3A_383, %get3A_331 : vector<16xi32>
            tpu.vector_store_idx %arg13[%add3A_411], %exp3A_409 masked %ge3A_410 {add = true} : memref<65536xf32, #tpu.memory_space<vmem>>[vector<16xi32>], vector<16xf32>, vector<16xi1>
            %add3A_412 = arith.addf %broadcast_in_dim3A_379, %get3A_211 : vector<16xf32>
            %mul3A_413 = arith.mulf %broadcast_in_dim3A_378, %get3A_275 : vector<16xf32>
            %add3A_414 = arith.addf %add3A_412, %mul3A_413 : vector<16xf32>
            %exp3A_415 = math.exp %add3A_414 : vector<16xf32>
            %ge3A_416 = arith.cmpf oge, %add3A_414, %broadcast_in_dim3A_163 : vector<16xf32>
            %add3A_417 = arith.addi %broadcast_in_dim3A_383, %get3A_339 : vector<16xi32>
            tpu.vector_store_idx %arg13[%add3A_417], %exp3A_415 masked %ge3A_416 {add = true} : memref<65536xf32, #tpu.memory_space<vmem>>[vector<16xi32>], vector<16xf32>, vector<16xi1>
            %add3A_418 = arith.addf %broadcast_in_dim3A_379, %get3A_219 : vector<16xf32>
            %mul3A_419 = arith.mulf %broadcast_in_dim3A_378, %get3A_283 : vector<16xf32>
            %add3A_420 = arith.addf %add3A_418, %mul3A_419 : vector<16xf32>
            %exp3A_421 = math.exp %add3A_420 : vector<16xf32>
            %ge3A_422 = arith.cmpf oge, %add3A_420, %broadcast_in_dim3A_163 : vector<16xf32>
            %add3A_423 = arith.addi %broadcast_in_dim3A_383, %get3A_347 : vector<16xi32>
            tpu.vector_store_idx %arg13[%add3A_423], %exp3A_421 masked %ge3A_422 {add = true} : memref<65536xf32, #tpu.memory_space<vmem>>[vector<16xi32>], vector<16xf32>, vector<16xi1>
            %add3A_424 = arith.addf %broadcast_in_dim3A_379, %get3A_227 : vector<16xf32>
            %mul3A_425 = arith.mulf %broadcast_in_dim3A_378, %get3A_291 : vector<16xf32>
            %add3A_426 = arith.addf %add3A_424, %mul3A_425 : vector<16xf32>
            %exp3A_427 = math.exp %add3A_426 : vector<16xf32>
            %ge3A_428 = arith.cmpf oge, %add3A_426, %broadcast_in_dim3A_163 : vector<16xf32>
            %add3A_429 = arith.addi %broadcast_in_dim3A_383, %get3A_355 : vector<16xi32>
            tpu.vector_store_idx %arg13[%add3A_429], %exp3A_427 masked %ge3A_428 {add = true} : memref<65536xf32, #tpu.memory_space<vmem>>[vector<16xi32>], vector<16xf32>, vector<16xi1>
          }
        }
        %while3A_138 = arith.constant 1 : i32
        scf.for %while3A_145 = %while3A_136 to %while3A_132 step %while3A_138  : i32 {
          %mul3A_146 = arith.constant 16 : i32
          %mul3A_147 = arith.muli %while3A_145, %mul3A_146 : i32
          %add3A_148 = arith.constant 0 : i32
          %add3A_149 = arith.addi %add3A_148, %mul3A_147 : i32
          %get3A_150 = arith.index_cast %add3A_149 : i32 to index
          %get3A_151 = tpu.vector_load %arg9[%get3A_150] {strides = array<i32>} : memref<2048xf32, #tpu.memory_space<vmem>>, vector<16xf32>,
          %slice3A_152 = vector.extract_strided_slice %get3A_151 {offsets = [0], sizes = [1], strides = [1]} : vector<16xf32> to vector<1xf32>
          %squeeze3A_153 = vector.extract %slice3A_152[0] : f32 from vector<1xf32>
          %slice3A_154 = vector.extract_strided_slice %get3A_151 {offsets = [3], sizes = [1], strides = [1]} : vector<16xf32> to vector<1xf32>
          %squeeze3A_155 = vector.extract %slice3A_154[0] : f32 from vector<1xf32>
          %slice3A_156 = vector.extract_strided_slice %get3A_151 {offsets = [10], sizes = [1], strides = [1]} : vector<16xf32> to vector<1xf32>
          %squeeze3A_157 = vector.extract %slice3A_156[0] : f32 from vector<1xf32>
          %convert_element_type3A_158 = arith.fptosi %squeeze3A_157 : f32 to i32
          %slice3A_159 = vector.extract_strided_slice %get3A_151 {offsets = [13], sizes = [1], strides = [1]} : vector<16xf32> to vector<1xf32>
          %squeeze3A_160 = vector.extract %slice3A_159[0] : f32 from vector<1xf32>
          %add3A_161 = arith.constant -4.500000e+00 : f32
          %add3A_162 = arith.addf %squeeze3A_160, %add3A_161 : f32
          %broadcast_in_dim3A_163 = vector.broadcast %add3A_162 : f32 to vector<16xf32>
          %mul3A_164 = arith.constant 128 : i32
          %mul3A_165 = arith.muli %while3A_145, %mul3A_164 : i32
          %add3A_166 = arith.constant 0 : i32
          %add3A_167 = arith.addi %add3A_166, %mul3A_165 : i32
          %add3A_168 = arith.constant 0 : i32
          %add3A_169 = arith.addi %add3A_167, %add3A_168 : i32
          %get3A_170 = arith.index_cast %add3A_169 : i32 to index
          %get3A_171 = tpu.vector_load %arg10[%get3A_170] {strides = array<i32>} : memref<16384xf32, #tpu.memory_space<vmem>>, vector<16xf32>,
          %mul3A_172 = arith.constant 128 : i32
          %mul3A_173 = arith.muli %while3A_145, %mul3A_172 : i32
          %add3A_174 = arith.constant 0 : i32
          %add3A_175 = arith.addi %add3A_174, %mul3A_173 : i32
          %add3A_176 = arith.constant 16 : i32
          %add3A_177 = arith.addi %add3A_175, %add3A_176 : i32
          %get3A_178 = arith.index_cast %add3A_177 : i32 to index
          %get3A_179 = tpu.vector_load %arg10[%get3A_178] {strides = array<i32>} : memref<16384xf32, #tpu.memory_space<vmem>>, vector<16xf32>,
          %mul3A_180 = arith.constant 128 : i32
          %mul3A_181 = arith.muli %while3A_145, %mul3A_180 : i32
          %add3A_182 = arith.constant 0 : i32
          %add3A_183 = arith.addi %add3A_182, %mul3A_181 : i32
          %add3A_184 = arith.constant 32 : i32
          %add3A_185 = arith.addi %add3A_183, %add3A_184 : i32
          %get3A_186 = arith.index_cast %add3A_185 : i32 to index
          %get3A_187 = tpu.vector_load %arg10[%get3A_186] {strides = array<i32>} : memref<16384xf32, #tpu.memory_space<vmem>>, vector<16xf32>,
          %mul3A_188 = arith.constant 128 : i32
          %mul3A_189 = arith.muli %while3A_145, %mul3A_188 : i32
          %add3A_190 = arith.constant 0 : i32
          %add3A_191 = arith.addi %add3A_190, %mul3A_189 : i32
          %add3A_192 = arith.constant 48 : i32
          %add3A_193 = arith.addi %add3A_191, %add3A_192 : i32
          %get3A_194 = arith.index_cast %add3A_193 : i32 to index
          %get3A_195 = tpu.vector_load %arg10[%get3A_194] {strides = array<i32>} : memref<16384xf32, #tpu.memory_space<vmem>>, vector<16xf32>,
          %mul3A_196 = arith.constant 128 : i32
          %mul3A_197 = arith.muli %while3A_145, %mul3A_196 : i32
          %add3A_198 = arith.constant 0 : i32
          %add3A_199 = arith.addi %add3A_198, %mul3A_197 : i32
          %add3A_200 = arith.constant 64 : i32
          %add3A_201 = arith.addi %add3A_199, %add3A_200 : i32
          %get3A_202 = arith.index_cast %add3A_201 : i32 to index
          %get3A_203 = tpu.vector_load %arg10[%get3A_202] {strides = array<i32>} : memref<16384xf32, #tpu.memory_space<vmem>>, vector<16xf32>,
          %mul3A_204 = arith.constant 128 : i32
          %mul3A_205 = arith.muli %while3A_145, %mul3A_204 : i32
          %add3A_206 = arith.constant 0 : i32
          %add3A_207 = arith.addi %add3A_206, %mul3A_205 : i32
          %add3A_208 = arith.constant 80 : i32
          %add3A_209 = arith.addi %add3A_207, %add3A_208 : i32
          %get3A_210 = arith.index_cast %add3A_209 : i32 to index
          %get3A_211 = tpu.vector_load %arg10[%get3A_210] {strides = array<i32>} : memref<16384xf32, #tpu.memory_space<vmem>>, vector<16xf32>,
          %mul3A_212 = arith.constant 128 : i32
          %mul3A_213 = arith.muli %while3A_145, %mul3A_212 : i32
          %add3A_214 = arith.constant 0 : i32
          %add3A_215 = arith.addi %add3A_214, %mul3A_213 : i32
          %add3A_216 = arith.constant 96 : i32
          %add3A_217 = arith.addi %add3A_215, %add3A_216 : i32
          %get3A_218 = arith.index_cast %add3A_217 : i32 to index
          %get3A_219 = tpu.vector_load %arg10[%get3A_218] {strides = array<i32>} : memref<16384xf32, #tpu.memory_space<vmem>>, vector<16xf32>,
          %mul3A_220 = arith.constant 128 : i32
          %mul3A_221 = arith.muli %while3A_145, %mul3A_220 : i32
          %add3A_222 = arith.constant 0 : i32
          %add3A_223 = arith.addi %add3A_222, %mul3A_221 : i32
          %add3A_224 = arith.constant 112 : i32
          %add3A_225 = arith.addi %add3A_223, %add3A_224 : i32
          %get3A_226 = arith.index_cast %add3A_225 : i32 to index
          %get3A_227 = tpu.vector_load %arg10[%get3A_226] {strides = array<i32>} : memref<16384xf32, #tpu.memory_space<vmem>>, vector<16xf32>,
          %mul3A_228 = arith.constant 128 : i32
          %mul3A_229 = arith.muli %while3A_145, %mul3A_228 : i32
          %add3A_230 = arith.constant 0 : i32
          %add3A_231 = arith.addi %add3A_230, %mul3A_229 : i32
          %add3A_232 = arith.constant 0 : i32
          %add3A_233 = arith.addi %add3A_231, %add3A_232 : i32
          %get3A_234 = arith.index_cast %add3A_233 : i32 to index
          %get3A_235 = tpu.vector_load %arg11[%get3A_234] {strides = array<i32>} : memref<16384xf32, #tpu.memory_space<vmem>>, vector<16xf32>,
          %mul3A_236 = arith.constant 128 : i32
          %mul3A_237 = arith.muli %while3A_145, %mul3A_236 : i32
          %add3A_238 = arith.constant 0 : i32
          %add3A_239 = arith.addi %add3A_238, %mul3A_237 : i32
          %add3A_240 = arith.constant 16 : i32
          %add3A_241 = arith.addi %add3A_239, %add3A_240 : i32
          %get3A_242 = arith.index_cast %add3A_241 : i32 to index
          %get3A_243 = tpu.vector_load %arg11[%get3A_242] {strides = array<i32>} : memref<16384xf32, #tpu.memory_space<vmem>>, vector<16xf32>,
          %mul3A_244 = arith.constant 128 : i32
          %mul3A_245 = arith.muli %while3A_145, %mul3A_244 : i32
          %add3A_246 = arith.constant 0 : i32
          %add3A_247 = arith.addi %add3A_246, %mul3A_245 : i32
          %add3A_248 = arith.constant 32 : i32
          %add3A_249 = arith.addi %add3A_247, %add3A_248 : i32
          %get3A_250 = arith.index_cast %add3A_249 : i32 to index
          %get3A_251 = tpu.vector_load %arg11[%get3A_250] {strides = array<i32>} : memref<16384xf32, #tpu.memory_space<vmem>>, vector<16xf32>,
          %mul3A_252 = arith.constant 128 : i32
          %mul3A_253 = arith.muli %while3A_145, %mul3A_252 : i32
          %add3A_254 = arith.constant 0 : i32
          %add3A_255 = arith.addi %add3A_254, %mul3A_253 : i32
          %add3A_256 = arith.constant 48 : i32
          %add3A_257 = arith.addi %add3A_255, %add3A_256 : i32
          %get3A_258 = arith.index_cast %add3A_257 : i32 to index
          %get3A_259 = tpu.vector_load %arg11[%get3A_258] {strides = array<i32>} : memref<16384xf32, #tpu.memory_space<vmem>>, vector<16xf32>,
          %mul3A_260 = arith.constant 128 : i32
          %mul3A_261 = arith.muli %while3A_145, %mul3A_260 : i32
          %add3A_262 = arith.constant 0 : i32
          %add3A_263 = arith.addi %add3A_262, %mul3A_261 : i32
          %add3A_264 = arith.constant 64 : i32
          %add3A_265 = arith.addi %add3A_263, %add3A_264 : i32
          %get3A_266 = arith.index_cast %add3A_265 : i32 to index
          %get3A_267 = tpu.vector_load %arg11[%get3A_266] {strides = array<i32>} : memref<16384xf32, #tpu.memory_space<vmem>>, vector<16xf32>,
          %mul3A_268 = arith.constant 128 : i32
          %mul3A_269 = arith.muli %while3A_145, %mul3A_268 : i32
          %add3A_270 = arith.constant 0 : i32
          %add3A_271 = arith.addi %add3A_270, %mul3A_269 : i32
          %add3A_272 = arith.constant 80 : i32
          %add3A_273 = arith.addi %add3A_271, %add3A_272 : i32
          %get3A_274 = arith.index_cast %add3A_273 : i32 to index
          %get3A_275 = tpu.vector_load %arg11[%get3A_274] {strides = array<i32>} : memref<16384xf32, #tpu.memory_space<vmem>>, vector<16xf32>,
          %mul3A_276 = arith.constant 128 : i32
          %mul3A_277 = arith.muli %while3A_145, %mul3A_276 : i32
          %add3A_278 = arith.constant 0 : i32
          %add3A_279 = arith.addi %add3A_278, %mul3A_277 : i32
          %add3A_280 = arith.constant 96 : i32
          %add3A_281 = arith.addi %add3A_279, %add3A_280 : i32
          %get3A_282 = arith.index_cast %add3A_281 : i32 to index
          %get3A_283 = tpu.vector_load %arg11[%get3A_282] {strides = array<i32>} : memref<16384xf32, #tpu.memory_space<vmem>>, vector<16xf32>,
          %mul3A_284 = arith.constant 128 : i32
          %mul3A_285 = arith.muli %while3A_145, %mul3A_284 : i32
          %add3A_286 = arith.constant 0 : i32
          %add3A_287 = arith.addi %add3A_286, %mul3A_285 : i32
          %add3A_288 = arith.constant 112 : i32
          %add3A_289 = arith.addi %add3A_287, %add3A_288 : i32
          %get3A_290 = arith.index_cast %add3A_289 : i32 to index
          %get3A_291 = tpu.vector_load %arg11[%get3A_290] {strides = array<i32>} : memref<16384xf32, #tpu.memory_space<vmem>>, vector<16xf32>,
          %mul3A_292 = arith.constant 128 : i32
          %mul3A_293 = arith.muli %while3A_145, %mul3A_292 : i32
          %add3A_294 = arith.constant 0 : i32
          %add3A_295 = arith.addi %add3A_294, %mul3A_293 : i32
          %add3A_296 = arith.constant 0 : i32
          %add3A_297 = arith.addi %add3A_295, %add3A_296 : i32
          %get3A_298 = arith.index_cast %add3A_297 : i32 to index
          %get3A_299 = tpu.vector_load %arg12[%get3A_298] {strides = array<i32>} : memref<16384xi32, #tpu.memory_space<vmem>>, vector<16xi32>,
          %mul3A_300 = arith.constant 128 : i32
          %mul3A_301 = arith.muli %while3A_145, %mul3A_300 : i32
          %add3A_302 = arith.constant 0 : i32
          %add3A_303 = arith.addi %add3A_302, %mul3A_301 : i32
          %add3A_304 = arith.constant 16 : i32
          %add3A_305 = arith.addi %add3A_303, %add3A_304 : i32
          %get3A_306 = arith.index_cast %add3A_305 : i32 to index
          %get3A_307 = tpu.vector_load %arg12[%get3A_306] {strides = array<i32>} : memref<16384xi32, #tpu.memory_space<vmem>>, vector<16xi32>,
          %mul3A_308 = arith.constant 128 : i32
          %mul3A_309 = arith.muli %while3A_145, %mul3A_308 : i32
          %add3A_310 = arith.constant 0 : i32
          %add3A_311 = arith.addi %add3A_310, %mul3A_309 : i32
          %add3A_312 = arith.constant 32 : i32
          %add3A_313 = arith.addi %add3A_311, %add3A_312 : i32
          %get3A_314 = arith.index_cast %add3A_313 : i32 to index
          %get3A_315 = tpu.vector_load %arg12[%get3A_314] {strides = array<i32>} : memref<16384xi32, #tpu.memory_space<vmem>>, vector<16xi32>,
          %mul3A_316 = arith.constant 128 : i32
          %mul3A_317 = arith.muli %while3A_145, %mul3A_316 : i32
          %add3A_318 = arith.constant 0 : i32
          %add3A_319 = arith.addi %add3A_318, %mul3A_317 : i32
          %add3A_320 = arith.constant 48 : i32
          %add3A_321 = arith.addi %add3A_319, %add3A_320 : i32
          %get3A_322 = arith.index_cast %add3A_321 : i32 to index
          %get3A_323 = tpu.vector_load %arg12[%get3A_322] {strides = array<i32>} : memref<16384xi32, #tpu.memory_space<vmem>>, vector<16xi32>,
          %mul3A_324 = arith.constant 128 : i32
          %mul3A_325 = arith.muli %while3A_145, %mul3A_324 : i32
          %add3A_326 = arith.constant 0 : i32
          %add3A_327 = arith.addi %add3A_326, %mul3A_325 : i32
          %add3A_328 = arith.constant 64 : i32
          %add3A_329 = arith.addi %add3A_327, %add3A_328 : i32
          %get3A_330 = arith.index_cast %add3A_329 : i32 to index
          %get3A_331 = tpu.vector_load %arg12[%get3A_330] {strides = array<i32>} : memref<16384xi32, #tpu.memory_space<vmem>>, vector<16xi32>,
          %mul3A_332 = arith.constant 128 : i32
          %mul3A_333 = arith.muli %while3A_145, %mul3A_332 : i32
          %add3A_334 = arith.constant 0 : i32
          %add3A_335 = arith.addi %add3A_334, %mul3A_333 : i32
          %add3A_336 = arith.constant 80 : i32
          %add3A_337 = arith.addi %add3A_335, %add3A_336 : i32
          %get3A_338 = arith.index_cast %add3A_337 : i32 to index
          %get3A_339 = tpu.vector_load %arg12[%get3A_338] {strides = array<i32>} : memref<16384xi32, #tpu.memory_space<vmem>>, vector<16xi32>,
          %mul3A_340 = arith.constant 128 : i32
          %mul3A_341 = arith.muli %while3A_145, %mul3A_340 : i32
          %add3A_342 = arith.constant 0 : i32
          %add3A_343 = arith.addi %add3A_342, %mul3A_341 : i32
          %add3A_344 = arith.constant 96 : i32
          %add3A_345 = arith.addi %add3A_343, %add3A_344 : i32
          %get3A_346 = arith.index_cast %add3A_345 : i32 to index
          %get3A_347 = tpu.vector_load %arg12[%get3A_346] {strides = array<i32>} : memref<16384xi32, #tpu.memory_space<vmem>>, vector<16xi32>,
          %mul3A_348 = arith.constant 128 : i32
          %mul3A_349 = arith.muli %while3A_145, %mul3A_348 : i32
          %add3A_350 = arith.constant 0 : i32
          %add3A_351 = arith.addi %add3A_350, %mul3A_349 : i32
          %add3A_352 = arith.constant 112 : i32
          %add3A_353 = arith.addi %add3A_351, %add3A_352 : i32
          %get3A_354 = arith.index_cast %add3A_353 : i32 to index
          %get3A_355 = tpu.vector_load %arg12[%get3A_354] {strides = array<i32>} : memref<16384xi32, #tpu.memory_space<vmem>>, vector<16xi32>,
          %slice3A_356 = vector.extract_strided_slice %get3A_151 {offsets = [14], sizes = [1], strides = [1]} : vector<16xf32> to vector<1xf32>
          %squeeze3A_357 = vector.extract %slice3A_356[0] : f32 from vector<1xf32>
          %convert_element_type3A_358 = arith.fptosi %squeeze3A_357 : f32 to i32
          %sub3A_359 = arith.subi %convert_element_type3A_158, %convert_element_type3A_358 : i32
          %max3A = arith.maxsi %sub3A_359, %mul3A_2 : i32
          %add3A_360 = arith.addi %convert_element_type3A_158, %convert_element_type3A_358 : i32
          %add3A_361 = arith.constant 1 : i32
          %add3A_362 = arith.addi %add3A_360, %add3A_361 : i32
          %min3A_363 = arith.minsi %add3A_362, %add3A_4 : i32
          %while3A_364 = arith.subi %min3A_363, %max3A : i32
          %while3A_365 = arith.addi %max3A, %while3A_364 : i32
          %while3A_366 = arith.constant 1 : i32
          %while3A_367 = arith.divsi %while3A_364, %while3A_366 : i32
          %while3A_368 = arith.muli %while3A_367, %while3A_366 : i32
          %while3A_369 = arith.addi %max3A, %while3A_368 : i32
          %while3A_370 = arith.constant 1 : i32
          scf.for %while3A_372 = %max3A to %while3A_369 step %while3A_370  : i32 {
            %convert_element_type3A_373 = arith.sitofp %while3A_372 : i32 to f32
            %sub3A_374 = arith.subf %convert_element_type3A_373, %squeeze3A_153 : f32
            %mul3A_375 = arith.mulf %sub3A_374, %while3A : f32
            %mul3A_376 = arith.mulf %squeeze3A_155, %mul3A_375 : f32
            %mul3A_377 = arith.mulf %mul3A_376, %mul3A_375 : f32
            %broadcast_in_dim3A_378 = vector.broadcast %mul3A_375 : f32 to vector<16xf32>
            %broadcast_in_dim3A_379 = vector.broadcast %mul3A_377 : f32 to vector<16xf32>
            %sub3A_380 = arith.subi %while3A_372, %mul3A_2 : i32
            %mul3A_381 = arith.constant 16384 : i32
            %mul3A_382 = arith.muli %sub3A_380, %mul3A_381 : i32
            %broadcast_in_dim3A_383 = vector.broadcast %mul3A_382 : i32 to vector<16xi32>
            %add3A_384 = arith.addf %broadcast_in_dim3A_379, %get3A_171 : vector<16xf32>
            %mul3A_385 = arith.mulf %broadcast_in_dim3A_378, %get3A_235 : vector<16xf32>
            %add3A_386 = arith.addf %add3A_384, %mul3A_385 : vector<16xf32>
            %exp3A = math.exp %add3A_386 : vector<16xf32>
            %ge3A = arith.cmpf oge, %add3A_386, %broadcast_in_dim3A_163 : vector<16xf32>
            %add3A_387 = arith.addi %broadcast_in_dim3A_383, %get3A_299 : vector<16xi32>
            tpu.vector_store_idx %arg13[%add3A_387], %exp3A masked %ge3A {add = true} : memref<65536xf32, #tpu.memory_space<vmem>>[vector<16xi32>], vector<16xf32>, vector<16xi1>
            %add3A_388 = arith.addf %broadcast_in_dim3A_379, %get3A_179 : vector<16xf32>
            %mul3A_389 = arith.mulf %broadcast_in_dim3A_378, %get3A_243 : vector<16xf32>
            %add3A_390 = arith.addf %add3A_388, %mul3A_389 : vector<16xf32>
            %exp3A_391 = math.exp %add3A_390 : vector<16xf32>
            %ge3A_392 = arith.cmpf oge, %add3A_390, %broadcast_in_dim3A_163 : vector<16xf32>
            %add3A_393 = arith.addi %broadcast_in_dim3A_383, %get3A_307 : vector<16xi32>
            tpu.vector_store_idx %arg13[%add3A_393], %exp3A_391 masked %ge3A_392 {add = true} : memref<65536xf32, #tpu.memory_space<vmem>>[vector<16xi32>], vector<16xf32>, vector<16xi1>
            %add3A_394 = arith.addf %broadcast_in_dim3A_379, %get3A_187 : vector<16xf32>
            %mul3A_395 = arith.mulf %broadcast_in_dim3A_378, %get3A_251 : vector<16xf32>
            %add3A_396 = arith.addf %add3A_394, %mul3A_395 : vector<16xf32>
            %exp3A_397 = math.exp %add3A_396 : vector<16xf32>
            %ge3A_398 = arith.cmpf oge, %add3A_396, %broadcast_in_dim3A_163 : vector<16xf32>
            %add3A_399 = arith.addi %broadcast_in_dim3A_383, %get3A_315 : vector<16xi32>
            tpu.vector_store_idx %arg13[%add3A_399], %exp3A_397 masked %ge3A_398 {add = true} : memref<65536xf32, #tpu.memory_space<vmem>>[vector<16xi32>], vector<16xf32>, vector<16xi1>
            %add3A_400 = arith.addf %broadcast_in_dim3A_379, %get3A_195 : vector<16xf32>
            %mul3A_401 = arith.mulf %broadcast_in_dim3A_378, %get3A_259 : vector<16xf32>
            %add3A_402 = arith.addf %add3A_400, %mul3A_401 : vector<16xf32>
            %exp3A_403 = math.exp %add3A_402 : vector<16xf32>
            %ge3A_404 = arith.cmpf oge, %add3A_402, %broadcast_in_dim3A_163 : vector<16xf32>
            %add3A_405 = arith.addi %broadcast_in_dim3A_383, %get3A_323 : vector<16xi32>
            tpu.vector_store_idx %arg13[%add3A_405], %exp3A_403 masked %ge3A_404 {add = true} : memref<65536xf32, #tpu.memory_space<vmem>>[vector<16xi32>], vector<16xf32>, vector<16xi1>
            %add3A_406 = arith.addf %broadcast_in_dim3A_379, %get3A_203 : vector<16xf32>
            %mul3A_407 = arith.mulf %broadcast_in_dim3A_378, %get3A_267 : vector<16xf32>
            %add3A_408 = arith.addf %add3A_406, %mul3A_407 : vector<16xf32>
            %exp3A_409 = math.exp %add3A_408 : vector<16xf32>
            %ge3A_410 = arith.cmpf oge, %add3A_408, %broadcast_in_dim3A_163 : vector<16xf32>
            %add3A_411 = arith.addi %broadcast_in_dim3A_383, %get3A_331 : vector<16xi32>
            tpu.vector_store_idx %arg13[%add3A_411], %exp3A_409 masked %ge3A_410 {add = true} : memref<65536xf32, #tpu.memory_space<vmem>>[vector<16xi32>], vector<16xf32>, vector<16xi1>
            %add3A_412 = arith.addf %broadcast_in_dim3A_379, %get3A_211 : vector<16xf32>
            %mul3A_413 = arith.mulf %broadcast_in_dim3A_378, %get3A_275 : vector<16xf32>
            %add3A_414 = arith.addf %add3A_412, %mul3A_413 : vector<16xf32>
            %exp3A_415 = math.exp %add3A_414 : vector<16xf32>
            %ge3A_416 = arith.cmpf oge, %add3A_414, %broadcast_in_dim3A_163 : vector<16xf32>
            %add3A_417 = arith.addi %broadcast_in_dim3A_383, %get3A_339 : vector<16xi32>
            tpu.vector_store_idx %arg13[%add3A_417], %exp3A_415 masked %ge3A_416 {add = true} : memref<65536xf32, #tpu.memory_space<vmem>>[vector<16xi32>], vector<16xf32>, vector<16xi1>
            %add3A_418 = arith.addf %broadcast_in_dim3A_379, %get3A_219 : vector<16xf32>
            %mul3A_419 = arith.mulf %broadcast_in_dim3A_378, %get3A_283 : vector<16xf32>
            %add3A_420 = arith.addf %add3A_418, %mul3A_419 : vector<16xf32>
            %exp3A_421 = math.exp %add3A_420 : vector<16xf32>
            %ge3A_422 = arith.cmpf oge, %add3A_420, %broadcast_in_dim3A_163 : vector<16xf32>
            %add3A_423 = arith.addi %broadcast_in_dim3A_383, %get3A_347 : vector<16xi32>
            tpu.vector_store_idx %arg13[%add3A_423], %exp3A_421 masked %ge3A_422 {add = true} : memref<65536xf32, #tpu.memory_space<vmem>>[vector<16xi32>], vector<16xf32>, vector<16xi1>
            %add3A_424 = arith.addf %broadcast_in_dim3A_379, %get3A_227 : vector<16xf32>
            %mul3A_425 = arith.mulf %broadcast_in_dim3A_378, %get3A_291 : vector<16xf32>
            %add3A_426 = arith.addf %add3A_424, %mul3A_425 : vector<16xf32>
            %exp3A_427 = math.exp %add3A_426 : vector<16xf32>
            %ge3A_428 = arith.cmpf oge, %add3A_426, %broadcast_in_dim3A_163 : vector<16xf32>
            %add3A_429 = arith.addi %broadcast_in_dim3A_383, %get3A_355 : vector<16xi32>
            tpu.vector_store_idx %arg13[%add3A_429], %exp3A_427 masked %ge3A_428 {add = true} : memref<65536xf32, #tpu.memory_space<vmem>>[vector<16xi32>], vector<16xf32>, vector<16xi1>
          }
          %while3A_371 = arith.constant 1 : i32
          scf.for %while3A_372 = %while3A_369 to %while3A_365 step %while3A_371  : i32 {
            %convert_element_type3A_373 = arith.sitofp %while3A_372 : i32 to f32
            %sub3A_374 = arith.subf %convert_element_type3A_373, %squeeze3A_153 : f32
            %mul3A_375 = arith.mulf %sub3A_374, %while3A : f32
            %mul3A_376 = arith.mulf %squeeze3A_155, %mul3A_375 : f32
            %mul3A_377 = arith.mulf %mul3A_376, %mul3A_375 : f32
            %broadcast_in_dim3A_378 = vector.broadcast %mul3A_375 : f32 to vector<16xf32>
            %broadcast_in_dim3A_379 = vector.broadcast %mul3A_377 : f32 to vector<16xf32>
            %sub3A_380 = arith.subi %while3A_372, %mul3A_2 : i32
            %mul3A_381 = arith.constant 16384 : i32
            %mul3A_382 = arith.muli %sub3A_380, %mul3A_381 : i32
            %broadcast_in_dim3A_383 = vector.broadcast %mul3A_382 : i32 to vector<16xi32>
            %add3A_384 = arith.addf %broadcast_in_dim3A_379, %get3A_171 : vector<16xf32>
            %mul3A_385 = arith.mulf %broadcast_in_dim3A_378, %get3A_235 : vector<16xf32>
            %add3A_386 = arith.addf %add3A_384, %mul3A_385 : vector<16xf32>
            %exp3A = math.exp %add3A_386 : vector<16xf32>
            %ge3A = arith.cmpf oge, %add3A_386, %broadcast_in_dim3A_163 : vector<16xf32>
            %add3A_387 = arith.addi %broadcast_in_dim3A_383, %get3A_299 : vector<16xi32>
            tpu.vector_store_idx %arg13[%add3A_387], %exp3A masked %ge3A {add = true} : memref<65536xf32, #tpu.memory_space<vmem>>[vector<16xi32>], vector<16xf32>, vector<16xi1>
            %add3A_388 = arith.addf %broadcast_in_dim3A_379, %get3A_179 : vector<16xf32>
            %mul3A_389 = arith.mulf %broadcast_in_dim3A_378, %get3A_243 : vector<16xf32>
            %add3A_390 = arith.addf %add3A_388, %mul3A_389 : vector<16xf32>
            %exp3A_391 = math.exp %add3A_390 : vector<16xf32>
            %ge3A_392 = arith.cmpf oge, %add3A_390, %broadcast_in_dim3A_163 : vector<16xf32>
            %add3A_393 = arith.addi %broadcast_in_dim3A_383, %get3A_307 : vector<16xi32>
            tpu.vector_store_idx %arg13[%add3A_393], %exp3A_391 masked %ge3A_392 {add = true} : memref<65536xf32, #tpu.memory_space<vmem>>[vector<16xi32>], vector<16xf32>, vector<16xi1>
            %add3A_394 = arith.addf %broadcast_in_dim3A_379, %get3A_187 : vector<16xf32>
            %mul3A_395 = arith.mulf %broadcast_in_dim3A_378, %get3A_251 : vector<16xf32>
            %add3A_396 = arith.addf %add3A_394, %mul3A_395 : vector<16xf32>
            %exp3A_397 = math.exp %add3A_396 : vector<16xf32>
            %ge3A_398 = arith.cmpf oge, %add3A_396, %broadcast_in_dim3A_163 : vector<16xf32>
            %add3A_399 = arith.addi %broadcast_in_dim3A_383, %get3A_315 : vector<16xi32>
            tpu.vector_store_idx %arg13[%add3A_399], %exp3A_397 masked %ge3A_398 {add = true} : memref<65536xf32, #tpu.memory_space<vmem>>[vector<16xi32>], vector<16xf32>, vector<16xi1>
            %add3A_400 = arith.addf %broadcast_in_dim3A_379, %get3A_195 : vector<16xf32>
            %mul3A_401 = arith.mulf %broadcast_in_dim3A_378, %get3A_259 : vector<16xf32>
            %add3A_402 = arith.addf %add3A_400, %mul3A_401 : vector<16xf32>
            %exp3A_403 = math.exp %add3A_402 : vector<16xf32>
            %ge3A_404 = arith.cmpf oge, %add3A_402, %broadcast_in_dim3A_163 : vector<16xf32>
            %add3A_405 = arith.addi %broadcast_in_dim3A_383, %get3A_323 : vector<16xi32>
            tpu.vector_store_idx %arg13[%add3A_405], %exp3A_403 masked %ge3A_404 {add = true} : memref<65536xf32, #tpu.memory_space<vmem>>[vector<16xi32>], vector<16xf32>, vector<16xi1>
            %add3A_406 = arith.addf %broadcast_in_dim3A_379, %get3A_203 : vector<16xf32>
            %mul3A_407 = arith.mulf %broadcast_in_dim3A_378, %get3A_267 : vector<16xf32>
            %add3A_408 = arith.addf %add3A_406, %mul3A_407 : vector<16xf32>
            %exp3A_409 = math.exp %add3A_408 : vector<16xf32>
            %ge3A_410 = arith.cmpf oge, %add3A_408, %broadcast_in_dim3A_163 : vector<16xf32>
            %add3A_411 = arith.addi %broadcast_in_dim3A_383, %get3A_331 : vector<16xi32>
            tpu.vector_store_idx %arg13[%add3A_411], %exp3A_409 masked %ge3A_410 {add = true} : memref<65536xf32, #tpu.memory_space<vmem>>[vector<16xi32>], vector<16xf32>, vector<16xi1>
            %add3A_412 = arith.addf %broadcast_in_dim3A_379, %get3A_211 : vector<16xf32>
            %mul3A_413 = arith.mulf %broadcast_in_dim3A_378, %get3A_275 : vector<16xf32>
            %add3A_414 = arith.addf %add3A_412, %mul3A_413 : vector<16xf32>
            %exp3A_415 = math.exp %add3A_414 : vector<16xf32>
            %ge3A_416 = arith.cmpf oge, %add3A_414, %broadcast_in_dim3A_163 : vector<16xf32>
            %add3A_417 = arith.addi %broadcast_in_dim3A_383, %get3A_339 : vector<16xi32>
            tpu.vector_store_idx %arg13[%add3A_417], %exp3A_415 masked %ge3A_416 {add = true} : memref<65536xf32, #tpu.memory_space<vmem>>[vector<16xi32>], vector<16xf32>, vector<16xi1>
            %add3A_418 = arith.addf %broadcast_in_dim3A_379, %get3A_219 : vector<16xf32>
            %mul3A_419 = arith.mulf %broadcast_in_dim3A_378, %get3A_283 : vector<16xf32>
            %add3A_420 = arith.addf %add3A_418, %mul3A_419 : vector<16xf32>
            %exp3A_421 = math.exp %add3A_420 : vector<16xf32>
            %ge3A_422 = arith.cmpf oge, %add3A_420, %broadcast_in_dim3A_163 : vector<16xf32>
            %add3A_423 = arith.addi %broadcast_in_dim3A_383, %get3A_347 : vector<16xi32>
            tpu.vector_store_idx %arg13[%add3A_423], %exp3A_421 masked %ge3A_422 {add = true} : memref<65536xf32, #tpu.memory_space<vmem>>[vector<16xi32>], vector<16xf32>, vector<16xi1>
            %add3A_424 = arith.addf %broadcast_in_dim3A_379, %get3A_227 : vector<16xf32>
            %mul3A_425 = arith.mulf %broadcast_in_dim3A_378, %get3A_291 : vector<16xf32>
            %add3A_426 = arith.addf %add3A_424, %mul3A_425 : vector<16xf32>
            %exp3A_427 = math.exp %add3A_426 : vector<16xf32>
            %ge3A_428 = arith.cmpf oge, %add3A_426, %broadcast_in_dim3A_163 : vector<16xf32>
            %add3A_429 = arith.addi %broadcast_in_dim3A_383, %get3A_355 : vector<16xi32>
            tpu.vector_store_idx %arg13[%add3A_429], %exp3A_427 masked %ge3A_428 {add = true} : memref<65536xf32, #tpu.memory_space<vmem>>[vector<16xi32>], vector<16xf32>, vector<16xi1>
          }
        }
        %add3A_139 = arith.constant 2 : i32
        %add3A_140 = arith.addi %add3A_82, %add3A_139 : i32
        %lt3A_141 = arith.cmpi slt, %add3A_140, %select_n3A : i32
        %convert_element_type3A_142 = arith.extui %lt3A_141 : i1 to i32
        %cond3A_143 = arith.constant 0 : i32
        %cond3A_144 = arith.cmpi ne, %convert_element_type3A_142, %cond3A_143 : i32
        scf.if %cond3A_144 {
          %add3A_145 = arith.constant 2 : i32
          %add3A_146 = arith.addi %add3A_82, %add3A_145 : i32
          %mul3A_147 = arith.constant 64 : i32
          %mul3A_148 = arith.muli %add3A_146, %mul3A_147 : i32
          %add3A_149 = arith.addi %squeeze3A, %mul3A_148 : i32
          %mul3A_150 = arith.constant 16 : i32
          %mul3A_151 = arith.muli %add3A_149, %mul3A_150 : i32
          %dma_start3A = arith.constant 0 : i32
          %dma_start3A_152 = tpu.memref_slice %arg9[%dma_start3A] : memref<2048xf32, #tpu.memory_space<vmem>> -> memref<1024xf32, #tpu.memory_space<vmem>>
          %dma_start3A_153 = tpu.memref_slice %arg3[%mul3A_151] : memref<327680xf32, #tpu.memory_space<hbm>> -> memref<1024xf32, #tpu.memory_space<hbm>>
          %dma_start3A_154 = arith.constant 0 : i32
          %dma_start3A_155 = tpu.memref_slice %arg9[%dma_start3A_154] : memref<2048xf32, #tpu.memory_space<vmem>> -> memref<1024xf32, #tpu.memory_space<vmem>>
          %dma_start3A_156 = tpu.memref_slice %arg3[%mul3A_151] : memref<327680xf32, #tpu.memory_space<hbm>> -> memref<1024xf32, #tpu.memory_space<hbm>>
          tpu.enqueue_dma source(%dma_start3A_156 : memref<1024xf32, #tpu.memory_space<hbm>>) target(%dma_start3A_155 : memref<1024xf32, #tpu.memory_space<vmem>>) target_semaphore(%arg14 : memref<!tpu.dma_semaphore, #tpu.memory_space<semaphore_mem>>)
          %mul3A_157 = arith.constant 128 : i32
          %mul3A_158 = arith.muli %add3A_149, %mul3A_157 : i32
          %dma_start3A_159 = arith.constant 0 : i32
          %dma_start3A_160 = tpu.memref_slice %arg10[%dma_start3A_159] : memref<16384xf32, #tpu.memory_space<vmem>> -> memref<8192xf32, #tpu.memory_space<vmem>>
          %dma_start3A_161 = tpu.memref_slice %arg4[%mul3A_158] : memref<2621440xf32, #tpu.memory_space<hbm>> -> memref<8192xf32, #tpu.memory_space<hbm>>
          %dma_start3A_162 = arith.constant 0 : i32
          %dma_start3A_163 = tpu.memref_slice %arg10[%dma_start3A_162] : memref<16384xf32, #tpu.memory_space<vmem>> -> memref<8192xf32, #tpu.memory_space<vmem>>
          %dma_start3A_164 = tpu.memref_slice %arg4[%mul3A_158] : memref<2621440xf32, #tpu.memory_space<hbm>> -> memref<8192xf32, #tpu.memory_space<hbm>>
          tpu.enqueue_dma source(%dma_start3A_164 : memref<8192xf32, #tpu.memory_space<hbm>>) target(%dma_start3A_163 : memref<8192xf32, #tpu.memory_space<vmem>>) target_semaphore(%arg14 : memref<!tpu.dma_semaphore, #tpu.memory_space<semaphore_mem>>)
          %mul3A_165 = arith.constant 128 : i32
          %mul3A_166 = arith.muli %add3A_149, %mul3A_165 : i32
          %dma_start3A_167 = arith.constant 0 : i32
          %dma_start3A_168 = tpu.memref_slice %arg11[%dma_start3A_167] : memref<16384xf32, #tpu.memory_space<vmem>> -> memref<8192xf32, #tpu.memory_space<vmem>>
          %dma_start3A_169 = tpu.memref_slice %arg5[%mul3A_166] : memref<2621440xf32, #tpu.memory_space<hbm>> -> memref<8192xf32, #tpu.memory_space<hbm>>
          %dma_start3A_170 = arith.constant 0 : i32
          %dma_start3A_171 = tpu.memref_slice %arg11[%dma_start3A_170] : memref<16384xf32, #tpu.memory_space<vmem>> -> memref<8192xf32, #tpu.memory_space<vmem>>
          %dma_start3A_172 = tpu.memref_slice %arg5[%mul3A_166] : memref<2621440xf32, #tpu.memory_space<hbm>> -> memref<8192xf32, #tpu.memory_space<hbm>>
          tpu.enqueue_dma source(%dma_start3A_172 : memref<8192xf32, #tpu.memory_space<hbm>>) target(%dma_start3A_171 : memref<8192xf32, #tpu.memory_space<vmem>>) target_semaphore(%arg14 : memref<!tpu.dma_semaphore, #tpu.memory_space<semaphore_mem>>)
          %mul3A_173 = arith.constant 128 : i32
          %mul3A_174 = arith.muli %add3A_149, %mul3A_173 : i32
          %dma_start3A_175 = arith.constant 0 : i32
          %dma_start3A_176 = tpu.memref_slice %arg12[%dma_start3A_175] : memref<16384xi32, #tpu.memory_space<vmem>> -> memref<8192xi32, #tpu.memory_space<vmem>>
          %dma_start3A_177 = tpu.memref_slice %arg6[%mul3A_174] : memref<2621440xi32, #tpu.memory_space<hbm>> -> memref<8192xi32, #tpu.memory_space<hbm>>
          %dma_start3A_178 = arith.constant 0 : i32
          %dma_start3A_179 = tpu.memref_slice %arg12[%dma_start3A_178] : memref<16384xi32, #tpu.memory_space<vmem>> -> memref<8192xi32, #tpu.memory_space<vmem>>
          %dma_start3A_180 = tpu.memref_slice %arg6[%mul3A_174] : memref<2621440xi32, #tpu.memory_space<hbm>> -> memref<8192xi32, #tpu.memory_space<hbm>>
          tpu.enqueue_dma source(%dma_start3A_180 : memref<8192xi32, #tpu.memory_space<hbm>>) target(%dma_start3A_179 : memref<8192xi32, #tpu.memory_space<vmem>>) target_semaphore(%arg14 : memref<!tpu.dma_semaphore, #tpu.memory_space<semaphore_mem>>)
        } else {
        }
      } else {
      }
      %mul3A_86 = arith.constant 2 : i32
      %mul3A_87 = arith.muli %while3A_78, %mul3A_86 : i32
      %add3A_88 = arith.constant 1 : i32
      %add3A_89 = arith.addi %mul3A_87, %add3A_88 : i32
      %lt3A_90 = arith.cmpi slt, %add3A_89, %select_n3A : i32
      %convert_element_type3A_91 = arith.extui %lt3A_90 : i1 to i32
      %cond3A_92 = arith.constant 0 : i32
      %cond3A_93 = arith.cmpi ne, %convert_element_type3A_91, %cond3A_92 : i32
      scf.if %cond3A_93 {
        %dma_wait3A = arith.constant 1024 : i32
        %dma_wait3A_94 = tpu.memref_slice %arg9[%dma_wait3A] : memref<2048xf32, #tpu.memory_space<vmem>> -> memref<1024xf32, #tpu.memory_space<vmem>>
        %dma_wait3A_95 = arith.constant 0 : i32
        %dma_wait3A_96 = tpu.memref_slice %arg3[%dma_wait3A_95] : memref<327680xf32, #tpu.memory_space<hbm>> -> memref<1024xf32, #tpu.memory_space<hbm>>
        %dma_wait3A_97 = arith.constant 1024 : i32
        %dma_wait3A_98 = tpu.memref_slice %arg9[%dma_wait3A_97] : memref<2048xf32, #tpu.memory_space<vmem>> -> memref<1024xf32, #tpu.memory_space<vmem>>
        %dma_wait3A_99 = arith.constant 0 : i32
        %dma_wait3A_100 = tpu.memref_slice %arg3[%dma_wait3A_99] : memref<327680xf32, #tpu.memory_space<hbm>> -> memref<1024xf32, #tpu.memory_space<hbm>>
        tpu.wait_dma2 semaphore(%arg15 : memref<!tpu.dma_semaphore, #tpu.memory_space<semaphore_mem>>) src(%dma_wait3A_100 : memref<1024xf32, #tpu.memory_space<hbm>>) dst(%dma_wait3A_98 : memref<1024xf32, #tpu.memory_space<vmem>>)
        %dma_wait3A_101 = arith.constant 8192 : i32
        %dma_wait3A_102 = tpu.memref_slice %arg10[%dma_wait3A_101] : memref<16384xf32, #tpu.memory_space<vmem>> -> memref<8192xf32, #tpu.memory_space<vmem>>
        %dma_wait3A_103 = arith.constant 0 : i32
        %dma_wait3A_104 = tpu.memref_slice %arg4[%dma_wait3A_103] : memref<2621440xf32, #tpu.memory_space<hbm>> -> memref<8192xf32, #tpu.memory_space<hbm>>
        %dma_wait3A_105 = arith.constant 8192 : i32
        %dma_wait3A_106 = tpu.memref_slice %arg10[%dma_wait3A_105] : memref<16384xf32, #tpu.memory_space<vmem>> -> memref<8192xf32, #tpu.memory_space<vmem>>
        %dma_wait3A_107 = arith.constant 0 : i32
        %dma_wait3A_108 = tpu.memref_slice %arg4[%dma_wait3A_107] : memref<2621440xf32, #tpu.memory_space<hbm>> -> memref<8192xf32, #tpu.memory_space<hbm>>
        tpu.wait_dma2 semaphore(%arg15 : memref<!tpu.dma_semaphore, #tpu.memory_space<semaphore_mem>>) src(%dma_wait3A_108 : memref<8192xf32, #tpu.memory_space<hbm>>) dst(%dma_wait3A_106 : memref<8192xf32, #tpu.memory_space<vmem>>)
        %dma_wait3A_109 = arith.constant 8192 : i32
        %dma_wait3A_110 = tpu.memref_slice %arg11[%dma_wait3A_109] : memref<16384xf32, #tpu.memory_space<vmem>> -> memref<8192xf32, #tpu.memory_space<vmem>>
        %dma_wait3A_111 = arith.constant 0 : i32
        %dma_wait3A_112 = tpu.memref_slice %arg5[%dma_wait3A_111] : memref<2621440xf32, #tpu.memory_space<hbm>> -> memref<8192xf32, #tpu.memory_space<hbm>>
        %dma_wait3A_113 = arith.constant 8192 : i32
        %dma_wait3A_114 = tpu.memref_slice %arg11[%dma_wait3A_113] : memref<16384xf32, #tpu.memory_space<vmem>> -> memref<8192xf32, #tpu.memory_space<vmem>>
        %dma_wait3A_115 = arith.constant 0 : i32
        %dma_wait3A_116 = tpu.memref_slice %arg5[%dma_wait3A_115] : memref<2621440xf32, #tpu.memory_space<hbm>> -> memref<8192xf32, #tpu.memory_space<hbm>>
        tpu.wait_dma2 semaphore(%arg15 : memref<!tpu.dma_semaphore, #tpu.memory_space<semaphore_mem>>) src(%dma_wait3A_116 : memref<8192xf32, #tpu.memory_space<hbm>>) dst(%dma_wait3A_114 : memref<8192xf32, #tpu.memory_space<vmem>>)
        %dma_wait3A_117 = arith.constant 8192 : i32
        %dma_wait3A_118 = tpu.memref_slice %arg12[%dma_wait3A_117] : memref<16384xi32, #tpu.memory_space<vmem>> -> memref<8192xi32, #tpu.memory_space<vmem>>
        %dma_wait3A_119 = arith.constant 0 : i32
        %dma_wait3A_120 = tpu.memref_slice %arg6[%dma_wait3A_119] : memref<2621440xi32, #tpu.memory_space<hbm>> -> memref<8192xi32, #tpu.memory_space<hbm>>
        %dma_wait3A_121 = arith.constant 8192 : i32
        %dma_wait3A_122 = tpu.memref_slice %arg12[%dma_wait3A_121] : memref<16384xi32, #tpu.memory_space<vmem>> -> memref<8192xi32, #tpu.memory_space<vmem>>
        %dma_wait3A_123 = arith.constant 0 : i32
        %dma_wait3A_124 = tpu.memref_slice %arg6[%dma_wait3A_123] : memref<2621440xi32, #tpu.memory_space<hbm>> -> memref<8192xi32, #tpu.memory_space<hbm>>
        tpu.wait_dma2 semaphore(%arg15 : memref<!tpu.dma_semaphore, #tpu.memory_space<semaphore_mem>>) src(%dma_wait3A_124 : memref<8192xi32, #tpu.memory_space<hbm>>) dst(%dma_wait3A_122 : memref<8192xi32, #tpu.memory_space<vmem>>)
        %mul3A_125 = arith.constant 64 : i32
        %mul3A_126 = arith.muli %add3A_89, %mul3A_125 : i32
        %add3A_127 = arith.addi %squeeze3A, %mul3A_126 : i32
        %sub3A_128 = arith.subi %squeeze3A_14, %add3A_127 : i32
        %min3A = arith.constant 64 : i32
        %min3A_129 = arith.minsi %min3A, %sub3A_128 : i32
        %while3A_130 = arith.constant 0 : i32
        %while3A_131 = arith.subi %min3A_129, %while3A_130 : i32
        %while3A_132 = arith.addi %while3A_130, %while3A_131 : i32
        %while3A_133 = arith.constant 1 : i32
        %while3A_134 = arith.divsi %while3A_131, %while3A_133 : i32
        %while3A_135 = arith.muli %while3A_134, %while3A_133 : i32
        %while3A_136 = arith.addi %while3A_130, %while3A_135 : i32
        %while3A_137 = arith.constant 1 : i32
        scf.for %while3A_145 = %while3A_130 to %while3A_136 step %while3A_137  : i32 {
          %mul3A_146 = arith.constant 16 : i32
          %mul3A_147 = arith.muli %while3A_145, %mul3A_146 : i32
          %add3A_148 = arith.constant 1024 : i32
          %add3A_149 = arith.addi %add3A_148, %mul3A_147 : i32
          %get3A_150 = arith.index_cast %add3A_149 : i32 to index
          %get3A_151 = tpu.vector_load %arg9[%get3A_150] {strides = array<i32>} : memref<2048xf32, #tpu.memory_space<vmem>>, vector<16xf32>,
          %slice3A_152 = vector.extract_strided_slice %get3A_151 {offsets = [0], sizes = [1], strides = [1]} : vector<16xf32> to vector<1xf32>
          %squeeze3A_153 = vector.extract %slice3A_152[0] : f32 from vector<1xf32>
          %slice3A_154 = vector.extract_strided_slice %get3A_151 {offsets = [3], sizes = [1], strides = [1]} : vector<16xf32> to vector<1xf32>
          %squeeze3A_155 = vector.extract %slice3A_154[0] : f32 from vector<1xf32>
          %slice3A_156 = vector.extract_strided_slice %get3A_151 {offsets = [10], sizes = [1], strides = [1]} : vector<16xf32> to vector<1xf32>
          %squeeze3A_157 = vector.extract %slice3A_156[0] : f32 from vector<1xf32>
          %convert_element_type3A_158 = arith.fptosi %squeeze3A_157 : f32 to i32
          %slice3A_159 = vector.extract_strided_slice %get3A_151 {offsets = [13], sizes = [1], strides = [1]} : vector<16xf32> to vector<1xf32>
          %squeeze3A_160 = vector.extract %slice3A_159[0] : f32 from vector<1xf32>
          %add3A_161 = arith.constant -4.500000e+00 : f32
          %add3A_162 = arith.addf %squeeze3A_160, %add3A_161 : f32
          %broadcast_in_dim3A_163 = vector.broadcast %add3A_162 : f32 to vector<16xf32>
          %mul3A_164 = arith.constant 128 : i32
          %mul3A_165 = arith.muli %while3A_145, %mul3A_164 : i32
          %add3A_166 = arith.constant 8192 : i32
          %add3A_167 = arith.addi %add3A_166, %mul3A_165 : i32
          %add3A_168 = arith.constant 0 : i32
          %add3A_169 = arith.addi %add3A_167, %add3A_168 : i32
          %get3A_170 = arith.index_cast %add3A_169 : i32 to index
          %get3A_171 = tpu.vector_load %arg10[%get3A_170] {strides = array<i32>} : memref<16384xf32, #tpu.memory_space<vmem>>, vector<16xf32>,
          %mul3A_172 = arith.constant 128 : i32
          %mul3A_173 = arith.muli %while3A_145, %mul3A_172 : i32
          %add3A_174 = arith.constant 8192 : i32
          %add3A_175 = arith.addi %add3A_174, %mul3A_173 : i32
          %add3A_176 = arith.constant 16 : i32
          %add3A_177 = arith.addi %add3A_175, %add3A_176 : i32
          %get3A_178 = arith.index_cast %add3A_177 : i32 to index
          %get3A_179 = tpu.vector_load %arg10[%get3A_178] {strides = array<i32>} : memref<16384xf32, #tpu.memory_space<vmem>>, vector<16xf32>,
          %mul3A_180 = arith.constant 128 : i32
          %mul3A_181 = arith.muli %while3A_145, %mul3A_180 : i32
          %add3A_182 = arith.constant 8192 : i32
          %add3A_183 = arith.addi %add3A_182, %mul3A_181 : i32
          %add3A_184 = arith.constant 32 : i32
          %add3A_185 = arith.addi %add3A_183, %add3A_184 : i32
          %get3A_186 = arith.index_cast %add3A_185 : i32 to index
          %get3A_187 = tpu.vector_load %arg10[%get3A_186] {strides = array<i32>} : memref<16384xf32, #tpu.memory_space<vmem>>, vector<16xf32>,
          %mul3A_188 = arith.constant 128 : i32
          %mul3A_189 = arith.muli %while3A_145, %mul3A_188 : i32
          %add3A_190 = arith.constant 8192 : i32
          %add3A_191 = arith.addi %add3A_190, %mul3A_189 : i32
          %add3A_192 = arith.constant 48 : i32
          %add3A_193 = arith.addi %add3A_191, %add3A_192 : i32
          %get3A_194 = arith.index_cast %add3A_193 : i32 to index
          %get3A_195 = tpu.vector_load %arg10[%get3A_194] {strides = array<i32>} : memref<16384xf32, #tpu.memory_space<vmem>>, vector<16xf32>,
          %mul3A_196 = arith.constant 128 : i32
          %mul3A_197 = arith.muli %while3A_145, %mul3A_196 : i32
          %add3A_198 = arith.constant 8192 : i32
          %add3A_199 = arith.addi %add3A_198, %mul3A_197 : i32
          %add3A_200 = arith.constant 64 : i32
          %add3A_201 = arith.addi %add3A_199, %add3A_200 : i32
          %get3A_202 = arith.index_cast %add3A_201 : i32 to index
          %get3A_203 = tpu.vector_load %arg10[%get3A_202] {strides = array<i32>} : memref<16384xf32, #tpu.memory_space<vmem>>, vector<16xf32>,
          %mul3A_204 = arith.constant 128 : i32
          %mul3A_205 = arith.muli %while3A_145, %mul3A_204 : i32
          %add3A_206 = arith.constant 8192 : i32
          %add3A_207 = arith.addi %add3A_206, %mul3A_205 : i32
          %add3A_208 = arith.constant 80 : i32
          %add3A_209 = arith.addi %add3A_207, %add3A_208 : i32
          %get3A_210 = arith.index_cast %add3A_209 : i32 to index
          %get3A_211 = tpu.vector_load %arg10[%get3A_210] {strides = array<i32>} : memref<16384xf32, #tpu.memory_space<vmem>>, vector<16xf32>,
          %mul3A_212 = arith.constant 128 : i32
          %mul3A_213 = arith.muli %while3A_145, %mul3A_212 : i32
          %add3A_214 = arith.constant 8192 : i32
          %add3A_215 = arith.addi %add3A_214, %mul3A_213 : i32
          %add3A_216 = arith.constant 96 : i32
          %add3A_217 = arith.addi %add3A_215, %add3A_216 : i32
          %get3A_218 = arith.index_cast %add3A_217 : i32 to index
          %get3A_219 = tpu.vector_load %arg10[%get3A_218] {strides = array<i32>} : memref<16384xf32, #tpu.memory_space<vmem>>, vector<16xf32>,
          %mul3A_220 = arith.constant 128 : i32
          %mul3A_221 = arith.muli %while3A_145, %mul3A_220 : i32
          %add3A_222 = arith.constant 8192 : i32
          %add3A_223 = arith.addi %add3A_222, %mul3A_221 : i32
          %add3A_224 = arith.constant 112 : i32
          %add3A_225 = arith.addi %add3A_223, %add3A_224 : i32
          %get3A_226 = arith.index_cast %add3A_225 : i32 to index
          %get3A_227 = tpu.vector_load %arg10[%get3A_226] {strides = array<i32>} : memref<16384xf32, #tpu.memory_space<vmem>>, vector<16xf32>,
          %mul3A_228 = arith.constant 128 : i32
          %mul3A_229 = arith.muli %while3A_145, %mul3A_228 : i32
          %add3A_230 = arith.constant 8192 : i32
          %add3A_231 = arith.addi %add3A_230, %mul3A_229 : i32
          %add3A_232 = arith.constant 0 : i32
          %add3A_233 = arith.addi %add3A_231, %add3A_232 : i32
          %get3A_234 = arith.index_cast %add3A_233 : i32 to index
          %get3A_235 = tpu.vector_load %arg11[%get3A_234] {strides = array<i32>} : memref<16384xf32, #tpu.memory_space<vmem>>, vector<16xf32>,
          %mul3A_236 = arith.constant 128 : i32
          %mul3A_237 = arith.muli %while3A_145, %mul3A_236 : i32
          %add3A_238 = arith.constant 8192 : i32
          %add3A_239 = arith.addi %add3A_238, %mul3A_237 : i32
          %add3A_240 = arith.constant 16 : i32
          %add3A_241 = arith.addi %add3A_239, %add3A_240 : i32
          %get3A_242 = arith.index_cast %add3A_241 : i32 to index
          %get3A_243 = tpu.vector_load %arg11[%get3A_242] {strides = array<i32>} : memref<16384xf32, #tpu.memory_space<vmem>>, vector<16xf32>,
          %mul3A_244 = arith.constant 128 : i32
          %mul3A_245 = arith.muli %while3A_145, %mul3A_244 : i32
          %add3A_246 = arith.constant 8192 : i32
          %add3A_247 = arith.addi %add3A_246, %mul3A_245 : i32
          %add3A_248 = arith.constant 32 : i32
          %add3A_249 = arith.addi %add3A_247, %add3A_248 : i32
          %get3A_250 = arith.index_cast %add3A_249 : i32 to index
          %get3A_251 = tpu.vector_load %arg11[%get3A_250] {strides = array<i32>} : memref<16384xf32, #tpu.memory_space<vmem>>, vector<16xf32>,
          %mul3A_252 = arith.constant 128 : i32
          %mul3A_253 = arith.muli %while3A_145, %mul3A_252 : i32
          %add3A_254 = arith.constant 8192 : i32
          %add3A_255 = arith.addi %add3A_254, %mul3A_253 : i32
          %add3A_256 = arith.constant 48 : i32
          %add3A_257 = arith.addi %add3A_255, %add3A_256 : i32
          %get3A_258 = arith.index_cast %add3A_257 : i32 to index
          %get3A_259 = tpu.vector_load %arg11[%get3A_258] {strides = array<i32>} : memref<16384xf32, #tpu.memory_space<vmem>>, vector<16xf32>,
          %mul3A_260 = arith.constant 128 : i32
          %mul3A_261 = arith.muli %while3A_145, %mul3A_260 : i32
          %add3A_262 = arith.constant 8192 : i32
          %add3A_263 = arith.addi %add3A_262, %mul3A_261 : i32
          %add3A_264 = arith.constant 64 : i32
          %add3A_265 = arith.addi %add3A_263, %add3A_264 : i32
          %get3A_266 = arith.index_cast %add3A_265 : i32 to index
          %get3A_267 = tpu.vector_load %arg11[%get3A_266] {strides = array<i32>} : memref<16384xf32, #tpu.memory_space<vmem>>, vector<16xf32>,
          %mul3A_268 = arith.constant 128 : i32
          %mul3A_269 = arith.muli %while3A_145, %mul3A_268 : i32
          %add3A_270 = arith.constant 8192 : i32
          %add3A_271 = arith.addi %add3A_270, %mul3A_269 : i32
          %add3A_272 = arith.constant 80 : i32
          %add3A_273 = arith.addi %add3A_271, %add3A_272 : i32
          %get3A_274 = arith.index_cast %add3A_273 : i32 to index
          %get3A_275 = tpu.vector_load %arg11[%get3A_274] {strides = array<i32>} : memref<16384xf32, #tpu.memory_space<vmem>>, vector<16xf32>,
          %mul3A_276 = arith.constant 128 : i32
          %mul3A_277 = arith.muli %while3A_145, %mul3A_276 : i32
          %add3A_278 = arith.constant 8192 : i32
          %add3A_279 = arith.addi %add3A_278, %mul3A_277 : i32
          %add3A_280 = arith.constant 96 : i32
          %add3A_281 = arith.addi %add3A_279, %add3A_280 : i32
          %get3A_282 = arith.index_cast %add3A_281 : i32 to index
          %get3A_283 = tpu.vector_load %arg11[%get3A_282] {strides = array<i32>} : memref<16384xf32, #tpu.memory_space<vmem>>, vector<16xf32>,
          %mul3A_284 = arith.constant 128 : i32
          %mul3A_285 = arith.muli %while3A_145, %mul3A_284 : i32
          %add3A_286 = arith.constant 8192 : i32
          %add3A_287 = arith.addi %add3A_286, %mul3A_285 : i32
          %add3A_288 = arith.constant 112 : i32
          %add3A_289 = arith.addi %add3A_287, %add3A_288 : i32
          %get3A_290 = arith.index_cast %add3A_289 : i32 to index
          %get3A_291 = tpu.vector_load %arg11[%get3A_290] {strides = array<i32>} : memref<16384xf32, #tpu.memory_space<vmem>>, vector<16xf32>,
          %mul3A_292 = arith.constant 128 : i32
          %mul3A_293 = arith.muli %while3A_145, %mul3A_292 : i32
          %add3A_294 = arith.constant 8192 : i32
          %add3A_295 = arith.addi %add3A_294, %mul3A_293 : i32
          %add3A_296 = arith.constant 0 : i32
          %add3A_297 = arith.addi %add3A_295, %add3A_296 : i32
          %get3A_298 = arith.index_cast %add3A_297 : i32 to index
          %get3A_299 = tpu.vector_load %arg12[%get3A_298] {strides = array<i32>} : memref<16384xi32, #tpu.memory_space<vmem>>, vector<16xi32>,
          %mul3A_300 = arith.constant 128 : i32
          %mul3A_301 = arith.muli %while3A_145, %mul3A_300 : i32
          %add3A_302 = arith.constant 8192 : i32
          %add3A_303 = arith.addi %add3A_302, %mul3A_301 : i32
          %add3A_304 = arith.constant 16 : i32
          %add3A_305 = arith.addi %add3A_303, %add3A_304 : i32
          %get3A_306 = arith.index_cast %add3A_305 : i32 to index
          %get3A_307 = tpu.vector_load %arg12[%get3A_306] {strides = array<i32>} : memref<16384xi32, #tpu.memory_space<vmem>>, vector<16xi32>,
          %mul3A_308 = arith.constant 128 : i32
          %mul3A_309 = arith.muli %while3A_145, %mul3A_308 : i32
          %add3A_310 = arith.constant 8192 : i32
          %add3A_311 = arith.addi %add3A_310, %mul3A_309 : i32
          %add3A_312 = arith.constant 32 : i32
          %add3A_313 = arith.addi %add3A_311, %add3A_312 : i32
          %get3A_314 = arith.index_cast %add3A_313 : i32 to index
          %get3A_315 = tpu.vector_load %arg12[%get3A_314] {strides = array<i32>} : memref<16384xi32, #tpu.memory_space<vmem>>, vector<16xi32>,
          %mul3A_316 = arith.constant 128 : i32
          %mul3A_317 = arith.muli %while3A_145, %mul3A_316 : i32
          %add3A_318 = arith.constant 8192 : i32
          %add3A_319 = arith.addi %add3A_318, %mul3A_317 : i32
          %add3A_320 = arith.constant 48 : i32
          %add3A_321 = arith.addi %add3A_319, %add3A_320 : i32
          %get3A_322 = arith.index_cast %add3A_321 : i32 to index
          %get3A_323 = tpu.vector_load %arg12[%get3A_322] {strides = array<i32>} : memref<16384xi32, #tpu.memory_space<vmem>>, vector<16xi32>,
          %mul3A_324 = arith.constant 128 : i32
          %mul3A_325 = arith.muli %while3A_145, %mul3A_324 : i32
          %add3A_326 = arith.constant 8192 : i32
          %add3A_327 = arith.addi %add3A_326, %mul3A_325 : i32
          %add3A_328 = arith.constant 64 : i32
          %add3A_329 = arith.addi %add3A_327, %add3A_328 : i32
          %get3A_330 = arith.index_cast %add3A_329 : i32 to index
          %get3A_331 = tpu.vector_load %arg12[%get3A_330] {strides = array<i32>} : memref<16384xi32, #tpu.memory_space<vmem>>, vector<16xi32>,
          %mul3A_332 = arith.constant 128 : i32
          %mul3A_333 = arith.muli %while3A_145, %mul3A_332 : i32
          %add3A_334 = arith.constant 8192 : i32
          %add3A_335 = arith.addi %add3A_334, %mul3A_333 : i32
          %add3A_336 = arith.constant 80 : i32
          %add3A_337 = arith.addi %add3A_335, %add3A_336 : i32
          %get3A_338 = arith.index_cast %add3A_337 : i32 to index
          %get3A_339 = tpu.vector_load %arg12[%get3A_338] {strides = array<i32>} : memref<16384xi32, #tpu.memory_space<vmem>>, vector<16xi32>,
          %mul3A_340 = arith.constant 128 : i32
          %mul3A_341 = arith.muli %while3A_145, %mul3A_340 : i32
          %add3A_342 = arith.constant 8192 : i32
          %add3A_343 = arith.addi %add3A_342, %mul3A_341 : i32
          %add3A_344 = arith.constant 96 : i32
          %add3A_345 = arith.addi %add3A_343, %add3A_344 : i32
          %get3A_346 = arith.index_cast %add3A_345 : i32 to index
          %get3A_347 = tpu.vector_load %arg12[%get3A_346] {strides = array<i32>} : memref<16384xi32, #tpu.memory_space<vmem>>, vector<16xi32>,
          %mul3A_348 = arith.constant 128 : i32
          %mul3A_349 = arith.muli %while3A_145, %mul3A_348 : i32
          %add3A_350 = arith.constant 8192 : i32
          %add3A_351 = arith.addi %add3A_350, %mul3A_349 : i32
          %add3A_352 = arith.constant 112 : i32
          %add3A_353 = arith.addi %add3A_351, %add3A_352 : i32
          %get3A_354 = arith.index_cast %add3A_353 : i32 to index
          %get3A_355 = tpu.vector_load %arg12[%get3A_354] {strides = array<i32>} : memref<16384xi32, #tpu.memory_space<vmem>>, vector<16xi32>,
          %slice3A_356 = vector.extract_strided_slice %get3A_151 {offsets = [14], sizes = [1], strides = [1]} : vector<16xf32> to vector<1xf32>
          %squeeze3A_357 = vector.extract %slice3A_356[0] : f32 from vector<1xf32>
          %convert_element_type3A_358 = arith.fptosi %squeeze3A_357 : f32 to i32
          %sub3A_359 = arith.subi %convert_element_type3A_158, %convert_element_type3A_358 : i32
          %max3A = arith.maxsi %sub3A_359, %mul3A_2 : i32
          %add3A_360 = arith.addi %convert_element_type3A_158, %convert_element_type3A_358 : i32
          %add3A_361 = arith.constant 1 : i32
          %add3A_362 = arith.addi %add3A_360, %add3A_361 : i32
          %min3A_363 = arith.minsi %add3A_362, %add3A_4 : i32
          %while3A_364 = arith.subi %min3A_363, %max3A : i32
          %while3A_365 = arith.addi %max3A, %while3A_364 : i32
          %while3A_366 = arith.constant 1 : i32
          %while3A_367 = arith.divsi %while3A_364, %while3A_366 : i32
          %while3A_368 = arith.muli %while3A_367, %while3A_366 : i32
          %while3A_369 = arith.addi %max3A, %while3A_368 : i32
          %while3A_370 = arith.constant 1 : i32
          scf.for %while3A_372 = %max3A to %while3A_369 step %while3A_370  : i32 {
            %convert_element_type3A_373 = arith.sitofp %while3A_372 : i32 to f32
            %sub3A_374 = arith.subf %convert_element_type3A_373, %squeeze3A_153 : f32
            %mul3A_375 = arith.mulf %sub3A_374, %while3A : f32
            %mul3A_376 = arith.mulf %squeeze3A_155, %mul3A_375 : f32
            %mul3A_377 = arith.mulf %mul3A_376, %mul3A_375 : f32
            %broadcast_in_dim3A_378 = vector.broadcast %mul3A_375 : f32 to vector<16xf32>
            %broadcast_in_dim3A_379 = vector.broadcast %mul3A_377 : f32 to vector<16xf32>
            %sub3A_380 = arith.subi %while3A_372, %mul3A_2 : i32
            %mul3A_381 = arith.constant 16384 : i32
            %mul3A_382 = arith.muli %sub3A_380, %mul3A_381 : i32
            %broadcast_in_dim3A_383 = vector.broadcast %mul3A_382 : i32 to vector<16xi32>
            %add3A_384 = arith.addf %broadcast_in_dim3A_379, %get3A_171 : vector<16xf32>
            %mul3A_385 = arith.mulf %broadcast_in_dim3A_378, %get3A_235 : vector<16xf32>
            %add3A_386 = arith.addf %add3A_384, %mul3A_385 : vector<16xf32>
            %exp3A = math.exp %add3A_386 : vector<16xf32>
            %ge3A = arith.cmpf oge, %add3A_386, %broadcast_in_dim3A_163 : vector<16xf32>
            %add3A_387 = arith.addi %broadcast_in_dim3A_383, %get3A_299 : vector<16xi32>
            tpu.vector_store_idx %arg13[%add3A_387], %exp3A masked %ge3A {add = true} : memref<65536xf32, #tpu.memory_space<vmem>>[vector<16xi32>], vector<16xf32>, vector<16xi1>
            %add3A_388 = arith.addf %broadcast_in_dim3A_379, %get3A_179 : vector<16xf32>
            %mul3A_389 = arith.mulf %broadcast_in_dim3A_378, %get3A_243 : vector<16xf32>
            %add3A_390 = arith.addf %add3A_388, %mul3A_389 : vector<16xf32>
            %exp3A_391 = math.exp %add3A_390 : vector<16xf32>
            %ge3A_392 = arith.cmpf oge, %add3A_390, %broadcast_in_dim3A_163 : vector<16xf32>
            %add3A_393 = arith.addi %broadcast_in_dim3A_383, %get3A_307 : vector<16xi32>
            tpu.vector_store_idx %arg13[%add3A_393], %exp3A_391 masked %ge3A_392 {add = true} : memref<65536xf32, #tpu.memory_space<vmem>>[vector<16xi32>], vector<16xf32>, vector<16xi1>
            %add3A_394 = arith.addf %broadcast_in_dim3A_379, %get3A_187 : vector<16xf32>
            %mul3A_395 = arith.mulf %broadcast_in_dim3A_378, %get3A_251 : vector<16xf32>
            %add3A_396 = arith.addf %add3A_394, %mul3A_395 : vector<16xf32>
            %exp3A_397 = math.exp %add3A_396 : vector<16xf32>
            %ge3A_398 = arith.cmpf oge, %add3A_396, %broadcast_in_dim3A_163 : vector<16xf32>
            %add3A_399 = arith.addi %broadcast_in_dim3A_383, %get3A_315 : vector<16xi32>
            tpu.vector_store_idx %arg13[%add3A_399], %exp3A_397 masked %ge3A_398 {add = true} : memref<65536xf32, #tpu.memory_space<vmem>>[vector<16xi32>], vector<16xf32>, vector<16xi1>
            %add3A_400 = arith.addf %broadcast_in_dim3A_379, %get3A_195 : vector<16xf32>
            %mul3A_401 = arith.mulf %broadcast_in_dim3A_378, %get3A_259 : vector<16xf32>
            %add3A_402 = arith.addf %add3A_400, %mul3A_401 : vector<16xf32>
            %exp3A_403 = math.exp %add3A_402 : vector<16xf32>
            %ge3A_404 = arith.cmpf oge, %add3A_402, %broadcast_in_dim3A_163 : vector<16xf32>
            %add3A_405 = arith.addi %broadcast_in_dim3A_383, %get3A_323 : vector<16xi32>
            tpu.vector_store_idx %arg13[%add3A_405], %exp3A_403 masked %ge3A_404 {add = true} : memref<65536xf32, #tpu.memory_space<vmem>>[vector<16xi32>], vector<16xf32>, vector<16xi1>
            %add3A_406 = arith.addf %broadcast_in_dim3A_379, %get3A_203 : vector<16xf32>
            %mul3A_407 = arith.mulf %broadcast_in_dim3A_378, %get3A_267 : vector<16xf32>
            %add3A_408 = arith.addf %add3A_406, %mul3A_407 : vector<16xf32>
            %exp3A_409 = math.exp %add3A_408 : vector<16xf32>
            %ge3A_410 = arith.cmpf oge, %add3A_408, %broadcast_in_dim3A_163 : vector<16xf32>
            %add3A_411 = arith.addi %broadcast_in_dim3A_383, %get3A_331 : vector<16xi32>
            tpu.vector_store_idx %arg13[%add3A_411], %exp3A_409 masked %ge3A_410 {add = true} : memref<65536xf32, #tpu.memory_space<vmem>>[vector<16xi32>], vector<16xf32>, vector<16xi1>
            %add3A_412 = arith.addf %broadcast_in_dim3A_379, %get3A_211 : vector<16xf32>
            %mul3A_413 = arith.mulf %broadcast_in_dim3A_378, %get3A_275 : vector<16xf32>
            %add3A_414 = arith.addf %add3A_412, %mul3A_413 : vector<16xf32>
            %exp3A_415 = math.exp %add3A_414 : vector<16xf32>
            %ge3A_416 = arith.cmpf oge, %add3A_414, %broadcast_in_dim3A_163 : vector<16xf32>
            %add3A_417 = arith.addi %broadcast_in_dim3A_383, %get3A_339 : vector<16xi32>
            tpu.vector_store_idx %arg13[%add3A_417], %exp3A_415 masked %ge3A_416 {add = true} : memref<65536xf32, #tpu.memory_space<vmem>>[vector<16xi32>], vector<16xf32>, vector<16xi1>
            %add3A_418 = arith.addf %broadcast_in_dim3A_379, %get3A_219 : vector<16xf32>
            %mul3A_419 = arith.mulf %broadcast_in_dim3A_378, %get3A_283 : vector<16xf32>
            %add3A_420 = arith.addf %add3A_418, %mul3A_419 : vector<16xf32>
            %exp3A_421 = math.exp %add3A_420 : vector<16xf32>
            %ge3A_422 = arith.cmpf oge, %add3A_420, %broadcast_in_dim3A_163 : vector<16xf32>
            %add3A_423 = arith.addi %broadcast_in_dim3A_383, %get3A_347 : vector<16xi32>
            tpu.vector_store_idx %arg13[%add3A_423], %exp3A_421 masked %ge3A_422 {add = true} : memref<65536xf32, #tpu.memory_space<vmem>>[vector<16xi32>], vector<16xf32>, vector<16xi1>
            %add3A_424 = arith.addf %broadcast_in_dim3A_379, %get3A_227 : vector<16xf32>
            %mul3A_425 = arith.mulf %broadcast_in_dim3A_378, %get3A_291 : vector<16xf32>
            %add3A_426 = arith.addf %add3A_424, %mul3A_425 : vector<16xf32>
            %exp3A_427 = math.exp %add3A_426 : vector<16xf32>
            %ge3A_428 = arith.cmpf oge, %add3A_426, %broadcast_in_dim3A_163 : vector<16xf32>
            %add3A_429 = arith.addi %broadcast_in_dim3A_383, %get3A_355 : vector<16xi32>
            tpu.vector_store_idx %arg13[%add3A_429], %exp3A_427 masked %ge3A_428 {add = true} : memref<65536xf32, #tpu.memory_space<vmem>>[vector<16xi32>], vector<16xf32>, vector<16xi1>
          }
          %while3A_371 = arith.constant 1 : i32
          scf.for %while3A_372 = %while3A_369 to %while3A_365 step %while3A_371  : i32 {
            %convert_element_type3A_373 = arith.sitofp %while3A_372 : i32 to f32
            %sub3A_374 = arith.subf %convert_element_type3A_373, %squeeze3A_153 : f32
            %mul3A_375 = arith.mulf %sub3A_374, %while3A : f32
            %mul3A_376 = arith.mulf %squeeze3A_155, %mul3A_375 : f32
            %mul3A_377 = arith.mulf %mul3A_376, %mul3A_375 : f32
            %broadcast_in_dim3A_378 = vector.broadcast %mul3A_375 : f32 to vector<16xf32>
            %broadcast_in_dim3A_379 = vector.broadcast %mul3A_377 : f32 to vector<16xf32>
            %sub3A_380 = arith.subi %while3A_372, %mul3A_2 : i32
            %mul3A_381 = arith.constant 16384 : i32
            %mul3A_382 = arith.muli %sub3A_380, %mul3A_381 : i32
            %broadcast_in_dim3A_383 = vector.broadcast %mul3A_382 : i32 to vector<16xi32>
            %add3A_384 = arith.addf %broadcast_in_dim3A_379, %get3A_171 : vector<16xf32>
            %mul3A_385 = arith.mulf %broadcast_in_dim3A_378, %get3A_235 : vector<16xf32>
            %add3A_386 = arith.addf %add3A_384, %mul3A_385 : vector<16xf32>
            %exp3A = math.exp %add3A_386 : vector<16xf32>
            %ge3A = arith.cmpf oge, %add3A_386, %broadcast_in_dim3A_163 : vector<16xf32>
            %add3A_387 = arith.addi %broadcast_in_dim3A_383, %get3A_299 : vector<16xi32>
            tpu.vector_store_idx %arg13[%add3A_387], %exp3A masked %ge3A {add = true} : memref<65536xf32, #tpu.memory_space<vmem>>[vector<16xi32>], vector<16xf32>, vector<16xi1>
            %add3A_388 = arith.addf %broadcast_in_dim3A_379, %get3A_179 : vector<16xf32>
            %mul3A_389 = arith.mulf %broadcast_in_dim3A_378, %get3A_243 : vector<16xf32>
            %add3A_390 = arith.addf %add3A_388, %mul3A_389 : vector<16xf32>
            %exp3A_391 = math.exp %add3A_390 : vector<16xf32>
            %ge3A_392 = arith.cmpf oge, %add3A_390, %broadcast_in_dim3A_163 : vector<16xf32>
            %add3A_393 = arith.addi %broadcast_in_dim3A_383, %get3A_307 : vector<16xi32>
            tpu.vector_store_idx %arg13[%add3A_393], %exp3A_391 masked %ge3A_392 {add = true} : memref<65536xf32, #tpu.memory_space<vmem>>[vector<16xi32>], vector<16xf32>, vector<16xi1>
            %add3A_394 = arith.addf %broadcast_in_dim3A_379, %get3A_187 : vector<16xf32>
            %mul3A_395 = arith.mulf %broadcast_in_dim3A_378, %get3A_251 : vector<16xf32>
            %add3A_396 = arith.addf %add3A_394, %mul3A_395 : vector<16xf32>
            %exp3A_397 = math.exp %add3A_396 : vector<16xf32>
            %ge3A_398 = arith.cmpf oge, %add3A_396, %broadcast_in_dim3A_163 : vector<16xf32>
            %add3A_399 = arith.addi %broadcast_in_dim3A_383, %get3A_315 : vector<16xi32>
            tpu.vector_store_idx %arg13[%add3A_399], %exp3A_397 masked %ge3A_398 {add = true} : memref<65536xf32, #tpu.memory_space<vmem>>[vector<16xi32>], vector<16xf32>, vector<16xi1>
            %add3A_400 = arith.addf %broadcast_in_dim3A_379, %get3A_195 : vector<16xf32>
            %mul3A_401 = arith.mulf %broadcast_in_dim3A_378, %get3A_259 : vector<16xf32>
            %add3A_402 = arith.addf %add3A_400, %mul3A_401 : vector<16xf32>
            %exp3A_403 = math.exp %add3A_402 : vector<16xf32>
            %ge3A_404 = arith.cmpf oge, %add3A_402, %broadcast_in_dim3A_163 : vector<16xf32>
            %add3A_405 = arith.addi %broadcast_in_dim3A_383, %get3A_323 : vector<16xi32>
            tpu.vector_store_idx %arg13[%add3A_405], %exp3A_403 masked %ge3A_404 {add = true} : memref<65536xf32, #tpu.memory_space<vmem>>[vector<16xi32>], vector<16xf32>, vector<16xi1>
            %add3A_406 = arith.addf %broadcast_in_dim3A_379, %get3A_203 : vector<16xf32>
            %mul3A_407 = arith.mulf %broadcast_in_dim3A_378, %get3A_267 : vector<16xf32>
            %add3A_408 = arith.addf %add3A_406, %mul3A_407 : vector<16xf32>
            %exp3A_409 = math.exp %add3A_408 : vector<16xf32>
            %ge3A_410 = arith.cmpf oge, %add3A_408, %broadcast_in_dim3A_163 : vector<16xf32>
            %add3A_411 = arith.addi %broadcast_in_dim3A_383, %get3A_331 : vector<16xi32>
            tpu.vector_store_idx %arg13[%add3A_411], %exp3A_409 masked %ge3A_410 {add = true} : memref<65536xf32, #tpu.memory_space<vmem>>[vector<16xi32>], vector<16xf32>, vector<16xi1>
            %add3A_412 = arith.addf %broadcast_in_dim3A_379, %get3A_211 : vector<16xf32>
            %mul3A_413 = arith.mulf %broadcast_in_dim3A_378, %get3A_275 : vector<16xf32>
            %add3A_414 = arith.addf %add3A_412, %mul3A_413 : vector<16xf32>
            %exp3A_415 = math.exp %add3A_414 : vector<16xf32>
            %ge3A_416 = arith.cmpf oge, %add3A_414, %broadcast_in_dim3A_163 : vector<16xf32>
            %add3A_417 = arith.addi %broadcast_in_dim3A_383, %get3A_339 : vector<16xi32>
            tpu.vector_store_idx %arg13[%add3A_417], %exp3A_415 masked %ge3A_416 {add = true} : memref<65536xf32, #tpu.memory_space<vmem>>[vector<16xi32>], vector<16xf32>, vector<16xi1>
            %add3A_418 = arith.addf %broadcast_in_dim3A_379, %get3A_219 : vector<16xf32>
            %mul3A_419 = arith.mulf %broadcast_in_dim3A_378, %get3A_283 : vector<16xf32>
            %add3A_420 = arith.addf %add3A_418, %mul3A_419 : vector<16xf32>
            %exp3A_421 = math.exp %add3A_420 : vector<16xf32>
            %ge3A_422 = arith.cmpf oge, %add3A_420, %broadcast_in_dim3A_163 : vector<16xf32>
            %add3A_423 = arith.addi %broadcast_in_dim3A_383, %get3A_347 : vector<16xi32>
            tpu.vector_store_idx %arg13[%add3A_423], %exp3A_421 masked %ge3A_422 {add = true} : memref<65536xf32, #tpu.memory_space<vmem>>[vector<16xi32>], vector<16xf32>, vector<16xi1>
            %add3A_424 = arith.addf %broadcast_in_dim3A_379, %get3A_227 : vector<16xf32>
            %mul3A_425 = arith.mulf %broadcast_in_dim3A_378, %get3A_291 : vector<16xf32>
            %add3A_426 = arith.addf %add3A_424, %mul3A_425 : vector<16xf32>
            %exp3A_427 = math.exp %add3A_426 : vector<16xf32>
            %ge3A_428 = arith.cmpf oge, %add3A_426, %broadcast_in_dim3A_163 : vector<16xf32>
            %add3A_429 = arith.addi %broadcast_in_dim3A_383, %get3A_355 : vector<16xi32>
            tpu.vector_store_idx %arg13[%add3A_429], %exp3A_427 masked %ge3A_428 {add = true} : memref<65536xf32, #tpu.memory_space<vmem>>[vector<16xi32>], vector<16xf32>, vector<16xi1>
          }
        }
        %while3A_138 = arith.constant 1 : i32
        scf.for %while3A_145 = %while3A_136 to %while3A_132 step %while3A_138  : i32 {
          %mul3A_146 = arith.constant 16 : i32
          %mul3A_147 = arith.muli %while3A_145, %mul3A_146 : i32
          %add3A_148 = arith.constant 1024 : i32
          %add3A_149 = arith.addi %add3A_148, %mul3A_147 : i32
          %get3A_150 = arith.index_cast %add3A_149 : i32 to index
          %get3A_151 = tpu.vector_load %arg9[%get3A_150] {strides = array<i32>} : memref<2048xf32, #tpu.memory_space<vmem>>, vector<16xf32>,
          %slice3A_152 = vector.extract_strided_slice %get3A_151 {offsets = [0], sizes = [1], strides = [1]} : vector<16xf32> to vector<1xf32>
          %squeeze3A_153 = vector.extract %slice3A_152[0] : f32 from vector<1xf32>
          %slice3A_154 = vector.extract_strided_slice %get3A_151 {offsets = [3], sizes = [1], strides = [1]} : vector<16xf32> to vector<1xf32>
          %squeeze3A_155 = vector.extract %slice3A_154[0] : f32 from vector<1xf32>
          %slice3A_156 = vector.extract_strided_slice %get3A_151 {offsets = [10], sizes = [1], strides = [1]} : vector<16xf32> to vector<1xf32>
          %squeeze3A_157 = vector.extract %slice3A_156[0] : f32 from vector<1xf32>
          %convert_element_type3A_158 = arith.fptosi %squeeze3A_157 : f32 to i32
          %slice3A_159 = vector.extract_strided_slice %get3A_151 {offsets = [13], sizes = [1], strides = [1]} : vector<16xf32> to vector<1xf32>
          %squeeze3A_160 = vector.extract %slice3A_159[0] : f32 from vector<1xf32>
          %add3A_161 = arith.constant -4.500000e+00 : f32
          %add3A_162 = arith.addf %squeeze3A_160, %add3A_161 : f32
          %broadcast_in_dim3A_163 = vector.broadcast %add3A_162 : f32 to vector<16xf32>
          %mul3A_164 = arith.constant 128 : i32
          %mul3A_165 = arith.muli %while3A_145, %mul3A_164 : i32
          %add3A_166 = arith.constant 8192 : i32
          %add3A_167 = arith.addi %add3A_166, %mul3A_165 : i32
          %add3A_168 = arith.constant 0 : i32
          %add3A_169 = arith.addi %add3A_167, %add3A_168 : i32
          %get3A_170 = arith.index_cast %add3A_169 : i32 to index
          %get3A_171 = tpu.vector_load %arg10[%get3A_170] {strides = array<i32>} : memref<16384xf32, #tpu.memory_space<vmem>>, vector<16xf32>,
          %mul3A_172 = arith.constant 128 : i32
          %mul3A_173 = arith.muli %while3A_145, %mul3A_172 : i32
          %add3A_174 = arith.constant 8192 : i32
          %add3A_175 = arith.addi %add3A_174, %mul3A_173 : i32
          %add3A_176 = arith.constant 16 : i32
          %add3A_177 = arith.addi %add3A_175, %add3A_176 : i32
          %get3A_178 = arith.index_cast %add3A_177 : i32 to index
          %get3A_179 = tpu.vector_load %arg10[%get3A_178] {strides = array<i32>} : memref<16384xf32, #tpu.memory_space<vmem>>, vector<16xf32>,
          %mul3A_180 = arith.constant 128 : i32
          %mul3A_181 = arith.muli %while3A_145, %mul3A_180 : i32
          %add3A_182 = arith.constant 8192 : i32
          %add3A_183 = arith.addi %add3A_182, %mul3A_181 : i32
          %add3A_184 = arith.constant 32 : i32
          %add3A_185 = arith.addi %add3A_183, %add3A_184 : i32
          %get3A_186 = arith.index_cast %add3A_185 : i32 to index
          %get3A_187 = tpu.vector_load %arg10[%get3A_186] {strides = array<i32>} : memref<16384xf32, #tpu.memory_space<vmem>>, vector<16xf32>,
          %mul3A_188 = arith.constant 128 : i32
          %mul3A_189 = arith.muli %while3A_145, %mul3A_188 : i32
          %add3A_190 = arith.constant 8192 : i32
          %add3A_191 = arith.addi %add3A_190, %mul3A_189 : i32
          %add3A_192 = arith.constant 48 : i32
          %add3A_193 = arith.addi %add3A_191, %add3A_192 : i32
          %get3A_194 = arith.index_cast %add3A_193 : i32 to index
          %get3A_195 = tpu.vector_load %arg10[%get3A_194] {strides = array<i32>} : memref<16384xf32, #tpu.memory_space<vmem>>, vector<16xf32>,
          %mul3A_196 = arith.constant 128 : i32
          %mul3A_197 = arith.muli %while3A_145, %mul3A_196 : i32
          %add3A_198 = arith.constant 8192 : i32
          %add3A_199 = arith.addi %add3A_198, %mul3A_197 : i32
          %add3A_200 = arith.constant 64 : i32
          %add3A_201 = arith.addi %add3A_199, %add3A_200 : i32
          %get3A_202 = arith.index_cast %add3A_201 : i32 to index
          %get3A_203 = tpu.vector_load %arg10[%get3A_202] {strides = array<i32>} : memref<16384xf32, #tpu.memory_space<vmem>>, vector<16xf32>,
          %mul3A_204 = arith.constant 128 : i32
          %mul3A_205 = arith.muli %while3A_145, %mul3A_204 : i32
          %add3A_206 = arith.constant 8192 : i32
          %add3A_207 = arith.addi %add3A_206, %mul3A_205 : i32
          %add3A_208 = arith.constant 80 : i32
          %add3A_209 = arith.addi %add3A_207, %add3A_208 : i32
          %get3A_210 = arith.index_cast %add3A_209 : i32 to index
          %get3A_211 = tpu.vector_load %arg10[%get3A_210] {strides = array<i32>} : memref<16384xf32, #tpu.memory_space<vmem>>, vector<16xf32>,
          %mul3A_212 = arith.constant 128 : i32
          %mul3A_213 = arith.muli %while3A_145, %mul3A_212 : i32
          %add3A_214 = arith.constant 8192 : i32
          %add3A_215 = arith.addi %add3A_214, %mul3A_213 : i32
          %add3A_216 = arith.constant 96 : i32
          %add3A_217 = arith.addi %add3A_215, %add3A_216 : i32
          %get3A_218 = arith.index_cast %add3A_217 : i32 to index
          %get3A_219 = tpu.vector_load %arg10[%get3A_218] {strides = array<i32>} : memref<16384xf32, #tpu.memory_space<vmem>>, vector<16xf32>,
          %mul3A_220 = arith.constant 128 : i32
          %mul3A_221 = arith.muli %while3A_145, %mul3A_220 : i32
          %add3A_222 = arith.constant 8192 : i32
          %add3A_223 = arith.addi %add3A_222, %mul3A_221 : i32
          %add3A_224 = arith.constant 112 : i32
          %add3A_225 = arith.addi %add3A_223, %add3A_224 : i32
          %get3A_226 = arith.index_cast %add3A_225 : i32 to index
          %get3A_227 = tpu.vector_load %arg10[%get3A_226] {strides = array<i32>} : memref<16384xf32, #tpu.memory_space<vmem>>, vector<16xf32>,
          %mul3A_228 = arith.constant 128 : i32
          %mul3A_229 = arith.muli %while3A_145, %mul3A_228 : i32
          %add3A_230 = arith.constant 8192 : i32
          %add3A_231 = arith.addi %add3A_230, %mul3A_229 : i32
          %add3A_232 = arith.constant 0 : i32
          %add3A_233 = arith.addi %add3A_231, %add3A_232 : i32
          %get3A_234 = arith.index_cast %add3A_233 : i32 to index
          %get3A_235 = tpu.vector_load %arg11[%get3A_234] {strides = array<i32>} : memref<16384xf32, #tpu.memory_space<vmem>>, vector<16xf32>,
          %mul3A_236 = arith.constant 128 : i32
          %mul3A_237 = arith.muli %while3A_145, %mul3A_236 : i32
          %add3A_238 = arith.constant 8192 : i32
          %add3A_239 = arith.addi %add3A_238, %mul3A_237 : i32
          %add3A_240 = arith.constant 16 : i32
          %add3A_241 = arith.addi %add3A_239, %add3A_240 : i32
          %get3A_242 = arith.index_cast %add3A_241 : i32 to index
          %get3A_243 = tpu.vector_load %arg11[%get3A_242] {strides = array<i32>} : memref<16384xf32, #tpu.memory_space<vmem>>, vector<16xf32>,
          %mul3A_244 = arith.constant 128 : i32
          %mul3A_245 = arith.muli %while3A_145, %mul3A_244 : i32
          %add3A_246 = arith.constant 8192 : i32
          %add3A_247 = arith.addi %add3A_246, %mul3A_245 : i32
          %add3A_248 = arith.constant 32 : i32
          %add3A_249 = arith.addi %add3A_247, %add3A_248 : i32
          %get3A_250 = arith.index_cast %add3A_249 : i32 to index
          %get3A_251 = tpu.vector_load %arg11[%get3A_250] {strides = array<i32>} : memref<16384xf32, #tpu.memory_space<vmem>>, vector<16xf32>,
          %mul3A_252 = arith.constant 128 : i32
          %mul3A_253 = arith.muli %while3A_145, %mul3A_252 : i32
          %add3A_254 = arith.constant 8192 : i32
          %add3A_255 = arith.addi %add3A_254, %mul3A_253 : i32
          %add3A_256 = arith.constant 48 : i32
          %add3A_257 = arith.addi %add3A_255, %add3A_256 : i32
          %get3A_258 = arith.index_cast %add3A_257 : i32 to index
          %get3A_259 = tpu.vector_load %arg11[%get3A_258] {strides = array<i32>} : memref<16384xf32, #tpu.memory_space<vmem>>, vector<16xf32>,
          %mul3A_260 = arith.constant 128 : i32
          %mul3A_261 = arith.muli %while3A_145, %mul3A_260 : i32
          %add3A_262 = arith.constant 8192 : i32
          %add3A_263 = arith.addi %add3A_262, %mul3A_261 : i32
          %add3A_264 = arith.constant 64 : i32
          %add3A_265 = arith.addi %add3A_263, %add3A_264 : i32
          %get3A_266 = arith.index_cast %add3A_265 : i32 to index
          %get3A_267 = tpu.vector_load %arg11[%get3A_266] {strides = array<i32>} : memref<16384xf32, #tpu.memory_space<vmem>>, vector<16xf32>,
          %mul3A_268 = arith.constant 128 : i32
          %mul3A_269 = arith.muli %while3A_145, %mul3A_268 : i32
          %add3A_270 = arith.constant 8192 : i32
          %add3A_271 = arith.addi %add3A_270, %mul3A_269 : i32
          %add3A_272 = arith.constant 80 : i32
          %add3A_273 = arith.addi %add3A_271, %add3A_272 : i32
          %get3A_274 = arith.index_cast %add3A_273 : i32 to index
          %get3A_275 = tpu.vector_load %arg11[%get3A_274] {strides = array<i32>} : memref<16384xf32, #tpu.memory_space<vmem>>, vector<16xf32>,
          %mul3A_276 = arith.constant 128 : i32
          %mul3A_277 = arith.muli %while3A_145, %mul3A_276 : i32
          %add3A_278 = arith.constant 8192 : i32
          %add3A_279 = arith.addi %add3A_278, %mul3A_277 : i32
          %add3A_280 = arith.constant 96 : i32
          %add3A_281 = arith.addi %add3A_279, %add3A_280 : i32
          %get3A_282 = arith.index_cast %add3A_281 : i32 to index
          %get3A_283 = tpu.vector_load %arg11[%get3A_282] {strides = array<i32>} : memref<16384xf32, #tpu.memory_space<vmem>>, vector<16xf32>,
          %mul3A_284 = arith.constant 128 : i32
          %mul3A_285 = arith.muli %while3A_145, %mul3A_284 : i32
          %add3A_286 = arith.constant 8192 : i32
          %add3A_287 = arith.addi %add3A_286, %mul3A_285 : i32
          %add3A_288 = arith.constant 112 : i32
          %add3A_289 = arith.addi %add3A_287, %add3A_288 : i32
          %get3A_290 = arith.index_cast %add3A_289 : i32 to index
          %get3A_291 = tpu.vector_load %arg11[%get3A_290] {strides = array<i32>} : memref<16384xf32, #tpu.memory_space<vmem>>, vector<16xf32>,
          %mul3A_292 = arith.constant 128 : i32
          %mul3A_293 = arith.muli %while3A_145, %mul3A_292 : i32
          %add3A_294 = arith.constant 8192 : i32
          %add3A_295 = arith.addi %add3A_294, %mul3A_293 : i32
          %add3A_296 = arith.constant 0 : i32
          %add3A_297 = arith.addi %add3A_295, %add3A_296 : i32
          %get3A_298 = arith.index_cast %add3A_297 : i32 to index
          %get3A_299 = tpu.vector_load %arg12[%get3A_298] {strides = array<i32>} : memref<16384xi32, #tpu.memory_space<vmem>>, vector<16xi32>,
          %mul3A_300 = arith.constant 128 : i32
          %mul3A_301 = arith.muli %while3A_145, %mul3A_300 : i32
          %add3A_302 = arith.constant 8192 : i32
          %add3A_303 = arith.addi %add3A_302, %mul3A_301 : i32
          %add3A_304 = arith.constant 16 : i32
          %add3A_305 = arith.addi %add3A_303, %add3A_304 : i32
          %get3A_306 = arith.index_cast %add3A_305 : i32 to index
          %get3A_307 = tpu.vector_load %arg12[%get3A_306] {strides = array<i32>} : memref<16384xi32, #tpu.memory_space<vmem>>, vector<16xi32>,
          %mul3A_308 = arith.constant 128 : i32
          %mul3A_309 = arith.muli %while3A_145, %mul3A_308 : i32
          %add3A_310 = arith.constant 8192 : i32
          %add3A_311 = arith.addi %add3A_310, %mul3A_309 : i32
          %add3A_312 = arith.constant 32 : i32
          %add3A_313 = arith.addi %add3A_311, %add3A_312 : i32
          %get3A_314 = arith.index_cast %add3A_313 : i32 to index
          %get3A_315 = tpu.vector_load %arg12[%get3A_314] {strides = array<i32>} : memref<16384xi32, #tpu.memory_space<vmem>>, vector<16xi32>,
          %mul3A_316 = arith.constant 128 : i32
          %mul3A_317 = arith.muli %while3A_145, %mul3A_316 : i32
          %add3A_318 = arith.constant 8192 : i32
          %add3A_319 = arith.addi %add3A_318, %mul3A_317 : i32
          %add3A_320 = arith.constant 48 : i32
          %add3A_321 = arith.addi %add3A_319, %add3A_320 : i32
          %get3A_322 = arith.index_cast %add3A_321 : i32 to index
          %get3A_323 = tpu.vector_load %arg12[%get3A_322] {strides = array<i32>} : memref<16384xi32, #tpu.memory_space<vmem>>, vector<16xi32>,
          %mul3A_324 = arith.constant 128 : i32
          %mul3A_325 = arith.muli %while3A_145, %mul3A_324 : i32
          %add3A_326 = arith.constant 8192 : i32
          %add3A_327 = arith.addi %add3A_326, %mul3A_325 : i32
          %add3A_328 = arith.constant 64 : i32
          %add3A_329 = arith.addi %add3A_327, %add3A_328 : i32
          %get3A_330 = arith.index_cast %add3A_329 : i32 to index
          %get3A_331 = tpu.vector_load %arg12[%get3A_330] {strides = array<i32>} : memref<16384xi32, #tpu.memory_space<vmem>>, vector<16xi32>,
          %mul3A_332 = arith.constant 128 : i32
          %mul3A_333 = arith.muli %while3A_145, %mul3A_332 : i32
          %add3A_334 = arith.constant 8192 : i32
          %add3A_335 = arith.addi %add3A_334, %mul3A_333 : i32
          %add3A_336 = arith.constant 80 : i32
          %add3A_337 = arith.addi %add3A_335, %add3A_336 : i32
          %get3A_338 = arith.index_cast %add3A_337 : i32 to index
          %get3A_339 = tpu.vector_load %arg12[%get3A_338] {strides = array<i32>} : memref<16384xi32, #tpu.memory_space<vmem>>, vector<16xi32>,
          %mul3A_340 = arith.constant 128 : i32
          %mul3A_341 = arith.muli %while3A_145, %mul3A_340 : i32
          %add3A_342 = arith.constant 8192 : i32
          %add3A_343 = arith.addi %add3A_342, %mul3A_341 : i32
          %add3A_344 = arith.constant 96 : i32
          %add3A_345 = arith.addi %add3A_343, %add3A_344 : i32
          %get3A_346 = arith.index_cast %add3A_345 : i32 to index
          %get3A_347 = tpu.vector_load %arg12[%get3A_346] {strides = array<i32>} : memref<16384xi32, #tpu.memory_space<vmem>>, vector<16xi32>,
          %mul3A_348 = arith.constant 128 : i32
          %mul3A_349 = arith.muli %while3A_145, %mul3A_348 : i32
          %add3A_350 = arith.constant 8192 : i32
          %add3A_351 = arith.addi %add3A_350, %mul3A_349 : i32
          %add3A_352 = arith.constant 112 : i32
          %add3A_353 = arith.addi %add3A_351, %add3A_352 : i32
          %get3A_354 = arith.index_cast %add3A_353 : i32 to index
          %get3A_355 = tpu.vector_load %arg12[%get3A_354] {strides = array<i32>} : memref<16384xi32, #tpu.memory_space<vmem>>, vector<16xi32>,
          %slice3A_356 = vector.extract_strided_slice %get3A_151 {offsets = [14], sizes = [1], strides = [1]} : vector<16xf32> to vector<1xf32>
          %squeeze3A_357 = vector.extract %slice3A_356[0] : f32 from vector<1xf32>
          %convert_element_type3A_358 = arith.fptosi %squeeze3A_357 : f32 to i32
          %sub3A_359 = arith.subi %convert_element_type3A_158, %convert_element_type3A_358 : i32
          %max3A = arith.maxsi %sub3A_359, %mul3A_2 : i32
          %add3A_360 = arith.addi %convert_element_type3A_158, %convert_element_type3A_358 : i32
          %add3A_361 = arith.constant 1 : i32
          %add3A_362 = arith.addi %add3A_360, %add3A_361 : i32
          %min3A_363 = arith.minsi %add3A_362, %add3A_4 : i32
          %while3A_364 = arith.subi %min3A_363, %max3A : i32
          %while3A_365 = arith.addi %max3A, %while3A_364 : i32
          %while3A_366 = arith.constant 1 : i32
          %while3A_367 = arith.divsi %while3A_364, %while3A_366 : i32
          %while3A_368 = arith.muli %while3A_367, %while3A_366 : i32
          %while3A_369 = arith.addi %max3A, %while3A_368 : i32
          %while3A_370 = arith.constant 1 : i32
          scf.for %while3A_372 = %max3A to %while3A_369 step %while3A_370  : i32 {
            %convert_element_type3A_373 = arith.sitofp %while3A_372 : i32 to f32
            %sub3A_374 = arith.subf %convert_element_type3A_373, %squeeze3A_153 : f32
            %mul3A_375 = arith.mulf %sub3A_374, %while3A : f32
            %mul3A_376 = arith.mulf %squeeze3A_155, %mul3A_375 : f32
            %mul3A_377 = arith.mulf %mul3A_376, %mul3A_375 : f32
            %broadcast_in_dim3A_378 = vector.broadcast %mul3A_375 : f32 to vector<16xf32>
            %broadcast_in_dim3A_379 = vector.broadcast %mul3A_377 : f32 to vector<16xf32>
            %sub3A_380 = arith.subi %while3A_372, %mul3A_2 : i32
            %mul3A_381 = arith.constant 16384 : i32
            %mul3A_382 = arith.muli %sub3A_380, %mul3A_381 : i32
            %broadcast_in_dim3A_383 = vector.broadcast %mul3A_382 : i32 to vector<16xi32>
            %add3A_384 = arith.addf %broadcast_in_dim3A_379, %get3A_171 : vector<16xf32>
            %mul3A_385 = arith.mulf %broadcast_in_dim3A_378, %get3A_235 : vector<16xf32>
            %add3A_386 = arith.addf %add3A_384, %mul3A_385 : vector<16xf32>
            %exp3A = math.exp %add3A_386 : vector<16xf32>
            %ge3A = arith.cmpf oge, %add3A_386, %broadcast_in_dim3A_163 : vector<16xf32>
            %add3A_387 = arith.addi %broadcast_in_dim3A_383, %get3A_299 : vector<16xi32>
            tpu.vector_store_idx %arg13[%add3A_387], %exp3A masked %ge3A {add = true} : memref<65536xf32, #tpu.memory_space<vmem>>[vector<16xi32>], vector<16xf32>, vector<16xi1>
            %add3A_388 = arith.addf %broadcast_in_dim3A_379, %get3A_179 : vector<16xf32>
            %mul3A_389 = arith.mulf %broadcast_in_dim3A_378, %get3A_243 : vector<16xf32>
            %add3A_390 = arith.addf %add3A_388, %mul3A_389 : vector<16xf32>
            %exp3A_391 = math.exp %add3A_390 : vector<16xf32>
            %ge3A_392 = arith.cmpf oge, %add3A_390, %broadcast_in_dim3A_163 : vector<16xf32>
            %add3A_393 = arith.addi %broadcast_in_dim3A_383, %get3A_307 : vector<16xi32>
            tpu.vector_store_idx %arg13[%add3A_393], %exp3A_391 masked %ge3A_392 {add = true} : memref<65536xf32, #tpu.memory_space<vmem>>[vector<16xi32>], vector<16xf32>, vector<16xi1>
            %add3A_394 = arith.addf %broadcast_in_dim3A_379, %get3A_187 : vector<16xf32>
            %mul3A_395 = arith.mulf %broadcast_in_dim3A_378, %get3A_251 : vector<16xf32>
            %add3A_396 = arith.addf %add3A_394, %mul3A_395 : vector<16xf32>
            %exp3A_397 = math.exp %add3A_396 : vector<16xf32>
            %ge3A_398 = arith.cmpf oge, %add3A_396, %broadcast_in_dim3A_163 : vector<16xf32>
            %add3A_399 = arith.addi %broadcast_in_dim3A_383, %get3A_315 : vector<16xi32>
            tpu.vector_store_idx %arg13[%add3A_399], %exp3A_397 masked %ge3A_398 {add = true} : memref<65536xf32, #tpu.memory_space<vmem>>[vector<16xi32>], vector<16xf32>, vector<16xi1>
            %add3A_400 = arith.addf %broadcast_in_dim3A_379, %get3A_195 : vector<16xf32>
            %mul3A_401 = arith.mulf %broadcast_in_dim3A_378, %get3A_259 : vector<16xf32>
            %add3A_402 = arith.addf %add3A_400, %mul3A_401 : vector<16xf32>
            %exp3A_403 = math.exp %add3A_402 : vector<16xf32>
            %ge3A_404 = arith.cmpf oge, %add3A_402, %broadcast_in_dim3A_163 : vector<16xf32>
            %add3A_405 = arith.addi %broadcast_in_dim3A_383, %get3A_323 : vector<16xi32>
            tpu.vector_store_idx %arg13[%add3A_405], %exp3A_403 masked %ge3A_404 {add = true} : memref<65536xf32, #tpu.memory_space<vmem>>[vector<16xi32>], vector<16xf32>, vector<16xi1>
            %add3A_406 = arith.addf %broadcast_in_dim3A_379, %get3A_203 : vector<16xf32>
            %mul3A_407 = arith.mulf %broadcast_in_dim3A_378, %get3A_267 : vector<16xf32>
            %add3A_408 = arith.addf %add3A_406, %mul3A_407 : vector<16xf32>
            %exp3A_409 = math.exp %add3A_408 : vector<16xf32>
            %ge3A_410 = arith.cmpf oge, %add3A_408, %broadcast_in_dim3A_163 : vector<16xf32>
            %add3A_411 = arith.addi %broadcast_in_dim3A_383, %get3A_331 : vector<16xi32>
            tpu.vector_store_idx %arg13[%add3A_411], %exp3A_409 masked %ge3A_410 {add = true} : memref<65536xf32, #tpu.memory_space<vmem>>[vector<16xi32>], vector<16xf32>, vector<16xi1>
            %add3A_412 = arith.addf %broadcast_in_dim3A_379, %get3A_211 : vector<16xf32>
            %mul3A_413 = arith.mulf %broadcast_in_dim3A_378, %get3A_275 : vector<16xf32>
            %add3A_414 = arith.addf %add3A_412, %mul3A_413 : vector<16xf32>
            %exp3A_415 = math.exp %add3A_414 : vector<16xf32>
            %ge3A_416 = arith.cmpf oge, %add3A_414, %broadcast_in_dim3A_163 : vector<16xf32>
            %add3A_417 = arith.addi %broadcast_in_dim3A_383, %get3A_339 : vector<16xi32>
            tpu.vector_store_idx %arg13[%add3A_417], %exp3A_415 masked %ge3A_416 {add = true} : memref<65536xf32, #tpu.memory_space<vmem>>[vector<16xi32>], vector<16xf32>, vector<16xi1>
            %add3A_418 = arith.addf %broadcast_in_dim3A_379, %get3A_219 : vector<16xf32>
            %mul3A_419 = arith.mulf %broadcast_in_dim3A_378, %get3A_283 : vector<16xf32>
            %add3A_420 = arith.addf %add3A_418, %mul3A_419 : vector<16xf32>
            %exp3A_421 = math.exp %add3A_420 : vector<16xf32>
            %ge3A_422 = arith.cmpf oge, %add3A_420, %broadcast_in_dim3A_163 : vector<16xf32>
            %add3A_423 = arith.addi %broadcast_in_dim3A_383, %get3A_347 : vector<16xi32>
            tpu.vector_store_idx %arg13[%add3A_423], %exp3A_421 masked %ge3A_422 {add = true} : memref<65536xf32, #tpu.memory_space<vmem>>[vector<16xi32>], vector<16xf32>, vector<16xi1>
            %add3A_424 = arith.addf %broadcast_in_dim3A_379, %get3A_227 : vector<16xf32>
            %mul3A_425 = arith.mulf %broadcast_in_dim3A_378, %get3A_291 : vector<16xf32>
            %add3A_426 = arith.addf %add3A_424, %mul3A_425 : vector<16xf32>
            %exp3A_427 = math.exp %add3A_426 : vector<16xf32>
            %ge3A_428 = arith.cmpf oge, %add3A_426, %broadcast_in_dim3A_163 : vector<16xf32>
            %add3A_429 = arith.addi %broadcast_in_dim3A_383, %get3A_355 : vector<16xi32>
            tpu.vector_store_idx %arg13[%add3A_429], %exp3A_427 masked %ge3A_428 {add = true} : memref<65536xf32, #tpu.memory_space<vmem>>[vector<16xi32>], vector<16xf32>, vector<16xi1>
          }
          %while3A_371 = arith.constant 1 : i32
          scf.for %while3A_372 = %while3A_369 to %while3A_365 step %while3A_371  : i32 {
            %convert_element_type3A_373 = arith.sitofp %while3A_372 : i32 to f32
            %sub3A_374 = arith.subf %convert_element_type3A_373, %squeeze3A_153 : f32
            %mul3A_375 = arith.mulf %sub3A_374, %while3A : f32
            %mul3A_376 = arith.mulf %squeeze3A_155, %mul3A_375 : f32
            %mul3A_377 = arith.mulf %mul3A_376, %mul3A_375 : f32
            %broadcast_in_dim3A_378 = vector.broadcast %mul3A_375 : f32 to vector<16xf32>
            %broadcast_in_dim3A_379 = vector.broadcast %mul3A_377 : f32 to vector<16xf32>
            %sub3A_380 = arith.subi %while3A_372, %mul3A_2 : i32
            %mul3A_381 = arith.constant 16384 : i32
            %mul3A_382 = arith.muli %sub3A_380, %mul3A_381 : i32
            %broadcast_in_dim3A_383 = vector.broadcast %mul3A_382 : i32 to vector<16xi32>
            %add3A_384 = arith.addf %broadcast_in_dim3A_379, %get3A_171 : vector<16xf32>
            %mul3A_385 = arith.mulf %broadcast_in_dim3A_378, %get3A_235 : vector<16xf32>
            %add3A_386 = arith.addf %add3A_384, %mul3A_385 : vector<16xf32>
            %exp3A = math.exp %add3A_386 : vector<16xf32>
            %ge3A = arith.cmpf oge, %add3A_386, %broadcast_in_dim3A_163 : vector<16xf32>
            %add3A_387 = arith.addi %broadcast_in_dim3A_383, %get3A_299 : vector<16xi32>
            tpu.vector_store_idx %arg13[%add3A_387], %exp3A masked %ge3A {add = true} : memref<65536xf32, #tpu.memory_space<vmem>>[vector<16xi32>], vector<16xf32>, vector<16xi1>
            %add3A_388 = arith.addf %broadcast_in_dim3A_379, %get3A_179 : vector<16xf32>
            %mul3A_389 = arith.mulf %broadcast_in_dim3A_378, %get3A_243 : vector<16xf32>
            %add3A_390 = arith.addf %add3A_388, %mul3A_389 : vector<16xf32>
            %exp3A_391 = math.exp %add3A_390 : vector<16xf32>
            %ge3A_392 = arith.cmpf oge, %add3A_390, %broadcast_in_dim3A_163 : vector<16xf32>
            %add3A_393 = arith.addi %broadcast_in_dim3A_383, %get3A_307 : vector<16xi32>
            tpu.vector_store_idx %arg13[%add3A_393], %exp3A_391 masked %ge3A_392 {add = true} : memref<65536xf32, #tpu.memory_space<vmem>>[vector<16xi32>], vector<16xf32>, vector<16xi1>
            %add3A_394 = arith.addf %broadcast_in_dim3A_379, %get3A_187 : vector<16xf32>
            %mul3A_395 = arith.mulf %broadcast_in_dim3A_378, %get3A_251 : vector<16xf32>
            %add3A_396 = arith.addf %add3A_394, %mul3A_395 : vector<16xf32>
            %exp3A_397 = math.exp %add3A_396 : vector<16xf32>
            %ge3A_398 = arith.cmpf oge, %add3A_396, %broadcast_in_dim3A_163 : vector<16xf32>
            %add3A_399 = arith.addi %broadcast_in_dim3A_383, %get3A_315 : vector<16xi32>
            tpu.vector_store_idx %arg13[%add3A_399], %exp3A_397 masked %ge3A_398 {add = true} : memref<65536xf32, #tpu.memory_space<vmem>>[vector<16xi32>], vector<16xf32>, vector<16xi1>
            %add3A_400 = arith.addf %broadcast_in_dim3A_379, %get3A_195 : vector<16xf32>
            %mul3A_401 = arith.mulf %broadcast_in_dim3A_378, %get3A_259 : vector<16xf32>
            %add3A_402 = arith.addf %add3A_400, %mul3A_401 : vector<16xf32>
            %exp3A_403 = math.exp %add3A_402 : vector<16xf32>
            %ge3A_404 = arith.cmpf oge, %add3A_402, %broadcast_in_dim3A_163 : vector<16xf32>
            %add3A_405 = arith.addi %broadcast_in_dim3A_383, %get3A_323 : vector<16xi32>
            tpu.vector_store_idx %arg13[%add3A_405], %exp3A_403 masked %ge3A_404 {add = true} : memref<65536xf32, #tpu.memory_space<vmem>>[vector<16xi32>], vector<16xf32>, vector<16xi1>
            %add3A_406 = arith.addf %broadcast_in_dim3A_379, %get3A_203 : vector<16xf32>
            %mul3A_407 = arith.mulf %broadcast_in_dim3A_378, %get3A_267 : vector<16xf32>
            %add3A_408 = arith.addf %add3A_406, %mul3A_407 : vector<16xf32>
            %exp3A_409 = math.exp %add3A_408 : vector<16xf32>
            %ge3A_410 = arith.cmpf oge, %add3A_408, %broadcast_in_dim3A_163 : vector<16xf32>
            %add3A_411 = arith.addi %broadcast_in_dim3A_383, %get3A_331 : vector<16xi32>
            tpu.vector_store_idx %arg13[%add3A_411], %exp3A_409 masked %ge3A_410 {add = true} : memref<65536xf32, #tpu.memory_space<vmem>>[vector<16xi32>], vector<16xf32>, vector<16xi1>
            %add3A_412 = arith.addf %broadcast_in_dim3A_379, %get3A_211 : vector<16xf32>
            %mul3A_413 = arith.mulf %broadcast_in_dim3A_378, %get3A_275 : vector<16xf32>
            %add3A_414 = arith.addf %add3A_412, %mul3A_413 : vector<16xf32>
            %exp3A_415 = math.exp %add3A_414 : vector<16xf32>
            %ge3A_416 = arith.cmpf oge, %add3A_414, %broadcast_in_dim3A_163 : vector<16xf32>
            %add3A_417 = arith.addi %broadcast_in_dim3A_383, %get3A_339 : vector<16xi32>
            tpu.vector_store_idx %arg13[%add3A_417], %exp3A_415 masked %ge3A_416 {add = true} : memref<65536xf32, #tpu.memory_space<vmem>>[vector<16xi32>], vector<16xf32>, vector<16xi1>
            %add3A_418 = arith.addf %broadcast_in_dim3A_379, %get3A_219 : vector<16xf32>
            %mul3A_419 = arith.mulf %broadcast_in_dim3A_378, %get3A_283 : vector<16xf32>
            %add3A_420 = arith.addf %add3A_418, %mul3A_419 : vector<16xf32>
            %exp3A_421 = math.exp %add3A_420 : vector<16xf32>
            %ge3A_422 = arith.cmpf oge, %add3A_420, %broadcast_in_dim3A_163 : vector<16xf32>
            %add3A_423 = arith.addi %broadcast_in_dim3A_383, %get3A_347 : vector<16xi32>
            tpu.vector_store_idx %arg13[%add3A_423], %exp3A_421 masked %ge3A_422 {add = true} : memref<65536xf32, #tpu.memory_space<vmem>>[vector<16xi32>], vector<16xf32>, vector<16xi1>
            %add3A_424 = arith.addf %broadcast_in_dim3A_379, %get3A_227 : vector<16xf32>
            %mul3A_425 = arith.mulf %broadcast_in_dim3A_378, %get3A_291 : vector<16xf32>
            %add3A_426 = arith.addf %add3A_424, %mul3A_425 : vector<16xf32>
            %exp3A_427 = math.exp %add3A_426 : vector<16xf32>
            %ge3A_428 = arith.cmpf oge, %add3A_426, %broadcast_in_dim3A_163 : vector<16xf32>
            %add3A_429 = arith.addi %broadcast_in_dim3A_383, %get3A_355 : vector<16xi32>
            tpu.vector_store_idx %arg13[%add3A_429], %exp3A_427 masked %ge3A_428 {add = true} : memref<65536xf32, #tpu.memory_space<vmem>>[vector<16xi32>], vector<16xf32>, vector<16xi1>
          }
        }
        %add3A_139 = arith.constant 2 : i32
        %add3A_140 = arith.addi %add3A_89, %add3A_139 : i32
        %lt3A_141 = arith.cmpi slt, %add3A_140, %select_n3A : i32
        %convert_element_type3A_142 = arith.extui %lt3A_141 : i1 to i32
        %cond3A_143 = arith.constant 0 : i32
        %cond3A_144 = arith.cmpi ne, %convert_element_type3A_142, %cond3A_143 : i32
        scf.if %cond3A_144 {
          %add3A_145 = arith.constant 2 : i32
          %add3A_146 = arith.addi %add3A_89, %add3A_145 : i32
          %mul3A_147 = arith.constant 64 : i32
          %mul3A_148 = arith.muli %add3A_146, %mul3A_147 : i32
          %add3A_149 = arith.addi %squeeze3A, %mul3A_148 : i32
          %mul3A_150 = arith.constant 16 : i32
          %mul3A_151 = arith.muli %add3A_149, %mul3A_150 : i32
          %dma_start3A = arith.constant 1024 : i32
          %dma_start3A_152 = tpu.memref_slice %arg9[%dma_start3A] : memref<2048xf32, #tpu.memory_space<vmem>> -> memref<1024xf32, #tpu.memory_space<vmem>>
          %dma_start3A_153 = tpu.memref_slice %arg3[%mul3A_151] : memref<327680xf32, #tpu.memory_space<hbm>> -> memref<1024xf32, #tpu.memory_space<hbm>>
          %dma_start3A_154 = arith.constant 1024 : i32
          %dma_start3A_155 = tpu.memref_slice %arg9[%dma_start3A_154] : memref<2048xf32, #tpu.memory_space<vmem>> -> memref<1024xf32, #tpu.memory_space<vmem>>
          %dma_start3A_156 = tpu.memref_slice %arg3[%mul3A_151] : memref<327680xf32, #tpu.memory_space<hbm>> -> memref<1024xf32, #tpu.memory_space<hbm>>
          tpu.enqueue_dma source(%dma_start3A_156 : memref<1024xf32, #tpu.memory_space<hbm>>) target(%dma_start3A_155 : memref<1024xf32, #tpu.memory_space<vmem>>) target_semaphore(%arg15 : memref<!tpu.dma_semaphore, #tpu.memory_space<semaphore_mem>>)
          %mul3A_157 = arith.constant 128 : i32
          %mul3A_158 = arith.muli %add3A_149, %mul3A_157 : i32
          %dma_start3A_159 = arith.constant 8192 : i32
          %dma_start3A_160 = tpu.memref_slice %arg10[%dma_start3A_159] : memref<16384xf32, #tpu.memory_space<vmem>> -> memref<8192xf32, #tpu.memory_space<vmem>>
          %dma_start3A_161 = tpu.memref_slice %arg4[%mul3A_158] : memref<2621440xf32, #tpu.memory_space<hbm>> -> memref<8192xf32, #tpu.memory_space<hbm>>
          %dma_start3A_162 = arith.constant 8192 : i32
          %dma_start3A_163 = tpu.memref_slice %arg10[%dma_start3A_162] : memref<16384xf32, #tpu.memory_space<vmem>> -> memref<8192xf32, #tpu.memory_space<vmem>>
          %dma_start3A_164 = tpu.memref_slice %arg4[%mul3A_158] : memref<2621440xf32, #tpu.memory_space<hbm>> -> memref<8192xf32, #tpu.memory_space<hbm>>
          tpu.enqueue_dma source(%dma_start3A_164 : memref<8192xf32, #tpu.memory_space<hbm>>) target(%dma_start3A_163 : memref<8192xf32, #tpu.memory_space<vmem>>) target_semaphore(%arg15 : memref<!tpu.dma_semaphore, #tpu.memory_space<semaphore_mem>>)
          %mul3A_165 = arith.constant 128 : i32
          %mul3A_166 = arith.muli %add3A_149, %mul3A_165 : i32
          %dma_start3A_167 = arith.constant 8192 : i32
          %dma_start3A_168 = tpu.memref_slice %arg11[%dma_start3A_167] : memref<16384xf32, #tpu.memory_space<vmem>> -> memref<8192xf32, #tpu.memory_space<vmem>>
          %dma_start3A_169 = tpu.memref_slice %arg5[%mul3A_166] : memref<2621440xf32, #tpu.memory_space<hbm>> -> memref<8192xf32, #tpu.memory_space<hbm>>
          %dma_start3A_170 = arith.constant 8192 : i32
          %dma_start3A_171 = tpu.memref_slice %arg11[%dma_start3A_170] : memref<16384xf32, #tpu.memory_space<vmem>> -> memref<8192xf32, #tpu.memory_space<vmem>>
          %dma_start3A_172 = tpu.memref_slice %arg5[%mul3A_166] : memref<2621440xf32, #tpu.memory_space<hbm>> -> memref<8192xf32, #tpu.memory_space<hbm>>
          tpu.enqueue_dma source(%dma_start3A_172 : memref<8192xf32, #tpu.memory_space<hbm>>) target(%dma_start3A_171 : memref<8192xf32, #tpu.memory_space<vmem>>) target_semaphore(%arg15 : memref<!tpu.dma_semaphore, #tpu.memory_space<semaphore_mem>>)
          %mul3A_173 = arith.constant 128 : i32
          %mul3A_174 = arith.muli %add3A_149, %mul3A_173 : i32
          %dma_start3A_175 = arith.constant 8192 : i32
          %dma_start3A_176 = tpu.memref_slice %arg12[%dma_start3A_175] : memref<16384xi32, #tpu.memory_space<vmem>> -> memref<8192xi32, #tpu.memory_space<vmem>>
          %dma_start3A_177 = tpu.memref_slice %arg6[%mul3A_174] : memref<2621440xi32, #tpu.memory_space<hbm>> -> memref<8192xi32, #tpu.memory_space<hbm>>
          %dma_start3A_178 = arith.constant 8192 : i32
          %dma_start3A_179 = tpu.memref_slice %arg12[%dma_start3A_178] : memref<16384xi32, #tpu.memory_space<vmem>> -> memref<8192xi32, #tpu.memory_space<vmem>>
          %dma_start3A_180 = tpu.memref_slice %arg6[%mul3A_174] : memref<2621440xi32, #tpu.memory_space<hbm>> -> memref<8192xi32, #tpu.memory_space<hbm>>
          tpu.enqueue_dma source(%dma_start3A_180 : memref<8192xi32, #tpu.memory_space<hbm>>) target(%dma_start3A_179 : memref<8192xi32, #tpu.memory_space<vmem>>) target_semaphore(%arg15 : memref<!tpu.dma_semaphore, #tpu.memory_space<semaphore_mem>>)
        } else {
        }
      } else {
      }
    }
    %mul3A_76 = arith.constant 65536 : i32
    %mul3A_77 = arith.muli %add3A, %mul3A_76 : i32
    "tpu.region"() ({
      %run_scoped3A = tpu.sem_alloc : memref<!tpu.dma_semaphore, #tpu.memory_space<semaphore_mem>>
      %dma_start3A = tpu.memref_slice %arg7[%mul3A_77] : memref<2097152xf32, #tpu.memory_space<hbm>> -> memref<65536xf32, #tpu.memory_space<hbm>>
      %dma_start3A_78 = tpu.memref_slice %arg7[%mul3A_77] : memref<2097152xf32, #tpu.memory_space<hbm>> -> memref<65536xf32, #tpu.memory_space<hbm>>
      tpu.enqueue_dma source(%arg13 : memref<65536xf32, #tpu.memory_space<vmem>>) target(%dma_start3A_78 : memref<65536xf32, #tpu.memory_space<hbm>>) target_semaphore(%run_scoped3A : memref<!tpu.dma_semaphore, #tpu.memory_space<semaphore_mem>>)
      %dma_wait3A = tpu.memref_slice %arg7[%mul3A_77] : memref<2097152xf32, #tpu.memory_space<hbm>> -> memref<65536xf32, #tpu.memory_space<hbm>>
      %dma_wait3A_79 = tpu.memref_slice %arg7[%mul3A_77] : memref<2097152xf32, #tpu.memory_space<hbm>> -> memref<65536xf32, #tpu.memory_space<hbm>>
      tpu.wait_dma2 semaphore(%run_scoped3A : memref<!tpu.dma_semaphore, #tpu.memory_space<semaphore_mem>>) src(%arg13 : memref<65536xf32, #tpu.memory_space<vmem>>) dst(%dma_wait3A_79 : memref<65536xf32, #tpu.memory_space<hbm>>)
      tpu.yield
    }) : () -> ()
    return
  }
}

module attributes {stable_mosaic.version = 14 : i64} {
  func.func @_preprocess_body(%arg0: memref<157x128xf32, #tpu.memory_space<vmem>>, %arg1: memref<157x128xf32, #tpu.memory_space<vmem>>, %arg2: memref<157x128xf32, #tpu.memory_space<vmem>>, %arg3: memref<157x128xf32, #tpu.memory_space<vmem>>, %arg4: memref<157x128xf32, #tpu.memory_space<vmem>>, %arg5: memref<157x128xf32, #tpu.memory_space<vmem>>, %arg6: memref<157x128xf32, #tpu.memory_space<vmem>>, %arg7: memref<157x128xf32, #tpu.memory_space<vmem>>, %arg8: memref<157x128xf32, #tpu.memory_space<vmem>>, %arg9: memref<157x128xf32, #tpu.memory_space<vmem>>, %arg10: memref<157x128xf32, #tpu.memory_space<vmem>>, %arg11: memref<16x157x128xf32, #tpu.memory_space<vmem>>) attributes {dimension_semantics = [], scalar_prefetch = 0 : i64, scratch_operands = 0 : i64, tpu.core_type = #tpu.core_type<tc>} {
    %get3A = arith.constant 0 : index
    %get3A_0 = arith.constant 0 : index
    %get3A_1 = vector.load %arg0[%get3A, %get3A_0] : memref<157x128xf32, #tpu.memory_space<vmem>>, vector<157x128xf32>
    %add3A = arith.constant 1.000000e+00 : f32
    %add3A_2 = vector.broadcast %add3A : f32 to vector<157x128xf32>
    %add3A_3 = arith.addf %get3A_1, %add3A_2 : vector<157x128xf32>
    %mul3A = arith.constant 6.400000e+01 : f32
    %mul3A_4 = vector.broadcast %mul3A : f32 to vector<157x128xf32>
    %mul3A_5 = arith.mulf %add3A_3, %mul3A_4 : vector<157x128xf32>
    %sub3A = arith.constant 5.000000e-01 : f32
    %sub3A_6 = vector.broadcast %sub3A : f32 to vector<157x128xf32>
    %sub3A_7 = arith.subf %mul3A_5, %sub3A_6 : vector<157x128xf32>
    %get3A_8 = arith.constant 0 : index
    %get3A_9 = arith.constant 0 : index
    %get3A_10 = vector.load %arg1[%get3A_8, %get3A_9] : memref<157x128xf32, #tpu.memory_space<vmem>>, vector<157x128xf32>
    %add3A_11 = arith.constant 1.000000e+00 : f32
    %add3A_12 = vector.broadcast %add3A_11 : f32 to vector<157x128xf32>
    %add3A_13 = arith.addf %get3A_10, %add3A_12 : vector<157x128xf32>
    %mul3A_14 = arith.constant 6.400000e+01 : f32
    %mul3A_15 = vector.broadcast %mul3A_14 : f32 to vector<157x128xf32>
    %mul3A_16 = arith.mulf %add3A_13, %mul3A_15 : vector<157x128xf32>
    %sub3A_17 = arith.constant 5.000000e-01 : f32
    %sub3A_18 = vector.broadcast %sub3A_17 : f32 to vector<157x128xf32>
    %sub3A_19 = arith.subf %mul3A_16, %sub3A_18 : vector<157x128xf32>
    %get3A_20 = arith.constant 0 : index
    %get3A_21 = arith.constant 0 : index
    %get3A_22 = vector.load %arg2[%get3A_20, %get3A_21] : memref<157x128xf32, #tpu.memory_space<vmem>>, vector<157x128xf32>
    %add3A_23 = arith.constant 1.000000e+00 : f32
    %add3A_24 = vector.broadcast %add3A_23 : f32 to vector<157x128xf32>
    %add3A_25 = arith.addf %get3A_22, %add3A_24 : vector<157x128xf32>
    %mul3A_26 = arith.constant 6.400000e+01 : f32
    %mul3A_27 = vector.broadcast %mul3A_26 : f32 to vector<157x128xf32>
    %mul3A_28 = arith.mulf %add3A_25, %mul3A_27 : vector<157x128xf32>
    %sub3A_29 = arith.constant 5.000000e-01 : f32
    %sub3A_30 = vector.broadcast %sub3A_29 : f32 to vector<157x128xf32>
    %sub3A_31 = arith.subf %mul3A_28, %sub3A_30 : vector<157x128xf32>
    %get3A_32 = arith.constant 0 : index
    %get3A_33 = arith.constant 0 : index
    %get3A_34 = vector.load %arg6[%get3A_32, %get3A_33] : memref<157x128xf32, #tpu.memory_space<vmem>>, vector<157x128xf32>
    %get3A_35 = arith.constant 0 : index
    %get3A_36 = arith.constant 0 : index
    %get3A_37 = vector.load %arg7[%get3A_35, %get3A_36] : memref<157x128xf32, #tpu.memory_space<vmem>>, vector<157x128xf32>
    %get3A_38 = arith.constant 0 : index
    %get3A_39 = arith.constant 0 : index
    %get3A_40 = vector.load %arg8[%get3A_38, %get3A_39] : memref<157x128xf32, #tpu.memory_space<vmem>>, vector<157x128xf32>
    %get3A_41 = arith.constant 0 : index
    %get3A_42 = arith.constant 0 : index
    %get3A_43 = vector.load %arg9[%get3A_41, %get3A_42] : memref<157x128xf32, #tpu.memory_space<vmem>>, vector<157x128xf32>
    %mul3A_44 = arith.mulf %get3A_34, %get3A_34 : vector<157x128xf32>
    %mul3A_45 = arith.mulf %get3A_37, %get3A_37 : vector<157x128xf32>
    %add3A_46 = arith.addf %mul3A_44, %mul3A_45 : vector<157x128xf32>
    %mul3A_47 = arith.mulf %get3A_40, %get3A_40 : vector<157x128xf32>
    %add3A_48 = arith.addf %add3A_46, %mul3A_47 : vector<157x128xf32>
    %mul3A_49 = arith.mulf %get3A_43, %get3A_43 : vector<157x128xf32>
    %add3A_50 = arith.addf %add3A_48, %mul3A_49 : vector<157x128xf32>
    %sqrt3A = math.sqrt %add3A_50 : vector<157x128xf32>
    %add3A_51 = arith.constant 9.99999993E-9 : f32
    %add3A_52 = vector.broadcast %add3A_51 : f32 to vector<157x128xf32>
    %add3A_53 = arith.addf %sqrt3A, %add3A_52 : vector<157x128xf32>
    %div3A = arith.divf %get3A_34, %add3A_53 : vector<157x128xf32>
    %div3A_54 = arith.divf %get3A_37, %add3A_53 : vector<157x128xf32>
    %div3A_55 = arith.divf %get3A_40, %add3A_53 : vector<157x128xf32>
    %div3A_56 = arith.divf %get3A_43, %add3A_53 : vector<157x128xf32>
    %mul3A_57 = arith.mulf %div3A_55, %div3A_55 : vector<157x128xf32>
    %mul3A_58 = arith.mulf %div3A_56, %div3A_56 : vector<157x128xf32>
    %add3A_59 = arith.addf %mul3A_57, %mul3A_58 : vector<157x128xf32>
    %mul3A_60 = arith.constant 2.000000e+00 : f32
    %mul3A_61 = vector.broadcast %mul3A_60 : f32 to vector<157x128xf32>
    %mul3A_62 = arith.mulf %mul3A_61, %add3A_59 : vector<157x128xf32>
    %sub3A_63 = arith.constant 1.000000e+00 : f32
    %sub3A_64 = vector.broadcast %sub3A_63 : f32 to vector<157x128xf32>
    %sub3A_65 = arith.subf %sub3A_64, %mul3A_62 : vector<157x128xf32>
    %mul3A_66 = arith.mulf %div3A_54, %div3A_55 : vector<157x128xf32>
    %mul3A_67 = arith.mulf %div3A, %div3A_56 : vector<157x128xf32>
    %sub3A_68 = arith.subf %mul3A_66, %mul3A_67 : vector<157x128xf32>
    %mul3A_69 = arith.constant 2.000000e+00 : f32
    %mul3A_70 = vector.broadcast %mul3A_69 : f32 to vector<157x128xf32>
    %mul3A_71 = arith.mulf %mul3A_70, %sub3A_68 : vector<157x128xf32>
    %mul3A_72 = arith.mulf %div3A_54, %div3A_56 : vector<157x128xf32>
    %mul3A_73 = arith.mulf %div3A, %div3A_55 : vector<157x128xf32>
    %add3A_74 = arith.addf %mul3A_72, %mul3A_73 : vector<157x128xf32>
    %mul3A_75 = arith.constant 2.000000e+00 : f32
    %mul3A_76 = vector.broadcast %mul3A_75 : f32 to vector<157x128xf32>
    %mul3A_77 = arith.mulf %mul3A_76, %add3A_74 : vector<157x128xf32>
    %mul3A_78 = arith.mulf %div3A_54, %div3A_55 : vector<157x128xf32>
    %mul3A_79 = arith.mulf %div3A, %div3A_56 : vector<157x128xf32>
    %add3A_80 = arith.addf %mul3A_78, %mul3A_79 : vector<157x128xf32>
    %mul3A_81 = arith.constant 2.000000e+00 : f32
    %mul3A_82 = vector.broadcast %mul3A_81 : f32 to vector<157x128xf32>
    %mul3A_83 = arith.mulf %mul3A_82, %add3A_80 : vector<157x128xf32>
    %mul3A_84 = arith.mulf %div3A_54, %div3A_54 : vector<157x128xf32>
    %mul3A_85 = arith.mulf %div3A_56, %div3A_56 : vector<157x128xf32>
    %add3A_86 = arith.addf %mul3A_84, %mul3A_85 : vector<157x128xf32>
    %mul3A_87 = arith.constant 2.000000e+00 : f32
    %mul3A_88 = vector.broadcast %mul3A_87 : f32 to vector<157x128xf32>
    %mul3A_89 = arith.mulf %mul3A_88, %add3A_86 : vector<157x128xf32>
    %sub3A_90 = arith.constant 1.000000e+00 : f32
    %sub3A_91 = vector.broadcast %sub3A_90 : f32 to vector<157x128xf32>
    %sub3A_92 = arith.subf %sub3A_91, %mul3A_89 : vector<157x128xf32>
    %mul3A_93 = arith.mulf %div3A_55, %div3A_56 : vector<157x128xf32>
    %mul3A_94 = arith.mulf %div3A, %div3A_54 : vector<157x128xf32>
    %sub3A_95 = arith.subf %mul3A_93, %mul3A_94 : vector<157x128xf32>
    %mul3A_96 = arith.constant 2.000000e+00 : f32
    %mul3A_97 = vector.broadcast %mul3A_96 : f32 to vector<157x128xf32>
    %mul3A_98 = arith.mulf %mul3A_97, %sub3A_95 : vector<157x128xf32>
    %mul3A_99 = arith.mulf %div3A_54, %div3A_56 : vector<157x128xf32>
    %mul3A_100 = arith.mulf %div3A, %div3A_55 : vector<157x128xf32>
    %sub3A_101 = arith.subf %mul3A_99, %mul3A_100 : vector<157x128xf32>
    %mul3A_102 = arith.constant 2.000000e+00 : f32
    %mul3A_103 = vector.broadcast %mul3A_102 : f32 to vector<157x128xf32>
    %mul3A_104 = arith.mulf %mul3A_103, %sub3A_101 : vector<157x128xf32>
    %mul3A_105 = arith.mulf %div3A_55, %div3A_56 : vector<157x128xf32>
    %mul3A_106 = arith.mulf %div3A, %div3A_54 : vector<157x128xf32>
    %add3A_107 = arith.addf %mul3A_105, %mul3A_106 : vector<157x128xf32>
    %mul3A_108 = arith.constant 2.000000e+00 : f32
    %mul3A_109 = vector.broadcast %mul3A_108 : f32 to vector<157x128xf32>
    %mul3A_110 = arith.mulf %mul3A_109, %add3A_107 : vector<157x128xf32>
    %mul3A_111 = arith.mulf %div3A_54, %div3A_54 : vector<157x128xf32>
    %mul3A_112 = arith.mulf %div3A_55, %div3A_55 : vector<157x128xf32>
    %add3A_113 = arith.addf %mul3A_111, %mul3A_112 : vector<157x128xf32>
    %mul3A_114 = arith.constant 2.000000e+00 : f32
    %mul3A_115 = vector.broadcast %mul3A_114 : f32 to vector<157x128xf32>
    %mul3A_116 = arith.mulf %mul3A_115, %add3A_113 : vector<157x128xf32>
    %sub3A_117 = arith.constant 1.000000e+00 : f32
    %sub3A_118 = vector.broadcast %sub3A_117 : f32 to vector<157x128xf32>
    %sub3A_119 = arith.subf %sub3A_118, %mul3A_116 : vector<157x128xf32>
    %get3A_120 = arith.constant 0 : index
    %get3A_121 = arith.constant 0 : index
    %get3A_122 = vector.load %arg3[%get3A_120, %get3A_121] : memref<157x128xf32, #tpu.memory_space<vmem>>, vector<157x128xf32>
    %add3A_123 = arith.constant 9.99999993E-9 : f32
    %add3A_124 = vector.broadcast %add3A_123 : f32 to vector<157x128xf32>
    %add3A_125 = arith.addf %get3A_122, %add3A_124 : vector<157x128xf32>
    %get3A_126 = arith.constant 0 : index
    %get3A_127 = arith.constant 0 : index
    %get3A_128 = vector.load %arg4[%get3A_126, %get3A_127] : memref<157x128xf32, #tpu.memory_space<vmem>>, vector<157x128xf32>
    %add3A_129 = arith.constant 9.99999993E-9 : f32
    %add3A_130 = vector.broadcast %add3A_129 : f32 to vector<157x128xf32>
    %add3A_131 = arith.addf %get3A_128, %add3A_130 : vector<157x128xf32>
    %get3A_132 = arith.constant 0 : index
    %get3A_133 = arith.constant 0 : index
    %get3A_134 = vector.load %arg5[%get3A_132, %get3A_133] : memref<157x128xf32, #tpu.memory_space<vmem>>, vector<157x128xf32>
    %add3A_135 = arith.constant 9.99999993E-9 : f32
    %add3A_136 = vector.broadcast %add3A_135 : f32 to vector<157x128xf32>
    %add3A_137 = arith.addf %get3A_134, %add3A_136 : vector<157x128xf32>
    %div3A_138 = arith.constant 1.000000e+00 : f32
    %div3A_139 = vector.broadcast %div3A_138 : f32 to vector<157x128xf32>
    %div3A_140 = arith.divf %div3A_139, %add3A_125 : vector<157x128xf32>
    %div3A_141 = arith.constant 1.000000e+00 : f32
    %div3A_142 = vector.broadcast %div3A_141 : f32 to vector<157x128xf32>
    %div3A_143 = arith.divf %div3A_142, %add3A_131 : vector<157x128xf32>
    %div3A_144 = arith.constant 1.000000e+00 : f32
    %div3A_145 = vector.broadcast %div3A_144 : f32 to vector<157x128xf32>
    %div3A_146 = arith.divf %div3A_145, %add3A_137 : vector<157x128xf32>
    %mul3A_147 = arith.mulf %sub3A_65, %div3A_140 : vector<157x128xf32>
    %mul3A_148 = arith.mulf %mul3A_71, %div3A_143 : vector<157x128xf32>
    %mul3A_149 = arith.mulf %mul3A_77, %div3A_146 : vector<157x128xf32>
    %mul3A_150 = arith.mulf %mul3A_83, %div3A_140 : vector<157x128xf32>
    %mul3A_151 = arith.mulf %sub3A_92, %div3A_143 : vector<157x128xf32>
    %mul3A_152 = arith.mulf %mul3A_98, %div3A_146 : vector<157x128xf32>
    %mul3A_153 = arith.mulf %mul3A_104, %div3A_140 : vector<157x128xf32>
    %mul3A_154 = arith.mulf %mul3A_110, %div3A_143 : vector<157x128xf32>
    %mul3A_155 = arith.mulf %sub3A_119, %div3A_146 : vector<157x128xf32>
    %mul3A_156 = arith.mulf %mul3A_147, %mul3A_147 : vector<157x128xf32>
    %mul3A_157 = arith.mulf %mul3A_148, %mul3A_148 : vector<157x128xf32>
    %add3A_158 = arith.addf %mul3A_156, %mul3A_157 : vector<157x128xf32>
    %mul3A_159 = arith.mulf %mul3A_149, %mul3A_149 : vector<157x128xf32>
    %add3A_160 = arith.addf %add3A_158, %mul3A_159 : vector<157x128xf32>
    %mul3A_161 = arith.mulf %mul3A_150, %mul3A_150 : vector<157x128xf32>
    %mul3A_162 = arith.mulf %mul3A_151, %mul3A_151 : vector<157x128xf32>
    %add3A_163 = arith.addf %mul3A_161, %mul3A_162 : vector<157x128xf32>
    %mul3A_164 = arith.mulf %mul3A_152, %mul3A_152 : vector<157x128xf32>
    %add3A_165 = arith.addf %add3A_163, %mul3A_164 : vector<157x128xf32>
    %mul3A_166 = arith.mulf %mul3A_153, %mul3A_153 : vector<157x128xf32>
    %mul3A_167 = arith.mulf %mul3A_154, %mul3A_154 : vector<157x128xf32>
    %add3A_168 = arith.addf %mul3A_166, %mul3A_167 : vector<157x128xf32>
    %mul3A_169 = arith.mulf %mul3A_155, %mul3A_155 : vector<157x128xf32>
    %add3A_170 = arith.addf %add3A_168, %mul3A_169 : vector<157x128xf32>
    %mul3A_171 = arith.mulf %mul3A_147, %mul3A_150 : vector<157x128xf32>
    %mul3A_172 = arith.mulf %mul3A_148, %mul3A_151 : vector<157x128xf32>
    %add3A_173 = arith.addf %mul3A_171, %mul3A_172 : vector<157x128xf32>
    %mul3A_174 = arith.mulf %mul3A_149, %mul3A_152 : vector<157x128xf32>
    %add3A_175 = arith.addf %add3A_173, %mul3A_174 : vector<157x128xf32>
    %mul3A_176 = arith.mulf %mul3A_147, %mul3A_153 : vector<157x128xf32>
    %mul3A_177 = arith.mulf %mul3A_148, %mul3A_154 : vector<157x128xf32>
    %add3A_178 = arith.addf %mul3A_176, %mul3A_177 : vector<157x128xf32>
    %mul3A_179 = arith.mulf %mul3A_149, %mul3A_155 : vector<157x128xf32>
    %add3A_180 = arith.addf %add3A_178, %mul3A_179 : vector<157x128xf32>
    %mul3A_181 = arith.mulf %mul3A_150, %mul3A_153 : vector<157x128xf32>
    %mul3A_182 = arith.mulf %mul3A_151, %mul3A_154 : vector<157x128xf32>
    %add3A_183 = arith.addf %mul3A_181, %mul3A_182 : vector<157x128xf32>
    %mul3A_184 = arith.mulf %mul3A_152, %mul3A_155 : vector<157x128xf32>
    %add3A_185 = arith.addf %add3A_183, %mul3A_184 : vector<157x128xf32>
    %mul3A_186 = arith.mulf %add3A_125, %add3A_125 : vector<157x128xf32>
    %mul3A_187 = arith.mulf %add3A_131, %add3A_131 : vector<157x128xf32>
    %mul3A_188 = arith.mulf %add3A_137, %add3A_137 : vector<157x128xf32>
    %mul3A_189 = arith.mulf %sub3A_65, %sub3A_65 : vector<157x128xf32>
    %mul3A_190 = arith.mulf %mul3A_189, %mul3A_186 : vector<157x128xf32>
    %mul3A_191 = arith.mulf %mul3A_71, %mul3A_71 : vector<157x128xf32>
    %mul3A_192 = arith.mulf %mul3A_191, %mul3A_187 : vector<157x128xf32>
    %add3A_193 = arith.addf %mul3A_190, %mul3A_192 : vector<157x128xf32>
    %mul3A_194 = arith.mulf %mul3A_77, %mul3A_77 : vector<157x128xf32>
    %mul3A_195 = arith.mulf %mul3A_194, %mul3A_188 : vector<157x128xf32>
    %add3A_196 = arith.addf %add3A_193, %mul3A_195 : vector<157x128xf32>
    %mul3A_197 = arith.mulf %mul3A_83, %mul3A_83 : vector<157x128xf32>
    %mul3A_198 = arith.mulf %mul3A_197, %mul3A_186 : vector<157x128xf32>
    %mul3A_199 = arith.mulf %sub3A_92, %sub3A_92 : vector<157x128xf32>
    %mul3A_200 = arith.mulf %mul3A_199, %mul3A_187 : vector<157x128xf32>
    %add3A_201 = arith.addf %mul3A_198, %mul3A_200 : vector<157x128xf32>
    %mul3A_202 = arith.mulf %mul3A_98, %mul3A_98 : vector<157x128xf32>
    %mul3A_203 = arith.mulf %mul3A_202, %mul3A_188 : vector<157x128xf32>
    %add3A_204 = arith.addf %add3A_201, %mul3A_203 : vector<157x128xf32>
    %mul3A_205 = arith.mulf %mul3A_104, %mul3A_104 : vector<157x128xf32>
    %mul3A_206 = arith.mulf %mul3A_205, %mul3A_186 : vector<157x128xf32>
    %mul3A_207 = arith.mulf %mul3A_110, %mul3A_110 : vector<157x128xf32>
    %mul3A_208 = arith.mulf %mul3A_207, %mul3A_187 : vector<157x128xf32>
    %add3A_209 = arith.addf %mul3A_206, %mul3A_208 : vector<157x128xf32>
    %mul3A_210 = arith.mulf %sub3A_119, %sub3A_119 : vector<157x128xf32>
    %mul3A_211 = arith.mulf %mul3A_210, %mul3A_188 : vector<157x128xf32>
    %add3A_212 = arith.addf %add3A_209, %mul3A_211 : vector<157x128xf32>
    %sqrt3A_213 = math.sqrt %add3A_196 : vector<157x128xf32>
    %mul3A_214 = arith.constant 1.920000e+02 : f32
    %mul3A_215 = vector.broadcast %mul3A_214 : f32 to vector<157x128xf32>
    %mul3A_216 = arith.mulf %sqrt3A_213, %mul3A_215 : vector<157x128xf32>
    %add3A_217 = arith.constant 5.020000e-01 : f32
    %add3A_218 = vector.broadcast %add3A_217 : f32 to vector<157x128xf32>
    %add3A_219 = arith.addf %mul3A_216, %add3A_218 : vector<157x128xf32>
    %floor3A = math.floor %add3A_219 : vector<157x128xf32>
    %min3A = arith.constant 5.000000e+00 : f32
    %min3A_220 = vector.broadcast %min3A : f32 to vector<157x128xf32>
    %min3A_221 = arith.minimumf %floor3A, %min3A_220 : vector<157x128xf32>
    %sqrt3A_222 = math.sqrt %add3A_204 : vector<157x128xf32>
    %mul3A_223 = arith.constant 1.920000e+02 : f32
    %mul3A_224 = vector.broadcast %mul3A_223 : f32 to vector<157x128xf32>
    %mul3A_225 = arith.mulf %sqrt3A_222, %mul3A_224 : vector<157x128xf32>
    %add3A_226 = arith.constant 5.020000e-01 : f32
    %add3A_227 = vector.broadcast %add3A_226 : f32 to vector<157x128xf32>
    %add3A_228 = arith.addf %mul3A_225, %add3A_227 : vector<157x128xf32>
    %floor3A_229 = math.floor %add3A_228 : vector<157x128xf32>
    %min3A_230 = arith.constant 5.000000e+00 : f32
    %min3A_231 = vector.broadcast %min3A_230 : f32 to vector<157x128xf32>
    %min3A_232 = arith.minimumf %floor3A_229, %min3A_231 : vector<157x128xf32>
    %sqrt3A_233 = math.sqrt %add3A_212 : vector<157x128xf32>
    %mul3A_234 = arith.constant 1.920000e+02 : f32
    %mul3A_235 = vector.broadcast %mul3A_234 : f32 to vector<157x128xf32>
    %mul3A_236 = arith.mulf %sqrt3A_233, %mul3A_235 : vector<157x128xf32>
    %add3A_237 = arith.constant 5.020000e-01 : f32
    %add3A_238 = vector.broadcast %add3A_237 : f32 to vector<157x128xf32>
    %add3A_239 = arith.addf %mul3A_236, %add3A_238 : vector<157x128xf32>
    %floor3A_240 = math.floor %add3A_239 : vector<157x128xf32>
    %min3A_241 = arith.constant 5.000000e+00 : f32
    %min3A_242 = vector.broadcast %min3A_241 : f32 to vector<157x128xf32>
    %min3A_243 = arith.minimumf %floor3A_240, %min3A_242 : vector<157x128xf32>
    %swap3A = arith.constant 0 : index
    %swap3A_244 = arith.constant 0 : index
    %swap3A_245 = arith.constant 0 : index
    %swap3A_246 = vector.load %arg11[%swap3A, %swap3A_244, %swap3A_245] : memref<16x157x128xf32, #tpu.memory_space<vmem>>, vector<1x157x128xf32>
    %swap3A_247 = vector.shape_cast %swap3A_246 : vector<1x157x128xf32> to vector<157x128xf32>
    %swap3A_248 = vector.shape_cast %sub3A_7 : vector<157x128xf32> to vector<1x157x128xf32>
    tpu.vector_store %arg11[%swap3A, %swap3A_244, %swap3A_245], %swap3A_248 {strides = array<i32>} : memref<16x157x128xf32, #tpu.memory_space<vmem>>, vector<1x157x128xf32>,
    %swap3A_249 = arith.constant 1 : index
    %swap3A_250 = arith.constant 0 : index
    %swap3A_251 = arith.constant 0 : index
    %swap3A_252 = vector.load %arg11[%swap3A_249, %swap3A_250, %swap3A_251] : memref<16x157x128xf32, #tpu.memory_space<vmem>>, vector<1x157x128xf32>
    %swap3A_253 = vector.shape_cast %swap3A_252 : vector<1x157x128xf32> to vector<157x128xf32>
    %swap3A_254 = vector.shape_cast %sub3A_19 : vector<157x128xf32> to vector<1x157x128xf32>
    tpu.vector_store %arg11[%swap3A_249, %swap3A_250, %swap3A_251], %swap3A_254 {strides = array<i32>} : memref<16x157x128xf32, #tpu.memory_space<vmem>>, vector<1x157x128xf32>,
    %swap3A_255 = arith.constant 2 : index
    %swap3A_256 = arith.constant 0 : index
    %swap3A_257 = arith.constant 0 : index
    %swap3A_258 = vector.load %arg11[%swap3A_255, %swap3A_256, %swap3A_257] : memref<16x157x128xf32, #tpu.memory_space<vmem>>, vector<1x157x128xf32>
    %swap3A_259 = vector.shape_cast %swap3A_258 : vector<1x157x128xf32> to vector<157x128xf32>
    %swap3A_260 = vector.shape_cast %sub3A_31 : vector<157x128xf32> to vector<1x157x128xf32>
    tpu.vector_store %arg11[%swap3A_255, %swap3A_256, %swap3A_257], %swap3A_260 {strides = array<i32>} : memref<16x157x128xf32, #tpu.memory_space<vmem>>, vector<1x157x128xf32>,
    %mul3A_261 = arith.constant -5.000000e-01 : f32
    %mul3A_262 = vector.broadcast %mul3A_261 : f32 to vector<157x128xf32>
    %mul3A_263 = arith.mulf %add3A_160, %mul3A_262 : vector<157x128xf32>
    %swap3A_264 = arith.constant 3 : index
    %swap3A_265 = arith.constant 0 : index
    %swap3A_266 = arith.constant 0 : index
    %swap3A_267 = vector.load %arg11[%swap3A_264, %swap3A_265, %swap3A_266] : memref<16x157x128xf32, #tpu.memory_space<vmem>>, vector<1x157x128xf32>
    %swap3A_268 = vector.shape_cast %swap3A_267 : vector<1x157x128xf32> to vector<157x128xf32>
    %swap3A_269 = vector.shape_cast %mul3A_263 : vector<157x128xf32> to vector<1x157x128xf32>
    tpu.vector_store %arg11[%swap3A_264, %swap3A_265, %swap3A_266], %swap3A_269 {strides = array<i32>} : memref<16x157x128xf32, #tpu.memory_space<vmem>>, vector<1x157x128xf32>,
    %swap3A_270 = arith.constant 4 : index
    %swap3A_271 = arith.constant 0 : index
    %swap3A_272 = arith.constant 0 : index
    %swap3A_273 = vector.load %arg11[%swap3A_270, %swap3A_271, %swap3A_272] : memref<16x157x128xf32, #tpu.memory_space<vmem>>, vector<1x157x128xf32>
    %swap3A_274 = vector.shape_cast %swap3A_273 : vector<1x157x128xf32> to vector<157x128xf32>
    %swap3A_275 = vector.shape_cast %add3A_165 : vector<157x128xf32> to vector<1x157x128xf32>
    tpu.vector_store %arg11[%swap3A_270, %swap3A_271, %swap3A_272], %swap3A_275 {strides = array<i32>} : memref<16x157x128xf32, #tpu.memory_space<vmem>>, vector<1x157x128xf32>,
    %swap3A_276 = arith.constant 5 : index
    %swap3A_277 = arith.constant 0 : index
    %swap3A_278 = arith.constant 0 : index
    %swap3A_279 = vector.load %arg11[%swap3A_276, %swap3A_277, %swap3A_278] : memref<16x157x128xf32, #tpu.memory_space<vmem>>, vector<1x157x128xf32>
    %swap3A_280 = vector.shape_cast %swap3A_279 : vector<1x157x128xf32> to vector<157x128xf32>
    %swap3A_281 = vector.shape_cast %add3A_170 : vector<157x128xf32> to vector<1x157x128xf32>
    tpu.vector_store %arg11[%swap3A_276, %swap3A_277, %swap3A_278], %swap3A_281 {strides = array<i32>} : memref<16x157x128xf32, #tpu.memory_space<vmem>>, vector<1x157x128xf32>,
    %swap3A_282 = arith.constant 6 : index
    %swap3A_283 = arith.constant 0 : index
    %swap3A_284 = arith.constant 0 : index
    %swap3A_285 = vector.load %arg11[%swap3A_282, %swap3A_283, %swap3A_284] : memref<16x157x128xf32, #tpu.memory_space<vmem>>, vector<1x157x128xf32>
    %swap3A_286 = vector.shape_cast %swap3A_285 : vector<1x157x128xf32> to vector<157x128xf32>
    %swap3A_287 = vector.shape_cast %add3A_175 : vector<157x128xf32> to vector<1x157x128xf32>
    tpu.vector_store %arg11[%swap3A_282, %swap3A_283, %swap3A_284], %swap3A_287 {strides = array<i32>} : memref<16x157x128xf32, #tpu.memory_space<vmem>>, vector<1x157x128xf32>,
    %swap3A_288 = arith.constant 7 : index
    %swap3A_289 = arith.constant 0 : index
    %swap3A_290 = arith.constant 0 : index
    %swap3A_291 = vector.load %arg11[%swap3A_288, %swap3A_289, %swap3A_290] : memref<16x157x128xf32, #tpu.memory_space<vmem>>, vector<1x157x128xf32>
    %swap3A_292 = vector.shape_cast %swap3A_291 : vector<1x157x128xf32> to vector<157x128xf32>
    %swap3A_293 = vector.shape_cast %add3A_180 : vector<157x128xf32> to vector<1x157x128xf32>
    tpu.vector_store %arg11[%swap3A_288, %swap3A_289, %swap3A_290], %swap3A_293 {strides = array<i32>} : memref<16x157x128xf32, #tpu.memory_space<vmem>>, vector<1x157x128xf32>,
    %swap3A_294 = arith.constant 8 : index
    %swap3A_295 = arith.constant 0 : index
    %swap3A_296 = arith.constant 0 : index
    %swap3A_297 = vector.load %arg11[%swap3A_294, %swap3A_295, %swap3A_296] : memref<16x157x128xf32, #tpu.memory_space<vmem>>, vector<1x157x128xf32>
    %swap3A_298 = vector.shape_cast %swap3A_297 : vector<1x157x128xf32> to vector<157x128xf32>
    %swap3A_299 = vector.shape_cast %add3A_185 : vector<157x128xf32> to vector<1x157x128xf32>
    tpu.vector_store %arg11[%swap3A_294, %swap3A_295, %swap3A_296], %swap3A_299 {strides = array<i32>} : memref<16x157x128xf32, #tpu.memory_space<vmem>>, vector<1x157x128xf32>,
    %swap3A_300 = arith.constant 9 : index
    %swap3A_301 = arith.constant 0 : index
    %swap3A_302 = arith.constant 0 : index
    %swap3A_303 = vector.load %arg11[%swap3A_300, %swap3A_301, %swap3A_302] : memref<16x157x128xf32, #tpu.memory_space<vmem>>, vector<1x157x128xf32>
    %swap3A_304 = vector.shape_cast %swap3A_303 : vector<1x157x128xf32> to vector<157x128xf32>
    %swap3A_305 = vector.shape_cast %min3A_232 : vector<157x128xf32> to vector<1x157x128xf32>
    tpu.vector_store %arg11[%swap3A_300, %swap3A_301, %swap3A_302], %swap3A_305 {strides = array<i32>} : memref<16x157x128xf32, #tpu.memory_space<vmem>>, vector<1x157x128xf32>,
    %round3A = math.roundeven %sub3A_7 : vector<157x128xf32>
    %swap3A_306 = arith.constant 10 : index
    %swap3A_307 = arith.constant 0 : index
    %swap3A_308 = arith.constant 0 : index
    %swap3A_309 = vector.load %arg11[%swap3A_306, %swap3A_307, %swap3A_308] : memref<16x157x128xf32, #tpu.memory_space<vmem>>, vector<1x157x128xf32>
    %swap3A_310 = vector.shape_cast %swap3A_309 : vector<1x157x128xf32> to vector<157x128xf32>
    %swap3A_311 = vector.shape_cast %round3A : vector<157x128xf32> to vector<1x157x128xf32>
    tpu.vector_store %arg11[%swap3A_306, %swap3A_307, %swap3A_308], %swap3A_311 {strides = array<i32>} : memref<16x157x128xf32, #tpu.memory_space<vmem>>, vector<1x157x128xf32>,
    %round3A_312 = math.roundeven %sub3A_19 : vector<157x128xf32>
    %swap3A_313 = arith.constant 11 : index
    %swap3A_314 = arith.constant 0 : index
    %swap3A_315 = arith.constant 0 : index
    %swap3A_316 = vector.load %arg11[%swap3A_313, %swap3A_314, %swap3A_315] : memref<16x157x128xf32, #tpu.memory_space<vmem>>, vector<1x157x128xf32>
    %swap3A_317 = vector.shape_cast %swap3A_316 : vector<1x157x128xf32> to vector<157x128xf32>
    %swap3A_318 = vector.shape_cast %round3A_312 : vector<157x128xf32> to vector<1x157x128xf32>
    tpu.vector_store %arg11[%swap3A_313, %swap3A_314, %swap3A_315], %swap3A_318 {strides = array<i32>} : memref<16x157x128xf32, #tpu.memory_space<vmem>>, vector<1x157x128xf32>,
    %round3A_319 = math.roundeven %sub3A_31 : vector<157x128xf32>
    %swap3A_320 = arith.constant 12 : index
    %swap3A_321 = arith.constant 0 : index
    %swap3A_322 = arith.constant 0 : index
    %swap3A_323 = vector.load %arg11[%swap3A_320, %swap3A_321, %swap3A_322] : memref<16x157x128xf32, #tpu.memory_space<vmem>>, vector<1x157x128xf32>
    %swap3A_324 = vector.shape_cast %swap3A_323 : vector<1x157x128xf32> to vector<157x128xf32>
    %swap3A_325 = vector.shape_cast %round3A_319 : vector<157x128xf32> to vector<1x157x128xf32>
    tpu.vector_store %arg11[%swap3A_320, %swap3A_321, %swap3A_322], %swap3A_325 {strides = array<i32>} : memref<16x157x128xf32, #tpu.memory_space<vmem>>, vector<1x157x128xf32>,
    %get3A_326 = arith.constant 0 : index
    %get3A_327 = arith.constant 0 : index
    %get3A_328 = vector.load %arg10[%get3A_326, %get3A_327] : memref<157x128xf32, #tpu.memory_space<vmem>>, vector<157x128xf32>
    %log3A = math.log %get3A_328 : vector<157x128xf32>
    %swap3A_329 = arith.constant 13 : index
    %swap3A_330 = arith.constant 0 : index
    %swap3A_331 = arith.constant 0 : index
    %swap3A_332 = vector.load %arg11[%swap3A_329, %swap3A_330, %swap3A_331] : memref<16x157x128xf32, #tpu.memory_space<vmem>>, vector<1x157x128xf32>
    %swap3A_333 = vector.shape_cast %swap3A_332 : vector<1x157x128xf32> to vector<157x128xf32>
    %swap3A_334 = vector.shape_cast %log3A : vector<157x128xf32> to vector<1x157x128xf32>
    tpu.vector_store %arg11[%swap3A_329, %swap3A_330, %swap3A_331], %swap3A_334 {strides = array<i32>} : memref<16x157x128xf32, #tpu.memory_space<vmem>>, vector<1x157x128xf32>,
    %swap3A_335 = arith.constant 14 : index
    %swap3A_336 = arith.constant 0 : index
    %swap3A_337 = arith.constant 0 : index
    %swap3A_338 = vector.load %arg11[%swap3A_335, %swap3A_336, %swap3A_337] : memref<16x157x128xf32, #tpu.memory_space<vmem>>, vector<1x157x128xf32>
    %swap3A_339 = vector.shape_cast %swap3A_338 : vector<1x157x128xf32> to vector<157x128xf32>
    %swap3A_340 = vector.shape_cast %min3A_221 : vector<157x128xf32> to vector<1x157x128xf32>
    tpu.vector_store %arg11[%swap3A_335, %swap3A_336, %swap3A_337], %swap3A_340 {strides = array<i32>} : memref<16x157x128xf32, #tpu.memory_space<vmem>>, vector<1x157x128xf32>,
    %swap3A_341 = arith.constant 15 : index
    %swap3A_342 = arith.constant 0 : index
    %swap3A_343 = arith.constant 0 : index
    %swap3A_344 = vector.load %arg11[%swap3A_341, %swap3A_342, %swap3A_343] : memref<16x157x128xf32, #tpu.memory_space<vmem>>, vector<1x157x128xf32>
    %swap3A_345 = vector.shape_cast %swap3A_344 : vector<1x157x128xf32> to vector<157x128xf32>
    %swap3A_346 = vector.shape_cast %min3A_243 : vector<157x128xf32> to vector<1x157x128xf32>
    tpu.vector_store %arg11[%swap3A_341, %swap3A_342, %swap3A_343], %swap3A_346 {strides = array<i32>} : memref<16x157x128xf32, #tpu.memory_space<vmem>>, vector<1x157x128xf32>,
    return
  }
}

module attributes {stable_mosaic.version = 14 : i64} {
  func.func @_tables_body(%arg0: i32, %arg1: memref<16x512xf32, #tpu.memory_space<vmem>>, %arg2: memref<512x128xf32, #tpu.memory_space<vmem>>, %arg3: memref<512x128xf32, #tpu.memory_space<vmem>>, %arg4: memref<512x128xi32, #tpu.memory_space<vmem>>) attributes {dimension_semantics = [#tpu.dimension_semantics<arbitrary>], iteration_bounds = array<i64: 40>, scalar_prefetch = 0 : i64, scratch_operands = 0 : i64, tpu.core_type = #tpu.core_type<tc>, window_params = [{transform_indices = @transform_0, window_bounds = array<i64: 16, 512>}, {transform_indices = @transform_1, window_bounds = array<i64: 512, 128>}, {transform_indices = @transform_2, window_bounds = array<i64: 512, 128>}, {transform_indices = @transform_3, window_bounds = array<i64: 512, 128>}]} {
    %get3A = arith.constant 0 : index
    %get3A_0 = arith.constant 0 : index
    %get3A_1 = vector.load %arg1[%get3A, %get3A_0] : memref<16x512xf32, #tpu.memory_space<vmem>>, vector<16x512xf32>
    %slice3A = vector.extract_strided_slice %get3A_1 {offsets = [1, 0], sizes = [1, 512], strides = [1, 1]} : vector<16x512xf32> to vector<1x512xf32>
    %squeeze3A = vector.shape_cast %slice3A : vector<1x512xf32> to vector<512xf32>
    %broadcast_in_dim3A = vector.shape_cast %squeeze3A : vector<512xf32> to vector<512x1xf32>
    %slice3A_2 = vector.extract_strided_slice %get3A_1 {offsets = [2, 0], sizes = [1, 512], strides = [1, 1]} : vector<16x512xf32> to vector<1x512xf32>
    %squeeze3A_3 = vector.shape_cast %slice3A_2 : vector<1x512xf32> to vector<512xf32>
    %broadcast_in_dim3A_4 = vector.shape_cast %squeeze3A_3 : vector<512xf32> to vector<512x1xf32>
    %slice3A_5 = vector.extract_strided_slice %get3A_1 {offsets = [4, 0], sizes = [1, 512], strides = [1, 1]} : vector<16x512xf32> to vector<1x512xf32>
    %squeeze3A_6 = vector.shape_cast %slice3A_5 : vector<1x512xf32> to vector<512xf32>
    %broadcast_in_dim3A_7 = vector.shape_cast %squeeze3A_6 : vector<512xf32> to vector<512x1xf32>
    %slice3A_8 = vector.extract_strided_slice %get3A_1 {offsets = [5, 0], sizes = [1, 512], strides = [1, 1]} : vector<16x512xf32> to vector<1x512xf32>
    %squeeze3A_9 = vector.shape_cast %slice3A_8 : vector<1x512xf32> to vector<512xf32>
    %broadcast_in_dim3A_10 = vector.shape_cast %squeeze3A_9 : vector<512xf32> to vector<512x1xf32>
    %slice3A_11 = vector.extract_strided_slice %get3A_1 {offsets = [6, 0], sizes = [1, 512], strides = [1, 1]} : vector<16x512xf32> to vector<1x512xf32>
    %squeeze3A_12 = vector.shape_cast %slice3A_11 : vector<1x512xf32> to vector<512xf32>
    %broadcast_in_dim3A_13 = vector.shape_cast %squeeze3A_12 : vector<512xf32> to vector<512x1xf32>
    %slice3A_14 = vector.extract_strided_slice %get3A_1 {offsets = [7, 0], sizes = [1, 512], strides = [1, 1]} : vector<16x512xf32> to vector<1x512xf32>
    %squeeze3A_15 = vector.shape_cast %slice3A_14 : vector<1x512xf32> to vector<512xf32>
    %broadcast_in_dim3A_16 = vector.shape_cast %squeeze3A_15 : vector<512xf32> to vector<512x1xf32>
    %slice3A_17 = vector.extract_strided_slice %get3A_1 {offsets = [8, 0], sizes = [1, 512], strides = [1, 1]} : vector<16x512xf32> to vector<1x512xf32>
    %squeeze3A_18 = vector.shape_cast %slice3A_17 : vector<1x512xf32> to vector<512xf32>
    %broadcast_in_dim3A_19 = vector.shape_cast %squeeze3A_18 : vector<512xf32> to vector<512x1xf32>
    %slice3A_20 = vector.extract_strided_slice %get3A_1 {offsets = [11, 0], sizes = [1, 512], strides = [1, 1]} : vector<16x512xf32> to vector<1x512xf32>
    %squeeze3A_21 = vector.shape_cast %slice3A_20 : vector<1x512xf32> to vector<512xf32>
    %broadcast_in_dim3A_22 = vector.shape_cast %squeeze3A_21 : vector<512xf32> to vector<512x1xf32>
    %slice3A_23 = vector.extract_strided_slice %get3A_1 {offsets = [12, 0], sizes = [1, 512], strides = [1, 1]} : vector<16x512xf32> to vector<1x512xf32>
    %squeeze3A_24 = vector.shape_cast %slice3A_23 : vector<1x512xf32> to vector<512xf32>
    %broadcast_in_dim3A_25 = vector.shape_cast %squeeze3A_24 : vector<512xf32> to vector<512x1xf32>
    %iota3A = tpu.iota {dimensions = array<i32: 1>} : vector<512x128xi32>
    %convert_element_type3A = arith.sitofp %iota3A : vector<512x128xi32> to vector<512x128xf32>
    %add3A = arith.constant 5.000000e-01 : f32
    %add3A_26 = vector.broadcast %add3A : f32 to vector<512x128xf32>
    %add3A_27 = arith.addf %convert_element_type3A, %add3A_26 : vector<512x128xf32>
    %mul3A = arith.constant 0.0909090936 : f32
    %mul3A_28 = vector.broadcast %mul3A : f32 to vector<512x128xf32>
    %mul3A_29 = arith.mulf %add3A_27, %mul3A_28 : vector<512x128xf32>
    %floor3A = math.floor %mul3A_29 : vector<512x128xf32>
    %sub3A = arith.constant 5.000000e+00 : f32
    %sub3A_30 = vector.broadcast %sub3A : f32 to vector<512x128xf32>
    %sub3A_31 = arith.subf %floor3A, %sub3A_30 : vector<512x128xf32>
    %add3A_32 = arith.constant 5.000000e+00 : f32
    %add3A_33 = vector.broadcast %add3A_32 : f32 to vector<512x128xf32>
    %add3A_34 = arith.addf %sub3A_31, %add3A_33 : vector<512x128xf32>
    %mul3A_35 = arith.constant 1.100000e+01 : f32
    %mul3A_36 = vector.broadcast %mul3A_35 : f32 to vector<512x128xf32>
    %mul3A_37 = arith.mulf %add3A_34, %mul3A_36 : vector<512x128xf32>
    %sub3A_38 = arith.subf %convert_element_type3A, %mul3A_37 : vector<512x128xf32>
    %sub3A_39 = arith.constant 5.000000e+00 : f32
    %sub3A_40 = vector.broadcast %sub3A_39 : f32 to vector<512x128xf32>
    %sub3A_41 = arith.subf %sub3A_38, %sub3A_40 : vector<512x128xf32>
    %add3A_42 = vector.broadcast %broadcast_in_dim3A_22 : vector<512x1xf32> to vector<512x128xf32>
    %add3A_43 = arith.addf %add3A_42, %sub3A_31 : vector<512x128xf32>
    %add3A_44 = vector.broadcast %broadcast_in_dim3A_25 : vector<512x1xf32> to vector<512x128xf32>
    %add3A_45 = arith.addf %add3A_44, %sub3A_41 : vector<512x128xf32>
    %sub3A_46 = vector.broadcast %broadcast_in_dim3A : vector<512x1xf32> to vector<512x128xf32>
    %sub3A_47 = arith.subf %add3A_43, %sub3A_46 : vector<512x128xf32>
    %mul3A_48 = arith.constant 1.562500e-02 : f32
    %mul3A_49 = vector.broadcast %mul3A_48 : f32 to vector<512x128xf32>
    %mul3A_50 = arith.mulf %sub3A_47, %mul3A_49 : vector<512x128xf32>
    %sub3A_51 = vector.broadcast %broadcast_in_dim3A_4 : vector<512x1xf32> to vector<512x128xf32>
    %sub3A_52 = arith.subf %add3A_45, %sub3A_51 : vector<512x128xf32>
    %mul3A_53 = arith.constant 1.562500e-02 : f32
    %mul3A_54 = vector.broadcast %mul3A_53 : f32 to vector<512x128xf32>
    %mul3A_55 = arith.mulf %sub3A_52, %mul3A_54 : vector<512x128xf32>
    %mul3A_56 = vector.broadcast %broadcast_in_dim3A_7 : vector<512x1xf32> to vector<512x128xf32>
    %mul3A_57 = arith.mulf %mul3A_56, %mul3A_50 : vector<512x128xf32>
    %mul3A_58 = arith.mulf %mul3A_57, %mul3A_50 : vector<512x128xf32>
    %mul3A_59 = vector.broadcast %broadcast_in_dim3A_10 : vector<512x1xf32> to vector<512x128xf32>
    %mul3A_60 = arith.mulf %mul3A_59, %mul3A_55 : vector<512x128xf32>
    %mul3A_61 = arith.mulf %mul3A_60, %mul3A_55 : vector<512x128xf32>
    %add3A_62 = arith.addf %mul3A_58, %mul3A_61 : vector<512x128xf32>
    %mul3A_63 = arith.constant 2.000000e+00 : f32
    %mul3A_64 = vector.broadcast %mul3A_63 : f32 to vector<512x1xf32>
    %mul3A_65 = arith.mulf %mul3A_64, %broadcast_in_dim3A_19 : vector<512x1xf32>
    %mul3A_66 = vector.broadcast %mul3A_65 : vector<512x1xf32> to vector<512x128xf32>
    %mul3A_67 = arith.mulf %mul3A_66, %mul3A_50 : vector<512x128xf32>
    %mul3A_68 = arith.mulf %mul3A_67, %mul3A_55 : vector<512x128xf32>
    %add3A_69 = arith.addf %add3A_62, %mul3A_68 : vector<512x128xf32>
    %mul3A_70 = arith.constant -5.000000e-01 : f32
    %mul3A_71 = vector.broadcast %mul3A_70 : f32 to vector<512x128xf32>
    %mul3A_72 = arith.mulf %add3A_69, %mul3A_71 : vector<512x128xf32>
    %mul3A_73 = vector.broadcast %broadcast_in_dim3A_13 : vector<512x1xf32> to vector<512x128xf32>
    %mul3A_74 = arith.mulf %mul3A_73, %mul3A_50 : vector<512x128xf32>
    %mul3A_75 = vector.broadcast %broadcast_in_dim3A_16 : vector<512x1xf32> to vector<512x128xf32>
    %mul3A_76 = arith.mulf %mul3A_75, %mul3A_55 : vector<512x128xf32>
    %add3A_77 = arith.addf %mul3A_74, %mul3A_76 : vector<512x128xf32>
    %neg3A = arith.constant 0.000000e+00 : f32
    %neg3A_78 = vector.broadcast %neg3A : f32 to vector<512x128xf32>
    %neg3A_79 = arith.subf %neg3A_78, %add3A_77 : vector<512x128xf32>
    %ge3A = arith.constant 0.000000e+00 : f32
    %ge3A_80 = vector.broadcast %ge3A : f32 to vector<512x128xf32>
    %ge3A_81 = arith.cmpf oge, %add3A_43, %ge3A_80 : vector<512x128xf32>
    %sub3A_82 = arith.constant 1.280000e+02 : f32
    %sub3A_83 = arith.constant 1.000000e+00 : f32
    %sub3A_84 = arith.subf %sub3A_82, %sub3A_83 : f32
    %le3A = vector.broadcast %sub3A_84 : f32 to vector<512x128xf32>
    %le3A_85 = arith.cmpf ole, %add3A_43, %le3A : vector<512x128xf32>
    %and3A = arith.andi %ge3A_81, %le3A_85 : vector<512x128xi1>
    %ge3A_86 = arith.constant 0.000000e+00 : f32
    %ge3A_87 = vector.broadcast %ge3A_86 : f32 to vector<512x128xf32>
    %ge3A_88 = arith.cmpf oge, %add3A_45, %ge3A_87 : vector<512x128xf32>
    %and3A_89 = arith.andi %and3A, %ge3A_88 : vector<512x128xi1>
    %sub3A_90 = arith.constant 1.280000e+02 : f32
    %sub3A_91 = arith.constant 1.000000e+00 : f32
    %sub3A_92 = arith.subf %sub3A_90, %sub3A_91 : f32
    %le3A_93 = vector.broadcast %sub3A_92 : f32 to vector<512x128xf32>
    %le3A_94 = arith.cmpf ole, %add3A_45, %le3A_93 : vector<512x128xf32>
    %and3A_95 = arith.andi %and3A_89, %le3A_94 : vector<512x128xi1>
    %le3A_96 = arith.constant 1.200000e+02 : f32
    %le3A_97 = vector.broadcast %le3A_96 : f32 to vector<512x128xf32>
    %le3A_98 = arith.cmpf ole, %convert_element_type3A, %le3A_97 : vector<512x128xf32>
    %and3A_99 = arith.andi %and3A_95, %le3A_98 : vector<512x128xi1>
    %slice3A_100 = vector.extract_strided_slice %get3A_1 {offsets = [13, 0], sizes = [1, 512], strides = [1, 1]} : vector<16x512xf32> to vector<1x512xf32>
    %squeeze3A_101 = vector.shape_cast %slice3A_100 : vector<1x512xf32> to vector<512xf32>
    %broadcast_in_dim3A_102 = vector.shape_cast %squeeze3A_101 : vector<512xf32> to vector<512x1xf32>
    %add3A_103 = vector.broadcast %broadcast_in_dim3A_102 : vector<512x1xf32> to vector<512x128xf32>
    %add3A_104 = arith.addf %mul3A_72, %add3A_103 : vector<512x128xf32>
    %jit3A = arith.constant -1.000000e+30 : f32
    %broadcast_in_dim3A_105 = vector.broadcast %jit3A : f32 to vector<512x128xf32>
    %select_n3A = arith.select %and3A_99, %add3A_104, %broadcast_in_dim3A_105 : vector<512x128xi1>, vector<512x128xf32>
    %swap3A = arith.constant 0 : index
    %swap3A_106 = arith.constant 0 : index
    %swap3A_107 = vector.load %arg2[%swap3A, %swap3A_106] : memref<512x128xf32, #tpu.memory_space<vmem>>, vector<512x128xf32>
    tpu.vector_store %arg2[%swap3A, %swap3A_106], %select_n3A {strides = array<i32>} : memref<512x128xf32, #tpu.memory_space<vmem>>, vector<512x128xf32>,
    %swap3A_108 = arith.constant 0 : index
    %swap3A_109 = arith.constant 0 : index
    %swap3A_110 = vector.load %arg3[%swap3A_108, %swap3A_109] : memref<512x128xf32, #tpu.memory_space<vmem>>, vector<512x128xf32>
    tpu.vector_store %arg3[%swap3A_108, %swap3A_109], %neg3A_79 {strides = array<i32>} : memref<512x128xf32, #tpu.memory_space<vmem>>, vector<512x128xf32>,
    %mul3A_111 = arith.constant 1.280000e+02 : f32
    %mul3A_112 = vector.broadcast %mul3A_111 : f32 to vector<512x128xf32>
    %mul3A_113 = arith.mulf %add3A_43, %mul3A_112 : vector<512x128xf32>
    %add3A_114 = arith.addf %mul3A_113, %add3A_45 : vector<512x128xf32>
    %jit3A_115 = arith.constant 0.000000e+00 : f32
    %broadcast_in_dim3A_116 = vector.broadcast %jit3A_115 : f32 to vector<512x128xf32>
    %select_n3A_117 = arith.select %and3A_99, %add3A_114, %broadcast_in_dim3A_116 : vector<512x128xi1>, vector<512x128xf32>
    %convert_element_type3A_118 = arith.fptosi %select_n3A_117 : vector<512x128xf32> to vector<512x128xi32>
    %swap3A_119 = arith.constant 0 : index
    %swap3A_120 = arith.constant 0 : index
    %swap3A_121 = vector.load %arg4[%swap3A_119, %swap3A_120] : memref<512x128xi32, #tpu.memory_space<vmem>>, vector<512x128xi32>
    tpu.vector_store %arg4[%swap3A_119, %swap3A_120], %convert_element_type3A_118 {strides = array<i32>} : memref<512x128xi32, #tpu.memory_space<vmem>>, vector<512x128xi32>,
    return
  }
  func.func @transform_0(%arg0: i32) -> (i32, i32) {
    %c0_i32 = arith.constant 0 : i32
    %c0_i32_0 = arith.constant 0 : i32
    return %c0_i32, %arg0 : i32, i32
  }
  func.func @transform_1(%arg0: i32) -> (i32, i32) {
    %c0_i32 = arith.constant 0 : i32
    %c0_i32_0 = arith.constant 0 : i32
    return %arg0, %c0_i32 : i32, i32
  }
  func.func @transform_2(%arg0: i32) -> (i32, i32) {
    %c0_i32 = arith.constant 0 : i32
    %c0_i32_0 = arith.constant 0 : i32
    return %arg0, %c0_i32 : i32, i32
  }
  func.func @transform_3(%arg0: i32) -> (i32, i32) {
    %c0_i32 = arith.constant 0 : i32
    %c0_i32_0 = arith.constant 0 : i32
    return %arg0, %c0_i32 : i32, i32
  }
}

</mosaic_0001>

<sc_bundles>
// kernel: _voxelize.5.cloned.1.call-start
scs
__scs_entry_jumppad:
0x0: {  	(pc) =	sbr.rel $0x88, $3  }
0x1: {  	(tag) =	ssettag $0x0;
	lr =	simm.s32 $0x1  }
0x2: {  	[smem:$0x3F9D] =	sst lr;
	_ =	strace $0xD0000000  }
0x3: {  	_ = 	snop  }
0x4: {  	_ = 	snop  }
0x5: {  	_ = 	snop  }
0x6: {  	_ = 	snop  }
0x7: {  	_ = 	snop  }
__scs_overlays_trampoline_lowered:
0x8: {  	[smem:$0x3FAC] =	sst s0  }
0x9: {  	[smem:$0x3FAD] =	sst s1  }
0xa: {  	[smem:$0x3FAE] =	sst s2  }
0xb: {  	[smem:$0x3FAF] =	sst s3  }
0xc: {  	[smem:$0x3FB0] =	sst s4  }
0xd: {  	[smem:$0x3FB1] =	sst s5  }
0xe: {  	[smem:$0x3FB2] =	sst s6  }
0xf: {  	[smem:$0x3FB3] =	sst s7  }
0x10: {  	[smem:$0x3FB4] =	sst s8  }
0x11: {  	[smem:$0x3FB5] =	sst s9;
	s0 =	simm.s32 @!p0 $0x0  }
0x12: {  	s1 =	sld [smem:$0x3F9B];
	s0 =	simm.s32 @p0 $0x1  }
0x13: {  	[smem:$0x3FB6] =	sst s0;
	s0 =	simm.s32 @!p1 $0x0  }
0x14: {  	s2 =	sld [smem:$0x3F9A];
	s0 =	simm.s32 @p1 $0x1  }
0x15: {  	[smem:$0x3FB7] =	sst s0;
	s0 =	simm.s32 @!p2 $0x0  }
0x16: {  	s3 =	sld [smem:$0x3FDB];
	s0 =	simm.s32 @p2 $0x1  }
0x17: {  	s4 =	simm.s32 $0x1BF5;
	[smem:$0x3FB9] =	sst s0  }
0x18: {  	s0 =	sld [smem:$0x3F9C];
	_ =	swait.ge [sflag:s4], $0x0  }
0x19: {  	s7 =	sld [smem:$0x3F9D]  }
0x1a: {  	s8 =	sadd.s32 $0xFFFFE003, lr  }
0x1b: {  	s9 =	sadd.s32 $0xFFFFFEF7, lr;
	s5 =	simm.s32 $0xFFFFFFFF;
	p2 =	slt.u32 s8, $0xFFFFF086  }
0x1c: {  	p1 =	slt.u32 s9, $0xF7A;
	s5 =	simm.s32 @!p2 $0x0  }
0x1d: {  	s5 =	simm.s32 @p1 $0x1;
	p0 =	seq.s32 s7, s2  }
0x1e: {  	s7 =	smul.u32 @!p0 $0xF7A, s2;
	p2 =	seq.s32 @!p0 s5, $0x0  }
0x1f: {  	s9 =	smul.u32 $0xF7A, s1;
	s8 =	simm.s32 @!p0 $0x1BF5;
	p2 =	por !p2, p0  }
0x20: {  	[sflag:s8] =	ssyncset.s32 @!p0 $0xFFFFF086;
	s6 =	sadd.s32 @!p0 s3, s7;
	s7 =	simm.s32 @!p0 $0x108  }
0x21: {  	s3 =	sadd.s32 s3, s9;
	s6 =	sadd.s32 @!p0 $0x88, s6;
	s7 =	simm.s32 @p2 $0x1082  }
0x22: {  	[simem:s7], [sflag:s8] =	dma.local @!p0 [hbm:s6], $0xF7A  }
0x23: {  	s9 =	sor.u32 $0xD0000000, s2;
	s6 =	simm.s32 $0x108;
	_ =	swait.ge @!p0 [sflag:s8], $0x0  }
0x24: {  	s3 =	sadd.s32 $0x88, s3;
	s6 =	simm.s32 @!p1 $0x1082;
	[sflag:s4] =	ssyncset.s32 $0xFFFFF086  }
0x25: {  	[simem:s6], [sflag:s4] =	dma.local [hbm:s3], $0xF7A  }
0x26: {  	[smem:$0x3F9D] =	sst s1;
	(tag) =	ssettag s2;
	_ =	strace s9  }
0x27: {  	s1 =	sld [smem:$0x3FAD]  }
0x28: {  	s2 =	sld [smem:$0x3FAE]  }
0x29: {  	s4 =	sld [smem:$0x3FB0]  }
0x2a: {  	p0 =	seq.s32 s5, $0x0;
	s5 =	sld [smem:$0x3FB1]  }
0x2b: {  	s6 =	sld [smem:$0x3FB2]  }
0x2c: {  	s7 =	sld [smem:$0x3FB3]  }
0x2d: {  	s3 =	simm.s32 $0x108;
	s8 =	sld [smem:$0x3FB4]  }
0x2e: {  	s3 =	simm.s32 @!p0 $0x1082;
	s9 =	sld [smem:$0x3FB5]  }
0x2f: {  	lr =	sadd.s32 s0, s3;
	s0 =	sld [smem:$0x3FAC]  }
0x30: {  	s3 =	sld [smem:$0x3FAF]  }
0x31: {  	[smem:$0x3FB8] =	sst s10  }
0x32: {  	s10 =	sld [smem:$0x3FB6];
	_ =	sdelay $0x3  }
0x33: {  	p0 =	seq.s32 s10, $0x1;
	s10 =	sld [smem:$0x3FB8];
	_ =	sdelay $0x3  }
0x34: {  	[smem:$0x3FB8] =	sst s10  }
0x35: {  	s10 =	sld [smem:$0x3FB7];
	_ =	sdelay $0x3  }
0x36: {  	p1 =	seq.s32 s10, $0x1;
	s10 =	sld [smem:$0x3FB8];
	_ =	sdelay $0x3  }
0x37: {  	[smem:$0x3FB8] =	sst s10  }
0x38: {  	s10 =	sld [smem:$0x3FB9]  }
0x39: {  	_ = 	snop;
	(pc) =	sbr.ind lr, $3  }
0x3a: {  	_ = 	snop  }
0x3b: {  	_ = 	snop  }
0x3c: {  	p2 =	seq.s32 s10, $0x1;
	s10 =	sld [smem:$0x3FB8]  }
0x3d: {  	_ =	shalt  }
0x3e: {  	_ =	shalt  }
0x3f: {  	_ =	shalt  }
0x40: {  	_ =	shalt  }
0x41: {  	_ =	shalt  }
0x42: {  	_ =	shalt  }
0x43: {  	_ =	shalt  }
0x44: {  	_ =	shalt  }
0x45: {  	_ =	shalt  }
0x46: {  	_ =	shalt  }
0x47: {  	_ =	shalt  }
0x48: {  	_ =	shalt  }
0x49: {  	_ =	shalt  }
0x4a: {  	_ =	shalt  }
0x4b: {  	_ =	shalt  }
0x4c: {  	_ =	shalt  }
0x4d: {  	_ =	shalt  }
0x4e: {  	_ =	shalt  }
0x4f: {  	_ =	shalt  }
0x50: {  	_ =	shalt  }
0x51: {  	_ =	shalt  }
0x52: {  	_ =	shalt  }
0x53: {  	_ =	shalt  }
0x54: {  	_ =	shalt  }
0x55: {  	_ =	shalt  }
0x56: {  	_ =	shalt  }
0x57: {  	_ =	shalt  }
0x58: {  	_ =	shalt  }
0x59: {  	_ =	shalt  }
0x5a: {  	_ =	shalt  }
0x5b: {  	_ =	shalt  }
0x5c: {  	_ =	shalt  }
0x5d: {  	_ =	shalt  }
0x5e: {  	_ =	shalt  }
0x5f: {  	_ =	shalt  }
0x60: {  	_ =	shalt  }
0x61: {  	_ =	shalt  }
0x62: {  	_ =	shalt  }
0x63: {  	_ =	shalt  }
0x64: {  	_ =	shalt  }
0x65: {  	_ =	shalt  }
0x66: {  	_ =	shalt  }
0x67: {  	_ =	shalt  }
0x68: {  	_ =	shalt  }
0x69: {  	_ =	shalt  }
0x6a: {  	_ =	shalt  }
0x6b: {  	_ =	shalt  }
0x6c: {  	_ =	shalt  }
0x6d: {  	_ =	shalt  }
0x6e: {  	_ =	shalt  }
0x6f: {  	_ =	shalt  }
0x70: {  	_ =	shalt  }
0x71: {  	_ =	shalt  }
0x72: {  	_ =	shalt  }
0x73: {  	_ =	shalt  }
0x74: {  	_ =	shalt  }
0x75: {  	_ =	shalt  }
0x76: {  	_ =	shalt  }
0x77: {  	_ =	shalt  }
0x78: {  	_ =	shalt  }
0x79: {  	_ =	shalt  }
0x7a: {  	_ =	shalt  }
0x7b: {  	_ =	shalt  }
0x7c: {  	_ =	shalt  }
0x7d: {  	_ =	shalt  }
0x7e: {  	_ =	shalt  }
0x7f: {  	_ =	shalt  }
0x80: {  	_ =	shalt  }
0x81: {  	_ =	shalt  }
0x82: {  	_ =	shalt  }
0x83: {  	_ =	shalt  }
0x84: {  	_ =	shalt  }
0x85: {  	_ =	shalt  }
0x86: {  	_ =	shalt  }
0x87: {  	_ =	shalt  }
.Lfunc_end0:
.L_simem_size_0:
called_computation.1_lowered:
.L_overlay_start_0:
0x88: {  	s2 =	sld [smem:$0x3FD9]  }
0x89: {  	s3 =	sld [smem:$0x3FFE];
	_ =	sdelay $0x1  }
0x8a: {  	s1 =	srdreg.scid  }
0x8b: {  	s0 =	sand.u32 $0x1, s1  }
0x8c: {  	s17 =	sshll.u32 s0, $0xA;
	s2 =	sadd.s32 s3, s2  }
0x8d: {  	s2 =	sadd.s32 s2, s17  }
0x8e: {  	[smem:$0x3FC4] =	sst s2  }
0x8f: {  	_ = 	snop  }
0x90: {  	s2 =	sld [smem:$0x3FD0];
	(tm) =	ssettm $0x1  }
0x91: {  	s18 =	sld [smem:$0x3FFB];
	_ =	sdelay $0x3  }
0x92: {  	_ =	strace s18  }
0x93: {  	s3 =	sld [smem:$0x3FFC];
	_ =	sdelay $0x3  }
0x94: {  	_ =	strace s3  }
0x95: {  	s3 =	sld [smem:$0x3FFD];
	_ =	sdelay $0x3  }
0x96: {  	_ =	strace s3  }
0x97: {  	_ =	strace $0x8FFFFFFF  }
0x98: {  	s19 =	sld [smem:$0x3FDB];
	_ =	sdelay $0x1  }
0x99: {  	s4 =	simm.s32 $_scs_section_size  }
0x9a: {  	s5 =	simm.s32 $_size__tile_overlayer_lowered;
	s6 =	simm.s32 $_tile_overlayer_lowered  }
0x9b: {  	s22 =	simm.s32 $0x1BFF;
	s21 =	sshll.u32 s6, $0x1;
	s3 =	sadd.s32 s4, s19  }
0x9c: {  	s7 =	simm.s32 $0x0;
	s20 =	sshll.u32 s5, $0x1;
	s5 =	sadd.s32 s21, s3  }
0x9d: {  	[timem:s7], [sflag:s22] =	dma.local [hbm:s5], s20  }
0x9e: {  	_ =	swait.ge [sflag:s22], s20  }
0x9f: {  	s4 =	ssub.s32 $0x0, s20;
	[sflag:s22] =	ssyncset.done $0x0  }
0xa0: {  	[sflag:s22] =	ssyncadd.s32 s4;
	_ =	sdelay $0x1  }
0xa1: {  	s23 =	simm.s32 $0x1B8B  }
0xa2: {  	_ =	swait.ge [sflag:s23], $0x1  }
0xa3: {  	[sflag:s23] =	ssyncset.done $0x0  }
0xa4: {  	s25 =	simm.s32 $0x1B8E;
	s24 =	sld [smem:$0x3FFE];
	[sflag:s23] =	ssyncadd.s32 $0xFFFFFFFF  }
0xa5: {  	s26 =	simm.s32 $execute0_lowered;
	[smem:$0x3FD2] =	sst s25  }
0xa6: {  	s5 =	sshll.u32 s26, $0x1;
	_ =	strace $0x80000049;
	[dreg:$0x1] =	wrdreg $0xFFFFFFFF  }
0xa7: {  	s28 =	simm.s32 $_size_execute0_lowered;
	s3 =	sadd.s32 s3, s5;
	[dreg:$0x0] =	wrdreg $0x0  }
0xa8: {  	s5 =	sshll.u32 s28, $0x1;
	[dreg:$0x2] =	wrdreg s3  }
0xa9: {  	[dreg:$0x3] =	wrdreg s5  }
0xaa: {  	[dreg:$0x4] =	wrdreg $0xC0  }
0xab: {  	_ =	task [dreg:s7], $0x5FFFF  }
0xac: {  	[dreg:$0x1] =	wrdreg $0xFFFFFFFF  }
0xad: {  	[dreg:$0x0] =	wrdreg $0x60  }
0xae: {  	[dreg:$0x2] =	wrdreg s24  }
0xaf: {  	[dreg:$0x3] =	wrdreg s2  }
0xb0: {  	[dreg:$0x4] =	wrdreg $0x9  }
0xb1: {  	_ =	task.clear_ibuf [dreg:s7], $0x5FFFF;
	_ =	strace $0x90000049  }
0xb2: {  	s29 =	simm.s32 $0x9;
	_ =	strace $0x8000004B  }
0xb3: {  	_ =	swait.ge [sflag:s29], $0x1  }
0xb4: {  	[sflag:s29] =	ssyncadd.s32 $0xFFFFFFFF  }
0xb5: {  	_ =	strace $0x9000004B  }
0xb6: {  	_ =	sfence  }
0xb7: {  	s30 =	sld [smem:$0x0];
	_ =	sdelay $0x2  }
0xb8: {  	s31 =	sshll.u32 s1, $0xD;
	s1 =	sshrl.u32 s1, $0x2  }
0xb9: {  	s3 =	sand.u32 $0x4000, s31;
	s1 =	sadd.s32 s1, s30  }
0xba: {  	s0 =	sor.u32 s3, s0;
	s1 =	sshll.u32 s1, $0x11  }
0xbb: {  	s0 =	sor.u32 s1, s0  }
0xbc: {  	s0 =	sadd.s32 $0x8F2B, s0  }
0xbd: {  	[sflag:s0] =	ssyncadd.remote.s32 $0x1  }
0xbe: {  	_ =	sfence.sel $0xFFFF  }
0xbf: {  	[dreg:$0x0] =	wrdreg $0xFFFFFFFF;
	(pc) =	sbr.abs _section_cstart, $3  }
0xc0: {  	[dreg:$0x1] =	wrdreg $0xFFFFFFFF  }
0xc1: {  	_ =	task.clear_ibuf [dreg:s7], $0x2FFFF;
	_ =	strace $0x9FFFFFFF  }
0xc2: {  	(tm) =	ssettm $0x7FFFFFFF  }
0xc3: {  	_ =	shalt  }
tec
execute0_lowered:
.L_overlay_start_1:
0x0: {  	(tag) =	ssettag $0x1  }
0x1: {  	s7 =	rddreg [dreg:$0x0]  }
0x2: {  	s1 =	rddreg [dreg:$0x1];
	s11 =	simm.s32 $0x0  }
0x3: {  	s0 =	srdreg.scid;
	s10 =	stileid.u32;
	s13 =	simm.s32 $0x3  }
0x4: {  	s15 =	simm.s32 $0x1;
	s16 =	simm.s32 $0xCA00;
	s17 =	simm.s32 $0x2  }
0x5: {  	s18 =	simm.s32 $0x0;
	[smem:$0x7FF] =	sst s11;
	s4 =	sadd.s32 $0x200, s7  }
0x6: {  	s2 =	sand.u32 $0x1, s0;
	s5 =	sadd.s32 $0x5A200, s7;
	s3 =	sshll.u32 s10, $0x1  }
0x7: {  	s6 =	sadd.s32 $0xAA200, s7;
	s7 =	sadd.s32 $0xA200, s7;
	s10 =	sshll.u32 s10, $0x3  }
0x8: {  	s0 =	ssub.s32 $0x2, s2;
	s3 =	sor.u32 s2, s3;
	s2 =	sshll.u32 s2, $0x2  }
.Ltmp0:
0x9: {  	s8 =	sshrl.u32 s0, $0x1;
	s14 =	sshll.u32 s3, $0x6;
	(pc) =	sbr.rel .LBB2_1-.Ltmp0, $4  }
0xa: {  	s9 =	ssub.s32 s0, s8;
	s8 =	sshll.u32 s3, $0x2;
	s3 =	sshll.u32 s3, $0xD  }
0xb: {  	_ =	strace $0x8000004A;
	s2 =	sor.u32 s10, s2;
	s1 =	sadd.s32 s1, s3  }
0xc: {  	s12 =	ssub.s32 $0x0, s2;
	s31 =	smax.u32 s9, $0x1;
	[dreg:$0x3] =	wrdreg s1  }
0xd: {  	v0 =	vimm.f32 $0.0e+00;
	s14 =	sshrl.u32 s14, $0x2;
	s0 =	sadd.s32 $0x4, s8;
	[dreg:$0x4] =	wrdreg s31  }
.LBB2_30:
0xe: {  	s11 =	simm.s32 $0x0;
	s1 =	rddreg [dreg:$0x3]  }
0xf: {  	[hbm4b:s1+s11] =	stream.linear.scatter [tilespmem:s16], [sflag:$0x3], $0x10000, $0x38;
	[tilespmem:$0x1CA00] =	vst v63  }
0x10: {  	_ =	swait.ge [sflag:s13], $0x10000  }
0x11: {  	s18 =	sadd.s32 $0x1, s18;
	s31 =	rddreg [dreg:$0x4]  }
0x12: {  	p0 =	sne.s32 s18, s31  }
.Ltmp1:
0x13: {  	_ = 	snop;
	(pc) =	sbr.rel @!p0 .LBB2_31-.Ltmp1, $3  }
0x14: {  	_ =	sdelay $0x1  }
0x15: {  	[sflag:s13] =	ssyncset.done $0x0  }
0x16: {  	[sflag:s13] =	ssyncadd.s32 $0xFFFF0000  }
.LBB2_1:
0x17: {  	s1 =	simm.s32 $0x40;
	s2 =	simm.s32 $0x0  }
.LBB2_2:
0x18: {  	p0 =	sne.s32 s1, $0x3FFC0;
	[tilespmem:s2+$0xCA00] =	vst v0;
	s2 =	smov.u32 s1;
	s1 =	sadd.s32 $0x40, s1  }
.Ltmp2:
0x19: {  	(pc) =	sbr.rel @p0 .LBB2_2-.Ltmp2, $2  }
0x1a: {  	_ =	sdelay $0x2  }
0x1b: {  	s2 =	sshra.s32 s2, $0x2  }
0x1c: {  	[tilespmem:s2+$0xCA00] =	vst v0;
	s1 =	rddreg [dreg:$0x0]  }
0x1d: {  	[tilespmem:s11], [sflag:$0x3] =	stream.linear.gather [hbm4b:s1+s11], $0x200, $0x38;
	[tilespmem:$0x1CA00] =	vst v63  }
0x1e: {  	_ =	swait.ge [sflag:s13], $0x200  }
0x1f: {  	[sflag:s13] =	ssyncset.done $0x0  }
0x20: {  	[sflag:s13] =	ssyncadd.s32 $0xFFFFFE00  }
0x21: {  	v1 =	vld [tilespmem:s14+$0x0];
	_ =	sdelay $0x4  }
0x22: {  	(v2sf) =	vpush v1, $0x0  }
0x23: {  	(v2sf) =	vpush v1, $0x1;
	_ =	sdelay $0xd  }
0x24: {  	s19 =	spop (v2sf)  }
0x25: {  	s20 =	spop (v2sf)  }
0x26: {  	s21 =	ssub.s32 s20, s19  }
0x27: {  	s25 =	sadd.s32 $0x3F, s21  }
0x28: {  	s26 =	sand.u32 $0x3F, s25  }
0x29: {  	s3 =	sshra.s32 s25, $0x1F;
	p0 =	slt.s32 s25, $0x1;
	p1 =	sne.s32 s26, $0x0  }
0x2a: {  	s28 =	sshrl.u32 s3, $0x1A;
	p0 =	por !p0, !p1  }
0x2b: {  	s2 =	simm.s32 $0x1;
	s1 =	sadd.s32 s28, s25;
	p0 =	por !p0, !p0  }
0x2c: {  	s1 =	sshra.s32 s1, $0x6;
	s2 =	simm.s32 @!p0 $0x0  }
0x2d: {  	s22 =	ssub.s32 s1, s2  }
0x2e: {  	p0 =	slt.s32 s22, $0x1  }
0x2f: {  	s1 =	sshll.u32 @!p0 s19, $0x1  }
0x30: {  	s1 =	sand.u32 @!p0 $0x1FFFFFFE, s1  }
0x31: {  	s2 =	simm.s32 @!p0 $0x0;
	s3 =	simm.s32 @!p0 $0x200;
	s1 =	sadd.s32 @!p0 s4, s1  }
0x32: {  	[tilespmem:s3], [sflag:$0x1] =	stream.linear.gather @!p0 [hbm4b:s1+s2], $0x400, $0x38;
	[tilespmem:$0x1CA00] =	vst v63  }
0x33: {  	s1 =	sshll.u32 @!p0 s19, $0x4  }
0x34: {  	s1 =	sand.u32 @!p0 $0x1FFFFFF0, s1  }
0x35: {  	s9 =	simm.s32 @!p0 $0xA00;
	s3 =	sadd.s32 @!p0 s5, s1  }
0x36: {  	[tilespmem:s9], [sflag:$0x1] =	stream.linear.gather @!p0 [hbm4b:s3+s2], $0x2000, $0x38;
	[tilespmem:$0x1CA00] =	vst v63  }
0x37: {  	s3 =	sadd.s32 @!p0 s6, s1;
	s9 =	simm.s32 @!p0 $0x4A00  }
0x38: {  	[tilespmem:s9], [sflag:$0x1] =	stream.linear.gather @!p0 [hbm4b:s3+s2], $0x2000, $0x38;
	[tilespmem:$0x1CA00] =	vst v63  }
0x39: {  	p1 =	seq.s32 @!p0 s22, $0x1;
	s1 =	sadd.s32 @!p0 s7, s1;
	s3 =	simm.s32 @!p0 $0x8A00  }
0x3a: {  	[tilespmem:s3], [sflag:$0x1] =	stream.linear.gather @!p0 [hbm4b:s1+s2], $0x2000, $0x38;
	[tilespmem:$0x1CA00] =	vst v63  }
0x3b: {  	p0 =	por p1, p0  }
0x3c: {  	s1 =	sadd.s32 @!p0 $0x40, s19  }
0x3d: {  	s29 =	sadd.s32 $0x1, s22;
	s2 =	sshll.u32 @!p0 s1, $0x1  }
0x3e: {  	s3 =	simm.s32 @!p0 $0x0;
	s1 =	sshll.u32 @!p0 s1, $0x4;
	s2 =	sand.u32 @!p0 $0x1FFFFFFE, s2  }
0x3f: {  	s9 =	simm.s32 @!p0 $0x600;
	s1 =	sand.u32 @!p0 $0x1FFFFFF0, s1;
	s2 =	sadd.s32 @!p0 s4, s2  }
0x40: {  	[tilespmem:s9], [sflag:$0x2] =	stream.linear.gather @!p0 [hbm4b:s2+s3], $0x400, $0x38;
	[tilespmem:$0x1CA00] =	vst v63  }
0x41: {  	p5 =	slt.s32 s22, $0x0;
	s2 =	sadd.s32 @!p0 s5, s1;
	s9 =	simm.s32 @!p0 $0x2A00  }
0x42: {  	[tilespmem:s9], [sflag:$0x2] =	stream.linear.gather @!p0 [hbm4b:s2+s3], $0x2000, $0x38;
	[tilespmem:$0x1CA00] =	vst v63  }
0x43: {  	s30 =	sand.u32 $0x1, s29;
	s2 =	sadd.s32 @!p0 s6, s1;
	s9 =	simm.s32 @!p0 $0x6A00  }
0x44: {  	[tilespmem:s9], [sflag:$0x2] =	stream.linear.gather @!p0 [hbm4b:s2+s3], $0x2000, $0x38;
	[tilespmem:$0x1CA00] =	vst v63  }
0x45: {  	p6 =	seq.s32 s30, $0x1;
	s1 =	sadd.s32 @!p0 s7, s1;
	s2 =	simm.s32 @!p0 $0xAA00  }
0x46: {  	[tilespmem:s2], [sflag:$0x2] =	stream.linear.gather @!p0 [hbm4b:s1+s3], $0x2000, $0x38;
	[tilespmem:$0x1CA00] =	vst v63  }
0x47: {  	s31 =	sshrl.u32 s29, $0x1F;
	p0 =	por !p5, !p6  }
0x48: {  	s1 =	sadd.s32 s31, s29;
	s2 =	simm.s32 $0x1;
	p0 =	por !p0, !p0  }
0x49: {  	s1 =	sshra.s32 s1, $0x1;
	s2 =	simm.s32 @!p0 $0x0  }
0x4a: {  	s23 =	ssub.s32 s1, s2  }
0x4b: {  	p0 =	slt.s32 s23, $0x1  }
.Ltmp3:
0x4c: {  	_ = 	snop;
	(pc) =	sbr.rel @p0 .LBB2_30-.Ltmp3, $1  }
0x4d: {  	_ =	sdelay $0x3  }
.Ltmp4:
0x4e: {  	(pc) =	sbr.rel .LBB2_5-.Ltmp4, $3  }
0x4f: {  	_ =	sdelay $0x1  }
0x50: {  	s1 =	ssub.s32 s20, s19  }
0x51: {  	s25 =	simm.s32 $0x0;
	s24 =	sadd.s32 $0xFFFFFFC0, s1  }
.LBB2_28:
0x52: {  	s1 =	sadd.s32 $0x3, s26  }
0x53: {  	p0 =	sge.s32 s1, s22  }
0x54: {  	s1 =	sshll.u32 @!p0 s1, $0x6  }
0x55: {  	s1 =	sadd.s32 @!p0 s19, s1  }
0x56: {  	s2 =	sshll.u32 @!p0 s1, $0x1  }
0x57: {  	s3 =	simm.s32 @!p0 $0x0;
	s1 =	sshll.u32 @!p0 s1, $0x4;
	s2 =	sand.u32 @!p0 $0x1FFFFFFE, s2  }
0x58: {  	s9 =	simm.s32 @!p0 $0x600;
	s1 =	sand.u32 @!p0 $0x1FFFFFF0, s1;
	s2 =	sadd.s32 @!p0 s4, s2  }
0x59: {  	[tilespmem:s9], [sflag:$0x2] =	stream.linear.gather @!p0 [hbm4b:s2+s3], $0x400, $0x38;
	[tilespmem:$0x1CA00] =	vst v63  }
0x5a: {  	s2 =	sadd.s32 @!p0 s5, s1;
	s9 =	simm.s32 @!p0 $0x2A00  }
0x5b: {  	[tilespmem:s9], [sflag:$0x2] =	stream.linear.gather @!p0 [hbm4b:s2+s3], $0x2000, $0x38;
	[tilespmem:$0x1CA00] =	vst v63  }
0x5c: {  	s2 =	sadd.s32 @!p0 s6, s1;
	s9 =	simm.s32 @!p0 $0x6A00  }
0x5d: {  	[tilespmem:s9], [sflag:$0x2] =	stream.linear.gather @!p0 [hbm4b:s2+s3], $0x2000, $0x38;
	[tilespmem:$0x1CA00] =	vst v63  }
0x5e: {  	s1 =	sadd.s32 @!p0 s7, s1;
	s2 =	simm.s32 @!p0 $0xAA00  }
0x5f: {  	[tilespmem:s2], [sflag:$0x2] =	stream.linear.gather @!p0 [hbm4b:s1+s3], $0x2000, $0x38;
	[tilespmem:$0x1CA00] =	vst v63  }
.LBB2_29:
0x60: {  	s25 =	sadd.s32 $0x1, s25  }
0x61: {  	p0 =	sne.s32 s25, s23  }
.Ltmp5:
0x62: {  	_ = 	snop;
	(pc) =	sbr.rel @!p0 .LBB2_30-.Ltmp5, $2  }
0x63: {  	_ =	sdelay $0x2  }
0x64: {  	s21 =	sadd.s32 $0xFFFFFF80, s21;
	s24 =	sadd.s32 $0xFFFFFF80, s24  }
.LBB2_5:
0x65: {  	s26 =	sshll.u32 s25, $0x1  }
0x66: {  	p0 =	sge.s32 s26, s22  }
.Ltmp6:
0x67: {  	_ = 	snop;
	(pc) =	sbr.rel @p0 .LBB2_17-.Ltmp6, $1  }
0x68: {  	_ =	sdelay $0x3  }
0x69: {  	_ =	swait.ge [sflag:s15], $0x400  }
0x6a: {  	[sflag:s15] =	ssyncset.done $0x0  }
0x6b: {  	[sflag:s15] =	ssyncadd.s32 $0xFFFFFC00  }
0x6c: {  	s1 =	sshll.u32 s25, $0x7;
	_ =	swait.ge [sflag:s15], $0x2000  }
0x6d: {  	s1 =	sadd.s32 s1, s19;
	[sflag:s15] =	ssyncset.done $0x0  }
0x6e: {  	s1 =	ssub.s32 s20, s1;
	[sflag:s15] =	ssyncadd.s32 $0xFFFFE000  }
0x6f: {  	p0 =	slt.s32 s1, $0x1;
	_ =	swait.ge [sflag:s15], $0x2000  }
.Ltmp7:
0x70: {  	[sflag:s15] =	ssyncset.done $0x0;
	(pc) =	sbr.rel @p0 .LBB2_16-.Ltmp7, $4  }
0x71: {  	[sflag:s15] =	ssyncadd.s32 $0xFFFFE000  }
0x72: {  	_ =	swait.ge [sflag:s15], $0x2000  }
0x73: {  	[sflag:s15] =	ssyncset.done $0x0  }
0x74: {  	[sflag:s15] =	ssyncadd.s32 $0xFFFFE000  }
.Ltmp8:
0x75: {  	(pc) =	sbr.rel .LBB2_8-.Ltmp8, $4  }
0x76: {  	_ = 	snop  }
0x77: {  	p0 =	sgt.s32 s21, $0x1;
	s1 =	smov.u32 s21  }
0x78: {  	s1 =	simm.s32 @!p0 $0x1  }
0x79: {  	s29 =	simm.s32 $0x0;
	s28 =	smin.u32 s1, $0x40  }
.LBB2_10:
0x7a: {  	s3 =	smov.u32 s10  }
.LBB2_14:
0x7b: {  	v1 =	vadd.f32 s1, v1;
	v8 =	vmul.f32 $1.442695020e+00, v35  }
0x7c: {  	(erf) = vpow2.f32 v34  }
0x7d: {  	s1 =	sadd.s32 @p0 $0x4000, s3;
	v58 =	vmul.f32 $1.442695020e+00, v31;
	v1 =	vadd.f32 v1, v26;
	(erf) = vpow2.f32 v8  }
0x7e: {  	vm2 =	vge.f32 v28, v20;
	s10 =	smov.u32 @p0 s1;
	(erf) = vpow2.f32 v33  }
0x7f: {  	v10 =	vadd.s32 s10, v12;
	v11 =	vmul.f32 $1.442695020e+00, v1;
	(erf) = vpow2.f32 v58  }
0x80: {  	vm3 =	vge.f32 v29, v20;
	v59 =	vadd.s32 s10, v9  }
0x81: {  	vm4 =	vge.f32 v30, v20;
	v7 =	vadd.s32 s10, v7;
	(erf) = vpow2.f32 v11  }
0x82: {  	vm5 =	vge.f32 v32, v20;
	v60 =	vpop (erf);
	v4 =	vadd.s32 s10, v4  }
0x83: {  	[tilespmem:v27+s16+$0x0] =	vst.idx.add.f32.msk @p0 vm0, v36;
	vm14 =	vge.f32 v31, v20;
	v61 =	vpop (erf);
	v2 =	vadd.s32 s10, v2  }
0x84: {  	vm6 =	vge.f32 v35, v20;
	v5 =	vadd.s32 s10, v5;
	v62 =	vpop (erf);
	[tilespmem:v10+s16+$0x0] =	vst.idx.add.f32.msk vm1, v60  }
0x85: {  	v6 =	vadd.s32 s10, v6;
	vm15 =	vge.f32 v1, v20;
	[tilespmem:v59+s16+$0x0] =	vst.idx.add.f32.msk vm2, v61;
	v1 =	vpop (erf)  }
0x86: {  	v3 =	vadd.s32 s10, v3;
	[tilespmem:v7+s16+$0x0] =	vst.idx.add.f32.msk vm3, v62;
	v63 =	vpop (erf)  }
0x87: {  	[tilespmem:v4+s16+$0x0] =	vst.idx.add.f32.msk vm4, v1;
	v1 =	vpop (erf)  }
0x88: {  	[tilespmem:v2+s16+$0x0] =	vst.idx.add.f32.msk vm5, v1;
	v1 =	vpop (erf)  }
0x89: {  	[tilespmem:v5+s16+$0x0] =	vst.idx.add.f32.msk vm14, v1  }
0x8a: {  	v1 =	vpop (erf);
	[tilespmem:v6+s16+$0x0] =	vst.idx.add.f32.msk vm6, v63  }
0x8b: {  	[tilespmem:v3+s16+$0x0] =	vst.idx.add.f32.msk vm15, v1  }
.LBB2_15:
0x8c: {  	s29 =	sadd.s32 $0x1, s29  }
0x8d: {  	p0 =	sne.s32 s29, s28  }
.Ltmp9:
0x8e: {  	_ = 	snop;
	(pc) =	sbr.rel @!p0 .LBB2_16-.Ltmp9, $1  }
0x8f: {  	_ =	sdelay $0x3  }
.LBB2_8:
0x90: {  	s1 =	sshll.u32 s29, $0x6  }
0x91: {  	s1 =	sshra.s32 s1, $0x2  }
0x92: {  	v1 =	vld [tilespmem:s1+$0x200];
	_ =	sdelay $0x4  }
0x93: {  	(v2sf) =	vpush v1, $0x0  }
0x94: {  	(v2sf) =	vpush v1, $0x3  }
0x95: {  	(v2sf) =	vpush v1, $0xA  }
0x96: {  	(v2sf) =	vpush v1, $0xD  }
0x97: {  	(v2sf) =	vpush v1, $0xE;
	_ =	sdelay $0x2  }
0x98: {  	s2 =	sshll.u32 s29, $0x7  }
0x99: {  	v8 =	vld [tilespmem:s2+$0xA00]  }
0x9a: {  	v10 =	vld [tilespmem:s2+$0xA10]  }
0x9b: {  	v11 =	vld [tilespmem:s2+$0xA20]  }
0x9c: {  	v13 =	vld [tilespmem:s2+$0xA30]  }
0x9d: {  	v14 =	vld [tilespmem:s2+$0xA40]  }
0x9e: {  	v15 =	vld [tilespmem:s2+$0xA50]  }
0x9f: {  	v16 =	vld [tilespmem:s2+$0xA60]  }
0xa0: {  	v17 =	vld [tilespmem:s2+$0x4A00];
	s30 =	spop (v2sf)  }
0xa1: {  	v18 =	vld [tilespmem:s2+$0x4A10];
	s31 =	spop (v2sf)  }
0xa2: {  	v19 =	vld [tilespmem:s2+$0x4A20];
	s3 =	spop (v2sf)  }
0xa3: {  	v21 =	vld [tilespmem:s2+$0x4A30];
	s1 =	spop (v2sf)  }
0xa4: {  	v22 =	vld [tilespmem:s2+$0x4A40];
	s9 =	spop (v2sf)  }
0xa5: {  	v23 =	vld [tilespmem:s2+$0x4A50];
	s3 =	scvt.f32.s32 s3;
	s9 =	scvt.f32.s32 s9  }
0xa6: {  	v24 =	vld [tilespmem:s2+$0x4A60]  }
0xa7: {  	v25 =	vld [tilespmem:s2+$0x4A70];
	s10 =	sadd.s32 s3, s9  }
0xa8: {  	v12 =	vld [tilespmem:s2+$0x8A00];
	s11 =	ssub.s32 s3, s9;
	s3 =	smov.u32 s8;
	s10 =	sadd.s32 $0x1, s10  }
0xa9: {  	v9 =	vld [tilespmem:s2+$0x8A10];
	s9 =	smov.u32 s0;
	p0 =	sgt.s32 s11, s8;
	p1 =	slt.s32 s10, s0  }
0xaa: {  	v7 =	vld [tilespmem:s2+$0x8A20];
	s3 =	smov.u32 @p0 s11;
	s9 =	smov.u32 @p1 s10  }
0xab: {  	v2 =	vld [tilespmem:s2+$0x8A40];
	p0 =	sge.s32 s3, s9  }
.Ltmp10:
0xac: {  	v1 =	vld [tilespmem:s2+$0xA70];
	(pc) =	sbr.rel @p0 .LBB2_15-.Ltmp10, $4  }
0xad: {  	v3 =	vld [tilespmem:s2+$0x8A70]  }
0xae: {  	v6 =	vld [tilespmem:s2+$0x8A60]  }
0xaf: {  	v5 =	vld [tilespmem:s2+$0x8A50]  }
0xb0: {  	v4 =	vld [tilespmem:s2+$0x8A30]  }
0xb1: {  	s2 =	scvt.s32.f32 s3;
	_ =	sdelay $0x1  }
0xb2: {  	s2 =	ssub.f32 s2, s30;
	_ =	sdelay $0x1  }
0xb3: {  	s2 =	smul.f32 $1.562500000e-02, s2;
	_ =	sdelay $0x1  }
0xb4: {  	s10 =	smul.f32 s2, s31  }
0xb5: {  	v26 =	vmul.f32 s2, v25  }
0xb6: {  	s11 =	sadd.f32 $-4.500000000e+00, s1;
	v27 =	vmul.f32 s2, v22;
	v28 =	vmul.f32 s2, v18;
	s1 =	smul.f32 s10, s2  }
0xb7: {  	v30 =	vmul.f32 s2, v21;
	v31 =	vmul.f32 s2, v17  }
0xb8: {  	v34 =	vmul.f32 s2, v19;
	v29 =	vadd.f32 s1, v8;
	v32 =	vadd.f32 s1, v10  }
0xb9: {  	v37 =	vmul.f32 s2, v24;
	v33 =	vadd.f32 s1, v11;
	v35 =	vadd.f32 s1, v13  }
0xba: {  	v38 =	vmul.f32 s2, v23;
	s2 =	sadd.s32 $0x1, s3;
	v63 =	vadd.f32 s1, v16;
	v36 =	vadd.f32 v29, v31  }
0xbb: {  	v20 =	vmov s11;
	p1 =	sne.s32 s9, s2;
	v28 =	vadd.f32 v32, v28;
	v29 =	vadd.f32 v33, v34  }
.Ltmp11:
0xbc: {  	v31 =	vadd.f32 s1, v14;
	v30 =	vadd.f32 v35, v30;
	v62 =	vmul.f32 $1.442695020e+00, v36;
	(pc) =	sbr.rel @!p1 .LBB2_10-.Ltmp11, $4  }
0xbd: {  	v35 =	vadd.f32 v63, v37;
	v39 =	vmul.f32 $1.442695020e+00, v28;
	v40 =	vmul.f32 $1.442695020e+00, v29  }
0xbe: {  	v32 =	vadd.f32 v31, v27;
	v27 =	vadd.f32 s1, v15;
	(erf) = vpow2.f32 v62  }
0xbf: {  	s11 =	sadd.s32 s3, s12;
	v34 =	vmul.f32 $1.442695020e+00, v30;
	vm1 =	vge.f32 v36, v20;
	(erf) = vpow2.f32 v39  }
0xc0: {  	p0 =	por $0x0, $0x0;
	s10 =	sshll.u32 s11, $0xE;
	v33 =	vmul.f32 $1.442695020e+00, v32;
	v31 =	vadd.f32 v27, v38;
	(erf) = vpow2.f32 v40  }
0xc1: {  	s3 =	scvt.s32.f32 s2  }
0xc2: {  	v36 =	vadd.f32 s1, v1;
	(erf) = vpow2.f32 v34  }
0xc3: {  	v62 =	vmul.f32 $1.442695020e+00, v35;
	vm2 =	vge.f32 v35, v20;
	v27 =	vadd.s32 s10, v3;
	s11 =	ssub.f32 s3, s30  }
0xc4: {  	v63 =	vadd.s32 s10, v12;
	v37 =	vadd.s32 s10, v6;
	v38 =	vadd.s32 s10, v2  }
0xc5: {  	v39 =	vadd.s32 s10, v5;
	v48 =	vadd.s32 s10, v9;
	v40 =	vadd.s32 s10, v7;
	s3 =	smul.f32 $1.562500000e-02, s11  }
0xc6: {  	v41 =	vadd.s32 s10, v4;
	vm3 =	vge.f32 v32, v20;
	vm5 =	vge.f32 v30, v20  }
0xc7: {  	v49 =	vmul.f32 $1.442695020e+00, v31;
	v36 =	vadd.f32 v36, v26;
	(erf) = vpow2.f32 v62;
	s1 =	smul.f32 s3, s31  }
0xc8: {  	vm6 =	vge.f32 v28, v20;
	vm7 =	vge.f32 v29, v20;
	(erf) = vpow2.f32 v33  }
0xc9: {  	vm4 =	vge.f32 v31, v20;
	v42 =	vmul.f32 $1.442695020e+00, v36;
	(erf) = vpow2.f32 v49;
	s1 =	smul.f32 s1, s3  }
0xca: {  	vm0 =	vge.f32 v36, v20;
	v26 =	vmul.f32 s3, v25;
	v50 =	vmul.f32 s3, v22  }
0xcb: {  	(erf) = vpow2.f32 v42;
	v28 =	vmul.f32 s3, v18;
	v31 =	vadd.f32 s1, v8  }
0xcc: {  	v30 =	vmul.f32 s3, v21;
	v29 =	vpop (erf);
	v51 =	vmul.f32 s3, v17;
	v52 =	vadd.f32 s1, v10  }
0xcd: {  	v44 =	vmul.f32 s3, v19;
	v53 =	vpop (erf);
	v43 =	vadd.f32 s1, v11;
	v45 =	vadd.f32 s1, v13  }
0xce: {  	s2 =	sadd.s32 $0x1, s2;
	v47 =	vmul.f32 s3, v24;
	[tilespmem:v63+s16+$0x0] =	vst.idx.add.f32.msk vm1, v29;
	v54 =	vpop (erf);
	v55 =	vadd.f32 s1, v14;
	v46 =	vadd.f32 v31, v51  }
0xcf: {  	p1 =	sne.s32 s9, s2;
	v56 =	vmul.f32 s3, v23;
	[tilespmem:v48+s16+$0x0] =	vst.idx.add.f32.msk vm6, v53;
	v28 =	vadd.f32 v52, v28;
	v29 =	vadd.f32 v43, v44;
	v31 =	vpop (erf)  }
.Ltmp12:
0xd0: {  	[tilespmem:v40+s16+$0x0] =	vst.idx.add.f32.msk vm7, v54;
	v62 =	vadd.f32 s1, v16;
	v30 =	vadd.f32 v45, v30;
	v58 =	vmul.f32 $1.442695020e+00, v46;
	v57 =	vpop (erf);
	(pc) =	sbr.rel @!p1 .LBB2_12-.Ltmp12, $4  }
0xd1: {  	v32 =	vadd.f32 v55, v50;
	v59 =	vmul.f32 $1.442695020e+00, v28;
	v60 =	vmul.f32 $1.442695020e+00, v29;
	[tilespmem:v41+s16+$0x0] =	vst.idx.add.f32.msk vm5, v31;
	v31 =	vpop (erf)  }
0xd2: {  	v61 =	vadd.f32 s1, v15;
	v34 =	vmul.f32 $1.442695020e+00, v30;
	(erf) = vpow2.f32 v58;
	[tilespmem:v38+s16+$0x0] =	vst.idx.add.f32.msk vm3, v31;
	v63 =	vpop (erf)  }
0xd3: {  	v35 =	vadd.f32 v62, v47;
	v33 =	vmul.f32 $1.442695020e+00, v32;
	(erf) = vpow2.f32 v59;
	[tilespmem:v39+s16+$0x0] =	vst.idx.add.f32.msk vm4, v63  }
0xd4: {  	p0 =	por $0x1, $0x1;
	s3 =	smov.u32 s10;
	vm1 =	vge.f32 v46, v20;
	v31 =	vadd.f32 v61, v56;
	v36 =	vpop (erf);
	(erf) = vpow2.f32 v60;
	[tilespmem:v37+s16+$0x0] =	vst.idx.add.f32.msk vm2, v57  }
.LBB2_13:
0xd5: {  	s11 =	scvt.s32.f32 s2;
	s2 =	sadd.s32 $0x1, s2;
	v37 =	vadd.f32 s1, v1;
	(erf) = vpow2.f32 v34;
	[tilespmem:v27+s16+$0x0] =	vst.idx.add.f32.msk vm0, v36;
	s3 =	sadd.s32 $0x4000, s3  }
0xd6: {  	v34 =	vmul.f32 $1.442695020e+00, v35;
	vm2 =	vge.f32 v35, v20;
	p1 =	sne.s32 s9, s2;
	v27 =	vadd.s32 s3, v3  }
0xd7: {  	v35 =	vadd.s32 s3, v12;
	v38 =	vadd.s32 s3, v6;
	s1 =	ssub.f32 s11, s30;
	v36 =	vadd.f32 v37, v26  }
0xd8: {  	v39 =	vadd.s32 s3, v5;
	v37 =	vadd.s32 s3, v2;
	(erf) = vpow2.f32 v34  }
0xd9: {  	v40 =	vadd.s32 s3, v7;
	v41 =	vadd.s32 s3, v4;
	v34 =	vadd.s32 s3, v9;
	s11 =	smul.f32 $1.562500000e-02, s1  }
0xda: {  	vm3 =	vge.f32 v32, v20;
	v32 =	vmul.f32 $1.442695020e+00, v31;
	v42 =	vmul.f32 $1.442695020e+00, v36  }
0xdb: {  	vm4 =	vge.f32 v30, v20;
	s1 =	smul.f32 s11, s31;
	v26 =	vmul.f32 s11, v25;
	v30 =	vpop (erf);
	(erf) = vpow2.f32 v33  }
0xdc: {  	vm6 =	vge.f32 v28, v20;
	vm5 =	vge.f32 v29, v20;
	[tilespmem:v35+s16+$0x0] =	vst.idx.add.f32.msk vm1, v30;
	v30 =	vpop (erf);
	(erf) = vpow2.f32 v32  }
0xdd: {  	vm0 =	vge.f32 v36, v20;
	v32 =	vmul.f32 s11, v22;
	s1 =	smul.f32 s1, s11;
	v33 =	vpop (erf);
	(erf) = vpow2.f32 v42  }
0xde: {  	v28 =	vmul.f32 s11, v18;
	v35 =	vmul.f32 s11, v21;
	vm1 =	vge.f32 v31, v20;
	v31 =	vpop (erf)  }
0xdf: {  	v36 =	vmul.f32 s11, v17;
	v29 =	vadd.f32 s1, v8;
	v42 =	vadd.f32 s1, v10  }
0xe0: {  	v44 =	vmul.f32 s11, v19;
	v43 =	vadd.f32 s1, v11;
	v45 =	vadd.f32 s1, v13  }
0xe1: {  	v46 =	vadd.f32 v29, v36;
	v28 =	vadd.f32 v42, v28;
	v42 =	vmul.f32 s11, v24;
	v47 =	vpop (erf)  }
0xe2: {  	v49 =	vadd.f32 s1, v14;
	v29 =	vadd.f32 v43, v44;
	v43 =	vmul.f32 s11, v23;
	[tilespmem:v34+s16+$0x0] =	vst.idx.add.f32.msk vm6, v30  }
.Ltmp13:
0xe3: {  	v30 =	vadd.f32 v45, v35;
	v44 =	vmul.f32 $1.442695020e+00, v46;
	v48 =	vmul.f32 $1.442695020e+00, v28;
	[tilespmem:v40+s16+$0x0] =	vst.idx.add.f32.msk vm5, v33;
	(pc) =	sbr.rel @p1 .LBB2_13-.Ltmp13, $4  }
0xe4: {  	v32 =	vadd.f32 v49, v32;
	v35 =	vadd.f32 s1, v15;
	v40 =	vmul.f32 $1.442695020e+00, v29;
	[tilespmem:v41+s16+$0x0] =	vst.idx.add.f32.msk vm4, v31;
	v31 =	vpop (erf)  }
0xe5: {  	v34 =	vmul.f32 $1.442695020e+00, v30;
	v41 =	vadd.f32 s1, v16;
	(erf) = vpow2.f32 v44;
	[tilespmem:v37+s16+$0x0] =	vst.idx.add.f32.msk vm3, v31;
	v36 =	vpop (erf)  }
0xe6: {  	v33 =	vmul.f32 $1.442695020e+00, v32;
	v31 =	vadd.f32 v35, v43;
	(erf) = vpow2.f32 v48;
	[tilespmem:v39+s16+$0x0] =	vst.idx.add.f32.msk vm1, v36;
	v36 =	vpop (erf)  }
0xe7: {  	vm1 =	vge.f32 v46, v20;
	v35 =	vadd.f32 v41, v42;
	(erf) = vpow2.f32 v40;
	[tilespmem:v38+s16+$0x0] =	vst.idx.add.f32.msk vm2, v47  }
.Ltmp14:
0xe8: {  	_ = 	snop;
	(pc) =	sbr.rel .LBB2_14-.Ltmp14, $1  }
0xe9: {  	_ =	sdelay $0x3  }
.LBB2_12:
.Ltmp15:
0xea: {  	(pc) =	sbr.rel .LBB2_14-.Ltmp15, $2  }
0xeb: {  	_ =	sdelay $0x2  }
0xec: {  	s3 =	smov.u32 s10  }
.LBB2_16:
0xed: {  	s1 =	sadd.s32 $0x2, s26  }
0xee: {  	p0 =	sge.s32 s1, s22  }
0xef: {  	s1 =	sshll.u32 @!p0 s1, $0x6  }
0xf0: {  	s1 =	sadd.s32 @!p0 s19, s1  }
0xf1: {  	s2 =	sshll.u32 @!p0 s1, $0x1  }
0xf2: {  	s3 =	simm.s32 @!p0 $0x0;
	s1 =	sshll.u32 @!p0 s1, $0x4;
	s2 =	sand.u32 @!p0 $0x1FFFFFFE, s2  }
0xf3: {  	s9 =	simm.s32 @!p0 $0x200;
	s1 =	sand.u32 @!p0 $0x1FFFFFF0, s1;
	s2 =	sadd.s32 @!p0 s4, s2  }
0xf4: {  	[tilespmem:s9], [sflag:$0x1] =	stream.linear.gather @!p0 [hbm4b:s2+s3], $0x400, $0x38;
	[tilespmem:$0x1CA00] =	vst v63  }
0xf5: {  	s2 =	sadd.s32 @!p0 s5, s1;
	s9 =	simm.s32 @!p0 $0xA00  }
0xf6: {  	[tilespmem:s9], [sflag:$0x1] =	stream.linear.gather @!p0 [hbm4b:s2+s3], $0x2000, $0x38;
	[tilespmem:$0x1CA00] =	vst v63  }
0xf7: {  	s2 =	sadd.s32 @!p0 s6, s1;
	s9 =	simm.s32 @!p0 $0x4A00  }
0xf8: {  	[tilespmem:s9], [sflag:$0x1] =	stream.linear.gather @!p0 [hbm4b:s2+s3], $0x2000, $0x38;
	[tilespmem:$0x1CA00] =	vst v63  }
0xf9: {  	s1 =	sadd.s32 @!p0 s7, s1;
	s2 =	simm.s32 @!p0 $0x8A00  }
0xfa: {  	[tilespmem:s2], [sflag:$0x1] =	stream.linear.gather @!p0 [hbm4b:s1+s3], $0x2000, $0x38;
	[tilespmem:$0x1CA00] =	vst v63  }
.LBB2_17:
0xfb: {  	s1 =	sor.u32 $0x1, s26  }
0xfc: {  	p0 =	sge.s32 s1, s22  }
.Ltmp16:
0xfd: {  	_ = 	snop;
	(pc) =	sbr.rel @p0 .LBB2_29-.Ltmp16, $1  }
0xfe: {  	_ =	sdelay $0x3  }
0xff: {  	_ =	swait.ge [sflag:s17], $0x400  }
0x100: {  	[sflag:s17] =	ssyncset.done $0x0  }
0x101: {  	[sflag:s17] =	ssyncadd.s32 $0xFFFFFC00  }
0x102: {  	s1 =	sshll.u32 s1, $0x6;
	_ =	swait.ge [sflag:s17], $0x2000  }
0x103: {  	s1 =	sadd.s32 s1, s19;
	[sflag:s17] =	ssyncset.done $0x0  }
0x104: {  	s1 =	ssub.s32 s20, s1;
	[sflag:s17] =	ssyncadd.s32 $0xFFFFE000  }
0x105: {  	p0 =	slt.s32 s1, $0x1;
	_ =	swait.ge [sflag:s17], $0x2000  }
.Ltmp17:
0x106: {  	[sflag:s17] =	ssyncset.done $0x0;
	(pc) =	sbr.rel @p0 .LBB2_28-.Ltmp17, $4  }
0x107: {  	[sflag:s17] =	ssyncadd.s32 $0xFFFFE000  }
0x108: {  	_ =	swait.ge [sflag:s17], $0x2000  }
0x109: {  	[sflag:s17] =	ssyncset.done $0x0  }
0x10a: {  	[sflag:s17] =	ssyncadd.s32 $0xFFFFE000  }
.Ltmp18:
0x10b: {  	(pc) =	sbr.rel .LBB2_20-.Ltmp18, $4  }
0x10c: {  	_ = 	snop  }
0x10d: {  	p0 =	sgt.s32 s24, $0x1;
	s1 =	smov.u32 s24  }
0x10e: {  	s1 =	simm.s32 @!p0 $0x1  }
0x10f: {  	s29 =	simm.s32 $0x0;
	s28 =	smin.u32 s1, $0x40  }
.LBB2_22:
0x110: {  	s10 =	smov.u32 s3  }
.LBB2_26:
0x111: {  	v1 =	vadd.f32 s1, v1;
	v8 =	vmul.f32 $1.442695020e+00, v35  }
0x112: {  	(erf) = vpow2.f32 v34  }
0x113: {  	s1 =	sadd.s32 @p0 $0x4000, s10;
	v58 =	vmul.f32 $1.442695020e+00, v31;
	v1 =	vadd.f32 v1, v26;
	(erf) = vpow2.f32 v8  }
0x114: {  	vm2 =	vge.f32 v28, v20;
	s3 =	smov.u32 @p0 s1;
	(erf) = vpow2.f32 v33  }
0x115: {  	v10 =	vadd.s32 s3, v12;
	v11 =	vmul.f32 $1.442695020e+00, v1;
	(erf) = vpow2.f32 v58  }
0x116: {  	vm3 =	vge.f32 v29, v20;
	v59 =	vadd.s32 s3, v9  }
0x117: {  	vm4 =	vge.f32 v30, v20;
	v7 =	vadd.s32 s3, v7;
	(erf) = vpow2.f32 v11  }
0x118: {  	vm5 =	vge.f32 v32, v20;
	v60 =	vpop (erf);
	v4 =	vadd.s32 s3, v4  }
0x119: {  	[tilespmem:v27+s16+$0x0] =	vst.idx.add.f32.msk @p0 vm0, v36;
	vm14 =	vge.f32 v31, v20;
	v61 =	vpop (erf);
	v2 =	vadd.s32 s3, v2  }
0x11a: {  	vm6 =	vge.f32 v35, v20;
	v5 =	vadd.s32 s3, v5;
	v62 =	vpop (erf);
	[tilespmem:v10+s16+$0x0] =	vst.idx.add.f32.msk vm1, v60  }
0x11b: {  	v6 =	vadd.s32 s3, v6;
	vm15 =	vge.f32 v1, v20;
	[tilespmem:v59+s16+$0x0] =	vst.idx.add.f32.msk vm2, v61;
	v1 =	vpop (erf)  }
0x11c: {  	v3 =	vadd.s32 s3, v3;
	[tilespmem:v7+s16+$0x0] =	vst.idx.add.f32.msk vm3, v62;
	v63 =	vpop (erf)  }
0x11d: {  	[tilespmem:v4+s16+$0x0] =	vst.idx.add.f32.msk vm4, v1;
	v1 =	vpop (erf)  }
0x11e: {  	[tilespmem:v2+s16+$0x0] =	vst.idx.add.f32.msk vm5, v1;
	v1 =	vpop (erf)  }
0x11f: {  	[tilespmem:v5+s16+$0x0] =	vst.idx.add.f32.msk vm14, v1  }
0x120: {  	v1 =	vpop (erf);
	[tilespmem:v6+s16+$0x0] =	vst.idx.add.f32.msk vm6, v63  }
0x121: {  	[tilespmem:v3+s16+$0x0] =	vst.idx.add.f32.msk vm15, v1  }
.LBB2_27:
0x122: {  	s29 =	sadd.s32 $0x1, s29  }
0x123: {  	p0 =	sne.s32 s29, s28  }
.Ltmp19:
0x124: {  	_ = 	snop;
	(pc) =	sbr.rel @!p0 .LBB2_28-.Ltmp19, $1  }
0x125: {  	_ =	sdelay $0x3  }
.LBB2_20:
0x126: {  	s1 =	sshll.u32 s29, $0x4  }
0x127: {  	v1 =	vld [tilespmem:s1+$0x600];
	_ =	sdelay $0x4  }
0x128: {  	(v2sf) =	vpush v1, $0x0  }
0x129: {  	(v2sf) =	vpush v1, $0x3  }
0x12a: {  	(v2sf) =	vpush v1, $0xA  }
0x12b: {  	(v2sf) =	vpush v1, $0xD  }
0x12c: {  	(v2sf) =	vpush v1, $0xE;
	_ =	sdelay $0x2  }
0x12d: {  	s2 =	sshll.u32 s29, $0x7  }
0x12e: {  	v8 =	vld [tilespmem:s2+$0x2A00]  }
0x12f: {  	v10 =	vld [tilespmem:s2+$0x2A10]  }
0x130: {  	v11 =	vld [tilespmem:s2+$0x2A20]  }
0x131: {  	v13 =	vld [tilespmem:s2+$0x2A30]  }
0x132: {  	v14 =	vld [tilespmem:s2+$0x2A40]  }
0x133: {  	v15 =	vld [tilespmem:s2+$0x2A50]  }
0x134: {  	v16 =	vld [tilespmem:s2+$0x2A60]  }
0x135: {  	v17 =	vld [tilespmem:s2+$0x6A00];
	s30 =	spop (v2sf)  }
0x136: {  	v18 =	vld [tilespmem:s2+$0x6A10];
	s31 =	spop (v2sf)  }
0x137: {  	v19 =	vld [tilespmem:s2+$0x6A20];
	s3 =	spop (v2sf)  }
0x138: {  	v21 =	vld [tilespmem:s2+$0x6A30];
	s1 =	spop (v2sf)  }
0x139: {  	v22 =	vld [tilespmem:s2+$0x6A40];
	s9 =	spop (v2sf)  }
0x13a: {  	v23 =	vld [tilespmem:s2+$0x6A50];
	s3 =	scvt.f32.s32 s3;
	s9 =	scvt.f32.s32 s9  }
0x13b: {  	v24 =	vld [tilespmem:s2+$0x6A60]  }
0x13c: {  	v25 =	vld [tilespmem:s2+$0x6A70];
	s10 =	sadd.s32 s3, s9  }
0x13d: {  	v12 =	vld [tilespmem:s2+$0xAA00];
	s11 =	ssub.s32 s3, s9;
	s3 =	smov.u32 s8;
	s10 =	sadd.s32 $0x1, s10  }
0x13e: {  	v9 =	vld [tilespmem:s2+$0xAA10];
	s9 =	smov.u32 s0;
	p0 =	sgt.s32 s11, s8;
	p1 =	slt.s32 s10, s0  }
0x13f: {  	v7 =	vld [tilespmem:s2+$0xAA20];
	s3 =	smov.u32 @p0 s11;
	s9 =	smov.u32 @p1 s10  }
0x140: {  	v2 =	vld [tilespmem:s2+$0xAA40];
	p0 =	sge.s32 s3, s9  }
.Ltmp20:
0x141: {  	v1 =	vld [tilespmem:s2+$0x2A70];
	(pc) =	sbr.rel @p0 .LBB2_27-.Ltmp20, $4  }
0x142: {  	v3 =	vld [tilespmem:s2+$0xAA70]  }
0x143: {  	v6 =	vld [tilespmem:s2+$0xAA60]  }
0x144: {  	v5 =	vld [tilespmem:s2+$0xAA50]  }
0x145: {  	v4 =	vld [tilespmem:s2+$0xAA30]  }
0x146: {  	s2 =	scvt.s32.f32 s3;
	_ =	sdelay $0x1  }
0x147: {  	s2 =	ssub.f32 s2, s30;
	_ =	sdelay $0x1  }
0x148: {  	s2 =	smul.f32 $1.562500000e-02, s2;
	_ =	sdelay $0x1  }
0x149: {  	s10 =	smul.f32 s2, s31  }
0x14a: {  	v26 =	vmul.f32 s2, v25  }
0x14b: {  	s11 =	sadd.f32 $-4.500000000e+00, s1;
	v27 =	vmul.f32 s2, v22;
	v28 =	vmul.f32 s2, v18;
	s1 =	smul.f32 s10, s2  }
0x14c: {  	v30 =	vmul.f32 s2, v21;
	v31 =	vmul.f32 s2, v17  }
0x14d: {  	v34 =	vmul.f32 s2, v19;
	v29 =	vadd.f32 s1, v8;
	v32 =	vadd.f32 s1, v10  }
0x14e: {  	v37 =	vmul.f32 s2, v24;
	v33 =	vadd.f32 s1, v11;
	v35 =	vadd.f32 s1, v13  }
0x14f: {  	v38 =	vmul.f32 s2, v23;
	s2 =	sadd.s32 $0x1, s3;
	v63 =	vadd.f32 s1, v16;
	v36 =	vadd.f32 v29, v31  }
0x150: {  	v20 =	vmov s11;
	p1 =	sne.s32 s9, s2;
	v28 =	vadd.f32 v32, v28;
	v29 =	vadd.f32 v33, v34  }
.Ltmp21:
0x151: {  	v31 =	vadd.f32 s1, v14;
	v30 =	vadd.f32 v35, v30;
	v62 =	vmul.f32 $1.442695020e+00, v36;
	(pc) =	sbr.rel @!p1 .LBB2_22-.Ltmp21, $4  }
0x152: {  	v35 =	vadd.f32 v63, v37;
	v39 =	vmul.f32 $1.442695020e+00, v28;
	v40 =	vmul.f32 $1.442695020e+00, v29  }
0x153: {  	v32 =	vadd.f32 v31, v27;
	v27 =	vadd.f32 s1, v15;
	(erf) = vpow2.f32 v62  }
0x154: {  	s11 =	sadd.s32 s3, s12;
	v34 =	vmul.f32 $1.442695020e+00, v30;
	vm1 =	vge.f32 v36, v20;
	(erf) = vpow2.f32 v39  }
0x155: {  	p0 =	por $0x0, $0x0;
	s3 =	sshll.u32 s11, $0xE;
	v33 =	vmul.f32 $1.442695020e+00, v32;
	v31 =	vadd.f32 v27, v38;
	(erf) = vpow2.f32 v40  }
0x156: {  	s10 =	scvt.s32.f32 s2  }
0x157: {  	v36 =	vadd.f32 s1, v1;
	(erf) = vpow2.f32 v34  }
0x158: {  	v62 =	vmul.f32 $1.442695020e+00, v35;
	vm2 =	vge.f32 v35, v20;
	v27 =	vadd.s32 s3, v3;
	s11 =	ssub.f32 s10, s30  }
0x159: {  	v63 =	vadd.s32 s3, v12;
	v37 =	vadd.s32 s3, v6;
	v38 =	vadd.s32 s3, v2  }
0x15a: {  	v39 =	vadd.s32 s3, v5;
	v48 =	vadd.s32 s3, v9;
	v40 =	vadd.s32 s3, v7;
	s10 =	smul.f32 $1.562500000e-02, s11  }
0x15b: {  	v41 =	vadd.s32 s3, v4;
	vm3 =	vge.f32 v32, v20;
	vm5 =	vge.f32 v30, v20  }
0x15c: {  	v49 =	vmul.f32 $1.442695020e+00, v31;
	v36 =	vadd.f32 v36, v26;
	(erf) = vpow2.f32 v62;
	s1 =	smul.f32 s10, s31  }
0x15d: {  	vm6 =	vge.f32 v28, v20;
	vm7 =	vge.f32 v29, v20;
	(erf) = vpow2.f32 v33  }
0x15e: {  	vm4 =	vge.f32 v31, v20;
	v42 =	vmul.f32 $1.442695020e+00, v36;
	(erf) = vpow2.f32 v49;
	s1 =	smul.f32 s1, s10  }
0x15f: {  	vm0 =	vge.f32 v36, v20;
	v26 =	vmul.f32 s10, v25;
	v50 =	vmul.f32 s10, v22  }
0x160: {  	(erf) = vpow2.f32 v42;
	v28 =	vmul.f32 s10, v18;
	v31 =	vadd.f32 s1, v8  }
0x161: {  	v30 =	vmul.f32 s10, v21;
	v29 =	vpop (erf);
	v51 =	vmul.f32 s10, v17;
	v52 =	vadd.f32 s1, v10  }
0x162: {  	v44 =	vmul.f32 s10, v19;
	v53 =	vpop (erf);
	v43 =	vadd.f32 s1, v11;
	v45 =	vadd.f32 s1, v13  }
0x163: {  	s2 =	sadd.s32 $0x1, s2;
	v47 =	vmul.f32 s10, v24;
	[tilespmem:v63+s16+$0x0] =	vst.idx.add.f32.msk vm1, v29;
	v54 =	vpop (erf);
	v55 =	vadd.f32 s1, v14;
	v46 =	vadd.f32 v31, v51  }
0x164: {  	p1 =	sne.s32 s9, s2;
	v56 =	vmul.f32 s10, v23;
	[tilespmem:v48+s16+$0x0] =	vst.idx.add.f32.msk vm6, v53;
	v28 =	vadd.f32 v52, v28;
	v29 =	vadd.f32 v43, v44;
	v31 =	vpop (erf)  }
.Ltmp22:
0x165: {  	[tilespmem:v40+s16+$0x0] =	vst.idx.add.f32.msk vm7, v54;
	v62 =	vadd.f32 s1, v16;
	v30 =	vadd.f32 v45, v30;
	v58 =	vmul.f32 $1.442695020e+00, v46;
	v57 =	vpop (erf);
	(pc) =	sbr.rel @!p1 .LBB2_24-.Ltmp22, $4  }
0x166: {  	v32 =	vadd.f32 v55, v50;
	v59 =	vmul.f32 $1.442695020e+00, v28;
	v60 =	vmul.f32 $1.442695020e+00, v29;
	[tilespmem:v41+s16+$0x0] =	vst.idx.add.f32.msk vm5, v31;
	v31 =	vpop (erf)  }
0x167: {  	v61 =	vadd.f32 s1, v15;
	v34 =	vmul.f32 $1.442695020e+00, v30;
	(erf) = vpow2.f32 v58;
	[tilespmem:v38+s16+$0x0] =	vst.idx.add.f32.msk vm3, v31;
	v63 =	vpop (erf)  }
0x168: {  	v35 =	vadd.f32 v62, v47;
	v33 =	vmul.f32 $1.442695020e+00, v32;
	(erf) = vpow2.f32 v59;
	[tilespmem:v39+s16+$0x0] =	vst.idx.add.f32.msk vm4, v63  }
0x169: {  	p0 =	por $0x1, $0x1;
	s10 =	smov.u32 s3;
	vm1 =	vge.f32 v46, v20;
	v31 =	vadd.f32 v61, v56;
	v36 =	vpop (erf);
	(erf) = vpow2.f32 v60;
	[tilespmem:v37+s16+$0x0] =	vst.idx.add.f32.msk vm2, v57  }
.LBB2_25:
0x16a: {  	s11 =	scvt.s32.f32 s2;
	s2 =	sadd.s32 $0x1, s2;
	v37 =	vadd.f32 s1, v1;
	(erf) = vpow2.f32 v34;
	[tilespmem:v27+s16+$0x0] =	vst.idx.add.f32.msk vm0, v36;
	s10 =	sadd.s32 $0x4000, s10  }
0x16b: {  	v34 =	vmul.f32 $1.442695020e+00, v35;
	vm2 =	vge.f32 v35, v20;
	p1 =	sne.s32 s9, s2;
	v27 =	vadd.s32 s10, v3  }
0x16c: {  	v35 =	vadd.s32 s10, v12;
	v38 =	vadd.s32 s10, v6;
	s1 =	ssub.f32 s11, s30;
	v36 =	vadd.f32 v37, v26  }
0x16d: {  	v39 =	vadd.s32 s10, v5;
	v37 =	vadd.s32 s10, v2;
	(erf) = vpow2.f32 v34  }
0x16e: {  	v40 =	vadd.s32 s10, v7;
	v41 =	vadd.s32 s10, v4;
	v34 =	vadd.s32 s10, v9;
	s11 =	smul.f32 $1.562500000e-02, s1  }
0x16f: {  	vm3 =	vge.f32 v32, v20;
	v32 =	vmul.f32 $1.442695020e+00, v31;
	v42 =	vmul.f32 $1.442695020e+00, v36  }
0x170: {  	vm4 =	vge.f32 v30, v20;
	s1 =	smul.f32 s11, s31;
	v26 =	vmul.f32 s11, v25;
	v30 =	vpop (erf);
	(erf) = vpow2.f32 v33  }
0x171: {  	vm6 =	vge.f32 v28, v20;
	vm5 =	vge.f32 v29, v20;
	[tilespmem:v35+s16+$0x0] =	vst.idx.add.f32.msk vm1, v30;
	v30 =	vpop (erf);
	(erf) = vpow2.f32 v32  }
0x172: {  	vm0 =	vge.f32 v36, v20;
	v32 =	vmul.f32 s11, v22;
	s1 =	smul.f32 s1, s11;
	v33 =	vpop (erf);
	(erf) = vpow2.f32 v42  }
0x173: {  	v28 =	vmul.f32 s11, v18;
	v35 =	vmul.f32 s11, v21;
	vm1 =	vge.f32 v31, v20;
	v31 =	vpop (erf)  }
0x174: {  	v36 =	vmul.f32 s11, v17;
	v29 =	vadd.f32 s1, v8;
	v42 =	vadd.f32 s1, v10  }
0x175: {  	v44 =	vmul.f32 s11, v19;
	v43 =	vadd.f32 s1, v11;
	v45 =	vadd.f32 s1, v13  }
0x176: {  	v46 =	vadd.f32 v29, v36;
	v28 =	vadd.f32 v42, v28;
	v42 =	vmul.f32 s11, v24;
	v47 =	vpop (erf)  }
0x177: {  	v49 =	vadd.f32 s1, v14;
	v29 =	vadd.f32 v43, v44;
	v43 =	vmul.f32 s11, v23;
	[tilespmem:v34+s16+$0x0] =	vst.idx.add.f32.msk vm6, v30  }
.Ltmp23:
0x178: {  	v30 =	vadd.f32 v45, v35;
	v44 =	vmul.f32 $1.442695020e+00, v46;
	v48 =	vmul.f32 $1.442695020e+00, v28;
	[tilespmem:v40+s16+$0x0] =	vst.idx.add.f32.msk vm5, v33;
	(pc) =	sbr.rel @p1 .LBB2_25-.Ltmp23, $4  }
0x179: {  	v32 =	vadd.f32 v49, v32;
	v35 =	vadd.f32 s1, v15;
	v40 =	vmul.f32 $1.442695020e+00, v29;
	[tilespmem:v41+s16+$0x0] =	vst.idx.add.f32.msk vm4, v31;
	v31 =	vpop (erf)  }
0x17a: {  	v34 =	vmul.f32 $1.442695020e+00, v30;
	v41 =	vadd.f32 s1, v16;
	(erf) = vpow2.f32 v44;
	[tilespmem:v37+s16+$0x0] =	vst.idx.add.f32.msk vm3, v31;
	v36 =	vpop (erf)  }
0x17b: {  	v33 =	vmul.f32 $1.442695020e+00, v32;
	v31 =	vadd.f32 v35, v43;
	(erf) = vpow2.f32 v48;
	[tilespmem:v39+s16+$0x0] =	vst.idx.add.f32.msk vm1, v36;
	v36 =	vpop (erf)  }
0x17c: {  	vm1 =	vge.f32 v46, v20;
	v35 =	vadd.f32 v41, v42;
	(erf) = vpow2.f32 v40;
	[tilespmem:v38+s16+$0x0] =	vst.idx.add.f32.msk vm2, v47  }
.Ltmp24:
0x17d: {  	_ = 	snop;
	(pc) =	sbr.rel .LBB2_26-.Ltmp24, $1  }
0x17e: {  	_ =	sdelay $0x3  }
.LBB2_24:
.Ltmp25:
0x17f: {  	(pc) =	sbr.rel .LBB2_26-.Ltmp25, $2  }
0x180: {  	_ =	sdelay $0x2  }
0x181: {  	s10 =	smov.u32 s3  }
.LBB2_31:
0x182: {  	_ =	sfence.sel $0x180000  }
0x183: {  	[bflag:$0x0] =	sbarrier.arrive $0xFFFF  }
0x184: {  	_ =	strace $0x9000004A  }
0x185: {  	s0 =	stileid.u32;
	[bflag:$0x2] =	sbarrier.arrive $0xFFFF  }
0x186: {  	p0 =	sne.s32 s0, $0x0;
	s0 =	rddreg [dreg:$0x2]  }
0x187: {  	s0 =	sadd.s32 @!p0 $0x100000, s0  }
0x188: {  	[sflag:s0] =	ssyncadd.tile.s32 @!p0 $0x1;
	_ =	shalt  }
.Lfunc_end2:
_tile_overlayer_lowered:
.L_overlay_start_2:
0x189: {  	(tag) =	ssettag $0x2  }
0x18a: {  	s0 =	rddreg [dreg:$0x0];
	s2 =	stileid.u32  }
0x18b: {  	s1 =	rddreg [dreg:$0x1];
	p0 =	sne.s32 s2, $0x0  }
0x18c: {  	s3 =	rddreg [dreg:$0x2];
	[bflag:$0x3] =	sbarrier.arrive $0xFFFF;
	s2 =	simm.s32 @!p0 $0x1C03  }
0x18d: {  	[timem:s3], [sflag:s2] =	dma.local @!p0 [hbm:s0], s1  }
0x18e: {  	s0 =	simm.s32 @!p0 $0x3  }
0x18f: {  	_ =	swait.ge @!p0 [sflag:s0], s1  }
0x190: {  	s1 =	ssub.s32 @!p0 $0x0, s1;
	[sflag:s0] =	ssyncset.done @!p0 $0x0  }
0x191: {  	[sflag:s0] =	ssyncadd.s32 @!p0 s1  }
0x192: {  	[bflag:$0x3] =	sbarrier.arrive $0xFFFF  }
0x193: {  	_ =	shalt  }

// kernel: gather_offload_async_start
scs
__scs_entry_jumppad:
0x0: {  	(pc) =	sbr.rel $0x88, $3  }
0x1: {  	(tag) =	ssettag $0x0;
	lr =	simm.s32 $0x1  }
0x2: {  	[smem:$0x3F9D] =	sst lr;
	_ =	strace $0xD0000000  }
0x3: {  	_ = 	snop  }
0x4: {  	_ = 	snop  }
0x5: {  	_ = 	snop  }
0x6: {  	_ = 	snop  }
0x7: {  	_ = 	snop  }
__scs_overlays_trampoline_lowered:
0x8: {  	[smem:$0x3FAC] =	sst s0  }
0x9: {  	[smem:$0x3FAD] =	sst s1  }
0xa: {  	[smem:$0x3FAE] =	sst s2  }
0xb: {  	[smem:$0x3FAF] =	sst s3  }
0xc: {  	[smem:$0x3FB0] =	sst s4  }
0xd: {  	[smem:$0x3FB1] =	sst s5  }
0xe: {  	[smem:$0x3FB2] =	sst s6  }
0xf: {  	[smem:$0x3FB3] =	sst s7  }
0x10: {  	[smem:$0x3FB4] =	sst s8  }
0x11: {  	[smem:$0x3FB5] =	sst s9;
	s0 =	simm.s32 @!p0 $0x0  }
0x12: {  	s1 =	sld [smem:$0x3F9B];
	s0 =	simm.s32 @p0 $0x1  }
0x13: {  	[smem:$0x3FB6] =	sst s0;
	s0 =	simm.s32 @!p1 $0x0  }
0x14: {  	s2 =	sld [smem:$0x3F9A];
	s0 =	simm.s32 @p1 $0x1  }
0x15: {  	[smem:$0x3FB7] =	sst s0;
	s0 =	simm.s32 @!p2 $0x0  }
0x16: {  	s3 =	sld [smem:$0x3FDB];
	s0 =	simm.s32 @p2 $0x1  }
0x17: {  	s4 =	simm.s32 $0x1BF5;
	[smem:$0x3FB9] =	sst s0  }
0x18: {  	s0 =	sld [smem:$0x3F9C];
	_ =	swait.ge [sflag:s4], $0x0  }
0x19: {  	s7 =	sld [smem:$0x3F9D]  }
0x1a: {  	s8 =	sadd.s32 $0xFFFFE003, lr  }
0x1b: {  	s9 =	sadd.s32 $0xFFFFFEF7, lr;
	s5 =	simm.s32 $0xFFFFFFFF;
	p2 =	slt.u32 s8, $0xFFFFF086  }
0x1c: {  	p1 =	slt.u32 s9, $0xF7A;
	s5 =	simm.s32 @!p2 $0x0  }
0x1d: {  	s5 =	simm.s32 @p1 $0x1;
	p0 =	seq.s32 s7, s2  }
0x1e: {  	s7 =	smul.u32 @!p0 $0xF7A, s2;
	p2 =	seq.s32 @!p0 s5, $0x0  }
0x1f: {  	s9 =	smul.u32 $0xF7A, s1;
	s8 =	simm.s32 @!p0 $0x1BF5;
	p2 =	por !p2, p0  }
0x20: {  	[sflag:s8] =	ssyncset.s32 @!p0 $0xFFFFF086;
	s6 =	sadd.s32 @!p0 s3, s7;
	s7 =	simm.s32 @!p0 $0x108  }
0x21: {  	s3 =	sadd.s32 s3, s9;
	s6 =	sadd.s32 @!p0 $0x88, s6;
	s7 =	simm.s32 @p2 $0x1082  }
0x22: {  	[simem:s7], [sflag:s8] =	dma.local @!p0 [hbm:s6], $0xF7A  }
0x23: {  	s9 =	sor.u32 $0xD0000000, s2;
	s6 =	simm.s32 $0x108;
	_ =	swait.ge @!p0 [sflag:s8], $0x0  }
0x24: {  	s3 =	sadd.s32 $0x88, s3;
	s6 =	simm.s32 @!p1 $0x1082;
	[sflag:s4] =	ssyncset.s32 $0xFFFFF086  }
0x25: {  	[simem:s6], [sflag:s4] =	dma.local [hbm:s3], $0xF7A  }
0x26: {  	[smem:$0x3F9D] =	sst s1;
	(tag) =	ssettag s2;
	_ =	strace s9  }
0x27: {  	s1 =	sld [smem:$0x3FAD]  }
0x28: {  	s2 =	sld [smem:$0x3FAE]  }
0x29: {  	s4 =	sld [smem:$0x3FB0]  }
0x2a: {  	p0 =	seq.s32 s5, $0x0;
	s5 =	sld [smem:$0x3FB1]  }
0x2b: {  	s6 =	sld [smem:$0x3FB2]  }
0x2c: {  	s7 =	sld [smem:$0x3FB3]  }
0x2d: {  	s3 =	simm.s32 $0x108;
	s8 =	sld [smem:$0x3FB4]  }
0x2e: {  	s3 =	simm.s32 @!p0 $0x1082;
	s9 =	sld [smem:$0x3FB5]  }
0x2f: {  	lr =	sadd.s32 s0, s3;
	s0 =	sld [smem:$0x3FAC]  }
0x30: {  	s3 =	sld [smem:$0x3FAF]  }
0x31: {  	[smem:$0x3FB8] =	sst s10  }
0x32: {  	s10 =	sld [smem:$0x3FB6];
	_ =	sdelay $0x3  }
0x33: {  	p0 =	seq.s32 s10, $0x1;
	s10 =	sld [smem:$0x3FB8];
	_ =	sdelay $0x3  }
0x34: {  	[smem:$0x3FB8] =	sst s10  }
0x35: {  	s10 =	sld [smem:$0x3FB7];
	_ =	sdelay $0x3  }
0x36: {  	p1 =	seq.s32 s10, $0x1;
	s10 =	sld [smem:$0x3FB8];
	_ =	sdelay $0x3  }
0x37: {  	[smem:$0x3FB8] =	sst s10  }
0x38: {  	s10 =	sld [smem:$0x3FB9]  }
0x39: {  	_ = 	snop;
	(pc) =	sbr.ind lr, $3  }
0x3a: {  	_ = 	snop  }
0x3b: {  	_ = 	snop  }
0x3c: {  	p2 =	seq.s32 s10, $0x1;
	s10 =	sld [smem:$0x3FB8]  }
0x3d: {  	_ =	shalt  }
0x3e: {  	_ =	shalt  }
0x3f: {  	_ =	shalt  }
0x40: {  	_ =	shalt  }
0x41: {  	_ =	shalt  }
0x42: {  	_ =	shalt  }
0x43: {  	_ =	shalt  }
0x44: {  	_ =	shalt  }
0x45: {  	_ =	shalt  }
0x46: {  	_ =	shalt  }
0x47: {  	_ =	shalt  }
0x48: {  	_ =	shalt  }
0x49: {  	_ =	shalt  }
0x4a: {  	_ =	shalt  }
0x4b: {  	_ =	shalt  }
0x4c: {  	_ =	shalt  }
0x4d: {  	_ =	shalt  }
0x4e: {  	_ =	shalt  }
0x4f: {  	_ =	shalt  }
0x50: {  	_ =	shalt  }
0x51: {  	_ =	shalt  }
0x52: {  	_ =	shalt  }
0x53: {  	_ =	shalt  }
0x54: {  	_ =	shalt  }
0x55: {  	_ =	shalt  }
0x56: {  	_ =	shalt  }
0x57: {  	_ =	shalt  }
0x58: {  	_ =	shalt  }
0x59: {  	_ =	shalt  }
0x5a: {  	_ =	shalt  }
0x5b: {  	_ =	shalt  }
0x5c: {  	_ =	shalt  }
0x5d: {  	_ =	shalt  }
0x5e: {  	_ =	shalt  }
0x5f: {  	_ =	shalt  }
0x60: {  	_ =	shalt  }
0x61: {  	_ =	shalt  }
0x62: {  	_ =	shalt  }
0x63: {  	_ =	shalt  }
0x64: {  	_ =	shalt  }
0x65: {  	_ =	shalt  }
0x66: {  	_ =	shalt  }
0x67: {  	_ =	shalt  }
0x68: {  	_ =	shalt  }
0x69: {  	_ =	shalt  }
0x6a: {  	_ =	shalt  }
0x6b: {  	_ =	shalt  }
0x6c: {  	_ =	shalt  }
0x6d: {  	_ =	shalt  }
0x6e: {  	_ =	shalt  }
0x6f: {  	_ =	shalt  }
0x70: {  	_ =	shalt  }
0x71: {  	_ =	shalt  }
0x72: {  	_ =	shalt  }
0x73: {  	_ =	shalt  }
0x74: {  	_ =	shalt  }
0x75: {  	_ =	shalt  }
0x76: {  	_ =	shalt  }
0x77: {  	_ =	shalt  }
0x78: {  	_ =	shalt  }
0x79: {  	_ =	shalt  }
0x7a: {  	_ =	shalt  }
0x7b: {  	_ =	shalt  }
0x7c: {  	_ =	shalt  }
0x7d: {  	_ =	shalt  }
0x7e: {  	_ =	shalt  }
0x7f: {  	_ =	shalt  }
0x80: {  	_ =	shalt  }
0x81: {  	_ =	shalt  }
0x82: {  	_ =	shalt  }
0x83: {  	_ =	shalt  }
0x84: {  	_ =	shalt  }
0x85: {  	_ =	shalt  }
0x86: {  	_ =	shalt  }
0x87: {  	_ =	shalt  }
.Lfunc_end0:
.L_simem_size_0:
called_computation_lowered:
.L_overlay_start_0:
0x88: {  	s2 =	sld [smem:$0x3FD9]  }
0x89: {  	s3 =	sld [smem:$0x3FFE];
	_ =	sdelay $0x1  }
0x8a: {  	s1 =	srdreg.scid  }
0x8b: {  	s0 =	sand.u32 $0x1, s1  }
0x8c: {  	s17 =	sshll.u32 s0, $0xA;
	s2 =	sadd.s32 s3, s2  }
0x8d: {  	s2 =	sadd.s32 s2, s17  }
0x8e: {  	[smem:$0x3FC4] =	sst s2  }
0x8f: {  	_ = 	snop  }
0x90: {  	s2 =	sld [smem:$0x3FD0];
	(tm) =	ssettm $0x1  }
0x91: {  	s18 =	sld [smem:$0x3FFB];
	_ =	sdelay $0x3  }
0x92: {  	_ =	strace s18  }
0x93: {  	s3 =	sld [smem:$0x3FFC];
	_ =	sdelay $0x3  }
0x94: {  	_ =	strace s3  }
0x95: {  	s3 =	sld [smem:$0x3FFD];
	_ =	sdelay $0x3  }
0x96: {  	_ =	strace s3  }
0x97: {  	_ =	strace $0x8FFFFFFF  }
0x98: {  	s19 =	sld [smem:$0x3FDB];
	_ =	sdelay $0x1  }
0x99: {  	s4 =	simm.s32 $_scs_section_size  }
0x9a: {  	s5 =	simm.s32 $_size__tile_overlayer_lowered;
	s6 =	simm.s32 $_tile_overlayer_lowered  }
0x9b: {  	s22 =	simm.s32 $0x1BFF;
	s21 =	sshll.u32 s6, $0x1;
	s3 =	sadd.s32 s4, s19  }
0x9c: {  	s7 =	simm.s32 $0x0;
	s20 =	sshll.u32 s5, $0x1;
	s5 =	sadd.s32 s21, s3  }
0x9d: {  	[timem:s7], [sflag:s22] =	dma.local [hbm:s5], s20  }
0x9e: {  	_ =	swait.ge [sflag:s22], s20  }
0x9f: {  	s4 =	ssub.s32 $0x0, s20;
	[sflag:s22] =	ssyncset.done $0x0  }
0xa0: {  	[sflag:s22] =	ssyncadd.s32 s4;
	_ =	sdelay $0x1  }
0xa1: {  	s23 =	simm.s32 $0x1B8B  }
0xa2: {  	_ =	swait.ge [sflag:s23], $0x1  }
0xa3: {  	[sflag:s23] =	ssyncset.done $0x0  }
0xa4: {  	s25 =	simm.s32 $0x1B8E;
	s24 =	sld [smem:$0x3FFE];
	[sflag:s23] =	ssyncadd.s32 $0xFFFFFFFF  }
0xa5: {  	s26 =	simm.s32 $execute0_lowered;
	[smem:$0x3FD2] =	sst s25  }
0xa6: {  	s5 =	sshll.u32 s26, $0x1;
	_ =	strace $0x80000046;
	[dreg:$0x1] =	wrdreg $0xFFFFFFFF  }
0xa7: {  	s28 =	simm.s32 $_size_execute0_lowered;
	s3 =	sadd.s32 s3, s5;
	[dreg:$0x0] =	wrdreg $0x0  }
0xa8: {  	s5 =	sshll.u32 s28, $0x1;
	[dreg:$0x2] =	wrdreg s3  }
0xa9: {  	[dreg:$0x3] =	wrdreg s5  }
0xaa: {  	[dreg:$0x4] =	wrdreg $0xC0  }
0xab: {  	_ =	task [dreg:s7], $0x5FFFF  }
0xac: {  	[dreg:$0x1] =	wrdreg $0xFFFFFFFF  }
0xad: {  	[dreg:$0x0] =	wrdreg $0x60  }
0xae: {  	[dreg:$0x2] =	wrdreg s24  }
0xaf: {  	[dreg:$0x3] =	wrdreg s2  }
0xb0: {  	[dreg:$0x4] =	wrdreg $0x9  }
0xb1: {  	_ =	task.clear_ibuf [dreg:s7], $0x5FFFF;
	_ =	strace $0x90000046  }
0xb2: {  	s29 =	simm.s32 $0x9;
	_ =	strace $0x80000048  }
0xb3: {  	_ =	swait.ge [sflag:s29], $0x1  }
0xb4: {  	[sflag:s29] =	ssyncadd.s32 $0xFFFFFFFF  }
0xb5: {  	_ =	strace $0x90000048  }
0xb6: {  	_ =	sfence  }
0xb7: {  	s30 =	sld [smem:$0x0];
	_ =	sdelay $0x2  }
0xb8: {  	s31 =	sshll.u32 s1, $0xD;
	s1 =	sshrl.u32 s1, $0x2  }
0xb9: {  	s3 =	sand.u32 $0x4000, s31;
	s1 =	sadd.s32 s1, s30  }
0xba: {  	s0 =	sor.u32 s3, s0;
	s1 =	sshll.u32 s1, $0x11  }
0xbb: {  	s0 =	sor.u32 s1, s0  }
0xbc: {  	s0 =	sadd.s32 $0x8F2B, s0  }
0xbd: {  	[sflag:s0] =	ssyncadd.remote.s32 $0x1  }
0xbe: {  	_ =	sfence.sel $0xFFFF  }
0xbf: {  	[dreg:$0x0] =	wrdreg $0xFFFFFFFF;
	(pc) =	sbr.abs _section_cstart, $3  }
0xc0: {  	[dreg:$0x1] =	wrdreg $0xFFFFFFFF  }
0xc1: {  	_ =	task.clear_ibuf [dreg:s7], $0x2FFFF;
	_ =	strace $0x9FFFFFFF  }
0xc2: {  	(tm) =	ssettm $0x7FFFFFFF  }
0xc3: {  	_ =	shalt  }
tec
execute0_lowered:
.L_overlay_start_1:
0x0: {  	(tag) =	ssettag $0x1  }
0x1: {  	s0 =	srdreg.scid  }
0x2: {  	s1 =	sshll.u32 s0, $0x4  }
0x3: {  	s0 =	stileid.u32;
	s1 =	sand.u32 $0x10, s1  }
0x4: {  	s1 =	sor.u32 s0, s1  }
0x5: {  	s2 =	smul.u32 $0x9, s1  }
0x6: {  	s4 =	rddreg [dreg:$0x1];
	s3 =	smin.u32 s1, $0x1A  }
0x7: {  	p0 =	slt.u32 s1, $0x1A;
	s1 =	simm.s32 $0x280;
	s2 =	sadd.s32 s3, s2  }
0x8: {  	s6 =	simm.s32 $0x1;
	s1 =	simm.s32 @!p0 $0x240;
	s2 =	sshll.u32 s2, $0x6  }
0x9: {  	s7 =	simm.s32 $0x2;
	s10 =	simm.s32 $0x3;
	s1 =	sadd.s32 s1, s2  }
0xa: {  	s13 =	simm.s32 $0x0;
	s12 =	simm.s32 $0x0;
	s5 =	smin.u32 s1, $0x4E80  }
.Ltmp0:
0xb: {  	s3 =	rddreg [dreg:$0x0];
	s8 =	ssub.s32 s5, s2;
	(pc) =	sbr.rel .LBB2_1-.Ltmp0, $4  }
0xc: {  	s1 =	rddreg [dreg:$0x2];
	_ =	strace $0x80000047;
	p0 =	sgt.s32 s8, $0x0  }
0xd: {  	s9 =	sadd.s32 $0x4E800, s3;
	[sflag:s6] =	ssyncpa.u1 $0x0;
	s8 =	simm.s32 @!p0 $0x0  }
0xe: {  	s11 =	smov.u32 s2;
	[sflag:s7] =	ssyncpa.u1 $0x0;
	s8 =	sshrl.u32 s8, $0x6  }
0xf: {  	vm0 =	vmmov $0xff;
	vm1 =	vcmask $0x3F20;
	[sflag:s10] =	ssyncpa.u1 $0x0;
	p0 =	por $0x0, $0x0;
	s10 =	sadd.s32 $0x1, s8  }
.LBB2_6:
0x10: {  	[hbm:s17] =	stream.linear.scatter [tilespmem:s14], [sflag:$0x3], $0x400, $0x38;
	[tilespmem:$0x4080] =	vst v63  }
.LBB2_7:
0x11: {  	s13 =	sadd.s32 $0x40, s11  }
0x12: {  	s15 =	smov.u32 s2;
	p2 =	slt.s32 s13, s5  }
0x13: {  	s15 =	smov.u32 @p2 s13;
	p2 =	sne.s32 s12, s10  }
.Ltmp1:
0x14: {  	p1 =	slt.u32 s12, $0x2;
	(pc) =	sbr.rel @!p2 .LBB2_8-.Ltmp1, $4  }
0x15: {  	s14 =	simm.s32 @!p1 $0x3  }
0x16: {  	s16 =	sadd.s32 $0x1, s12;
	_ =	swait.ge @!p1 [sflag:s14], $0x2000  }
0x17: {  	p0 =	por !p0, !p0;
	s13 =	smov.u32 s11;
	[sflag:s14] =	ssyncset.done @!p1 $0x0  }
0x18: {  	s12 =	smov.u32 s16;
	s11 =	smov.u32 s15;
	[sflag:s14] =	ssyncadd.s32 @!p1 $0xFFFFE000  }
.LBB2_1:
0x19: {  	p1 =	sge.u32 s12, s8  }
0x1a: {  	s14 =	sxor.u32 @!p1 $0xFFFFFFFF, s12  }
0x1b: {  	s31 =	sadd.s32 $0xFFFFFFFF, s12;
	s15 =	sshrl.u32 @!p1 s11, $0x3;
	s14 =	sshll.u32 @!p1 s14, $0x6  }
0x1c: {  	s16 =	sand.u32 @!p1 $0x7, s11;
	s15 =	sadd.s32 @!p1 s4, s15;
	s14 =	sand.u32 @!p1 $0x40, s14  }
0x1d: {  	[tilespmem:s14], [sflag:$0x2] =	stream.linear.gather @!p1 [hbm4b:s15+s16], $0x40, $0x38;
	[tilespmem:$0x4080] =	vst v63  }
0x1e: {  	p1 =	sge.u32 s31, s8  }
.Ltmp2:
0x1f: {  	_ = 	snop;
	(pc) =	sbr.rel @p1 .LBB2_7-.Ltmp2, $1  }
0x20: {  	_ =	sdelay $0x3  }
0x21: {  	s14 =	simm.s32 $0x1  }
0x22: {  	_ =	swait.ge [sflag:s7], $0x40;
	s14 =	simm.s32 @!p0 $0x0  }
0x23: {  	[sflag:s7] =	ssyncset.done $0x0;
	s16 =	sshll.u32 s14, $0x6  }
0x24: {  	[sflag:s7] =	ssyncadd.s32 $0xFFFFFFC0;
	s15 =	sadd.s32 $0x0, s16  }
0x25: {  	v0 =	vld.msk [tilespmem:s15+$0x0 ss:$0x1], $0xffff;
	_ =	sdelay $0x4  }
0x26: {  	vm2 =	vgt.s32 v0, $0x0  }
0x27: {  	v0 =	vnsel vm2, $0x0, v0  }
0x28: {  	v0 =	vmin.u32 v0, $0x4E7F  }
0x29: {  	v0 =	vshll.u32 v0, $0x4;
	_ =	sdelay $0x2  }
0x2a: {  	s14 =	sshll.u32 s14, $0xD  }
0x2b: {  	s14 =	sor.u32 $0x80, s14  }
0x2c: {  	[tilespmem:s14], [sflag:$0x1] =	stream.indirect_vreg.gather [hbm:s3], $0x80, v0, vm0, $0x38;
	[tilespmem:$0x4080] =	vst v63  }
0x2d: {  	s17 =	sadd.s32 $0x10, s16;
	s15 =	sadd.s32 $0x400, s14  }
0x2e: {  	[tilespmem:s15], [sflag:$0x1] =	stream.indirect_vreg.gather [hbm:s3], $0x80, v0, vm1, $0x38;
	[tilespmem:$0x4080] =	vst v63  }
0x2f: {  	s18 =	simm.s32 $0x80;
	v0 =	vld.msk [tilespmem:s17+$0x0 ss:$0x1], $0xffff;
	s17 =	smov.u32 s14  }
.LBB2_3:
0x30: {  	p1 =	sne.s32 s18, $0xC0;
	_ =	sdelay $0x4  }
0x31: {  	vm2 =	vgt.s32 v0, $0x0  }
0x32: {  	v0 =	vnsel vm2, $0x0, v0  }
0x33: {  	v0 =	vmin.u32 v0, $0x4E7F  }
0x34: {  	v0 =	vshll.u32 v0, $0x4;
	_ =	sdelay $0x3  }
.Ltmp3:
0x35: {  	s19 =	sshra.s32 s18, $0x2;
	s17 =	sadd.s32 $0x800, s17;
	(pc) =	sbr.rel @p1 .LBB2_3-.Ltmp3, $4  }
0x36: {  	[tilespmem:s17], [sflag:$0x1] =	stream.indirect_vreg.gather [hbm:s3], $0x80, v0, vm0, $0x38;
	[tilespmem:$0x4080] =	vst v63  }
0x37: {  	s19 =	sadd.s32 s19, s16;
	s20 =	sadd.s32 $0x400, s17  }
0x38: {  	[tilespmem:s20], [sflag:$0x1] =	stream.indirect_vreg.gather [hbm:s3], $0x80, v0, vm1, $0x38;
	[tilespmem:$0x4080] =	vst v63  }
0x39: {  	s18 =	sadd.s32 $0x40, s18;
	v0 =	vld.msk [tilespmem:s19+$0x0 ss:$0x1], $0xffff  }
0x3a: {  	_ =	sdelay $0x3  }
0x3b: {  	vm2 =	vgt.s32 v0, $0x0  }
0x3c: {  	v0 =	vnsel vm2, $0x0, v0  }
0x3d: {  	v0 =	vmin.u32 v0, $0x4E7F  }
0x3e: {  	v0 =	vshll.u32 v0, $0x4;
	_ =	sdelay $0x3  }
0x3f: {  	s16 =	sadd.s32 $0x800, s17  }
0x40: {  	[tilespmem:s16], [sflag:$0x1] =	stream.indirect_vreg.gather [hbm:s3], $0x80, v0, vm0, $0x38;
	[tilespmem:$0x4080] =	vst v63  }
0x41: {  	s16 =	sadd.s32 $0x400, s16  }
0x42: {  	[tilespmem:s16], [sflag:$0x1] =	stream.indirect_vreg.gather [hbm:s3], $0x80, v0, vm1, $0x38;
	[tilespmem:$0x4080] =	vst v63  }
0x43: {  	s13 =	sshll.u32 s13, $0x4;
	_ =	swait.ge [sflag:s6], $0x2000  }
0x44: {  	s13 =	sadd.s32 s13, s9;
	[sflag:s6] =	ssyncset.done $0x0  }
0x45: {  	s17 =	sadd.s32 $0x0, s13;
	s16 =	simm.s32 $0x80;
	[sflag:s6] =	ssyncadd.s32 $0xFFFFE000  }
.LBB2_5:
0x46: {  	[hbm:s17] =	stream.linear.scatter [tilespmem:s14], [sflag:$0x3], $0x400, $0x38;
	[tilespmem:$0x4080] =	vst v63  }
0x47: {  	s17 =	smov.u32 s16;
	s14 =	smov.u32 s15;
	p1 =	sne.s32 s16, $0x380  }
.Ltmp4:
0x48: {  	s16 =	sadd.s32 $0x80, s16;
	(pc) =	sbr.rel @p1 .LBB2_5-.Ltmp4, $2  }
0x49: {  	_ =	sdelay $0x2  }
0x4a: {  	s15 =	sadd.s32 $0x400, s15;
	s17 =	sadd.s32 s17, s13  }
.Ltmp5:
0x4b: {  	_ = 	snop;
	(pc) =	sbr.rel .LBB2_6-.Ltmp5, $1  }
0x4c: {  	_ =	sdelay $0x3  }
.LBB2_8:
0x4d: {  	_ =	sfence.sel $0x180000  }
0x4e: {  	s2 =	simm.s32 $0x2;
	[bflag:$0x0] =	sbarrier.arrive $0xFFFF  }
0x4f: {  	s30 =	simm.s32 $0x3;
	[sflag:s2] =	ssyncpa.u1 $0x1  }
0x50: {  	s31 =	simm.s32 $0x1;
	[sflag:s30] =	ssyncpa.u1 $0x1  }
0x51: {  	[sflag:s31] =	ssyncpa.u1 $0x1  }
0x52: {  	p0 =	sne.s32 s0, $0x0;
	_ =	strace $0x90000047  }
0x53: {  	s0 =	sadd.s32 @!p0 $0x100000, s1;
	[bflag:$0x2] =	sbarrier.arrive $0xFFFF  }
0x54: {  	[sflag:s0] =	ssyncadd.tile.s32 @!p0 $0x1;
	_ =	shalt  }
.Lfunc_end2:
_tile_overlayer_lowered:
.L_overlay_start_2:
0x55: {  	(tag) =	ssettag $0x2  }
0x56: {  	s0 =	rddreg [dreg:$0x0];
	s2 =	stileid.u32  }
0x57: {  	s1 =	rddreg [dreg:$0x1];
	p0 =	sne.s32 s2, $0x0  }
0x58: {  	s3 =	rddreg [dreg:$0x2];
	[bflag:$0x3] =	sbarrier.arrive $0xFFFF;
	s2 =	simm.s32 @!p0 $0x1C01  }
0x59: {  	[timem:s3], [sflag:s2] =	dma.local @!p0 [hbm:s0], s1  }
0x5a: {  	s0 =	simm.s32 @!p0 $0x1  }
0x5b: {  	_ =	swait.ge @!p0 [sflag:s0], s1  }
0x5c: {  	s1 =	ssub.s32 @!p0 $0x0, s1;
	[sflag:s0] =	ssyncset.done @!p0 $0x0  }
0x5d: {  	[sflag:s0] =	ssyncadd.s32 @!p0 s1  }
0x5e: {  	[bflag:$0x3] =	sbarrier.arrive $0xFFFF  }
0x5f: {  	_ =	shalt  }

</sc_bundles>
